<compile_context>
chip_gen: v7x
topology: tpu7x:2x2x1
jax: 0.10.2.dev20260603
libtpu: 0.0.44.dev20260713+nightly
codegen_flags: <defaults>
</compile_context>

<pallas_src>
import jax
import jax.numpy as jnp
from jax import lax
from jax.experimental import pallas as pl
from jax.experimental.pallas import tpu as pltpu
from jax.experimental.pallas import tpu_sc as plsc

N = 10000
E = 320000
F = 128
NC = 2
NS = 16
NW = NC * NS
N2 = N + 32
WIN = 128
NWIN = 80
EPW = WIN * NWIN
E2 = EPW * NW
NBUF = 2
NGRP = NWIN // NBUF
RPS = 624


def _sc_mesh():
    return plsc.VectorSubcoreMesh(core_axis_name="c", subcore_axis_name="s",
                                  num_cores=NC, num_subcores=NS)


def _rows_copy(sid, src, dst, nrows):
    r0 = sid * RPS
    tail = nrows - RPS * NS
    pltpu.sync_copy(src.at[pl.ds(r0, RPS)], dst.at[pl.ds(r0, RPS)])

    @pl.when(sid == 0)
    def _():
        pltpu.sync_copy(src.at[pl.ds(RPS * NS, tail)],
                        dst.at[pl.ds(RPS * NS, tail)])


def _sc_agg_body(h_hbm, src_hbm, dst_hbm, zf_hbm, acc_out,
                 i0, i1, i2, j0, j1, j2, r0, r1, r2,
                 is0, is1, is2, js0, js1, js2,
                 g0, g1, g2, s0, s1, s2, acc_sh):
    ibuf = [i0, i1, i2]
    jbuf = [j0, j1, j2]
    rows = [r0, r1, r2]
    isem = [is0, is1, is2]
    jsem = [js0, js1, js2]
    gsem = [g0, g1, g2]
    ssem = [s0, s1, s2]
    cid = lax.axis_index("c")
    sid = lax.axis_index("s")
    wid = cid * NS + sid
    e0 = wid * EPW

    _rows_copy(sid, zf_hbm, acc_sh, N2)

    def idesc(j, b):
        return pltpu.make_async_copy(src_hbm.at[pl.ds(e0 + j * WIN, WIN)],
                                     ibuf[b], isem[b])

    def jdesc(j, b):
        return pltpu.make_async_copy(dst_hbm.at[pl.ds(e0 + j * WIN, WIN)],
                                     jbuf[b], jsem[b])

    def gdesc(j, b):
        return pltpu.make_async_copy(h_hbm.at[ibuf[b]], rows[b], gsem[b])

    def sdesc(j, b):
        return pltpu.make_async_copy(rows[b], acc_sh.at[jbuf[b]], ssem[b])

    for b in range(3):
        idesc(b, b).start()
        jdesc(b, b).start()
    plsc.subcore_barrier()
    idesc(0, 0).wait()
    gdesc(0, 0).start()

    def when(cond, fn):
        if isinstance(cond, bool):
            if cond:
                fn()
        else:
            pl.when(cond)(fn)

    def phase(j, b):
        nb = (b + 1) % 3
        gdesc(j, b).wait()
        when(j >= 2, lambda: sdesc(j - 2, nb).wait())
        when((j >= 2) & (j + 1 < NWIN),
             lambda: jdesc(j + 1, nb).start())
        jdesc(j, b).wait()
        sdesc(j, b).start(add=True)
        when(j + 3 < NWIN, lambda: idesc(j + 3, b).start())
        when(j + 1 < NWIN, lambda: idesc(j + 1, nb).wait())
        when(j + 1 < NWIN, lambda: gdesc(j + 1, nb).start())

    @pl.loop(0, (NWIN - 2) // 3)
    def _(t):
        phase(3 * t, 0)
        phase(3 * t + 1, 1)
        phase(3 * t + 2, 2)

    phase(NWIN - 2, (NWIN - 2) % 3)
    phase(NWIN - 1, (NWIN - 1) % 3)
    sdesc(NWIN - 2, (NWIN - 2) % 3).wait()
    sdesc(NWIN - 1, (NWIN - 1) % 3).wait()
    plsc.subcore_barrier()
    _rows_copy(sid, acc_sh, acc_out.at[cid], N)


def _make_sc_agg():
    return pl.kernel(
        _sc_agg_body,
        out_type=jax.ShapeDtypeStruct((NC, N, F), jnp.float32),
        mesh=_sc_mesh(),
        scratch_types=([pltpu.VMEM((WIN,), jnp.int32)] * 6
                       + [pltpu.VMEM((WIN, F), jnp.float32)] * 3
                       + [pltpu.SemaphoreType.DMA] * 12
                       + [pltpu.VMEM_SHARED((N2, F), jnp.float32)]))


def _sc_cnt_body(dst_hbm, zf_hbm, ones_hbm, cnt_out,
                 dst_all, ones_v, cnt_sh, csem):
    cid = lax.axis_index("c")
    sid = lax.axis_index("s")
    wid = cid * NS + sid

    _rows_copy(sid, zf_hbm, cnt_sh, N2)
    pltpu.sync_copy(dst_hbm.at[wid], dst_all)
    pltpu.sync_copy(ones_hbm, ones_v)
    plsc.subcore_barrier()

    @pl.loop(0, NWIN // 4)
    def _(t):
        ds = [pltpu.make_async_copy(ones_v, cnt_sh.at[dst_all.at[4 * t + b]],
                                    csem) for b in range(4)]
        for d in ds:
            d.start(add=True)
        for d in ds:
            d.wait()

    plsc.subcore_barrier()
    _rows_copy(sid, cnt_sh, cnt_out.at[cid], N)


def _make_sc_cnt():
    return pl.kernel(
        _sc_cnt_body,
        out_type=jax.ShapeDtypeStruct((NC, N, F), jnp.float32),
        mesh=_sc_mesh(),
        scratch_types=[pltpu.VMEM((NWIN, WIN), jnp.int32),
                       pltpu.VMEM((WIN, F), jnp.float32),
                       pltpu.VMEM_SHARED((N2, F), jnp.float32),
                       pltpu.SemaphoreType.DMA])


_RB = 1000
_GRID = N // _RB


def _dot(a, b):
    return jnp.dot(a, b, preferred_element_type=jnp.float32,
                   precision=lax.Precision.HIGHEST)


def _in_proj_body(x_ref, w_ref, b_ref, o_ref):
    o_ref[...] = _dot(x_ref[...], w_ref[...]) + b_ref[...]


def _in_proj(x, w, b):
    return pl.pallas_call(
        _in_proj_body,
        grid=(_GRID,),
        in_specs=[pl.BlockSpec((_RB, F), lambda i: (i, 0)),
                  pl.BlockSpec((F, F), lambda i: (0, 0)),
                  pl.BlockSpec((1, F), lambda i: (0, 0))],
        out_specs=pl.BlockSpec((_RB, F), lambda i: (i, 0)),
        out_shape=jax.ShapeDtypeStruct((N, F), jnp.float32),
    )(x, w, b.reshape(1, F))


def _mix_body(p_ref, c_ref, h_ref, wl_ref, wr_ref, b_ref, y_ref, s_ref):
    cnt = c_ref[0, :, 0:1] + c_ref[1, :, 0:1]
    inv = 1.0 / jnp.maximum(cnt, 1.0)
    agg = (p_ref[0] + p_ref[1]) * inv
    y = _dot(agg, wl_ref[...]) + _dot(h_ref[...], wr_ref[...]) + b_ref[...]
    y_ref[...] = y
    stats = jnp.concatenate([jnp.sum(y, axis=0, keepdims=True),
                             jnp.sum(y * y, axis=0, keepdims=True)], axis=0)
    i = pl.program_id(0)

    @pl.when(i == 0)
    def _():
        s_ref[...] = stats

    @pl.when(i > 0)
    def _():
        s_ref[...] += stats


def _mix(parts, cnts, h, wl, wr, b):
    return pl.pallas_call(
        _mix_body,
        grid=(_GRID,),
        in_specs=[pl.BlockSpec((NC, _RB, F), lambda i: (0, i, 0)),
                  pl.BlockSpec((NC, _RB, F), lambda i: (0, i, 0)),
                  pl.BlockSpec((_RB, F), lambda i: (i, 0)),
                  pl.BlockSpec((F, F), lambda i: (0, 0)),
                  pl.BlockSpec((F, F), lambda i: (0, 0)),
                  pl.BlockSpec((1, F), lambda i: (0, 0))],
        out_specs=[pl.BlockSpec((_RB, F), lambda i: (i, 0)),
                   pl.BlockSpec((2, F), lambda i: (0, 0))],
        out_shape=[jax.ShapeDtypeStruct((N, F), jnp.float32),
                   jax.ShapeDtypeStruct((2, F), jnp.float32)],
    )(parts, cnts, h, wl, wr, b.reshape(1, F))


def _normed(y, s_ref, w_ref, b_ref, a_ref):
    mean = s_ref[0:1, :] * (1.0 / N)
    msq = s_ref[1:2, :] * (1.0 / N)
    a = a_ref[...]
    var = msq - mean * mean * (2.0 * a - a * a)
    xc = y - a * mean
    t = w_ref[...] * xc / jnp.sqrt(var + 1e-5) + b_ref[...]
    return jnp.maximum(t, 0.1 * t)


def _norm_body(y_ref, s_ref, w_ref, b_ref, a_ref, o_ref):
    o_ref[...] = _normed(y_ref[...], s_ref, w_ref, b_ref, a_ref)


def _norm(y, s, w, b, a):
    return pl.pallas_call(
        _norm_body,
        grid=(_GRID,),
        in_specs=[pl.BlockSpec((_RB, F), lambda i: (i, 0)),
                  pl.BlockSpec((2, F), lambda i: (0, 0)),
                  pl.BlockSpec((1, F), lambda i: (0, 0)),
                  pl.BlockSpec((1, F), lambda i: (0, 0)),
                  pl.BlockSpec((1, F), lambda i: (0, 0))],
        out_specs=pl.BlockSpec((_RB, F), lambda i: (i, 0)),
        out_shape=jax.ShapeDtypeStruct((N, F), jnp.float32),
    )(y, s, w.reshape(1, F), b.reshape(1, F), a.reshape(1, F))


def _norm_out_body(y_ref, s_ref, w_ref, b_ref, a_ref, wo_ref, bo_ref, o_ref):
    t = _normed(y_ref[...], s_ref, w_ref, b_ref, a_ref)
    o_ref[...] = _dot(t, wo_ref[...]) + bo_ref[...]


def _norm_out(y, s, w, b, a, wo, bo):
    return pl.pallas_call(
        _norm_out_body,
        grid=(_GRID,),
        in_specs=[pl.BlockSpec((_RB, F), lambda i: (i, 0)),
                  pl.BlockSpec((2, F), lambda i: (0, 0)),
                  pl.BlockSpec((1, F), lambda i: (0, 0)),
                  pl.BlockSpec((1, F), lambda i: (0, 0)),
                  pl.BlockSpec((1, F), lambda i: (0, 0)),
                  pl.BlockSpec((F, F), lambda i: (0, 0)),
                  pl.BlockSpec((1, F), lambda i: (0, 0))],
        out_specs=pl.BlockSpec((_RB, F), lambda i: (i, 0)),
        out_shape=jax.ShapeDtypeStruct((N, F), jnp.float32),
    )(y, s, w.reshape(1, F), b.reshape(1, F), a.reshape(1, F),
      wo, bo.reshape(1, F))


def kernel(x, edge_index, W_in, b_in,
           W1_l, b1_l, W1_r, gn1_w, gn1_b, gn1_a,
           W2_l, b2_l, W2_r, gn2_w, gn2_b, gn2_a,
           W3_l, b3_l, W3_r, gn3_w, gn3_b, gn3_a,
           W_out, b_out):
    npad = E2 - E
    pad_iota = jnp.arange(npad, dtype=jnp.int32)
    src = jnp.concatenate([edge_index[0], pad_iota % N])
    dst = jnp.concatenate([edge_index[1], N + (pad_iota % 32)])
    dst3 = dst.reshape(NW, NWIN, WIN)
    zf = jnp.zeros((N2, F), jnp.float32)
    ones = jnp.ones((WIN, F), jnp.float32)

    _sc_agg = _make_sc_agg()
    _sc_cnt = _make_sc_cnt()

    cnt = _sc_cnt(dst3, zf, ones)
    h0 = _in_proj(x, W_in, b_in)
    p1 = _sc_agg(h0, src, dst, zf)
    y1, s1 = _mix(p1, cnt, h0, W1_l, W1_r, b1_l)
    h1 = _norm(y1, s1, gn1_w, gn1_b, gn1_a)
    p2 = _sc_agg(h1, src, dst, zf)
    y2, s2 = _mix(p2, cnt, h1, W2_l, W2_r, b2_l)
    h2 = _norm(y2, s2, gn2_w, gn2_b, gn2_a)
    p3 = _sc_agg(h2, src, dst, zf)
    y3, s3 = _mix(p3, cnt, h2, W3_l, W3_r, b3_l)
    return _norm_out(y3, s3, gn3_w, gn3_b, gn3_a, W_out, b_out)

# --- scband reference (transcript-rebuilt; emitter-appended) ---
"""Pipeline reference for scband-high-accuracy-gnn-25520695673306 (READ-ONLY COPY).

The authoritative reference and input builder live on the scoring server;
editing this copy changes nothing except your own understanding.
"""

import jax, jax.numpy as jnp
import numpy as np

N = 10000
E = 320000
D = 128
H = 128
O = 128


def setup_inputs(seed: int = 0) -> dict:
    key = jax.random.key(seed)
    ks = jax.random.split(key, 32)
    inp = {}
    inp['x'] = jax.random.normal(ks[0], (N, D), dtype=jnp.float32)
    inp['edge_index'] = jax.random.randint(ks[1], (2, E), 0, N, dtype=jnp.int32)
    s_in = 1.0 / np.sqrt(D)
    s_h = 1.0 / np.sqrt(H)
    inp['W_in'] = jax.random.uniform(ks[2], (D, H), jnp.float32, -s_in, s_in)
    inp['b_in'] = jax.random.uniform(ks[3], (H,), jnp.float32, -s_in, s_in)
    for l in range(1, 4):
        inp[f'W{l}_l'] = jax.random.uniform(ks[3 + 3 * l], (H, H), jnp.float32, -s_h, s_h)
        inp[f'b{l}_l'] = jax.random.uniform(ks[4 + 3 * l], (H,), jnp.float32, -s_h, s_h)
        inp[f'W{l}_r'] = jax.random.uniform(ks[5 + 3 * l], (H, H), jnp.float32, -s_h, s_h)
        inp[f'gn{l}_w'] = jnp.ones((H,), jnp.float32)
        inp[f'gn{l}_b'] = jnp.zeros((H,), jnp.float32)
        inp[f'gn{l}_a'] = jnp.ones((H,), jnp.float32)
    inp['W_out'] = jax.random.uniform(ks[20], (H, O), jnp.float32, -s_h, s_h)
    inp['b_out'] = jax.random.uniform(ks[21], (O,), jnp.float32, -s_h, s_h)
    return inp


def _sage(x, edge_index, W_l, b_l, W_r):
    src = edge_index[0]
    dst = edge_index[1]
    msgs = jnp.take(x, src, axis=0)
    agg = jax.ops.segment_sum(msgs, dst, num_segments=N)
    cnt = jax.ops.segment_sum(jnp.ones((edge_index.shape[1],), x.dtype), dst, num_segments=N)
    agg = agg / jnp.clip(cnt, 1.0, None)[:, None]
    return agg @ W_l + b_l + x @ W_r


def _graphnorm(x, w, b, a, eps=1e-5):
    mean = jnp.mean(x, axis=0, keepdims=True)
    xc = x - a * mean
    var = jnp.mean(xc * xc, axis=0, keepdims=True)
    return w * xc / jnp.sqrt(var + eps) + b


def reference(x, edge_index, W_in, b_in,
              W1_l, b1_l, W1_r, gn1_w, gn1_b, gn1_a,
              W2_l, b2_l, W2_r, gn2_w, gn2_b, gn2_a,
              W3_l, b3_l, W3_r, gn3_w, gn3_b, gn3_a,
              W_out, b_out):
    act = lambda t: jax.nn.leaky_relu(t, 0.1)
    h = x @ W_in + b_in
    h = act(_graphnorm(_sage(h, edge_index, W1_l, b1_l, W1_r), gn1_w, gn1_b, gn1_a))
    h = act(_graphnorm(_sage(h, edge_index, W2_l, b2_l, W2_r), gn2_w, gn2_b, gn2_a))
    h = act(_graphnorm(_sage(h, edge_index, W3_l, b3_l, W3_r), gn3_w, gn3_b, gn3_a))
    return h @ W_out + b_out

if __name__ == "__main__":
    import jax
    _d = setup_inputs()
    print(jax.jit(kernel)(*tuple(_d.values())))

</pallas_src>

<mosaic_0001>
#map = affine_map<(d0, d1) -> (0, 0)>
#map1 = affine_map<(d0, d1) -> (0)>
#map2 = affine_map<(d0, d1) -> (0, 0, 0)>
module attributes {stable_mosaic.version = 14 : i64} {
  func.func @_sc_agg_body(%arg0: i32, %arg1: i32, %arg2: memref<10000x128xf32, #tpu.memory_space<hbm>>, %arg3: memref<327680xi32, #tpu.memory_space<hbm>>, %arg4: memref<327680xi32, #tpu.memory_space<hbm>>, %arg5: memref<10032x128xf32, #tpu.memory_space<hbm>>, %arg6: memref<2x10000x128xf32, #tpu.memory_space<hbm>>, %arg7: memref<128xi32, #tpu.memory_space<vmem>>, %arg8: memref<128xi32, #tpu.memory_space<vmem>>, %arg9: memref<128xi32, #tpu.memory_space<vmem>>, %arg10: memref<128xi32, #tpu.memory_space<vmem>>, %arg11: memref<128xi32, #tpu.memory_space<vmem>>, %arg12: memref<128xi32, #tpu.memory_space<vmem>>, %arg13: memref<128x128xf32, #tpu.memory_space<vmem>>, %arg14: memref<128x128xf32, #tpu.memory_space<vmem>>, %arg15: memref<128x128xf32, #tpu.memory_space<vmem>>, %arg16: memref<!tpu.dma_semaphore, #tpu.memory_space<semaphore_mem>>, %arg17: memref<!tpu.dma_semaphore, #tpu.memory_space<semaphore_mem>>, %arg18: memref<!tpu.dma_semaphore, #tpu.memory_space<semaphore_mem>>, %arg19: memref<!tpu.dma_semaphore, #tpu.memory_space<semaphore_mem>>, %arg20: memref<!tpu.dma_semaphore, #tpu.memory_space<semaphore_mem>>, %arg21: memref<!tpu.dma_semaphore, #tpu.memory_space<semaphore_mem>>, %arg22: memref<!tpu.dma_semaphore, #tpu.memory_space<semaphore_mem>>, %arg23: memref<!tpu.dma_semaphore, #tpu.memory_space<semaphore_mem>>, %arg24: memref<!tpu.dma_semaphore, #tpu.memory_space<semaphore_mem>>, %arg25: memref<!tpu.dma_semaphore, #tpu.memory_space<semaphore_mem>>, %arg26: memref<!tpu.dma_semaphore, #tpu.memory_space<semaphore_mem>>, %arg27: memref<!tpu.dma_semaphore, #tpu.memory_space<semaphore_mem>>, %arg28: memref<10032x128xf32, #tpu.memory_space<vmem_shared>>) attributes {dimension_semantics = [#tpu.dimension_semantics<core_parallel>, #tpu.dimension_semantics<subcore_parallel>], iteration_bounds = array<i64: 2, 16>, scalar_prefetch = 0 : i64, scratch_operands = 22 : i64, tpu.core_type = #tpu.core_type<sc_vector_subcore>, window_params = [{transform_indices = #map}, {transform_indices = #map1}, {transform_indices = #map1}, {transform_indices = #map}, {transform_indices = #map2}]} {
    %mul3A = arith.constant 16 : i32
    %mul3A_0 = arith.muli %arg0, %mul3A : i32
    %add3A = arith.addi %mul3A_0, %arg1 : i32
    %mul3A_1 = arith.constant 10240 : i32
    %mul3A_2 = arith.muli %add3A, %mul3A_1 : i32
    %mul3A_3 = arith.constant 624 : i32
    %mul3A_4 = arith.muli %arg1, %mul3A_3 : i32
    "tpu.region"() ({
      %run_scoped3A = tpu.sem_alloc : memref<!tpu.dma_semaphore, #tpu.memory_space<semaphore_mem>>
      %dma_start3A_91 = arith.constant 0 : i32
      %dma_start3A_92 = tpu.memref_slice %arg28[%mul3A_4, %dma_start3A_91] : memref<10032x128xf32, #tpu.memory_space<vmem_shared>> -> memref<624x128xf32, #tpu.memory_space<vmem_shared>>
      %dma_start3A_93 = arith.constant 0 : i32
      %dma_start3A_94 = tpu.memref_slice %arg5[%mul3A_4, %dma_start3A_93] : memref<10032x128xf32, #tpu.memory_space<hbm>> -> memref<624x128xf32, #tpu.memory_space<hbm>>
      tpu.enqueue_dma source(%dma_start3A_94 : memref<624x128xf32, #tpu.memory_space<hbm>>) target(%dma_start3A_92 : memref<624x128xf32, #tpu.memory_space<vmem_shared>>) target_semaphore(%run_scoped3A : memref<!tpu.dma_semaphore, #tpu.memory_space<semaphore_mem>>)
      %dma_wait3A_95 = arith.constant 0 : i32
      %dma_wait3A_96 = tpu.memref_slice %arg28[%mul3A_4, %dma_wait3A_95] : memref<10032x128xf32, #tpu.memory_space<vmem_shared>> -> memref<624x128xf32, #tpu.memory_space<vmem_shared>>
      %dma_wait3A_97 = arith.constant 0 : i32
      %dma_wait3A_98 = tpu.memref_slice %arg5[%mul3A_4, %dma_wait3A_97] : memref<10032x128xf32, #tpu.memory_space<hbm>> -> memref<624x128xf32, #tpu.memory_space<hbm>>
      tpu.wait_dma2 semaphore(%run_scoped3A : memref<!tpu.dma_semaphore, #tpu.memory_space<semaphore_mem>>) src(%dma_wait3A_98 : memref<624x128xf32, #tpu.memory_space<hbm>>) dst(%dma_wait3A_96 : memref<624x128xf32, #tpu.memory_space<vmem_shared>>)
      tpu.yield
    }) : () -> ()
    %eq3A = arith.constant 0 : i32
    %eq3A_5 = arith.cmpi eq, %arg1, %eq3A : i32
    %convert_element_type3A = arith.extui %eq3A_5 : i1 to i32
    %cond3A = arith.constant 0 : i32
    %cond3A_6 = arith.cmpi ne, %convert_element_type3A, %cond3A : i32
    scf.if %cond3A_6 {
      "tpu.region"() ({
        %run_scoped3A = tpu.sem_alloc : memref<!tpu.dma_semaphore, #tpu.memory_space<semaphore_mem>>
        %dma_start3A_91 = arith.constant 9984 : i32
        %dma_start3A_92 = arith.constant 0 : i32
        %dma_start3A_93 = tpu.memref_slice %arg28[%dma_start3A_91, %dma_start3A_92] : memref<10032x128xf32, #tpu.memory_space<vmem_shared>> -> memref<48x128xf32, #tpu.memory_space<vmem_shared>>
        %dma_start3A_94 = arith.constant 9984 : i32
        %dma_start3A_95 = arith.constant 0 : i32
        %dma_start3A_96 = tpu.memref_slice %arg5[%dma_start3A_94, %dma_start3A_95] : memref<10032x128xf32, #tpu.memory_space<hbm>> -> memref<48x128xf32, #tpu.memory_space<hbm>>
        tpu.enqueue_dma source(%dma_start3A_96 : memref<48x128xf32, #tpu.memory_space<hbm>>) target(%dma_start3A_93 : memref<48x128xf32, #tpu.memory_space<vmem_shared>>) target_semaphore(%run_scoped3A : memref<!tpu.dma_semaphore, #tpu.memory_space<semaphore_mem>>)
        %dma_wait3A_97 = arith.constant 9984 : i32
        %dma_wait3A_98 = arith.constant 0 : i32
        %dma_wait3A_99 = tpu.memref_slice %arg28[%dma_wait3A_97, %dma_wait3A_98] : memref<10032x128xf32, #tpu.memory_space<vmem_shared>> -> memref<48x128xf32, #tpu.memory_space<vmem_shared>>
        %dma_wait3A_100 = arith.constant 9984 : i32
        %dma_wait3A_101 = arith.constant 0 : i32
        %dma_wait3A_102 = tpu.memref_slice %arg5[%dma_wait3A_100, %dma_wait3A_101] : memref<10032x128xf32, #tpu.memory_space<hbm>> -> memref<48x128xf32, #tpu.memory_space<hbm>>
        tpu.wait_dma2 semaphore(%run_scoped3A : memref<!tpu.dma_semaphore, #tpu.memory_space<semaphore_mem>>) src(%dma_wait3A_102 : memref<48x128xf32, #tpu.memory_space<hbm>>) dst(%dma_wait3A_99 : memref<48x128xf32, #tpu.memory_space<vmem_shared>>)
        tpu.yield
      }) : () -> ()
    } else {
    }
    %add3A_7 = arith.constant 0 : i32
    %add3A_8 = arith.addi %mul3A_2, %add3A_7 : i32
    %dma_start3A = tpu.memref_slice %arg3[%add3A_8] : memref<327680xi32, #tpu.memory_space<hbm>> -> memref<128xi32, #tpu.memory_space<hbm>>
    %dma_start3A_9 = tpu.memref_slice %arg3[%add3A_8] : memref<327680xi32, #tpu.memory_space<hbm>> -> memref<128xi32, #tpu.memory_space<hbm>>
    tpu.enqueue_dma source(%dma_start3A_9 : memref<128xi32, #tpu.memory_space<hbm>>) target(%arg7 : memref<128xi32, #tpu.memory_space<vmem>>) target_semaphore(%arg16 : memref<!tpu.dma_semaphore, #tpu.memory_space<semaphore_mem>>)
    %add3A_10 = arith.constant 0 : i32
    %add3A_11 = arith.addi %mul3A_2, %add3A_10 : i32
    %dma_start3A_12 = tpu.memref_slice %arg4[%add3A_11] : memref<327680xi32, #tpu.memory_space<hbm>> -> memref<128xi32, #tpu.memory_space<hbm>>
    %dma_start3A_13 = tpu.memref_slice %arg4[%add3A_11] : memref<327680xi32, #tpu.memory_space<hbm>> -> memref<128xi32, #tpu.memory_space<hbm>>
    tpu.enqueue_dma source(%dma_start3A_13 : memref<128xi32, #tpu.memory_space<hbm>>) target(%arg10 : memref<128xi32, #tpu.memory_space<vmem>>) target_semaphore(%arg19 : memref<!tpu.dma_semaphore, #tpu.memory_space<semaphore_mem>>)
    %add3A_14 = arith.constant 128 : i32
    %add3A_15 = arith.addi %mul3A_2, %add3A_14 : i32
    %dma_start3A_16 = tpu.memref_slice %arg3[%add3A_15] : memref<327680xi32, #tpu.memory_space<hbm>> -> memref<128xi32, #tpu.memory_space<hbm>>
    %dma_start3A_17 = tpu.memref_slice %arg3[%add3A_15] : memref<327680xi32, #tpu.memory_space<hbm>> -> memref<128xi32, #tpu.memory_space<hbm>>
    tpu.enqueue_dma source(%dma_start3A_17 : memref<128xi32, #tpu.memory_space<hbm>>) target(%arg8 : memref<128xi32, #tpu.memory_space<vmem>>) target_semaphore(%arg17 : memref<!tpu.dma_semaphore, #tpu.memory_space<semaphore_mem>>)
    %add3A_18 = arith.constant 128 : i32
    %add3A_19 = arith.addi %mul3A_2, %add3A_18 : i32
    %dma_start3A_20 = tpu.memref_slice %arg4[%add3A_19] : memref<327680xi32, #tpu.memory_space<hbm>> -> memref<128xi32, #tpu.memory_space<hbm>>
    %dma_start3A_21 = tpu.memref_slice %arg4[%add3A_19] : memref<327680xi32, #tpu.memory_space<hbm>> -> memref<128xi32, #tpu.memory_space<hbm>>
    tpu.enqueue_dma source(%dma_start3A_21 : memref<128xi32, #tpu.memory_space<hbm>>) target(%arg11 : memref<128xi32, #tpu.memory_space<vmem>>) target_semaphore(%arg20 : memref<!tpu.dma_semaphore, #tpu.memory_space<semaphore_mem>>)
    %add3A_22 = arith.constant 256 : i32
    %add3A_23 = arith.addi %mul3A_2, %add3A_22 : i32
    %dma_start3A_24 = tpu.memref_slice %arg3[%add3A_23] : memref<327680xi32, #tpu.memory_space<hbm>> -> memref<128xi32, #tpu.memory_space<hbm>>
    %dma_start3A_25 = tpu.memref_slice %arg3[%add3A_23] : memref<327680xi32, #tpu.memory_space<hbm>> -> memref<128xi32, #tpu.memory_space<hbm>>
    tpu.enqueue_dma source(%dma_start3A_25 : memref<128xi32, #tpu.memory_space<hbm>>) target(%arg9 : memref<128xi32, #tpu.memory_space<vmem>>) target_semaphore(%arg18 : memref<!tpu.dma_semaphore, #tpu.memory_space<semaphore_mem>>)
    %add3A_26 = arith.constant 256 : i32
    %add3A_27 = arith.addi %mul3A_2, %add3A_26 : i32
    %dma_start3A_28 = tpu.memref_slice %arg4[%add3A_27] : memref<327680xi32, #tpu.memory_space<hbm>> -> memref<128xi32, #tpu.memory_space<hbm>>
    %dma_start3A_29 = tpu.memref_slice %arg4[%add3A_27] : memref<327680xi32, #tpu.memory_space<hbm>> -> memref<128xi32, #tpu.memory_space<hbm>>
    tpu.enqueue_dma source(%dma_start3A_29 : memref<128xi32, #tpu.memory_space<hbm>>) target(%arg12 : memref<128xi32, #tpu.memory_space<vmem>>) target_semaphore(%arg21 : memref<!tpu.dma_semaphore, #tpu.memory_space<semaphore_mem>>)
    %barrier3A = arith.constant 0 : index
    tpu.barrier barrier_id(%barrier3A)
    %add3A_30 = arith.constant 0 : i32
    %add3A_31 = arith.addi %mul3A_2, %add3A_30 : i32
    %dma_wait3A = tpu.memref_slice %arg3[%add3A_31] : memref<327680xi32, #tpu.memory_space<hbm>> -> memref<128xi32, #tpu.memory_space<hbm>>
    %dma_wait3A_32 = tpu.memref_slice %arg3[%add3A_31] : memref<327680xi32, #tpu.memory_space<hbm>> -> memref<128xi32, #tpu.memory_space<hbm>>
    tpu.wait_dma2 semaphore(%arg16 : memref<!tpu.dma_semaphore, #tpu.memory_space<semaphore_mem>>) src(%dma_wait3A_32 : memref<128xi32, #tpu.memory_space<hbm>>) dst(%arg7 : memref<128xi32, #tpu.memory_space<vmem>>)
    %dma_start3A_33 = arith.constant 0 : i32
    %dma_start3A_34 = arith.constant 0 : i32
    %dma_start3A_35 = tpu.memref_slice %arg2[%dma_start3A_33, %dma_start3A_34] : memref<10000x128xf32, #tpu.memory_space<hbm>> -> memref<10000x128xf32, #tpu.memory_space<hbm>>
    tpu.enqueue_indirect_dma source(%dma_start3A_35 : memref<10000x128xf32, #tpu.memory_space<hbm>>) target(%arg13 : memref<128x128xf32, #tpu.memory_space<vmem>>) offsets(%arg7 : memref<128xi32, #tpu.memory_space<vmem>>) semaphore(%arg22 : memref<!tpu.dma_semaphore, #tpu.memory_space<semaphore_mem>>)
    %scan3A = arith.constant 0 : i32
    %scan3A_36 = arith.constant 26 : i32
    %scan3A_37 = arith.addi %scan3A, %scan3A_36 : i32
    %scan3A_38 = arith.constant 1 : i32
    scf.for %scan3A_91 = %scan3A to %scan3A_37 step %scan3A_38  : i32 {
      %mul3A_92 = arith.constant 1 : i32
      %mul3A_93 = arith.muli %scan3A_91, %mul3A_92 : i32
      %add3A_94 = arith.constant 0 : i32
      %add3A_95 = arith.addi %add3A_94, %mul3A_93 : i32
      %mul3A_96 = arith.constant 3 : i32
      %mul3A_97 = arith.muli %mul3A_96, %add3A_95 : i32
      %dma_wait3A_98 = arith.constant 0 : i32
      %dma_wait3A_99 = arith.constant 0 : i32
      %dma_wait3A_100 = tpu.memref_slice %arg2[%dma_wait3A_98, %dma_wait3A_99] : memref<10000x128xf32, #tpu.memory_space<hbm>> -> memref<10000x128xf32, #tpu.memory_space<hbm>>
      tpu.wait_indirect_dma semaphore(%arg22 : memref<!tpu.dma_semaphore, #tpu.memory_space<semaphore_mem>>) src(%dma_wait3A_100 : memref<10000x128xf32, #tpu.memory_space<hbm>>) dst(%arg13 : memref<128x128xf32, #tpu.memory_space<vmem>>)
      %ge3A = arith.constant 2 : i32
      %ge3A_101 = arith.cmpi sge, %mul3A_97, %ge3A : i32
      %convert_element_type3A_102 = arith.extui %ge3A_101 : i1 to i32
      %cond3A_103 = arith.constant 0 : i32
      %cond3A_104 = arith.cmpi ne, %convert_element_type3A_102, %cond3A_103 : i32
      scf.if %cond3A_104 {
        %sub3A = arith.constant 2 : i32
        %sub3A_244 = arith.subi %mul3A_97, %sub3A : i32
        %dma_wait3A_245 = arith.constant 0 : i32
        %dma_wait3A_246 = arith.constant 0 : i32
        %dma_wait3A_247 = tpu.memref_slice %arg28[%dma_wait3A_245, %dma_wait3A_246] : memref<10032x128xf32, #tpu.memory_space<vmem_shared>> -> memref<10032x128xf32, #tpu.memory_space<vmem_shared>>
        tpu.wait_indirect_dma semaphore(%arg26 : memref<!tpu.dma_semaphore, #tpu.memory_space<semaphore_mem>>) src(%arg14 : memref<128x128xf32, #tpu.memory_space<vmem>>) dst(%dma_wait3A_247 : memref<10032x128xf32, #tpu.memory_space<vmem_shared>>)
      } else {
      }
      %ge3A_105 = arith.constant 2 : i32
      %ge3A_106 = arith.cmpi sge, %mul3A_97, %ge3A_105 : i32
      %add3A_107 = arith.constant 1 : i32
      %add3A_108 = arith.addi %mul3A_97, %add3A_107 : i32
      %lt3A = arith.constant 80 : i32
      %lt3A_109 = arith.cmpi slt, %add3A_108, %lt3A : i32
      %and3A = arith.andi %ge3A_106, %lt3A_109 : i1
      %convert_element_type3A_110 = arith.extui %and3A : i1 to i32
      %cond3A_111 = arith.constant 0 : i32
      %cond3A_112 = arith.cmpi ne, %convert_element_type3A_110, %cond3A_111 : i32
      scf.if %cond3A_112 {
        %add3A_244 = arith.constant 1 : i32
        %add3A_245 = arith.addi %mul3A_97, %add3A_244 : i32
        %mul3A_246 = arith.constant 128 : i32
        %mul3A_247 = arith.muli %add3A_245, %mul3A_246 : i32
        %add3A_248 = arith.addi %mul3A_2, %mul3A_247 : i32
        %dma_start3A_249 = tpu.memref_slice %arg4[%add3A_248] : memref<327680xi32, #tpu.memory_space<hbm>> -> memref<128xi32, #tpu.memory_space<hbm>>
        %dma_start3A_250 = tpu.memref_slice %arg4[%add3A_248] : memref<327680xi32, #tpu.memory_space<hbm>> -> memref<128xi32, #tpu.memory_space<hbm>>
        tpu.enqueue_dma source(%dma_start3A_250 : memref<128xi32, #tpu.memory_space<hbm>>) target(%arg11 : memref<128xi32, #tpu.memory_space<vmem>>) target_semaphore(%arg20 : memref<!tpu.dma_semaphore, #tpu.memory_space<semaphore_mem>>)
      } else {
      }
      %mul3A_113 = arith.constant 128 : i32
      %mul3A_114 = arith.muli %mul3A_97, %mul3A_113 : i32
      %add3A_115 = arith.addi %mul3A_2, %mul3A_114 : i32
      %dma_wait3A_116 = tpu.memref_slice %arg4[%add3A_115] : memref<327680xi32, #tpu.memory_space<hbm>> -> memref<128xi32, #tpu.memory_space<hbm>>
      %dma_wait3A_117 = tpu.memref_slice %arg4[%add3A_115] : memref<327680xi32, #tpu.memory_space<hbm>> -> memref<128xi32, #tpu.memory_space<hbm>>
      tpu.wait_dma2 semaphore(%arg19 : memref<!tpu.dma_semaphore, #tpu.memory_space<semaphore_mem>>) src(%dma_wait3A_117 : memref<128xi32, #tpu.memory_space<hbm>>) dst(%arg10 : memref<128xi32, #tpu.memory_space<vmem>>)
      %dma_start3A_118 = arith.constant 0 : i32
      %dma_start3A_119 = arith.constant 0 : i32
      %dma_start3A_120 = tpu.memref_slice %arg28[%dma_start3A_118, %dma_start3A_119] : memref<10032x128xf32, #tpu.memory_space<vmem_shared>> -> memref<10032x128xf32, #tpu.memory_space<vmem_shared>>
      tpu.enqueue_indirect_dma source(%arg13 : memref<128x128xf32, #tpu.memory_space<vmem>>) target(%dma_start3A_120 : memref<10032x128xf32, #tpu.memory_space<vmem_shared>>) offsets(%arg10 : memref<128xi32, #tpu.memory_space<vmem>>) semaphore(%arg25 : memref<!tpu.dma_semaphore, #tpu.memory_space<semaphore_mem>>) {add = true}
      %add3A_121 = arith.constant 3 : i32
      %add3A_122 = arith.addi %mul3A_97, %add3A_121 : i32
      %lt3A_123 = arith.constant 80 : i32
      %lt3A_124 = arith.cmpi slt, %add3A_122, %lt3A_123 : i32
      %convert_element_type3A_125 = arith.extui %lt3A_124 : i1 to i32
      %cond3A_126 = arith.constant 0 : i32
      %cond3A_127 = arith.cmpi ne, %convert_element_type3A_125, %cond3A_126 : i32
      scf.if %cond3A_127 {
        %add3A_244 = arith.constant 3 : i32
        %add3A_245 = arith.addi %mul3A_97, %add3A_244 : i32
        %mul3A_246 = arith.constant 128 : i32
        %mul3A_247 = arith.muli %add3A_245, %mul3A_246 : i32
        %add3A_248 = arith.addi %mul3A_2, %mul3A_247 : i32
        %dma_start3A_249 = tpu.memref_slice %arg3[%add3A_248] : memref<327680xi32, #tpu.memory_space<hbm>> -> memref<128xi32, #tpu.memory_space<hbm>>
        %dma_start3A_250 = tpu.memref_slice %arg3[%add3A_248] : memref<327680xi32, #tpu.memory_space<hbm>> -> memref<128xi32, #tpu.memory_space<hbm>>
        tpu.enqueue_dma source(%dma_start3A_250 : memref<128xi32, #tpu.memory_space<hbm>>) target(%arg7 : memref<128xi32, #tpu.memory_space<vmem>>) target_semaphore(%arg16 : memref<!tpu.dma_semaphore, #tpu.memory_space<semaphore_mem>>)
      } else {
      }
      %add3A_128 = arith.constant 1 : i32
      %add3A_129 = arith.addi %mul3A_97, %add3A_128 : i32
      %lt3A_130 = arith.constant 80 : i32
      %lt3A_131 = arith.cmpi slt, %add3A_129, %lt3A_130 : i32
      %convert_element_type3A_132 = arith.extui %lt3A_131 : i1 to i32
      %cond3A_133 = arith.constant 0 : i32
      %cond3A_134 = arith.cmpi ne, %convert_element_type3A_132, %cond3A_133 : i32
      scf.if %cond3A_134 {
        %add3A_244 = arith.constant 1 : i32
        %add3A_245 = arith.addi %mul3A_97, %add3A_244 : i32
        %mul3A_246 = arith.constant 128 : i32
        %mul3A_247 = arith.muli %add3A_245, %mul3A_246 : i32
        %add3A_248 = arith.addi %mul3A_2, %mul3A_247 : i32
        %dma_wait3A_249 = tpu.memref_slice %arg3[%add3A_248] : memref<327680xi32, #tpu.memory_space<hbm>> -> memref<128xi32, #tpu.memory_space<hbm>>
        %dma_wait3A_250 = tpu.memref_slice %arg3[%add3A_248] : memref<327680xi32, #tpu.memory_space<hbm>> -> memref<128xi32, #tpu.memory_space<hbm>>
        tpu.wait_dma2 semaphore(%arg17 : memref<!tpu.dma_semaphore, #tpu.memory_space<semaphore_mem>>) src(%dma_wait3A_250 : memref<128xi32, #tpu.memory_space<hbm>>) dst(%arg8 : memref<128xi32, #tpu.memory_space<vmem>>)
      } else {
      }
      %add3A_135 = arith.constant 1 : i32
      %add3A_136 = arith.addi %mul3A_97, %add3A_135 : i32
      %lt3A_137 = arith.constant 80 : i32
      %lt3A_138 = arith.cmpi slt, %add3A_136, %lt3A_137 : i32
      %convert_element_type3A_139 = arith.extui %lt3A_138 : i1 to i32
      %cond3A_140 = arith.constant 0 : i32
      %cond3A_141 = arith.cmpi ne, %convert_element_type3A_139, %cond3A_140 : i32
      scf.if %cond3A_141 {
        %add3A_244 = arith.constant 1 : i32
        %add3A_245 = arith.addi %mul3A_97, %add3A_244 : i32
        %dma_start3A_246 = arith.constant 0 : i32
        %dma_start3A_247 = arith.constant 0 : i32
        %dma_start3A_248 = tpu.memref_slice %arg2[%dma_start3A_246, %dma_start3A_247] : memref<10000x128xf32, #tpu.memory_space<hbm>> -> memref<10000x128xf32, #tpu.memory_space<hbm>>
        tpu.enqueue_indirect_dma source(%dma_start3A_248 : memref<10000x128xf32, #tpu.memory_space<hbm>>) target(%arg14 : memref<128x128xf32, #tpu.memory_space<vmem>>) offsets(%arg8 : memref<128xi32, #tpu.memory_space<vmem>>) semaphore(%arg23 : memref<!tpu.dma_semaphore, #tpu.memory_space<semaphore_mem>>)
      } else {
      }
      %mul3A_142 = arith.constant 3 : i32
      %mul3A_143 = arith.muli %mul3A_142, %add3A_95 : i32
      %add3A_144 = arith.constant 1 : i32
      %add3A_145 = arith.addi %mul3A_143, %add3A_144 : i32
      %dma_wait3A_146 = arith.constant 0 : i32
      %dma_wait3A_147 = arith.constant 0 : i32
      %dma_wait3A_148 = tpu.memref_slice %arg2[%dma_wait3A_146, %dma_wait3A_147] : memref<10000x128xf32, #tpu.memory_space<hbm>> -> memref<10000x128xf32, #tpu.memory_space<hbm>>
      tpu.wait_indirect_dma semaphore(%arg23 : memref<!tpu.dma_semaphore, #tpu.memory_space<semaphore_mem>>) src(%dma_wait3A_148 : memref<10000x128xf32, #tpu.memory_space<hbm>>) dst(%arg14 : memref<128x128xf32, #tpu.memory_space<vmem>>)
      %ge3A_149 = arith.constant 2 : i32
      %ge3A_150 = arith.cmpi sge, %add3A_145, %ge3A_149 : i32
      %convert_element_type3A_151 = arith.extui %ge3A_150 : i1 to i32
      %cond3A_152 = arith.constant 0 : i32
      %cond3A_153 = arith.cmpi ne, %convert_element_type3A_151, %cond3A_152 : i32
      scf.if %cond3A_153 {
        %sub3A = arith.constant 2 : i32
        %sub3A_244 = arith.subi %add3A_145, %sub3A : i32
        %dma_wait3A_245 = arith.constant 0 : i32
        %dma_wait3A_246 = arith.constant 0 : i32
        %dma_wait3A_247 = tpu.memref_slice %arg28[%dma_wait3A_245, %dma_wait3A_246] : memref<10032x128xf32, #tpu.memory_space<vmem_shared>> -> memref<10032x128xf32, #tpu.memory_space<vmem_shared>>
        tpu.wait_indirect_dma semaphore(%arg27 : memref<!tpu.dma_semaphore, #tpu.memory_space<semaphore_mem>>) src(%arg15 : memref<128x128xf32, #tpu.memory_space<vmem>>) dst(%dma_wait3A_247 : memref<10032x128xf32, #tpu.memory_space<vmem_shared>>)
      } else {
      }
      %ge3A_154 = arith.constant 2 : i32
      %ge3A_155 = arith.cmpi sge, %add3A_145, %ge3A_154 : i32
      %add3A_156 = arith.constant 1 : i32
      %add3A_157 = arith.addi %add3A_145, %add3A_156 : i32
      %lt3A_158 = arith.constant 80 : i32
      %lt3A_159 = arith.cmpi slt, %add3A_157, %lt3A_158 : i32
      %and3A_160 = arith.andi %ge3A_155, %lt3A_159 : i1
      %convert_element_type3A_161 = arith.extui %and3A_160 : i1 to i32
      %cond3A_162 = arith.constant 0 : i32
      %cond3A_163 = arith.cmpi ne, %convert_element_type3A_161, %cond3A_162 : i32
      scf.if %cond3A_163 {
        %add3A_244 = arith.constant 1 : i32
        %add3A_245 = arith.addi %add3A_145, %add3A_244 : i32
        %mul3A_246 = arith.constant 128 : i32
        %mul3A_247 = arith.muli %add3A_245, %mul3A_246 : i32
        %add3A_248 = arith.addi %mul3A_2, %mul3A_247 : i32
        %dma_start3A_249 = tpu.memref_slice %arg4[%add3A_248] : memref<327680xi32, #tpu.memory_space<hbm>> -> memref<128xi32, #tpu.memory_space<hbm>>
        %dma_start3A_250 = tpu.memref_slice %arg4[%add3A_248] : memref<327680xi32, #tpu.memory_space<hbm>> -> memref<128xi32, #tpu.memory_space<hbm>>
        tpu.enqueue_dma source(%dma_start3A_250 : memref<128xi32, #tpu.memory_space<hbm>>) target(%arg12 : memref<128xi32, #tpu.memory_space<vmem>>) target_semaphore(%arg21 : memref<!tpu.dma_semaphore, #tpu.memory_space<semaphore_mem>>)
      } else {
      }
      %mul3A_164 = arith.constant 128 : i32
      %mul3A_165 = arith.muli %add3A_145, %mul3A_164 : i32
      %add3A_166 = arith.addi %mul3A_2, %mul3A_165 : i32
      %dma_wait3A_167 = tpu.memref_slice %arg4[%add3A_166] : memref<327680xi32, #tpu.memory_space<hbm>> -> memref<128xi32, #tpu.memory_space<hbm>>
      %dma_wait3A_168 = tpu.memref_slice %arg4[%add3A_166] : memref<327680xi32, #tpu.memory_space<hbm>> -> memref<128xi32, #tpu.memory_space<hbm>>
      tpu.wait_dma2 semaphore(%arg20 : memref<!tpu.dma_semaphore, #tpu.memory_space<semaphore_mem>>) src(%dma_wait3A_168 : memref<128xi32, #tpu.memory_space<hbm>>) dst(%arg11 : memref<128xi32, #tpu.memory_space<vmem>>)
      %dma_start3A_169 = arith.constant 0 : i32
      %dma_start3A_170 = arith.constant 0 : i32
      %dma_start3A_171 = tpu.memref_slice %arg28[%dma_start3A_169, %dma_start3A_170] : memref<10032x128xf32, #tpu.memory_space<vmem_shared>> -> memref<10032x128xf32, #tpu.memory_space<vmem_shared>>
      tpu.enqueue_indirect_dma source(%arg14 : memref<128x128xf32, #tpu.memory_space<vmem>>) target(%dma_start3A_171 : memref<10032x128xf32, #tpu.memory_space<vmem_shared>>) offsets(%arg11 : memref<128xi32, #tpu.memory_space<vmem>>) semaphore(%arg26 : memref<!tpu.dma_semaphore, #tpu.memory_space<semaphore_mem>>) {add = true}
      %add3A_172 = arith.constant 3 : i32
      %add3A_173 = arith.addi %add3A_145, %add3A_172 : i32
      %lt3A_174 = arith.constant 80 : i32
      %lt3A_175 = arith.cmpi slt, %add3A_173, %lt3A_174 : i32
      %convert_element_type3A_176 = arith.extui %lt3A_175 : i1 to i32
      %cond3A_177 = arith.constant 0 : i32
      %cond3A_178 = arith.cmpi ne, %convert_element_type3A_176, %cond3A_177 : i32
      scf.if %cond3A_178 {
        %add3A_244 = arith.constant 3 : i32
        %add3A_245 = arith.addi %add3A_145, %add3A_244 : i32
        %mul3A_246 = arith.constant 128 : i32
        %mul3A_247 = arith.muli %add3A_245, %mul3A_246 : i32
        %add3A_248 = arith.addi %mul3A_2, %mul3A_247 : i32
        %dma_start3A_249 = tpu.memref_slice %arg3[%add3A_248] : memref<327680xi32, #tpu.memory_space<hbm>> -> memref<128xi32, #tpu.memory_space<hbm>>
        %dma_start3A_250 = tpu.memref_slice %arg3[%add3A_248] : memref<327680xi32, #tpu.memory_space<hbm>> -> memref<128xi32, #tpu.memory_space<hbm>>
        tpu.enqueue_dma source(%dma_start3A_250 : memref<128xi32, #tpu.memory_space<hbm>>) target(%arg8 : memref<128xi32, #tpu.memory_space<vmem>>) target_semaphore(%arg17 : memref<!tpu.dma_semaphore, #tpu.memory_space<semaphore_mem>>)
      } else {
      }
      %add3A_179 = arith.constant 1 : i32
      %add3A_180 = arith.addi %add3A_145, %add3A_179 : i32
      %lt3A_181 = arith.constant 80 : i32
      %lt3A_182 = arith.cmpi slt, %add3A_180, %lt3A_181 : i32
      %convert_element_type3A_183 = arith.extui %lt3A_182 : i1 to i32
      %cond3A_184 = arith.constant 0 : i32
      %cond3A_185 = arith.cmpi ne, %convert_element_type3A_183, %cond3A_184 : i32
      scf.if %cond3A_185 {
        %add3A_244 = arith.constant 1 : i32
        %add3A_245 = arith.addi %add3A_145, %add3A_244 : i32
        %mul3A_246 = arith.constant 128 : i32
        %mul3A_247 = arith.muli %add3A_245, %mul3A_246 : i32
        %add3A_248 = arith.addi %mul3A_2, %mul3A_247 : i32
        %dma_wait3A_249 = tpu.memref_slice %arg3[%add3A_248] : memref<327680xi32, #tpu.memory_space<hbm>> -> memref<128xi32, #tpu.memory_space<hbm>>
        %dma_wait3A_250 = tpu.memref_slice %arg3[%add3A_248] : memref<327680xi32, #tpu.memory_space<hbm>> -> memref<128xi32, #tpu.memory_space<hbm>>
        tpu.wait_dma2 semaphore(%arg18 : memref<!tpu.dma_semaphore, #tpu.memory_space<semaphore_mem>>) src(%dma_wait3A_250 : memref<128xi32, #tpu.memory_space<hbm>>) dst(%arg9 : memref<128xi32, #tpu.memory_space<vmem>>)
      } else {
      }
      %add3A_186 = arith.constant 1 : i32
      %add3A_187 = arith.addi %add3A_145, %add3A_186 : i32
      %lt3A_188 = arith.constant 80 : i32
      %lt3A_189 = arith.cmpi slt, %add3A_187, %lt3A_188 : i32
      %convert_element_type3A_190 = arith.extui %lt3A_189 : i1 to i32
      %cond3A_191 = arith.constant 0 : i32
      %cond3A_192 = arith.cmpi ne, %convert_element_type3A_190, %cond3A_191 : i32
      scf.if %cond3A_192 {
        %add3A_244 = arith.constant 1 : i32
        %add3A_245 = arith.addi %add3A_145, %add3A_244 : i32
        %dma_start3A_246 = arith.constant 0 : i32
        %dma_start3A_247 = arith.constant 0 : i32
        %dma_start3A_248 = tpu.memref_slice %arg2[%dma_start3A_246, %dma_start3A_247] : memref<10000x128xf32, #tpu.memory_space<hbm>> -> memref<10000x128xf32, #tpu.memory_space<hbm>>
        tpu.enqueue_indirect_dma source(%dma_start3A_248 : memref<10000x128xf32, #tpu.memory_space<hbm>>) target(%arg15 : memref<128x128xf32, #tpu.memory_space<vmem>>) offsets(%arg9 : memref<128xi32, #tpu.memory_space<vmem>>) semaphore(%arg24 : memref<!tpu.dma_semaphore, #tpu.memory_space<semaphore_mem>>)
      } else {
      }
      %mul3A_193 = arith.constant 3 : i32
      %mul3A_194 = arith.muli %mul3A_193, %add3A_95 : i32
      %add3A_195 = arith.constant 2 : i32
      %add3A_196 = arith.addi %mul3A_194, %add3A_195 : i32
      %dma_wait3A_197 = arith.constant 0 : i32
      %dma_wait3A_198 = arith.constant 0 : i32
      %dma_wait3A_199 = tpu.memref_slice %arg2[%dma_wait3A_197, %dma_wait3A_198] : memref<10000x128xf32, #tpu.memory_space<hbm>> -> memref<10000x128xf32, #tpu.memory_space<hbm>>
      tpu.wait_indirect_dma semaphore(%arg24 : memref<!tpu.dma_semaphore, #tpu.memory_space<semaphore_mem>>) src(%dma_wait3A_199 : memref<10000x128xf32, #tpu.memory_space<hbm>>) dst(%arg15 : memref<128x128xf32, #tpu.memory_space<vmem>>)
      %ge3A_200 = arith.constant 2 : i32
      %ge3A_201 = arith.cmpi sge, %add3A_196, %ge3A_200 : i32
      %convert_element_type3A_202 = arith.extui %ge3A_201 : i1 to i32
      %cond3A_203 = arith.constant 0 : i32
      %cond3A_204 = arith.cmpi ne, %convert_element_type3A_202, %cond3A_203 : i32
      scf.if %cond3A_204 {
        %sub3A = arith.constant 2 : i32
        %sub3A_244 = arith.subi %add3A_196, %sub3A : i32
        %dma_wait3A_245 = arith.constant 0 : i32
        %dma_wait3A_246 = arith.constant 0 : i32
        %dma_wait3A_247 = tpu.memref_slice %arg28[%dma_wait3A_245, %dma_wait3A_246] : memref<10032x128xf32, #tpu.memory_space<vmem_shared>> -> memref<10032x128xf32, #tpu.memory_space<vmem_shared>>
        tpu.wait_indirect_dma semaphore(%arg25 : memref<!tpu.dma_semaphore, #tpu.memory_space<semaphore_mem>>) src(%arg13 : memref<128x128xf32, #tpu.memory_space<vmem>>) dst(%dma_wait3A_247 : memref<10032x128xf32, #tpu.memory_space<vmem_shared>>)
      } else {
      }
      %ge3A_205 = arith.constant 2 : i32
      %ge3A_206 = arith.cmpi sge, %add3A_196, %ge3A_205 : i32
      %add3A_207 = arith.constant 1 : i32
      %add3A_208 = arith.addi %add3A_196, %add3A_207 : i32
      %lt3A_209 = arith.constant 80 : i32
      %lt3A_210 = arith.cmpi slt, %add3A_208, %lt3A_209 : i32
      %and3A_211 = arith.andi %ge3A_206, %lt3A_210 : i1
      %convert_element_type3A_212 = arith.extui %and3A_211 : i1 to i32
      %cond3A_213 = arith.constant 0 : i32
      %cond3A_214 = arith.cmpi ne, %convert_element_type3A_212, %cond3A_213 : i32
      scf.if %cond3A_214 {
        %add3A_244 = arith.constant 1 : i32
        %add3A_245 = arith.addi %add3A_196, %add3A_244 : i32
        %mul3A_246 = arith.constant 128 : i32
        %mul3A_247 = arith.muli %add3A_245, %mul3A_246 : i32
        %add3A_248 = arith.addi %mul3A_2, %mul3A_247 : i32
        %dma_start3A_249 = tpu.memref_slice %arg4[%add3A_248] : memref<327680xi32, #tpu.memory_space<hbm>> -> memref<128xi32, #tpu.memory_space<hbm>>
        %dma_start3A_250 = tpu.memref_slice %arg4[%add3A_248] : memref<327680xi32, #tpu.memory_space<hbm>> -> memref<128xi32, #tpu.memory_space<hbm>>
        tpu.enqueue_dma source(%dma_start3A_250 : memref<128xi32, #tpu.memory_space<hbm>>) target(%arg10 : memref<128xi32, #tpu.memory_space<vmem>>) target_semaphore(%arg19 : memref<!tpu.dma_semaphore, #tpu.memory_space<semaphore_mem>>)
      } else {
      }
      %mul3A_215 = arith.constant 128 : i32
      %mul3A_216 = arith.muli %add3A_196, %mul3A_215 : i32
      %add3A_217 = arith.addi %mul3A_2, %mul3A_216 : i32
      %dma_wait3A_218 = tpu.memref_slice %arg4[%add3A_217] : memref<327680xi32, #tpu.memory_space<hbm>> -> memref<128xi32, #tpu.memory_space<hbm>>
      %dma_wait3A_219 = tpu.memref_slice %arg4[%add3A_217] : memref<327680xi32, #tpu.memory_space<hbm>> -> memref<128xi32, #tpu.memory_space<hbm>>
      tpu.wait_dma2 semaphore(%arg21 : memref<!tpu.dma_semaphore, #tpu.memory_space<semaphore_mem>>) src(%dma_wait3A_219 : memref<128xi32, #tpu.memory_space<hbm>>) dst(%arg12 : memref<128xi32, #tpu.memory_space<vmem>>)
      %dma_start3A_220 = arith.constant 0 : i32
      %dma_start3A_221 = arith.constant 0 : i32
      %dma_start3A_222 = tpu.memref_slice %arg28[%dma_start3A_220, %dma_start3A_221] : memref<10032x128xf32, #tpu.memory_space<vmem_shared>> -> memref<10032x128xf32, #tpu.memory_space<vmem_shared>>
      tpu.enqueue_indirect_dma source(%arg15 : memref<128x128xf32, #tpu.memory_space<vmem>>) target(%dma_start3A_222 : memref<10032x128xf32, #tpu.memory_space<vmem_shared>>) offsets(%arg12 : memref<128xi32, #tpu.memory_space<vmem>>) semaphore(%arg27 : memref<!tpu.dma_semaphore, #tpu.memory_space<semaphore_mem>>) {add = true}
      %add3A_223 = arith.constant 3 : i32
      %add3A_224 = arith.addi %add3A_196, %add3A_223 : i32
      %lt3A_225 = arith.constant 80 : i32
      %lt3A_226 = arith.cmpi slt, %add3A_224, %lt3A_225 : i32
      %convert_element_type3A_227 = arith.extui %lt3A_226 : i1 to i32
      %cond3A_228 = arith.constant 0 : i32
      %cond3A_229 = arith.cmpi ne, %convert_element_type3A_227, %cond3A_228 : i32
      scf.if %cond3A_229 {
        %add3A_244 = arith.constant 3 : i32
        %add3A_245 = arith.addi %add3A_196, %add3A_244 : i32
        %mul3A_246 = arith.constant 128 : i32
        %mul3A_247 = arith.muli %add3A_245, %mul3A_246 : i32
        %add3A_248 = arith.addi %mul3A_2, %mul3A_247 : i32
        %dma_start3A_249 = tpu.memref_slice %arg3[%add3A_248] : memref<327680xi32, #tpu.memory_space<hbm>> -> memref<128xi32, #tpu.memory_space<hbm>>
        %dma_start3A_250 = tpu.memref_slice %arg3[%add3A_248] : memref<327680xi32, #tpu.memory_space<hbm>> -> memref<128xi32, #tpu.memory_space<hbm>>
        tpu.enqueue_dma source(%dma_start3A_250 : memref<128xi32, #tpu.memory_space<hbm>>) target(%arg9 : memref<128xi32, #tpu.memory_space<vmem>>) target_semaphore(%arg18 : memref<!tpu.dma_semaphore, #tpu.memory_space<semaphore_mem>>)
      } else {
      }
      %add3A_230 = arith.constant 1 : i32
      %add3A_231 = arith.addi %add3A_196, %add3A_230 : i32
      %lt3A_232 = arith.constant 80 : i32
      %lt3A_233 = arith.cmpi slt, %add3A_231, %lt3A_232 : i32
      %convert_element_type3A_234 = arith.extui %lt3A_233 : i1 to i32
      %cond3A_235 = arith.constant 0 : i32
      %cond3A_236 = arith.cmpi ne, %convert_element_type3A_234, %cond3A_235 : i32
      scf.if %cond3A_236 {
        %add3A_244 = arith.constant 1 : i32
        %add3A_245 = arith.addi %add3A_196, %add3A_244 : i32
        %mul3A_246 = arith.constant 128 : i32
        %mul3A_247 = arith.muli %add3A_245, %mul3A_246 : i32
        %add3A_248 = arith.addi %mul3A_2, %mul3A_247 : i32
        %dma_wait3A_249 = tpu.memref_slice %arg3[%add3A_248] : memref<327680xi32, #tpu.memory_space<hbm>> -> memref<128xi32, #tpu.memory_space<hbm>>
        %dma_wait3A_250 = tpu.memref_slice %arg3[%add3A_248] : memref<327680xi32, #tpu.memory_space<hbm>> -> memref<128xi32, #tpu.memory_space<hbm>>
        tpu.wait_dma2 semaphore(%arg16 : memref<!tpu.dma_semaphore, #tpu.memory_space<semaphore_mem>>) src(%dma_wait3A_250 : memref<128xi32, #tpu.memory_space<hbm>>) dst(%arg7 : memref<128xi32, #tpu.memory_space<vmem>>)
      } else {
      }
      %add3A_237 = arith.constant 1 : i32
      %add3A_238 = arith.addi %add3A_196, %add3A_237 : i32
      %lt3A_239 = arith.constant 80 : i32
      %lt3A_240 = arith.cmpi slt, %add3A_238, %lt3A_239 : i32
      %convert_element_type3A_241 = arith.extui %lt3A_240 : i1 to i32
      %cond3A_242 = arith.constant 0 : i32
      %cond3A_243 = arith.cmpi ne, %convert_element_type3A_241, %cond3A_242 : i32
      scf.if %cond3A_243 {
        %add3A_244 = arith.constant 1 : i32
        %add3A_245 = arith.addi %add3A_196, %add3A_244 : i32
        %dma_start3A_246 = arith.constant 0 : i32
        %dma_start3A_247 = arith.constant 0 : i32
        %dma_start3A_248 = tpu.memref_slice %arg2[%dma_start3A_246, %dma_start3A_247] : memref<10000x128xf32, #tpu.memory_space<hbm>> -> memref<10000x128xf32, #tpu.memory_space<hbm>>
        tpu.enqueue_indirect_dma source(%dma_start3A_248 : memref<10000x128xf32, #tpu.memory_space<hbm>>) target(%arg13 : memref<128x128xf32, #tpu.memory_space<vmem>>) offsets(%arg7 : memref<128xi32, #tpu.memory_space<vmem>>) semaphore(%arg22 : memref<!tpu.dma_semaphore, #tpu.memory_space<semaphore_mem>>)
      } else {
      }
    }
    %scan3A_39 = arith.constant 26 : i32
    %dma_wait3A_40 = arith.constant 0 : i32
    %dma_wait3A_41 = arith.constant 0 : i32
    %dma_wait3A_42 = tpu.memref_slice %arg2[%dma_wait3A_40, %dma_wait3A_41] : memref<10000x128xf32, #tpu.memory_space<hbm>> -> memref<10000x128xf32, #tpu.memory_space<hbm>>
    tpu.wait_indirect_dma semaphore(%arg22 : memref<!tpu.dma_semaphore, #tpu.memory_space<semaphore_mem>>) src(%dma_wait3A_42 : memref<10000x128xf32, #tpu.memory_space<hbm>>) dst(%arg13 : memref<128x128xf32, #tpu.memory_space<vmem>>)
    %dma_wait3A_43 = arith.constant 0 : i32
    %dma_wait3A_44 = arith.constant 0 : i32
    %dma_wait3A_45 = tpu.memref_slice %arg28[%dma_wait3A_43, %dma_wait3A_44] : memref<10032x128xf32, #tpu.memory_space<vmem_shared>> -> memref<10032x128xf32, #tpu.memory_space<vmem_shared>>
    tpu.wait_indirect_dma semaphore(%arg26 : memref<!tpu.dma_semaphore, #tpu.memory_space<semaphore_mem>>) src(%arg14 : memref<128x128xf32, #tpu.memory_space<vmem>>) dst(%dma_wait3A_45 : memref<10032x128xf32, #tpu.memory_space<vmem_shared>>)
    %add3A_46 = arith.constant 10112 : i32
    %add3A_47 = arith.addi %mul3A_2, %add3A_46 : i32
    %dma_start3A_48 = tpu.memref_slice %arg4[%add3A_47] : memref<327680xi32, #tpu.memory_space<hbm>> -> memref<128xi32, #tpu.memory_space<hbm>>
    %dma_start3A_49 = tpu.memref_slice %arg4[%add3A_47] : memref<327680xi32, #tpu.memory_space<hbm>> -> memref<128xi32, #tpu.memory_space<hbm>>
    tpu.enqueue_dma source(%dma_start3A_49 : memref<128xi32, #tpu.memory_space<hbm>>) target(%arg11 : memref<128xi32, #tpu.memory_space<vmem>>) target_semaphore(%arg20 : memref<!tpu.dma_semaphore, #tpu.memory_space<semaphore_mem>>)
    %add3A_50 = arith.constant 9984 : i32
    %add3A_51 = arith.addi %mul3A_2, %add3A_50 : i32
    %dma_wait3A_52 = tpu.memref_slice %arg4[%add3A_51] : memref<327680xi32, #tpu.memory_space<hbm>> -> memref<128xi32, #tpu.memory_space<hbm>>
    %dma_wait3A_53 = tpu.memref_slice %arg4[%add3A_51] : memref<327680xi32, #tpu.memory_space<hbm>> -> memref<128xi32, #tpu.memory_space<hbm>>
    tpu.wait_dma2 semaphore(%arg19 : memref<!tpu.dma_semaphore, #tpu.memory_space<semaphore_mem>>) src(%dma_wait3A_53 : memref<128xi32, #tpu.memory_space<hbm>>) dst(%arg10 : memref<128xi32, #tpu.memory_space<vmem>>)
    %dma_start3A_54 = arith.constant 0 : i32
    %dma_start3A_55 = arith.constant 0 : i32
    %dma_start3A_56 = tpu.memref_slice %arg28[%dma_start3A_54, %dma_start3A_55] : memref<10032x128xf32, #tpu.memory_space<vmem_shared>> -> memref<10032x128xf32, #tpu.memory_space<vmem_shared>>
    tpu.enqueue_indirect_dma source(%arg13 : memref<128x128xf32, #tpu.memory_space<vmem>>) target(%dma_start3A_56 : memref<10032x128xf32, #tpu.memory_space<vmem_shared>>) offsets(%arg10 : memref<128xi32, #tpu.memory_space<vmem>>) semaphore(%arg25 : memref<!tpu.dma_semaphore, #tpu.memory_space<semaphore_mem>>) {add = true}
    %add3A_57 = arith.constant 10112 : i32
    %add3A_58 = arith.addi %mul3A_2, %add3A_57 : i32
    %dma_wait3A_59 = tpu.memref_slice %arg3[%add3A_58] : memref<327680xi32, #tpu.memory_space<hbm>> -> memref<128xi32, #tpu.memory_space<hbm>>
    %dma_wait3A_60 = tpu.memref_slice %arg3[%add3A_58] : memref<327680xi32, #tpu.memory_space<hbm>> -> memref<128xi32, #tpu.memory_space<hbm>>
    tpu.wait_dma2 semaphore(%arg17 : memref<!tpu.dma_semaphore, #tpu.memory_space<semaphore_mem>>) src(%dma_wait3A_60 : memref<128xi32, #tpu.memory_space<hbm>>) dst(%arg8 : memref<128xi32, #tpu.memory_space<vmem>>)
    %dma_start3A_61 = arith.constant 0 : i32
    %dma_start3A_62 = arith.constant 0 : i32
    %dma_start3A_63 = tpu.memref_slice %arg2[%dma_start3A_61, %dma_start3A_62] : memref<10000x128xf32, #tpu.memory_space<hbm>> -> memref<10000x128xf32, #tpu.memory_space<hbm>>
    tpu.enqueue_indirect_dma source(%dma_start3A_63 : memref<10000x128xf32, #tpu.memory_space<hbm>>) target(%arg14 : memref<128x128xf32, #tpu.memory_space<vmem>>) offsets(%arg8 : memref<128xi32, #tpu.memory_space<vmem>>) semaphore(%arg23 : memref<!tpu.dma_semaphore, #tpu.memory_space<semaphore_mem>>)
    %dma_wait3A_64 = arith.constant 0 : i32
    %dma_wait3A_65 = arith.constant 0 : i32
    %dma_wait3A_66 = tpu.memref_slice %arg2[%dma_wait3A_64, %dma_wait3A_65] : memref<10000x128xf32, #tpu.memory_space<hbm>> -> memref<10000x128xf32, #tpu.memory_space<hbm>>
    tpu.wait_indirect_dma semaphore(%arg23 : memref<!tpu.dma_semaphore, #tpu.memory_space<semaphore_mem>>) src(%dma_wait3A_66 : memref<10000x128xf32, #tpu.memory_space<hbm>>) dst(%arg14 : memref<128x128xf32, #tpu.memory_space<vmem>>)
    %dma_wait3A_67 = arith.constant 0 : i32
    %dma_wait3A_68 = arith.constant 0 : i32
    %dma_wait3A_69 = tpu.memref_slice %arg28[%dma_wait3A_67, %dma_wait3A_68] : memref<10032x128xf32, #tpu.memory_space<vmem_shared>> -> memref<10032x128xf32, #tpu.memory_space<vmem_shared>>
    tpu.wait_indirect_dma semaphore(%arg27 : memref<!tpu.dma_semaphore, #tpu.memory_space<semaphore_mem>>) src(%arg15 : memref<128x128xf32, #tpu.memory_space<vmem>>) dst(%dma_wait3A_69 : memref<10032x128xf32, #tpu.memory_space<vmem_shared>>)
    %add3A_70 = arith.constant 10112 : i32
    %add3A_71 = arith.addi %mul3A_2, %add3A_70 : i32
    %dma_wait3A_72 = tpu.memref_slice %arg4[%add3A_71] : memref<327680xi32, #tpu.memory_space<hbm>> -> memref<128xi32, #tpu.memory_space<hbm>>
    %dma_wait3A_73 = tpu.memref_slice %arg4[%add3A_71] : memref<327680xi32, #tpu.memory_space<hbm>> -> memref<128xi32, #tpu.memory_space<hbm>>
    tpu.wait_dma2 semaphore(%arg20 : memref<!tpu.dma_semaphore, #tpu.memory_space<semaphore_mem>>) src(%dma_wait3A_73 : memref<128xi32, #tpu.memory_space<hbm>>) dst(%arg11 : memref<128xi32, #tpu.memory_space<vmem>>)
    %dma_start3A_74 = arith.constant 0 : i32
    %dma_start3A_75 = arith.constant 0 : i32
    %dma_start3A_76 = tpu.memref_slice %arg28[%dma_start3A_74, %dma_start3A_75] : memref<10032x128xf32, #tpu.memory_space<vmem_shared>> -> memref<10032x128xf32, #tpu.memory_space<vmem_shared>>
    tpu.enqueue_indirect_dma source(%arg14 : memref<128x128xf32, #tpu.memory_space<vmem>>) target(%dma_start3A_76 : memref<10032x128xf32, #tpu.memory_space<vmem_shared>>) offsets(%arg11 : memref<128xi32, #tpu.memory_space<vmem>>) semaphore(%arg26 : memref<!tpu.dma_semaphore, #tpu.memory_space<semaphore_mem>>) {add = true}
    %dma_wait3A_77 = arith.constant 0 : i32
    %dma_wait3A_78 = arith.constant 0 : i32
    %dma_wait3A_79 = tpu.memref_slice %arg28[%dma_wait3A_77, %dma_wait3A_78] : memref<10032x128xf32, #tpu.memory_space<vmem_shared>> -> memref<10032x128xf32, #tpu.memory_space<vmem_shared>>
    tpu.wait_indirect_dma semaphore(%arg25 : memref<!tpu.dma_semaphore, #tpu.memory_space<semaphore_mem>>) src(%arg13 : memref<128x128xf32, #tpu.memory_space<vmem>>) dst(%dma_wait3A_79 : memref<10032x128xf32, #tpu.memory_space<vmem_shared>>)
    %dma_wait3A_80 = arith.constant 0 : i32
    %dma_wait3A_81 = arith.constant 0 : i32
    %dma_wait3A_82 = tpu.memref_slice %arg28[%dma_wait3A_80, %dma_wait3A_81] : memref<10032x128xf32, #tpu.memory_space<vmem_shared>> -> memref<10032x128xf32, #tpu.memory_space<vmem_shared>>
    tpu.wait_indirect_dma semaphore(%arg26 : memref<!tpu.dma_semaphore, #tpu.memory_space<semaphore_mem>>) src(%arg14 : memref<128x128xf32, #tpu.memory_space<vmem>>) dst(%dma_wait3A_82 : memref<10032x128xf32, #tpu.memory_space<vmem_shared>>)
    %barrier3A_83 = arith.constant 0 : index
    tpu.barrier barrier_id(%barrier3A_83)
    %mul3A_84 = arith.constant 624 : i32
    %mul3A_85 = arith.muli %arg1, %mul3A_84 : i32
    "tpu.region"() ({
      %run_scoped3A = tpu.sem_alloc : memref<!tpu.dma_semaphore, #tpu.memory_space<semaphore_mem>>
      %dma_start3A_91 = arith.constant 0 : i32
      %dma_start3A_92 = arith.constant 0 : i32
      %dma_start3A_93 = tpu.memref_slice %arg6[%arg0, %dma_start3A_91, %dma_start3A_92] : memref<2x10000x128xf32, #tpu.memory_space<hbm>> -> memref<1x10000x128xf32, #tpu.memory_space<hbm>>
      %dma_start3A_94 = tpu.memref_squeeze %dma_start3A_93 : memref<1x10000x128xf32, #tpu.memory_space<hbm>> -> memref<10000x128xf32, #tpu.memory_space<hbm>>
      %dma_start3A_95 = arith.constant 0 : i32
      %dma_start3A_96 = tpu.memref_slice %dma_start3A_94[%mul3A_85, %dma_start3A_95] : memref<10000x128xf32, #tpu.memory_space<hbm>> -> memref<624x128xf32, #tpu.memory_space<hbm>>
      %dma_start3A_97 = arith.constant 0 : i32
      %dma_start3A_98 = tpu.memref_slice %arg28[%mul3A_85, %dma_start3A_97] : memref<10032x128xf32, #tpu.memory_space<vmem_shared>> -> memref<624x128xf32, #tpu.memory_space<vmem_shared>>
      tpu.enqueue_dma source(%dma_start3A_98 : memref<624x128xf32, #tpu.memory_space<vmem_shared>>) target(%dma_start3A_96 : memref<624x128xf32, #tpu.memory_space<hbm>>) target_semaphore(%run_scoped3A : memref<!tpu.dma_semaphore, #tpu.memory_space<semaphore_mem>>)
      %dma_wait3A_99 = arith.constant 0 : i32
      %dma_wait3A_100 = arith.constant 0 : i32
      %dma_wait3A_101 = tpu.memref_slice %arg6[%arg0, %dma_wait3A_99, %dma_wait3A_100] : memref<2x10000x128xf32, #tpu.memory_space<hbm>> -> memref<1x10000x128xf32, #tpu.memory_space<hbm>>
      %dma_wait3A_102 = tpu.memref_squeeze %dma_wait3A_101 : memref<1x10000x128xf32, #tpu.memory_space<hbm>> -> memref<10000x128xf32, #tpu.memory_space<hbm>>
      %dma_wait3A_103 = arith.constant 0 : i32
      %dma_wait3A_104 = tpu.memref_slice %dma_wait3A_102[%mul3A_85, %dma_wait3A_103] : memref<10000x128xf32, #tpu.memory_space<hbm>> -> memref<624x128xf32, #tpu.memory_space<hbm>>
      %dma_wait3A_105 = arith.constant 0 : i32
      %dma_wait3A_106 = tpu.memref_slice %arg28[%mul3A_85, %dma_wait3A_105] : memref<10032x128xf32, #tpu.memory_space<vmem_shared>> -> memref<624x128xf32, #tpu.memory_space<vmem_shared>>
      tpu.wait_dma2 semaphore(%run_scoped3A : memref<!tpu.dma_semaphore, #tpu.memory_space<semaphore_mem>>) src(%dma_wait3A_106 : memref<624x128xf32, #tpu.memory_space<vmem_shared>>) dst(%dma_wait3A_104 : memref<624x128xf32, #tpu.memory_space<hbm>>)
      tpu.yield
    }) : () -> ()
    %eq3A_86 = arith.constant 0 : i32
    %eq3A_87 = arith.cmpi eq, %arg1, %eq3A_86 : i32
    %convert_element_type3A_88 = arith.extui %eq3A_87 : i1 to i32
    %cond3A_89 = arith.constant 0 : i32
    %cond3A_90 = arith.cmpi ne, %convert_element_type3A_88, %cond3A_89 : i32
    scf.if %cond3A_90 {
      "tpu.region"() ({
        %run_scoped3A = tpu.sem_alloc : memref<!tpu.dma_semaphore, #tpu.memory_space<semaphore_mem>>
        %dma_start3A_91 = arith.constant 0 : i32
        %dma_start3A_92 = arith.constant 0 : i32
        %dma_start3A_93 = tpu.memref_slice %arg6[%arg0, %dma_start3A_91, %dma_start3A_92] : memref<2x10000x128xf32, #tpu.memory_space<hbm>> -> memref<1x10000x128xf32, #tpu.memory_space<hbm>>
        %dma_start3A_94 = tpu.memref_squeeze %dma_start3A_93 : memref<1x10000x128xf32, #tpu.memory_space<hbm>> -> memref<10000x128xf32, #tpu.memory_space<hbm>>
        %dma_start3A_95 = arith.constant 9984 : i32
        %dma_start3A_96 = arith.constant 0 : i32
        %dma_start3A_97 = tpu.memref_slice %dma_start3A_94[%dma_start3A_95, %dma_start3A_96] : memref<10000x128xf32, #tpu.memory_space<hbm>> -> memref<16x128xf32, #tpu.memory_space<hbm>>
        %dma_start3A_98 = arith.constant 9984 : i32
        %dma_start3A_99 = arith.constant 0 : i32
        %dma_start3A_100 = tpu.memref_slice %arg28[%dma_start3A_98, %dma_start3A_99] : memref<10032x128xf32, #tpu.memory_space<vmem_shared>> -> memref<16x128xf32, #tpu.memory_space<vmem_shared>>
        tpu.enqueue_dma source(%dma_start3A_100 : memref<16x128xf32, #tpu.memory_space<vmem_shared>>) target(%dma_start3A_97 : memref<16x128xf32, #tpu.memory_space<hbm>>) target_semaphore(%run_scoped3A : memref<!tpu.dma_semaphore, #tpu.memory_space<semaphore_mem>>)
        %dma_wait3A_101 = arith.constant 0 : i32
        %dma_wait3A_102 = arith.constant 0 : i32
        %dma_wait3A_103 = tpu.memref_slice %arg6[%arg0, %dma_wait3A_101, %dma_wait3A_102] : memref<2x10000x128xf32, #tpu.memory_space<hbm>> -> memref<1x10000x128xf32, #tpu.memory_space<hbm>>
        %dma_wait3A_104 = tpu.memref_squeeze %dma_wait3A_103 : memref<1x10000x128xf32, #tpu.memory_space<hbm>> -> memref<10000x128xf32, #tpu.memory_space<hbm>>
        %dma_wait3A_105 = arith.constant 9984 : i32
        %dma_wait3A_106 = arith.constant 0 : i32
        %dma_wait3A_107 = tpu.memref_slice %dma_wait3A_104[%dma_wait3A_105, %dma_wait3A_106] : memref<10000x128xf32, #tpu.memory_space<hbm>> -> memref<16x128xf32, #tpu.memory_space<hbm>>
        %dma_wait3A_108 = arith.constant 9984 : i32
        %dma_wait3A_109 = arith.constant 0 : i32
        %dma_wait3A_110 = tpu.memref_slice %arg28[%dma_wait3A_108, %dma_wait3A_109] : memref<10032x128xf32, #tpu.memory_space<vmem_shared>> -> memref<16x128xf32, #tpu.memory_space<vmem_shared>>
        tpu.wait_dma2 semaphore(%run_scoped3A : memref<!tpu.dma_semaphore, #tpu.memory_space<semaphore_mem>>) src(%dma_wait3A_110 : memref<16x128xf32, #tpu.memory_space<vmem_shared>>) dst(%dma_wait3A_107 : memref<16x128xf32, #tpu.memory_space<hbm>>)
        tpu.yield
      }) : () -> ()
    } else {
    }
    return
  }
}

#map = affine_map<(d0, d1) -> (0, 0, 0)>
#map1 = affine_map<(d0, d1) -> (0, 0)>
module attributes {stable_mosaic.version = 14 : i64} {
  func.func @_sc_cnt_body(%arg0: i32, %arg1: i32, %arg2: memref<32x80x128xi32, #tpu.memory_space<hbm>>, %arg3: memref<10032x128xf32, #tpu.memory_space<hbm>>, %arg4: memref<128x128xf32, #tpu.memory_space<hbm>>, %arg5: memref<2x10000x128xf32, #tpu.memory_space<hbm>>, %arg6: memref<80x128xi32, #tpu.memory_space<vmem>>, %arg7: memref<128x128xf32, #tpu.memory_space<vmem>>, %arg8: memref<10032x128xf32, #tpu.memory_space<vmem_shared>>, %arg9: memref<!tpu.dma_semaphore, #tpu.memory_space<semaphore_mem>>) attributes {dimension_semantics = [#tpu.dimension_semantics<core_parallel>, #tpu.dimension_semantics<subcore_parallel>], iteration_bounds = array<i64: 2, 16>, scalar_prefetch = 0 : i64, scratch_operands = 4 : i64, tpu.core_type = #tpu.core_type<sc_vector_subcore>, window_params = [{transform_indices = #map}, {transform_indices = #map1}, {transform_indices = #map1}, {transform_indices = #map}]} {
    %mul3A = arith.constant 16 : i32
    %mul3A_0 = arith.muli %arg0, %mul3A : i32
    %add3A = arith.addi %mul3A_0, %arg1 : i32
    %mul3A_1 = arith.constant 624 : i32
    %mul3A_2 = arith.muli %arg1, %mul3A_1 : i32
    "tpu.region"() ({
      %run_scoped3A = tpu.sem_alloc : memref<!tpu.dma_semaphore, #tpu.memory_space<semaphore_mem>>
      %dma_start3A = arith.constant 0 : i32
      %dma_start3A_17 = tpu.memref_slice %arg8[%mul3A_2, %dma_start3A] : memref<10032x128xf32, #tpu.memory_space<vmem_shared>> -> memref<624x128xf32, #tpu.memory_space<vmem_shared>>
      %dma_start3A_18 = arith.constant 0 : i32
      %dma_start3A_19 = tpu.memref_slice %arg3[%mul3A_2, %dma_start3A_18] : memref<10032x128xf32, #tpu.memory_space<hbm>> -> memref<624x128xf32, #tpu.memory_space<hbm>>
      tpu.enqueue_dma source(%dma_start3A_19 : memref<624x128xf32, #tpu.memory_space<hbm>>) target(%dma_start3A_17 : memref<624x128xf32, #tpu.memory_space<vmem_shared>>) target_semaphore(%run_scoped3A : memref<!tpu.dma_semaphore, #tpu.memory_space<semaphore_mem>>)
      %dma_wait3A = arith.constant 0 : i32
      %dma_wait3A_20 = tpu.memref_slice %arg8[%mul3A_2, %dma_wait3A] : memref<10032x128xf32, #tpu.memory_space<vmem_shared>> -> memref<624x128xf32, #tpu.memory_space<vmem_shared>>
      %dma_wait3A_21 = arith.constant 0 : i32
      %dma_wait3A_22 = tpu.memref_slice %arg3[%mul3A_2, %dma_wait3A_21] : memref<10032x128xf32, #tpu.memory_space<hbm>> -> memref<624x128xf32, #tpu.memory_space<hbm>>
      tpu.wait_dma2 semaphore(%run_scoped3A : memref<!tpu.dma_semaphore, #tpu.memory_space<semaphore_mem>>) src(%dma_wait3A_22 : memref<624x128xf32, #tpu.memory_space<hbm>>) dst(%dma_wait3A_20 : memref<624x128xf32, #tpu.memory_space<vmem_shared>>)
      tpu.yield
    }) : () -> ()
    %eq3A = arith.constant 0 : i32
    %eq3A_3 = arith.cmpi eq, %arg1, %eq3A : i32
    %convert_element_type3A = arith.extui %eq3A_3 : i1 to i32
    %cond3A = arith.constant 0 : i32
    %cond3A_4 = arith.cmpi ne, %convert_element_type3A, %cond3A : i32
    scf.if %cond3A_4 {
      "tpu.region"() ({
        %run_scoped3A = tpu.sem_alloc : memref<!tpu.dma_semaphore, #tpu.memory_space<semaphore_mem>>
        %dma_start3A = arith.constant 9984 : i32
        %dma_start3A_17 = arith.constant 0 : i32
        %dma_start3A_18 = tpu.memref_slice %arg8[%dma_start3A, %dma_start3A_17] : memref<10032x128xf32, #tpu.memory_space<vmem_shared>> -> memref<48x128xf32, #tpu.memory_space<vmem_shared>>
        %dma_start3A_19 = arith.constant 9984 : i32
        %dma_start3A_20 = arith.constant 0 : i32
        %dma_start3A_21 = tpu.memref_slice %arg3[%dma_start3A_19, %dma_start3A_20] : memref<10032x128xf32, #tpu.memory_space<hbm>> -> memref<48x128xf32, #tpu.memory_space<hbm>>
        tpu.enqueue_dma source(%dma_start3A_21 : memref<48x128xf32, #tpu.memory_space<hbm>>) target(%dma_start3A_18 : memref<48x128xf32, #tpu.memory_space<vmem_shared>>) target_semaphore(%run_scoped3A : memref<!tpu.dma_semaphore, #tpu.memory_space<semaphore_mem>>)
        %dma_wait3A = arith.constant 9984 : i32
        %dma_wait3A_22 = arith.constant 0 : i32
        %dma_wait3A_23 = tpu.memref_slice %arg8[%dma_wait3A, %dma_wait3A_22] : memref<10032x128xf32, #tpu.memory_space<vmem_shared>> -> memref<48x128xf32, #tpu.memory_space<vmem_shared>>
        %dma_wait3A_24 = arith.constant 9984 : i32
        %dma_wait3A_25 = arith.constant 0 : i32
        %dma_wait3A_26 = tpu.memref_slice %arg3[%dma_wait3A_24, %dma_wait3A_25] : memref<10032x128xf32, #tpu.memory_space<hbm>> -> memref<48x128xf32, #tpu.memory_space<hbm>>
        tpu.wait_dma2 semaphore(%run_scoped3A : memref<!tpu.dma_semaphore, #tpu.memory_space<semaphore_mem>>) src(%dma_wait3A_26 : memref<48x128xf32, #tpu.memory_space<hbm>>) dst(%dma_wait3A_23 : memref<48x128xf32, #tpu.memory_space<vmem_shared>>)
        tpu.yield
      }) : () -> ()
    } else {
    }
    "tpu.region"() ({
      %run_scoped3A = tpu.sem_alloc : memref<!tpu.dma_semaphore, #tpu.memory_space<semaphore_mem>>
      %dma_start3A = arith.constant 0 : i32
      %dma_start3A_17 = arith.constant 0 : i32
      %dma_start3A_18 = tpu.memref_slice %arg2[%add3A, %dma_start3A, %dma_start3A_17] : memref<32x80x128xi32, #tpu.memory_space<hbm>> -> memref<1x80x128xi32, #tpu.memory_space<hbm>>
      %dma_start3A_19 = tpu.memref_squeeze %dma_start3A_18 : memref<1x80x128xi32, #tpu.memory_space<hbm>> -> memref<80x128xi32, #tpu.memory_space<hbm>>
      %dma_start3A_20 = arith.constant 0 : i32
      %dma_start3A_21 = arith.constant 0 : i32
      %dma_start3A_22 = tpu.memref_slice %arg2[%add3A, %dma_start3A_20, %dma_start3A_21] : memref<32x80x128xi32, #tpu.memory_space<hbm>> -> memref<1x80x128xi32, #tpu.memory_space<hbm>>
      %dma_start3A_23 = tpu.memref_squeeze %dma_start3A_22 : memref<1x80x128xi32, #tpu.memory_space<hbm>> -> memref<80x128xi32, #tpu.memory_space<hbm>>
      tpu.enqueue_dma source(%dma_start3A_23 : memref<80x128xi32, #tpu.memory_space<hbm>>) target(%arg6 : memref<80x128xi32, #tpu.memory_space<vmem>>) target_semaphore(%run_scoped3A : memref<!tpu.dma_semaphore, #tpu.memory_space<semaphore_mem>>)
      %dma_wait3A = arith.constant 0 : i32
      %dma_wait3A_24 = arith.constant 0 : i32
      %dma_wait3A_25 = tpu.memref_slice %arg2[%add3A, %dma_wait3A, %dma_wait3A_24] : memref<32x80x128xi32, #tpu.memory_space<hbm>> -> memref<1x80x128xi32, #tpu.memory_space<hbm>>
      %dma_wait3A_26 = tpu.memref_squeeze %dma_wait3A_25 : memref<1x80x128xi32, #tpu.memory_space<hbm>> -> memref<80x128xi32, #tpu.memory_space<hbm>>
      %dma_wait3A_27 = arith.constant 0 : i32
      %dma_wait3A_28 = arith.constant 0 : i32
      %dma_wait3A_29 = tpu.memref_slice %arg2[%add3A, %dma_wait3A_27, %dma_wait3A_28] : memref<32x80x128xi32, #tpu.memory_space<hbm>> -> memref<1x80x128xi32, #tpu.memory_space<hbm>>
      %dma_wait3A_30 = tpu.memref_squeeze %dma_wait3A_29 : memref<1x80x128xi32, #tpu.memory_space<hbm>> -> memref<80x128xi32, #tpu.memory_space<hbm>>
      tpu.wait_dma2 semaphore(%run_scoped3A : memref<!tpu.dma_semaphore, #tpu.memory_space<semaphore_mem>>) src(%dma_wait3A_30 : memref<80x128xi32, #tpu.memory_space<hbm>>) dst(%arg6 : memref<80x128xi32, #tpu.memory_space<vmem>>)
      tpu.yield
    }) : () -> ()
    "tpu.region"() ({
      %run_scoped3A = tpu.sem_alloc : memref<!tpu.dma_semaphore, #tpu.memory_space<semaphore_mem>>
      tpu.enqueue_dma source(%arg4 : memref<128x128xf32, #tpu.memory_space<hbm>>) target(%arg7 : memref<128x128xf32, #tpu.memory_space<vmem>>) target_semaphore(%run_scoped3A : memref<!tpu.dma_semaphore, #tpu.memory_space<semaphore_mem>>)
      tpu.wait_dma2 semaphore(%run_scoped3A : memref<!tpu.dma_semaphore, #tpu.memory_space<semaphore_mem>>) src(%arg4 : memref<128x128xf32, #tpu.memory_space<hbm>>) dst(%arg7 : memref<128x128xf32, #tpu.memory_space<vmem>>)
      tpu.yield
    }) : () -> ()
    %barrier3A = arith.constant 0 : index
    tpu.barrier barrier_id(%barrier3A)
    %scan3A = arith.constant 0 : i32
    %scan3A_5 = arith.constant 20 : i32
    %scan3A_6 = arith.addi %scan3A, %scan3A_5 : i32
    %scan3A_7 = arith.constant 1 : i32
    scf.for %scan3A_17 = %scan3A to %scan3A_6 step %scan3A_7  : i32 {
      %mul3A_18 = arith.constant 1 : i32
      %mul3A_19 = arith.muli %scan3A_17, %mul3A_18 : i32
      %add3A_20 = arith.constant 0 : i32
      %add3A_21 = arith.addi %add3A_20, %mul3A_19 : i32
      %mul3A_22 = arith.constant 4 : i32
      %mul3A_23 = arith.muli %mul3A_22, %add3A_21 : i32
      %add3A_24 = arith.constant 0 : i32
      %add3A_25 = arith.addi %mul3A_23, %add3A_24 : i32
      %mul3A_26 = arith.constant 4 : i32
      %mul3A_27 = arith.muli %mul3A_26, %add3A_21 : i32
      %add3A_28 = arith.constant 1 : i32
      %add3A_29 = arith.addi %mul3A_27, %add3A_28 : i32
      %mul3A_30 = arith.constant 4 : i32
      %mul3A_31 = arith.muli %mul3A_30, %add3A_21 : i32
      %add3A_32 = arith.constant 2 : i32
      %add3A_33 = arith.addi %mul3A_31, %add3A_32 : i32
      %mul3A_34 = arith.constant 4 : i32
      %mul3A_35 = arith.muli %mul3A_34, %add3A_21 : i32
      %add3A_36 = arith.constant 3 : i32
      %add3A_37 = arith.addi %mul3A_35, %add3A_36 : i32
      %dma_start3A = arith.constant 0 : i32
      %dma_start3A_38 = tpu.memref_slice %arg6[%add3A_25, %dma_start3A] : memref<80x128xi32, #tpu.memory_space<vmem>> -> memref<1x128xi32, #tpu.memory_space<vmem>>
      %dma_start3A_39 = tpu.memref_squeeze %dma_start3A_38 : memref<1x128xi32, #tpu.memory_space<vmem>> -> memref<128xi32, #tpu.memory_space<vmem>>
      %dma_start3A_40 = arith.constant 0 : i32
      %dma_start3A_41 = arith.constant 0 : i32
      %dma_start3A_42 = tpu.memref_slice %arg8[%dma_start3A_40, %dma_start3A_41] : memref<10032x128xf32, #tpu.memory_space<vmem_shared>> -> memref<10032x128xf32, #tpu.memory_space<vmem_shared>>
      tpu.enqueue_indirect_dma source(%arg7 : memref<128x128xf32, #tpu.memory_space<vmem>>) target(%dma_start3A_42 : memref<10032x128xf32, #tpu.memory_space<vmem_shared>>) offsets(%dma_start3A_39 : memref<128xi32, #tpu.memory_space<vmem>>) semaphore(%arg9 : memref<!tpu.dma_semaphore, #tpu.memory_space<semaphore_mem>>) {add = true}
      %dma_start3A_43 = arith.constant 0 : i32
      %dma_start3A_44 = tpu.memref_slice %arg6[%add3A_29, %dma_start3A_43] : memref<80x128xi32, #tpu.memory_space<vmem>> -> memref<1x128xi32, #tpu.memory_space<vmem>>
      %dma_start3A_45 = tpu.memref_squeeze %dma_start3A_44 : memref<1x128xi32, #tpu.memory_space<vmem>> -> memref<128xi32, #tpu.memory_space<vmem>>
      %dma_start3A_46 = arith.constant 0 : i32
      %dma_start3A_47 = arith.constant 0 : i32
      %dma_start3A_48 = tpu.memref_slice %arg8[%dma_start3A_46, %dma_start3A_47] : memref<10032x128xf32, #tpu.memory_space<vmem_shared>> -> memref<10032x128xf32, #tpu.memory_space<vmem_shared>>
      tpu.enqueue_indirect_dma source(%arg7 : memref<128x128xf32, #tpu.memory_space<vmem>>) target(%dma_start3A_48 : memref<10032x128xf32, #tpu.memory_space<vmem_shared>>) offsets(%dma_start3A_45 : memref<128xi32, #tpu.memory_space<vmem>>) semaphore(%arg9 : memref<!tpu.dma_semaphore, #tpu.memory_space<semaphore_mem>>) {add = true}
      %dma_start3A_49 = arith.constant 0 : i32
      %dma_start3A_50 = tpu.memref_slice %arg6[%add3A_33, %dma_start3A_49] : memref<80x128xi32, #tpu.memory_space<vmem>> -> memref<1x128xi32, #tpu.memory_space<vmem>>
      %dma_start3A_51 = tpu.memref_squeeze %dma_start3A_50 : memref<1x128xi32, #tpu.memory_space<vmem>> -> memref<128xi32, #tpu.memory_space<vmem>>
      %dma_start3A_52 = arith.constant 0 : i32
      %dma_start3A_53 = arith.constant 0 : i32
      %dma_start3A_54 = tpu.memref_slice %arg8[%dma_start3A_52, %dma_start3A_53] : memref<10032x128xf32, #tpu.memory_space<vmem_shared>> -> memref<10032x128xf32, #tpu.memory_space<vmem_shared>>
      tpu.enqueue_indirect_dma source(%arg7 : memref<128x128xf32, #tpu.memory_space<vmem>>) target(%dma_start3A_54 : memref<10032x128xf32, #tpu.memory_space<vmem_shared>>) offsets(%dma_start3A_51 : memref<128xi32, #tpu.memory_space<vmem>>) semaphore(%arg9 : memref<!tpu.dma_semaphore, #tpu.memory_space<semaphore_mem>>) {add = true}
      %dma_start3A_55 = arith.constant 0 : i32
      %dma_start3A_56 = tpu.memref_slice %arg6[%add3A_37, %dma_start3A_55] : memref<80x128xi32, #tpu.memory_space<vmem>> -> memref<1x128xi32, #tpu.memory_space<vmem>>
      %dma_start3A_57 = tpu.memref_squeeze %dma_start3A_56 : memref<1x128xi32, #tpu.memory_space<vmem>> -> memref<128xi32, #tpu.memory_space<vmem>>
      %dma_start3A_58 = arith.constant 0 : i32
      %dma_start3A_59 = arith.constant 0 : i32
      %dma_start3A_60 = tpu.memref_slice %arg8[%dma_start3A_58, %dma_start3A_59] : memref<10032x128xf32, #tpu.memory_space<vmem_shared>> -> memref<10032x128xf32, #tpu.memory_space<vmem_shared>>
      tpu.enqueue_indirect_dma source(%arg7 : memref<128x128xf32, #tpu.memory_space<vmem>>) target(%dma_start3A_60 : memref<10032x128xf32, #tpu.memory_space<vmem_shared>>) offsets(%dma_start3A_57 : memref<128xi32, #tpu.memory_space<vmem>>) semaphore(%arg9 : memref<!tpu.dma_semaphore, #tpu.memory_space<semaphore_mem>>) {add = true}
      %dma_wait3A = arith.constant 0 : i32
      %dma_wait3A_61 = tpu.memref_slice %arg6[%add3A_25, %dma_wait3A] : memref<80x128xi32, #tpu.memory_space<vmem>> -> memref<1x128xi32, #tpu.memory_space<vmem>>
      %dma_wait3A_62 = tpu.memref_squeeze %dma_wait3A_61 : memref<1x128xi32, #tpu.memory_space<vmem>> -> memref<128xi32, #tpu.memory_space<vmem>>
      %dma_wait3A_63 = arith.constant 0 : i32
      %dma_wait3A_64 = arith.constant 0 : i32
      %dma_wait3A_65 = tpu.memref_slice %arg8[%dma_wait3A_63, %dma_wait3A_64] : memref<10032x128xf32, #tpu.memory_space<vmem_shared>> -> memref<10032x128xf32, #tpu.memory_space<vmem_shared>>
      tpu.wait_indirect_dma semaphore(%arg9 : memref<!tpu.dma_semaphore, #tpu.memory_space<semaphore_mem>>) src(%arg7 : memref<128x128xf32, #tpu.memory_space<vmem>>) dst(%dma_wait3A_65 : memref<10032x128xf32, #tpu.memory_space<vmem_shared>>)
      %dma_wait3A_66 = arith.constant 0 : i32
      %dma_wait3A_67 = tpu.memref_slice %arg6[%add3A_29, %dma_wait3A_66] : memref<80x128xi32, #tpu.memory_space<vmem>> -> memref<1x128xi32, #tpu.memory_space<vmem>>
      %dma_wait3A_68 = tpu.memref_squeeze %dma_wait3A_67 : memref<1x128xi32, #tpu.memory_space<vmem>> -> memref<128xi32, #tpu.memory_space<vmem>>
      %dma_wait3A_69 = arith.constant 0 : i32
      %dma_wait3A_70 = arith.constant 0 : i32
      %dma_wait3A_71 = tpu.memref_slice %arg8[%dma_wait3A_69, %dma_wait3A_70] : memref<10032x128xf32, #tpu.memory_space<vmem_shared>> -> memref<10032x128xf32, #tpu.memory_space<vmem_shared>>
      tpu.wait_indirect_dma semaphore(%arg9 : memref<!tpu.dma_semaphore, #tpu.memory_space<semaphore_mem>>) src(%arg7 : memref<128x128xf32, #tpu.memory_space<vmem>>) dst(%dma_wait3A_71 : memref<10032x128xf32, #tpu.memory_space<vmem_shared>>)
      %dma_wait3A_72 = arith.constant 0 : i32
      %dma_wait3A_73 = tpu.memref_slice %arg6[%add3A_33, %dma_wait3A_72] : memref<80x128xi32, #tpu.memory_space<vmem>> -> memref<1x128xi32, #tpu.memory_space<vmem>>
      %dma_wait3A_74 = tpu.memref_squeeze %dma_wait3A_73 : memref<1x128xi32, #tpu.memory_space<vmem>> -> memref<128xi32, #tpu.memory_space<vmem>>
      %dma_wait3A_75 = arith.constant 0 : i32
      %dma_wait3A_76 = arith.constant 0 : i32
      %dma_wait3A_77 = tpu.memref_slice %arg8[%dma_wait3A_75, %dma_wait3A_76] : memref<10032x128xf32, #tpu.memory_space<vmem_shared>> -> memref<10032x128xf32, #tpu.memory_space<vmem_shared>>
      tpu.wait_indirect_dma semaphore(%arg9 : memref<!tpu.dma_semaphore, #tpu.memory_space<semaphore_mem>>) src(%arg7 : memref<128x128xf32, #tpu.memory_space<vmem>>) dst(%dma_wait3A_77 : memref<10032x128xf32, #tpu.memory_space<vmem_shared>>)
      %dma_wait3A_78 = arith.constant 0 : i32
      %dma_wait3A_79 = tpu.memref_slice %arg6[%add3A_37, %dma_wait3A_78] : memref<80x128xi32, #tpu.memory_space<vmem>> -> memref<1x128xi32, #tpu.memory_space<vmem>>
      %dma_wait3A_80 = tpu.memref_squeeze %dma_wait3A_79 : memref<1x128xi32, #tpu.memory_space<vmem>> -> memref<128xi32, #tpu.memory_space<vmem>>
      %dma_wait3A_81 = arith.constant 0 : i32
      %dma_wait3A_82 = arith.constant 0 : i32
      %dma_wait3A_83 = tpu.memref_slice %arg8[%dma_wait3A_81, %dma_wait3A_82] : memref<10032x128xf32, #tpu.memory_space<vmem_shared>> -> memref<10032x128xf32, #tpu.memory_space<vmem_shared>>
      tpu.wait_indirect_dma semaphore(%arg9 : memref<!tpu.dma_semaphore, #tpu.memory_space<semaphore_mem>>) src(%arg7 : memref<128x128xf32, #tpu.memory_space<vmem>>) dst(%dma_wait3A_83 : memref<10032x128xf32, #tpu.memory_space<vmem_shared>>)
    }
    %scan3A_8 = arith.constant 20 : i32
    %barrier3A_9 = arith.constant 0 : index
    tpu.barrier barrier_id(%barrier3A_9)
    %mul3A_10 = arith.constant 624 : i32
    %mul3A_11 = arith.muli %arg1, %mul3A_10 : i32
    "tpu.region"() ({
      %run_scoped3A = tpu.sem_alloc : memref<!tpu.dma_semaphore, #tpu.memory_space<semaphore_mem>>
      %dma_start3A = arith.constant 0 : i32
      %dma_start3A_17 = arith.constant 0 : i32
      %dma_start3A_18 = tpu.memref_slice %arg5[%arg0, %dma_start3A, %dma_start3A_17] : memref<2x10000x128xf32, #tpu.memory_space<hbm>> -> memref<1x10000x128xf32, #tpu.memory_space<hbm>>
      %dma_start3A_19 = tpu.memref_squeeze %dma_start3A_18 : memref<1x10000x128xf32, #tpu.memory_space<hbm>> -> memref<10000x128xf32, #tpu.memory_space<hbm>>
      %dma_start3A_20 = arith.constant 0 : i32
      %dma_start3A_21 = tpu.memref_slice %dma_start3A_19[%mul3A_11, %dma_start3A_20] : memref<10000x128xf32, #tpu.memory_space<hbm>> -> memref<624x128xf32, #tpu.memory_space<hbm>>
      %dma_start3A_22 = arith.constant 0 : i32
      %dma_start3A_23 = tpu.memref_slice %arg8[%mul3A_11, %dma_start3A_22] : memref<10032x128xf32, #tpu.memory_space<vmem_shared>> -> memref<624x128xf32, #tpu.memory_space<vmem_shared>>
      tpu.enqueue_dma source(%dma_start3A_23 : memref<624x128xf32, #tpu.memory_space<vmem_shared>>) target(%dma_start3A_21 : memref<624x128xf32, #tpu.memory_space<hbm>>) target_semaphore(%run_scoped3A : memref<!tpu.dma_semaphore, #tpu.memory_space<semaphore_mem>>)
      %dma_wait3A = arith.constant 0 : i32
      %dma_wait3A_24 = arith.constant 0 : i32
      %dma_wait3A_25 = tpu.memref_slice %arg5[%arg0, %dma_wait3A, %dma_wait3A_24] : memref<2x10000x128xf32, #tpu.memory_space<hbm>> -> memref<1x10000x128xf32, #tpu.memory_space<hbm>>
      %dma_wait3A_26 = tpu.memref_squeeze %dma_wait3A_25 : memref<1x10000x128xf32, #tpu.memory_space<hbm>> -> memref<10000x128xf32, #tpu.memory_space<hbm>>
      %dma_wait3A_27 = arith.constant 0 : i32
      %dma_wait3A_28 = tpu.memref_slice %dma_wait3A_26[%mul3A_11, %dma_wait3A_27] : memref<10000x128xf32, #tpu.memory_space<hbm>> -> memref<624x128xf32, #tpu.memory_space<hbm>>
      %dma_wait3A_29 = arith.constant 0 : i32
      %dma_wait3A_30 = tpu.memref_slice %arg8[%mul3A_11, %dma_wait3A_29] : memref<10032x128xf32, #tpu.memory_space<vmem_shared>> -> memref<624x128xf32, #tpu.memory_space<vmem_shared>>
      tpu.wait_dma2 semaphore(%run_scoped3A : memref<!tpu.dma_semaphore, #tpu.memory_space<semaphore_mem>>) src(%dma_wait3A_30 : memref<624x128xf32, #tpu.memory_space<vmem_shared>>) dst(%dma_wait3A_28 : memref<624x128xf32, #tpu.memory_space<hbm>>)
      tpu.yield
    }) : () -> ()
    %eq3A_12 = arith.constant 0 : i32
    %eq3A_13 = arith.cmpi eq, %arg1, %eq3A_12 : i32
    %convert_element_type3A_14 = arith.extui %eq3A_13 : i1 to i32
    %cond3A_15 = arith.constant 0 : i32
    %cond3A_16 = arith.cmpi ne, %convert_element_type3A_14, %cond3A_15 : i32
    scf.if %cond3A_16 {
      "tpu.region"() ({
        %run_scoped3A = tpu.sem_alloc : memref<!tpu.dma_semaphore, #tpu.memory_space<semaphore_mem>>
        %dma_start3A = arith.constant 0 : i32
        %dma_start3A_17 = arith.constant 0 : i32
        %dma_start3A_18 = tpu.memref_slice %arg5[%arg0, %dma_start3A, %dma_start3A_17] : memref<2x10000x128xf32, #tpu.memory_space<hbm>> -> memref<1x10000x128xf32, #tpu.memory_space<hbm>>
        %dma_start3A_19 = tpu.memref_squeeze %dma_start3A_18 : memref<1x10000x128xf32, #tpu.memory_space<hbm>> -> memref<10000x128xf32, #tpu.memory_space<hbm>>
        %dma_start3A_20 = arith.constant 9984 : i32
        %dma_start3A_21 = arith.constant 0 : i32
        %dma_start3A_22 = tpu.memref_slice %dma_start3A_19[%dma_start3A_20, %dma_start3A_21] : memref<10000x128xf32, #tpu.memory_space<hbm>> -> memref<16x128xf32, #tpu.memory_space<hbm>>
        %dma_start3A_23 = arith.constant 9984 : i32
        %dma_start3A_24 = arith.constant 0 : i32
        %dma_start3A_25 = tpu.memref_slice %arg8[%dma_start3A_23, %dma_start3A_24] : memref<10032x128xf32, #tpu.memory_space<vmem_shared>> -> memref<16x128xf32, #tpu.memory_space<vmem_shared>>
        tpu.enqueue_dma source(%dma_start3A_25 : memref<16x128xf32, #tpu.memory_space<vmem_shared>>) target(%dma_start3A_22 : memref<16x128xf32, #tpu.memory_space<hbm>>) target_semaphore(%run_scoped3A : memref<!tpu.dma_semaphore, #tpu.memory_space<semaphore_mem>>)
        %dma_wait3A = arith.constant 0 : i32
        %dma_wait3A_26 = arith.constant 0 : i32
        %dma_wait3A_27 = tpu.memref_slice %arg5[%arg0, %dma_wait3A, %dma_wait3A_26] : memref<2x10000x128xf32, #tpu.memory_space<hbm>> -> memref<1x10000x128xf32, #tpu.memory_space<hbm>>
        %dma_wait3A_28 = tpu.memref_squeeze %dma_wait3A_27 : memref<1x10000x128xf32, #tpu.memory_space<hbm>> -> memref<10000x128xf32, #tpu.memory_space<hbm>>
        %dma_wait3A_29 = arith.constant 9984 : i32
        %dma_wait3A_30 = arith.constant 0 : i32
        %dma_wait3A_31 = tpu.memref_slice %dma_wait3A_28[%dma_wait3A_29, %dma_wait3A_30] : memref<10000x128xf32, #tpu.memory_space<hbm>> -> memref<16x128xf32, #tpu.memory_space<hbm>>
        %dma_wait3A_32 = arith.constant 9984 : i32
        %dma_wait3A_33 = arith.constant 0 : i32
        %dma_wait3A_34 = tpu.memref_slice %arg8[%dma_wait3A_32, %dma_wait3A_33] : memref<10032x128xf32, #tpu.memory_space<vmem_shared>> -> memref<16x128xf32, #tpu.memory_space<vmem_shared>>
        tpu.wait_dma2 semaphore(%run_scoped3A : memref<!tpu.dma_semaphore, #tpu.memory_space<semaphore_mem>>) src(%dma_wait3A_34 : memref<16x128xf32, #tpu.memory_space<vmem_shared>>) dst(%dma_wait3A_31 : memref<16x128xf32, #tpu.memory_space<hbm>>)
        tpu.yield
      }) : () -> ()
    } else {
    }
    return
  }
}

#map = affine_map<(d0, d1) -> (0, 0)>
#map1 = affine_map<(d0, d1) -> (0)>
#map2 = affine_map<(d0, d1) -> (0, 0, 0)>
module attributes {stable_mosaic.version = 14 : i64} {
  func.func @_sc_agg_body(%arg0: i32, %arg1: i32, %arg2: memref<10000x128xf32, #tpu.memory_space<hbm>>, %arg3: memref<327680xi32, #tpu.memory_space<hbm>>, %arg4: memref<327680xi32, #tpu.memory_space<hbm>>, %arg5: memref<10032x128xf32, #tpu.memory_space<hbm>>, %arg6: memref<2x10000x128xf32, #tpu.memory_space<hbm>>, %arg7: memref<128xi32, #tpu.memory_space<vmem>>, %arg8: memref<128xi32, #tpu.memory_space<vmem>>, %arg9: memref<128xi32, #tpu.memory_space<vmem>>, %arg10: memref<128xi32, #tpu.memory_space<vmem>>, %arg11: memref<128xi32, #tpu.memory_space<vmem>>, %arg12: memref<128xi32, #tpu.memory_space<vmem>>, %arg13: memref<128x128xf32, #tpu.memory_space<vmem>>, %arg14: memref<128x128xf32, #tpu.memory_space<vmem>>, %arg15: memref<128x128xf32, #tpu.memory_space<vmem>>, %arg16: memref<!tpu.dma_semaphore, #tpu.memory_space<semaphore_mem>>, %arg17: memref<!tpu.dma_semaphore, #tpu.memory_space<semaphore_mem>>, %arg18: memref<!tpu.dma_semaphore, #tpu.memory_space<semaphore_mem>>, %arg19: memref<!tpu.dma_semaphore, #tpu.memory_space<semaphore_mem>>, %arg20: memref<!tpu.dma_semaphore, #tpu.memory_space<semaphore_mem>>, %arg21: memref<!tpu.dma_semaphore, #tpu.memory_space<semaphore_mem>>, %arg22: memref<!tpu.dma_semaphore, #tpu.memory_space<semaphore_mem>>, %arg23: memref<!tpu.dma_semaphore, #tpu.memory_space<semaphore_mem>>, %arg24: memref<!tpu.dma_semaphore, #tpu.memory_space<semaphore_mem>>, %arg25: memref<!tpu.dma_semaphore, #tpu.memory_space<semaphore_mem>>, %arg26: memref<!tpu.dma_semaphore, #tpu.memory_space<semaphore_mem>>, %arg27: memref<!tpu.dma_semaphore, #tpu.memory_space<semaphore_mem>>, %arg28: memref<10032x128xf32, #tpu.memory_space<vmem_shared>>) attributes {dimension_semantics = [#tpu.dimension_semantics<core_parallel>, #tpu.dimension_semantics<subcore_parallel>], iteration_bounds = array<i64: 2, 16>, scalar_prefetch = 0 : i64, scratch_operands = 22 : i64, tpu.core_type = #tpu.core_type<sc_vector_subcore>, window_params = [{transform_indices = #map}, {transform_indices = #map1}, {transform_indices = #map1}, {transform_indices = #map}, {transform_indices = #map2}]} {
    %mul3A = arith.constant 16 : i32
    %mul3A_0 = arith.muli %arg0, %mul3A : i32
    %add3A = arith.addi %mul3A_0, %arg1 : i32
    %mul3A_1 = arith.constant 10240 : i32
    %mul3A_2 = arith.muli %add3A, %mul3A_1 : i32
    %mul3A_3 = arith.constant 624 : i32
    %mul3A_4 = arith.muli %arg1, %mul3A_3 : i32
    "tpu.region"() ({
      %run_scoped3A = tpu.sem_alloc : memref<!tpu.dma_semaphore, #tpu.memory_space<semaphore_mem>>
      %dma_start3A_91 = arith.constant 0 : i32
      %dma_start3A_92 = tpu.memref_slice %arg28[%mul3A_4, %dma_start3A_91] : memref<10032x128xf32, #tpu.memory_space<vmem_shared>> -> memref<624x128xf32, #tpu.memory_space<vmem_shared>>
      %dma_start3A_93 = arith.constant 0 : i32
      %dma_start3A_94 = tpu.memref_slice %arg5[%mul3A_4, %dma_start3A_93] : memref<10032x128xf32, #tpu.memory_space<hbm>> -> memref<624x128xf32, #tpu.memory_space<hbm>>
      tpu.enqueue_dma source(%dma_start3A_94 : memref<624x128xf32, #tpu.memory_space<hbm>>) target(%dma_start3A_92 : memref<624x128xf32, #tpu.memory_space<vmem_shared>>) target_semaphore(%run_scoped3A : memref<!tpu.dma_semaphore, #tpu.memory_space<semaphore_mem>>)
      %dma_wait3A_95 = arith.constant 0 : i32
      %dma_wait3A_96 = tpu.memref_slice %arg28[%mul3A_4, %dma_wait3A_95] : memref<10032x128xf32, #tpu.memory_space<vmem_shared>> -> memref<624x128xf32, #tpu.memory_space<vmem_shared>>
      %dma_wait3A_97 = arith.constant 0 : i32
      %dma_wait3A_98 = tpu.memref_slice %arg5[%mul3A_4, %dma_wait3A_97] : memref<10032x128xf32, #tpu.memory_space<hbm>> -> memref<624x128xf32, #tpu.memory_space<hbm>>
      tpu.wait_dma2 semaphore(%run_scoped3A : memref<!tpu.dma_semaphore, #tpu.memory_space<semaphore_mem>>) src(%dma_wait3A_98 : memref<624x128xf32, #tpu.memory_space<hbm>>) dst(%dma_wait3A_96 : memref<624x128xf32, #tpu.memory_space<vmem_shared>>)
      tpu.yield
    }) : () -> ()
    %eq3A = arith.constant 0 : i32
    %eq3A_5 = arith.cmpi eq, %arg1, %eq3A : i32
    %convert_element_type3A = arith.extui %eq3A_5 : i1 to i32
    %cond3A = arith.constant 0 : i32
    %cond3A_6 = arith.cmpi ne, %convert_element_type3A, %cond3A : i32
    scf.if %cond3A_6 {
      "tpu.region"() ({
        %run_scoped3A = tpu.sem_alloc : memref<!tpu.dma_semaphore, #tpu.memory_space<semaphore_mem>>
        %dma_start3A_91 = arith.constant 9984 : i32
        %dma_start3A_92 = arith.constant 0 : i32
        %dma_start3A_93 = tpu.memref_slice %arg28[%dma_start3A_91, %dma_start3A_92] : memref<10032x128xf32, #tpu.memory_space<vmem_shared>> -> memref<48x128xf32, #tpu.memory_space<vmem_shared>>
        %dma_start3A_94 = arith.constant 9984 : i32
        %dma_start3A_95 = arith.constant 0 : i32
        %dma_start3A_96 = tpu.memref_slice %arg5[%dma_start3A_94, %dma_start3A_95] : memref<10032x128xf32, #tpu.memory_space<hbm>> -> memref<48x128xf32, #tpu.memory_space<hbm>>
        tpu.enqueue_dma source(%dma_start3A_96 : memref<48x128xf32, #tpu.memory_space<hbm>>) target(%dma_start3A_93 : memref<48x128xf32, #tpu.memory_space<vmem_shared>>) target_semaphore(%run_scoped3A : memref<!tpu.dma_semaphore, #tpu.memory_space<semaphore_mem>>)
        %dma_wait3A_97 = arith.constant 9984 : i32
        %dma_wait3A_98 = arith.constant 0 : i32
        %dma_wait3A_99 = tpu.memref_slice %arg28[%dma_wait3A_97, %dma_wait3A_98] : memref<10032x128xf32, #tpu.memory_space<vmem_shared>> -> memref<48x128xf32, #tpu.memory_space<vmem_shared>>
        %dma_wait3A_100 = arith.constant 9984 : i32
        %dma_wait3A_101 = arith.constant 0 : i32
        %dma_wait3A_102 = tpu.memref_slice %arg5[%dma_wait3A_100, %dma_wait3A_101] : memref<10032x128xf32, #tpu.memory_space<hbm>> -> memref<48x128xf32, #tpu.memory_space<hbm>>
        tpu.wait_dma2 semaphore(%run_scoped3A : memref<!tpu.dma_semaphore, #tpu.memory_space<semaphore_mem>>) src(%dma_wait3A_102 : memref<48x128xf32, #tpu.memory_space<hbm>>) dst(%dma_wait3A_99 : memref<48x128xf32, #tpu.memory_space<vmem_shared>>)
        tpu.yield
      }) : () -> ()
    } else {
    }
    %add3A_7 = arith.constant 0 : i32
    %add3A_8 = arith.addi %mul3A_2, %add3A_7 : i32
    %dma_start3A = tpu.memref_slice %arg3[%add3A_8] : memref<327680xi32, #tpu.memory_space<hbm>> -> memref<128xi32, #tpu.memory_space<hbm>>
    %dma_start3A_9 = tpu.memref_slice %arg3[%add3A_8] : memref<327680xi32, #tpu.memory_space<hbm>> -> memref<128xi32, #tpu.memory_space<hbm>>
    tpu.enqueue_dma source(%dma_start3A_9 : memref<128xi32, #tpu.memory_space<hbm>>) target(%arg7 : memref<128xi32, #tpu.memory_space<vmem>>) target_semaphore(%arg16 : memref<!tpu.dma_semaphore, #tpu.memory_space<semaphore_mem>>)
    %add3A_10 = arith.constant 0 : i32
    %add3A_11 = arith.addi %mul3A_2, %add3A_10 : i32
    %dma_start3A_12 = tpu.memref_slice %arg4[%add3A_11] : memref<327680xi32, #tpu.memory_space<hbm>> -> memref<128xi32, #tpu.memory_space<hbm>>
    %dma_start3A_13 = tpu.memref_slice %arg4[%add3A_11] : memref<327680xi32, #tpu.memory_space<hbm>> -> memref<128xi32, #tpu.memory_space<hbm>>
    tpu.enqueue_dma source(%dma_start3A_13 : memref<128xi32, #tpu.memory_space<hbm>>) target(%arg10 : memref<128xi32, #tpu.memory_space<vmem>>) target_semaphore(%arg19 : memref<!tpu.dma_semaphore, #tpu.memory_space<semaphore_mem>>)
    %add3A_14 = arith.constant 128 : i32
    %add3A_15 = arith.addi %mul3A_2, %add3A_14 : i32
    %dma_start3A_16 = tpu.memref_slice %arg3[%add3A_15] : memref<327680xi32, #tpu.memory_space<hbm>> -> memref<128xi32, #tpu.memory_space<hbm>>
    %dma_start3A_17 = tpu.memref_slice %arg3[%add3A_15] : memref<327680xi32, #tpu.memory_space<hbm>> -> memref<128xi32, #tpu.memory_space<hbm>>
    tpu.enqueue_dma source(%dma_start3A_17 : memref<128xi32, #tpu.memory_space<hbm>>) target(%arg8 : memref<128xi32, #tpu.memory_space<vmem>>) target_semaphore(%arg17 : memref<!tpu.dma_semaphore, #tpu.memory_space<semaphore_mem>>)
    %add3A_18 = arith.constant 128 : i32
    %add3A_19 = arith.addi %mul3A_2, %add3A_18 : i32
    %dma_start3A_20 = tpu.memref_slice %arg4[%add3A_19] : memref<327680xi32, #tpu.memory_space<hbm>> -> memref<128xi32, #tpu.memory_space<hbm>>
    %dma_start3A_21 = tpu.memref_slice %arg4[%add3A_19] : memref<327680xi32, #tpu.memory_space<hbm>> -> memref<128xi32, #tpu.memory_space<hbm>>
    tpu.enqueue_dma source(%dma_start3A_21 : memref<128xi32, #tpu.memory_space<hbm>>) target(%arg11 : memref<128xi32, #tpu.memory_space<vmem>>) target_semaphore(%arg20 : memref<!tpu.dma_semaphore, #tpu.memory_space<semaphore_mem>>)
    %add3A_22 = arith.constant 256 : i32
    %add3A_23 = arith.addi %mul3A_2, %add3A_22 : i32
    %dma_start3A_24 = tpu.memref_slice %arg3[%add3A_23] : memref<327680xi32, #tpu.memory_space<hbm>> -> memref<128xi32, #tpu.memory_space<hbm>>
    %dma_start3A_25 = tpu.memref_slice %arg3[%add3A_23] : memref<327680xi32, #tpu.memory_space<hbm>> -> memref<128xi32, #tpu.memory_space<hbm>>
    tpu.enqueue_dma source(%dma_start3A_25 : memref<128xi32, #tpu.memory_space<hbm>>) target(%arg9 : memref<128xi32, #tpu.memory_space<vmem>>) target_semaphore(%arg18 : memref<!tpu.dma_semaphore, #tpu.memory_space<semaphore_mem>>)
    %add3A_26 = arith.constant 256 : i32
    %add3A_27 = arith.addi %mul3A_2, %add3A_26 : i32
    %dma_start3A_28 = tpu.memref_slice %arg4[%add3A_27] : memref<327680xi32, #tpu.memory_space<hbm>> -> memref<128xi32, #tpu.memory_space<hbm>>
    %dma_start3A_29 = tpu.memref_slice %arg4[%add3A_27] : memref<327680xi32, #tpu.memory_space<hbm>> -> memref<128xi32, #tpu.memory_space<hbm>>
    tpu.enqueue_dma source(%dma_start3A_29 : memref<128xi32, #tpu.memory_space<hbm>>) target(%arg12 : memref<128xi32, #tpu.memory_space<vmem>>) target_semaphore(%arg21 : memref<!tpu.dma_semaphore, #tpu.memory_space<semaphore_mem>>)
    %barrier3A = arith.constant 0 : index
    tpu.barrier barrier_id(%barrier3A)
    %add3A_30 = arith.constant 0 : i32
    %add3A_31 = arith.addi %mul3A_2, %add3A_30 : i32
    %dma_wait3A = tpu.memref_slice %arg3[%add3A_31] : memref<327680xi32, #tpu.memory_space<hbm>> -> memref<128xi32, #tpu.memory_space<hbm>>
    %dma_wait3A_32 = tpu.memref_slice %arg3[%add3A_31] : memref<327680xi32, #tpu.memory_space<hbm>> -> memref<128xi32, #tpu.memory_space<hbm>>
    tpu.wait_dma2 semaphore(%arg16 : memref<!tpu.dma_semaphore, #tpu.memory_space<semaphore_mem>>) src(%dma_wait3A_32 : memref<128xi32, #tpu.memory_space<hbm>>) dst(%arg7 : memref<128xi32, #tpu.memory_space<vmem>>)
    %dma_start3A_33 = arith.constant 0 : i32
    %dma_start3A_34 = arith.constant 0 : i32
    %dma_start3A_35 = tpu.memref_slice %arg2[%dma_start3A_33, %dma_start3A_34] : memref<10000x128xf32, #tpu.memory_space<hbm>> -> memref<10000x128xf32, #tpu.memory_space<hbm>>
    tpu.enqueue_indirect_dma source(%dma_start3A_35 : memref<10000x128xf32, #tpu.memory_space<hbm>>) target(%arg13 : memref<128x128xf32, #tpu.memory_space<vmem>>) offsets(%arg7 : memref<128xi32, #tpu.memory_space<vmem>>) semaphore(%arg22 : memref<!tpu.dma_semaphore, #tpu.memory_space<semaphore_mem>>)
    %scan3A = arith.constant 0 : i32
    %scan3A_36 = arith.constant 26 : i32
    %scan3A_37 = arith.addi %scan3A, %scan3A_36 : i32
    %scan3A_38 = arith.constant 1 : i32
    scf.for %scan3A_91 = %scan3A to %scan3A_37 step %scan3A_38  : i32 {
      %mul3A_92 = arith.constant 1 : i32
      %mul3A_93 = arith.muli %scan3A_91, %mul3A_92 : i32
      %add3A_94 = arith.constant 0 : i32
      %add3A_95 = arith.addi %add3A_94, %mul3A_93 : i32
      %mul3A_96 = arith.constant 3 : i32
      %mul3A_97 = arith.muli %mul3A_96, %add3A_95 : i32
      %dma_wait3A_98 = arith.constant 0 : i32
      %dma_wait3A_99 = arith.constant 0 : i32
      %dma_wait3A_100 = tpu.memref_slice %arg2[%dma_wait3A_98, %dma_wait3A_99] : memref<10000x128xf32, #tpu.memory_space<hbm>> -> memref<10000x128xf32, #tpu.memory_space<hbm>>
      tpu.wait_indirect_dma semaphore(%arg22 : memref<!tpu.dma_semaphore, #tpu.memory_space<semaphore_mem>>) src(%dma_wait3A_100 : memref<10000x128xf32, #tpu.memory_space<hbm>>) dst(%arg13 : memref<128x128xf32, #tpu.memory_space<vmem>>)
      %ge3A = arith.constant 2 : i32
      %ge3A_101 = arith.cmpi sge, %mul3A_97, %ge3A : i32
      %convert_element_type3A_102 = arith.extui %ge3A_101 : i1 to i32
      %cond3A_103 = arith.constant 0 : i32
      %cond3A_104 = arith.cmpi ne, %convert_element_type3A_102, %cond3A_103 : i32
      scf.if %cond3A_104 {
        %sub3A = arith.constant 2 : i32
        %sub3A_244 = arith.subi %mul3A_97, %sub3A : i32
        %dma_wait3A_245 = arith.constant 0 : i32
        %dma_wait3A_246 = arith.constant 0 : i32
        %dma_wait3A_247 = tpu.memref_slice %arg28[%dma_wait3A_245, %dma_wait3A_246] : memref<10032x128xf32, #tpu.memory_space<vmem_shared>> -> memref<10032x128xf32, #tpu.memory_space<vmem_shared>>
        tpu.wait_indirect_dma semaphore(%arg26 : memref<!tpu.dma_semaphore, #tpu.memory_space<semaphore_mem>>) src(%arg14 : memref<128x128xf32, #tpu.memory_space<vmem>>) dst(%dma_wait3A_247 : memref<10032x128xf32, #tpu.memory_space<vmem_shared>>)
      } else {
      }
      %ge3A_105 = arith.constant 2 : i32
      %ge3A_106 = arith.cmpi sge, %mul3A_97, %ge3A_105 : i32
      %add3A_107 = arith.constant 1 : i32
      %add3A_108 = arith.addi %mul3A_97, %add3A_107 : i32
      %lt3A = arith.constant 80 : i32
      %lt3A_109 = arith.cmpi slt, %add3A_108, %lt3A : i32
      %and3A = arith.andi %ge3A_106, %lt3A_109 : i1
      %convert_element_type3A_110 = arith.extui %and3A : i1 to i32
      %cond3A_111 = arith.constant 0 : i32
      %cond3A_112 = arith.cmpi ne, %convert_element_type3A_110, %cond3A_111 : i32
      scf.if %cond3A_112 {
        %add3A_244 = arith.constant 1 : i32
        %add3A_245 = arith.addi %mul3A_97, %add3A_244 : i32
        %mul3A_246 = arith.constant 128 : i32
        %mul3A_247 = arith.muli %add3A_245, %mul3A_246 : i32
        %add3A_248 = arith.addi %mul3A_2, %mul3A_247 : i32
        %dma_start3A_249 = tpu.memref_slice %arg4[%add3A_248] : memref<327680xi32, #tpu.memory_space<hbm>> -> memref<128xi32, #tpu.memory_space<hbm>>
        %dma_start3A_250 = tpu.memref_slice %arg4[%add3A_248] : memref<327680xi32, #tpu.memory_space<hbm>> -> memref<128xi32, #tpu.memory_space<hbm>>
        tpu.enqueue_dma source(%dma_start3A_250 : memref<128xi32, #tpu.memory_space<hbm>>) target(%arg11 : memref<128xi32, #tpu.memory_space<vmem>>) target_semaphore(%arg20 : memref<!tpu.dma_semaphore, #tpu.memory_space<semaphore_mem>>)
      } else {
      }
      %mul3A_113 = arith.constant 128 : i32
      %mul3A_114 = arith.muli %mul3A_97, %mul3A_113 : i32
      %add3A_115 = arith.addi %mul3A_2, %mul3A_114 : i32
      %dma_wait3A_116 = tpu.memref_slice %arg4[%add3A_115] : memref<327680xi32, #tpu.memory_space<hbm>> -> memref<128xi32, #tpu.memory_space<hbm>>
      %dma_wait3A_117 = tpu.memref_slice %arg4[%add3A_115] : memref<327680xi32, #tpu.memory_space<hbm>> -> memref<128xi32, #tpu.memory_space<hbm>>
      tpu.wait_dma2 semaphore(%arg19 : memref<!tpu.dma_semaphore, #tpu.memory_space<semaphore_mem>>) src(%dma_wait3A_117 : memref<128xi32, #tpu.memory_space<hbm>>) dst(%arg10 : memref<128xi32, #tpu.memory_space<vmem>>)
      %dma_start3A_118 = arith.constant 0 : i32
      %dma_start3A_119 = arith.constant 0 : i32
      %dma_start3A_120 = tpu.memref_slice %arg28[%dma_start3A_118, %dma_start3A_119] : memref<10032x128xf32, #tpu.memory_space<vmem_shared>> -> memref<10032x128xf32, #tpu.memory_space<vmem_shared>>
      tpu.enqueue_indirect_dma source(%arg13 : memref<128x128xf32, #tpu.memory_space<vmem>>) target(%dma_start3A_120 : memref<10032x128xf32, #tpu.memory_space<vmem_shared>>) offsets(%arg10 : memref<128xi32, #tpu.memory_space<vmem>>) semaphore(%arg25 : memref<!tpu.dma_semaphore, #tpu.memory_space<semaphore_mem>>) {add = true}
      %add3A_121 = arith.constant 3 : i32
      %add3A_122 = arith.addi %mul3A_97, %add3A_121 : i32
      %lt3A_123 = arith.constant 80 : i32
      %lt3A_124 = arith.cmpi slt, %add3A_122, %lt3A_123 : i32
      %convert_element_type3A_125 = arith.extui %lt3A_124 : i1 to i32
      %cond3A_126 = arith.constant 0 : i32
      %cond3A_127 = arith.cmpi ne, %convert_element_type3A_125, %cond3A_126 : i32
      scf.if %cond3A_127 {
        %add3A_244 = arith.constant 3 : i32
        %add3A_245 = arith.addi %mul3A_97, %add3A_244 : i32
        %mul3A_246 = arith.constant 128 : i32
        %mul3A_247 = arith.muli %add3A_245, %mul3A_246 : i32
        %add3A_248 = arith.addi %mul3A_2, %mul3A_247 : i32
        %dma_start3A_249 = tpu.memref_slice %arg3[%add3A_248] : memref<327680xi32, #tpu.memory_space<hbm>> -> memref<128xi32, #tpu.memory_space<hbm>>
        %dma_start3A_250 = tpu.memref_slice %arg3[%add3A_248] : memref<327680xi32, #tpu.memory_space<hbm>> -> memref<128xi32, #tpu.memory_space<hbm>>
        tpu.enqueue_dma source(%dma_start3A_250 : memref<128xi32, #tpu.memory_space<hbm>>) target(%arg7 : memref<128xi32, #tpu.memory_space<vmem>>) target_semaphore(%arg16 : memref<!tpu.dma_semaphore, #tpu.memory_space<semaphore_mem>>)
      } else {
      }
      %add3A_128 = arith.constant 1 : i32
      %add3A_129 = arith.addi %mul3A_97, %add3A_128 : i32
      %lt3A_130 = arith.constant 80 : i32
      %lt3A_131 = arith.cmpi slt, %add3A_129, %lt3A_130 : i32
      %convert_element_type3A_132 = arith.extui %lt3A_131 : i1 to i32
      %cond3A_133 = arith.constant 0 : i32
      %cond3A_134 = arith.cmpi ne, %convert_element_type3A_132, %cond3A_133 : i32
      scf.if %cond3A_134 {
        %add3A_244 = arith.constant 1 : i32
        %add3A_245 = arith.addi %mul3A_97, %add3A_244 : i32
        %mul3A_246 = arith.constant 128 : i32
        %mul3A_247 = arith.muli %add3A_245, %mul3A_246 : i32
        %add3A_248 = arith.addi %mul3A_2, %mul3A_247 : i32
        %dma_wait3A_249 = tpu.memref_slice %arg3[%add3A_248] : memref<327680xi32, #tpu.memory_space<hbm>> -> memref<128xi32, #tpu.memory_space<hbm>>
        %dma_wait3A_250 = tpu.memref_slice %arg3[%add3A_248] : memref<327680xi32, #tpu.memory_space<hbm>> -> memref<128xi32, #tpu.memory_space<hbm>>
        tpu.wait_dma2 semaphore(%arg17 : memref<!tpu.dma_semaphore, #tpu.memory_space<semaphore_mem>>) src(%dma_wait3A_250 : memref<128xi32, #tpu.memory_space<hbm>>) dst(%arg8 : memref<128xi32, #tpu.memory_space<vmem>>)
      } else {
      }
      %add3A_135 = arith.constant 1 : i32
      %add3A_136 = arith.addi %mul3A_97, %add3A_135 : i32
      %lt3A_137 = arith.constant 80 : i32
      %lt3A_138 = arith.cmpi slt, %add3A_136, %lt3A_137 : i32
      %convert_element_type3A_139 = arith.extui %lt3A_138 : i1 to i32
      %cond3A_140 = arith.constant 0 : i32
      %cond3A_141 = arith.cmpi ne, %convert_element_type3A_139, %cond3A_140 : i32
      scf.if %cond3A_141 {
        %add3A_244 = arith.constant 1 : i32
        %add3A_245 = arith.addi %mul3A_97, %add3A_244 : i32
        %dma_start3A_246 = arith.constant 0 : i32
        %dma_start3A_247 = arith.constant 0 : i32
        %dma_start3A_248 = tpu.memref_slice %arg2[%dma_start3A_246, %dma_start3A_247] : memref<10000x128xf32, #tpu.memory_space<hbm>> -> memref<10000x128xf32, #tpu.memory_space<hbm>>
        tpu.enqueue_indirect_dma source(%dma_start3A_248 : memref<10000x128xf32, #tpu.memory_space<hbm>>) target(%arg14 : memref<128x128xf32, #tpu.memory_space<vmem>>) offsets(%arg8 : memref<128xi32, #tpu.memory_space<vmem>>) semaphore(%arg23 : memref<!tpu.dma_semaphore, #tpu.memory_space<semaphore_mem>>)
      } else {
      }
      %mul3A_142 = arith.constant 3 : i32
      %mul3A_143 = arith.muli %mul3A_142, %add3A_95 : i32
      %add3A_144 = arith.constant 1 : i32
      %add3A_145 = arith.addi %mul3A_143, %add3A_144 : i32
      %dma_wait3A_146 = arith.constant 0 : i32
      %dma_wait3A_147 = arith.constant 0 : i32
      %dma_wait3A_148 = tpu.memref_slice %arg2[%dma_wait3A_146, %dma_wait3A_147] : memref<10000x128xf32, #tpu.memory_space<hbm>> -> memref<10000x128xf32, #tpu.memory_space<hbm>>
      tpu.wait_indirect_dma semaphore(%arg23 : memref<!tpu.dma_semaphore, #tpu.memory_space<semaphore_mem>>) src(%dma_wait3A_148 : memref<10000x128xf32, #tpu.memory_space<hbm>>) dst(%arg14 : memref<128x128xf32, #tpu.memory_space<vmem>>)
      %ge3A_149 = arith.constant 2 : i32
      %ge3A_150 = arith.cmpi sge, %add3A_145, %ge3A_149 : i32
      %convert_element_type3A_151 = arith.extui %ge3A_150 : i1 to i32
      %cond3A_152 = arith.constant 0 : i32
      %cond3A_153 = arith.cmpi ne, %convert_element_type3A_151, %cond3A_152 : i32
      scf.if %cond3A_153 {
        %sub3A = arith.constant 2 : i32
        %sub3A_244 = arith.subi %add3A_145, %sub3A : i32
        %dma_wait3A_245 = arith.constant 0 : i32
        %dma_wait3A_246 = arith.constant 0 : i32
        %dma_wait3A_247 = tpu.memref_slice %arg28[%dma_wait3A_245, %dma_wait3A_246] : memref<10032x128xf32, #tpu.memory_space<vmem_shared>> -> memref<10032x128xf32, #tpu.memory_space<vmem_shared>>
        tpu.wait_indirect_dma semaphore(%arg27 : memref<!tpu.dma_semaphore, #tpu.memory_space<semaphore_mem>>) src(%arg15 : memref<128x128xf32, #tpu.memory_space<vmem>>) dst(%dma_wait3A_247 : memref<10032x128xf32, #tpu.memory_space<vmem_shared>>)
      } else {
      }
      %ge3A_154 = arith.constant 2 : i32
      %ge3A_155 = arith.cmpi sge, %add3A_145, %ge3A_154 : i32
      %add3A_156 = arith.constant 1 : i32
      %add3A_157 = arith.addi %add3A_145, %add3A_156 : i32
      %lt3A_158 = arith.constant 80 : i32
      %lt3A_159 = arith.cmpi slt, %add3A_157, %lt3A_158 : i32
      %and3A_160 = arith.andi %ge3A_155, %lt3A_159 : i1
      %convert_element_type3A_161 = arith.extui %and3A_160 : i1 to i32
      %cond3A_162 = arith.constant 0 : i32
      %cond3A_163 = arith.cmpi ne, %convert_element_type3A_161, %cond3A_162 : i32
      scf.if %cond3A_163 {
        %add3A_244 = arith.constant 1 : i32
        %add3A_245 = arith.addi %add3A_145, %add3A_244 : i32
        %mul3A_246 = arith.constant 128 : i32
        %mul3A_247 = arith.muli %add3A_245, %mul3A_246 : i32
        %add3A_248 = arith.addi %mul3A_2, %mul3A_247 : i32
        %dma_start3A_249 = tpu.memref_slice %arg4[%add3A_248] : memref<327680xi32, #tpu.memory_space<hbm>> -> memref<128xi32, #tpu.memory_space<hbm>>
        %dma_start3A_250 = tpu.memref_slice %arg4[%add3A_248] : memref<327680xi32, #tpu.memory_space<hbm>> -> memref<128xi32, #tpu.memory_space<hbm>>
        tpu.enqueue_dma source(%dma_start3A_250 : memref<128xi32, #tpu.memory_space<hbm>>) target(%arg12 : memref<128xi32, #tpu.memory_space<vmem>>) target_semaphore(%arg21 : memref<!tpu.dma_semaphore, #tpu.memory_space<semaphore_mem>>)
      } else {
      }
      %mul3A_164 = arith.constant 128 : i32
      %mul3A_165 = arith.muli %add3A_145, %mul3A_164 : i32
      %add3A_166 = arith.addi %mul3A_2, %mul3A_165 : i32
      %dma_wait3A_167 = tpu.memref_slice %arg4[%add3A_166] : memref<327680xi32, #tpu.memory_space<hbm>> -> memref<128xi32, #tpu.memory_space<hbm>>
      %dma_wait3A_168 = tpu.memref_slice %arg4[%add3A_166] : memref<327680xi32, #tpu.memory_space<hbm>> -> memref<128xi32, #tpu.memory_space<hbm>>
      tpu.wait_dma2 semaphore(%arg20 : memref<!tpu.dma_semaphore, #tpu.memory_space<semaphore_mem>>) src(%dma_wait3A_168 : memref<128xi32, #tpu.memory_space<hbm>>) dst(%arg11 : memref<128xi32, #tpu.memory_space<vmem>>)
      %dma_start3A_169 = arith.constant 0 : i32
      %dma_start3A_170 = arith.constant 0 : i32
      %dma_start3A_171 = tpu.memref_slice %arg28[%dma_start3A_169, %dma_start3A_170] : memref<10032x128xf32, #tpu.memory_space<vmem_shared>> -> memref<10032x128xf32, #tpu.memory_space<vmem_shared>>
      tpu.enqueue_indirect_dma source(%arg14 : memref<128x128xf32, #tpu.memory_space<vmem>>) target(%dma_start3A_171 : memref<10032x128xf32, #tpu.memory_space<vmem_shared>>) offsets(%arg11 : memref<128xi32, #tpu.memory_space<vmem>>) semaphore(%arg26 : memref<!tpu.dma_semaphore, #tpu.memory_space<semaphore_mem>>) {add = true}
      %add3A_172 = arith.constant 3 : i32
      %add3A_173 = arith.addi %add3A_145, %add3A_172 : i32
      %lt3A_174 = arith.constant 80 : i32
      %lt3A_175 = arith.cmpi slt, %add3A_173, %lt3A_174 : i32
      %convert_element_type3A_176 = arith.extui %lt3A_175 : i1 to i32
      %cond3A_177 = arith.constant 0 : i32
      %cond3A_178 = arith.cmpi ne, %convert_element_type3A_176, %cond3A_177 : i32
      scf.if %cond3A_178 {
        %add3A_244 = arith.constant 3 : i32
        %add3A_245 = arith.addi %add3A_145, %add3A_244 : i32
        %mul3A_246 = arith.constant 128 : i32
        %mul3A_247 = arith.muli %add3A_245, %mul3A_246 : i32
        %add3A_248 = arith.addi %mul3A_2, %mul3A_247 : i32
        %dma_start3A_249 = tpu.memref_slice %arg3[%add3A_248] : memref<327680xi32, #tpu.memory_space<hbm>> -> memref<128xi32, #tpu.memory_space<hbm>>
        %dma_start3A_250 = tpu.memref_slice %arg3[%add3A_248] : memref<327680xi32, #tpu.memory_space<hbm>> -> memref<128xi32, #tpu.memory_space<hbm>>
        tpu.enqueue_dma source(%dma_start3A_250 : memref<128xi32, #tpu.memory_space<hbm>>) target(%arg8 : memref<128xi32, #tpu.memory_space<vmem>>) target_semaphore(%arg17 : memref<!tpu.dma_semaphore, #tpu.memory_space<semaphore_mem>>)
      } else {
      }
      %add3A_179 = arith.constant 1 : i32
      %add3A_180 = arith.addi %add3A_145, %add3A_179 : i32
      %lt3A_181 = arith.constant 80 : i32
      %lt3A_182 = arith.cmpi slt, %add3A_180, %lt3A_181 : i32
      %convert_element_type3A_183 = arith.extui %lt3A_182 : i1 to i32
      %cond3A_184 = arith.constant 0 : i32
      %cond3A_185 = arith.cmpi ne, %convert_element_type3A_183, %cond3A_184 : i32
      scf.if %cond3A_185 {
        %add3A_244 = arith.constant 1 : i32
        %add3A_245 = arith.addi %add3A_145, %add3A_244 : i32
        %mul3A_246 = arith.constant 128 : i32
        %mul3A_247 = arith.muli %add3A_245, %mul3A_246 : i32
        %add3A_248 = arith.addi %mul3A_2, %mul3A_247 : i32
        %dma_wait3A_249 = tpu.memref_slice %arg3[%add3A_248] : memref<327680xi32, #tpu.memory_space<hbm>> -> memref<128xi32, #tpu.memory_space<hbm>>
        %dma_wait3A_250 = tpu.memref_slice %arg3[%add3A_248] : memref<327680xi32, #tpu.memory_space<hbm>> -> memref<128xi32, #tpu.memory_space<hbm>>
        tpu.wait_dma2 semaphore(%arg18 : memref<!tpu.dma_semaphore, #tpu.memory_space<semaphore_mem>>) src(%dma_wait3A_250 : memref<128xi32, #tpu.memory_space<hbm>>) dst(%arg9 : memref<128xi32, #tpu.memory_space<vmem>>)
      } else {
      }
      %add3A_186 = arith.constant 1 : i32
      %add3A_187 = arith.addi %add3A_145, %add3A_186 : i32
      %lt3A_188 = arith.constant 80 : i32
      %lt3A_189 = arith.cmpi slt, %add3A_187, %lt3A_188 : i32
      %convert_element_type3A_190 = arith.extui %lt3A_189 : i1 to i32
      %cond3A_191 = arith.constant 0 : i32
      %cond3A_192 = arith.cmpi ne, %convert_element_type3A_190, %cond3A_191 : i32
      scf.if %cond3A_192 {
        %add3A_244 = arith.constant 1 : i32
        %add3A_245 = arith.addi %add3A_145, %add3A_244 : i32
        %dma_start3A_246 = arith.constant 0 : i32
        %dma_start3A_247 = arith.constant 0 : i32
        %dma_start3A_248 = tpu.memref_slice %arg2[%dma_start3A_246, %dma_start3A_247] : memref<10000x128xf32, #tpu.memory_space<hbm>> -> memref<10000x128xf32, #tpu.memory_space<hbm>>
        tpu.enqueue_indirect_dma source(%dma_start3A_248 : memref<10000x128xf32, #tpu.memory_space<hbm>>) target(%arg15 : memref<128x128xf32, #tpu.memory_space<vmem>>) offsets(%arg9 : memref<128xi32, #tpu.memory_space<vmem>>) semaphore(%arg24 : memref<!tpu.dma_semaphore, #tpu.memory_space<semaphore_mem>>)
      } else {
      }
      %mul3A_193 = arith.constant 3 : i32
      %mul3A_194 = arith.muli %mul3A_193, %add3A_95 : i32
      %add3A_195 = arith.constant 2 : i32
      %add3A_196 = arith.addi %mul3A_194, %add3A_195 : i32
      %dma_wait3A_197 = arith.constant 0 : i32
      %dma_wait3A_198 = arith.constant 0 : i32
      %dma_wait3A_199 = tpu.memref_slice %arg2[%dma_wait3A_197, %dma_wait3A_198] : memref<10000x128xf32, #tpu.memory_space<hbm>> -> memref<10000x128xf32, #tpu.memory_space<hbm>>
      tpu.wait_indirect_dma semaphore(%arg24 : memref<!tpu.dma_semaphore, #tpu.memory_space<semaphore_mem>>) src(%dma_wait3A_199 : memref<10000x128xf32, #tpu.memory_space<hbm>>) dst(%arg15 : memref<128x128xf32, #tpu.memory_space<vmem>>)
      %ge3A_200 = arith.constant 2 : i32
      %ge3A_201 = arith.cmpi sge, %add3A_196, %ge3A_200 : i32
      %convert_element_type3A_202 = arith.extui %ge3A_201 : i1 to i32
      %cond3A_203 = arith.constant 0 : i32
      %cond3A_204 = arith.cmpi ne, %convert_element_type3A_202, %cond3A_203 : i32
      scf.if %cond3A_204 {
        %sub3A = arith.constant 2 : i32
        %sub3A_244 = arith.subi %add3A_196, %sub3A : i32
        %dma_wait3A_245 = arith.constant 0 : i32
        %dma_wait3A_246 = arith.constant 0 : i32
        %dma_wait3A_247 = tpu.memref_slice %arg28[%dma_wait3A_245, %dma_wait3A_246] : memref<10032x128xf32, #tpu.memory_space<vmem_shared>> -> memref<10032x128xf32, #tpu.memory_space<vmem_shared>>
        tpu.wait_indirect_dma semaphore(%arg25 : memref<!tpu.dma_semaphore, #tpu.memory_space<semaphore_mem>>) src(%arg13 : memref<128x128xf32, #tpu.memory_space<vmem>>) dst(%dma_wait3A_247 : memref<10032x128xf32, #tpu.memory_space<vmem_shared>>)
      } else {
      }
      %ge3A_205 = arith.constant 2 : i32
      %ge3A_206 = arith.cmpi sge, %add3A_196, %ge3A_205 : i32
      %add3A_207 = arith.constant 1 : i32
      %add3A_208 = arith.addi %add3A_196, %add3A_207 : i32
      %lt3A_209 = arith.constant 80 : i32
      %lt3A_210 = arith.cmpi slt, %add3A_208, %lt3A_209 : i32
      %and3A_211 = arith.andi %ge3A_206, %lt3A_210 : i1
      %convert_element_type3A_212 = arith.extui %and3A_211 : i1 to i32
      %cond3A_213 = arith.constant 0 : i32
      %cond3A_214 = arith.cmpi ne, %convert_element_type3A_212, %cond3A_213 : i32
      scf.if %cond3A_214 {
        %add3A_244 = arith.constant 1 : i32
        %add3A_245 = arith.addi %add3A_196, %add3A_244 : i32
        %mul3A_246 = arith.constant 128 : i32
        %mul3A_247 = arith.muli %add3A_245, %mul3A_246 : i32
        %add3A_248 = arith.addi %mul3A_2, %mul3A_247 : i32
        %dma_start3A_249 = tpu.memref_slice %arg4[%add3A_248] : memref<327680xi32, #tpu.memory_space<hbm>> -> memref<128xi32, #tpu.memory_space<hbm>>
        %dma_start3A_250 = tpu.memref_slice %arg4[%add3A_248] : memref<327680xi32, #tpu.memory_space<hbm>> -> memref<128xi32, #tpu.memory_space<hbm>>
        tpu.enqueue_dma source(%dma_start3A_250 : memref<128xi32, #tpu.memory_space<hbm>>) target(%arg10 : memref<128xi32, #tpu.memory_space<vmem>>) target_semaphore(%arg19 : memref<!tpu.dma_semaphore, #tpu.memory_space<semaphore_mem>>)
      } else {
      }
      %mul3A_215 = arith.constant 128 : i32
      %mul3A_216 = arith.muli %add3A_196, %mul3A_215 : i32
      %add3A_217 = arith.addi %mul3A_2, %mul3A_216 : i32
      %dma_wait3A_218 = tpu.memref_slice %arg4[%add3A_217] : memref<327680xi32, #tpu.memory_space<hbm>> -> memref<128xi32, #tpu.memory_space<hbm>>
      %dma_wait3A_219 = tpu.memref_slice %arg4[%add3A_217] : memref<327680xi32, #tpu.memory_space<hbm>> -> memref<128xi32, #tpu.memory_space<hbm>>
      tpu.wait_dma2 semaphore(%arg21 : memref<!tpu.dma_semaphore, #tpu.memory_space<semaphore_mem>>) src(%dma_wait3A_219 : memref<128xi32, #tpu.memory_space<hbm>>) dst(%arg12 : memref<128xi32, #tpu.memory_space<vmem>>)
      %dma_start3A_220 = arith.constant 0 : i32
      %dma_start3A_221 = arith.constant 0 : i32
      %dma_start3A_222 = tpu.memref_slice %arg28[%dma_start3A_220, %dma_start3A_221] : memref<10032x128xf32, #tpu.memory_space<vmem_shared>> -> memref<10032x128xf32, #tpu.memory_space<vmem_shared>>
      tpu.enqueue_indirect_dma source(%arg15 : memref<128x128xf32, #tpu.memory_space<vmem>>) target(%dma_start3A_222 : memref<10032x128xf32, #tpu.memory_space<vmem_shared>>) offsets(%arg12 : memref<128xi32, #tpu.memory_space<vmem>>) semaphore(%arg27 : memref<!tpu.dma_semaphore, #tpu.memory_space<semaphore_mem>>) {add = true}
      %add3A_223 = arith.constant 3 : i32
      %add3A_224 = arith.addi %add3A_196, %add3A_223 : i32
      %lt3A_225 = arith.constant 80 : i32
      %lt3A_226 = arith.cmpi slt, %add3A_224, %lt3A_225 : i32
      %convert_element_type3A_227 = arith.extui %lt3A_226 : i1 to i32
      %cond3A_228 = arith.constant 0 : i32
      %cond3A_229 = arith.cmpi ne, %convert_element_type3A_227, %cond3A_228 : i32
      scf.if %cond3A_229 {
        %add3A_244 = arith.constant 3 : i32
        %add3A_245 = arith.addi %add3A_196, %add3A_244 : i32
        %mul3A_246 = arith.constant 128 : i32
        %mul3A_247 = arith.muli %add3A_245, %mul3A_246 : i32
        %add3A_248 = arith.addi %mul3A_2, %mul3A_247 : i32
        %dma_start3A_249 = tpu.memref_slice %arg3[%add3A_248] : memref<327680xi32, #tpu.memory_space<hbm>> -> memref<128xi32, #tpu.memory_space<hbm>>
        %dma_start3A_250 = tpu.memref_slice %arg3[%add3A_248] : memref<327680xi32, #tpu.memory_space<hbm>> -> memref<128xi32, #tpu.memory_space<hbm>>
        tpu.enqueue_dma source(%dma_start3A_250 : memref<128xi32, #tpu.memory_space<hbm>>) target(%arg9 : memref<128xi32, #tpu.memory_space<vmem>>) target_semaphore(%arg18 : memref<!tpu.dma_semaphore, #tpu.memory_space<semaphore_mem>>)
      } else {
      }
      %add3A_230 = arith.constant 1 : i32
      %add3A_231 = arith.addi %add3A_196, %add3A_230 : i32
      %lt3A_232 = arith.constant 80 : i32
      %lt3A_233 = arith.cmpi slt, %add3A_231, %lt3A_232 : i32
      %convert_element_type3A_234 = arith.extui %lt3A_233 : i1 to i32
      %cond3A_235 = arith.constant 0 : i32
      %cond3A_236 = arith.cmpi ne, %convert_element_type3A_234, %cond3A_235 : i32
      scf.if %cond3A_236 {
        %add3A_244 = arith.constant 1 : i32
        %add3A_245 = arith.addi %add3A_196, %add3A_244 : i32
        %mul3A_246 = arith.constant 128 : i32
        %mul3A_247 = arith.muli %add3A_245, %mul3A_246 : i32
        %add3A_248 = arith.addi %mul3A_2, %mul3A_247 : i32
        %dma_wait3A_249 = tpu.memref_slice %arg3[%add3A_248] : memref<327680xi32, #tpu.memory_space<hbm>> -> memref<128xi32, #tpu.memory_space<hbm>>
        %dma_wait3A_250 = tpu.memref_slice %arg3[%add3A_248] : memref<327680xi32, #tpu.memory_space<hbm>> -> memref<128xi32, #tpu.memory_space<hbm>>
        tpu.wait_dma2 semaphore(%arg16 : memref<!tpu.dma_semaphore, #tpu.memory_space<semaphore_mem>>) src(%dma_wait3A_250 : memref<128xi32, #tpu.memory_space<hbm>>) dst(%arg7 : memref<128xi32, #tpu.memory_space<vmem>>)
      } else {
      }
      %add3A_237 = arith.constant 1 : i32
      %add3A_238 = arith.addi %add3A_196, %add3A_237 : i32
      %lt3A_239 = arith.constant 80 : i32
      %lt3A_240 = arith.cmpi slt, %add3A_238, %lt3A_239 : i32
      %convert_element_type3A_241 = arith.extui %lt3A_240 : i1 to i32
      %cond3A_242 = arith.constant 0 : i32
      %cond3A_243 = arith.cmpi ne, %convert_element_type3A_241, %cond3A_242 : i32
      scf.if %cond3A_243 {
        %add3A_244 = arith.constant 1 : i32
        %add3A_245 = arith.addi %add3A_196, %add3A_244 : i32
        %dma_start3A_246 = arith.constant 0 : i32
        %dma_start3A_247 = arith.constant 0 : i32
        %dma_start3A_248 = tpu.memref_slice %arg2[%dma_start3A_246, %dma_start3A_247] : memref<10000x128xf32, #tpu.memory_space<hbm>> -> memref<10000x128xf32, #tpu.memory_space<hbm>>
        tpu.enqueue_indirect_dma source(%dma_start3A_248 : memref<10000x128xf32, #tpu.memory_space<hbm>>) target(%arg13 : memref<128x128xf32, #tpu.memory_space<vmem>>) offsets(%arg7 : memref<128xi32, #tpu.memory_space<vmem>>) semaphore(%arg22 : memref<!tpu.dma_semaphore, #tpu.memory_space<semaphore_mem>>)
      } else {
      }
    }
    %scan3A_39 = arith.constant 26 : i32
    %dma_wait3A_40 = arith.constant 0 : i32
    %dma_wait3A_41 = arith.constant 0 : i32
    %dma_wait3A_42 = tpu.memref_slice %arg2[%dma_wait3A_40, %dma_wait3A_41] : memref<10000x128xf32, #tpu.memory_space<hbm>> -> memref<10000x128xf32, #tpu.memory_space<hbm>>
    tpu.wait_indirect_dma semaphore(%arg22 : memref<!tpu.dma_semaphore, #tpu.memory_space<semaphore_mem>>) src(%dma_wait3A_42 : memref<10000x128xf32, #tpu.memory_space<hbm>>) dst(%arg13 : memref<128x128xf32, #tpu.memory_space<vmem>>)
    %dma_wait3A_43 = arith.constant 0 : i32
    %dma_wait3A_44 = arith.constant 0 : i32
    %dma_wait3A_45 = tpu.memref_slice %arg28[%dma_wait3A_43, %dma_wait3A_44] : memref<10032x128xf32, #tpu.memory_space<vmem_shared>> -> memref<10032x128xf32, #tpu.memory_space<vmem_shared>>
    tpu.wait_indirect_dma semaphore(%arg26 : memref<!tpu.dma_semaphore, #tpu.memory_space<semaphore_mem>>) src(%arg14 : memref<128x128xf32, #tpu.memory_space<vmem>>) dst(%dma_wait3A_45 : memref<10032x128xf32, #tpu.memory_space<vmem_shared>>)
    %add3A_46 = arith.constant 10112 : i32
    %add3A_47 = arith.addi %mul3A_2, %add3A_46 : i32
    %dma_start3A_48 = tpu.memref_slice %arg4[%add3A_47] : memref<327680xi32, #tpu.memory_space<hbm>> -> memref<128xi32, #tpu.memory_space<hbm>>
    %dma_start3A_49 = tpu.memref_slice %arg4[%add3A_47] : memref<327680xi32, #tpu.memory_space<hbm>> -> memref<128xi32, #tpu.memory_space<hbm>>
    tpu.enqueue_dma source(%dma_start3A_49 : memref<128xi32, #tpu.memory_space<hbm>>) target(%arg11 : memref<128xi32, #tpu.memory_space<vmem>>) target_semaphore(%arg20 : memref<!tpu.dma_semaphore, #tpu.memory_space<semaphore_mem>>)
    %add3A_50 = arith.constant 9984 : i32
    %add3A_51 = arith.addi %mul3A_2, %add3A_50 : i32
    %dma_wait3A_52 = tpu.memref_slice %arg4[%add3A_51] : memref<327680xi32, #tpu.memory_space<hbm>> -> memref<128xi32, #tpu.memory_space<hbm>>
    %dma_wait3A_53 = tpu.memref_slice %arg4[%add3A_51] : memref<327680xi32, #tpu.memory_space<hbm>> -> memref<128xi32, #tpu.memory_space<hbm>>
    tpu.wait_dma2 semaphore(%arg19 : memref<!tpu.dma_semaphore, #tpu.memory_space<semaphore_mem>>) src(%dma_wait3A_53 : memref<128xi32, #tpu.memory_space<hbm>>) dst(%arg10 : memref<128xi32, #tpu.memory_space<vmem>>)
    %dma_start3A_54 = arith.constant 0 : i32
    %dma_start3A_55 = arith.constant 0 : i32
    %dma_start3A_56 = tpu.memref_slice %arg28[%dma_start3A_54, %dma_start3A_55] : memref<10032x128xf32, #tpu.memory_space<vmem_shared>> -> memref<10032x128xf32, #tpu.memory_space<vmem_shared>>
    tpu.enqueue_indirect_dma source(%arg13 : memref<128x128xf32, #tpu.memory_space<vmem>>) target(%dma_start3A_56 : memref<10032x128xf32, #tpu.memory_space<vmem_shared>>) offsets(%arg10 : memref<128xi32, #tpu.memory_space<vmem>>) semaphore(%arg25 : memref<!tpu.dma_semaphore, #tpu.memory_space<semaphore_mem>>) {add = true}
    %add3A_57 = arith.constant 10112 : i32
    %add3A_58 = arith.addi %mul3A_2, %add3A_57 : i32
    %dma_wait3A_59 = tpu.memref_slice %arg3[%add3A_58] : memref<327680xi32, #tpu.memory_space<hbm>> -> memref<128xi32, #tpu.memory_space<hbm>>
    %dma_wait3A_60 = tpu.memref_slice %arg3[%add3A_58] : memref<327680xi32, #tpu.memory_space<hbm>> -> memref<128xi32, #tpu.memory_space<hbm>>
    tpu.wait_dma2 semaphore(%arg17 : memref<!tpu.dma_semaphore, #tpu.memory_space<semaphore_mem>>) src(%dma_wait3A_60 : memref<128xi32, #tpu.memory_space<hbm>>) dst(%arg8 : memref<128xi32, #tpu.memory_space<vmem>>)
    %dma_start3A_61 = arith.constant 0 : i32
    %dma_start3A_62 = arith.constant 0 : i32
    %dma_start3A_63 = tpu.memref_slice %arg2[%dma_start3A_61, %dma_start3A_62] : memref<10000x128xf32, #tpu.memory_space<hbm>> -> memref<10000x128xf32, #tpu.memory_space<hbm>>
    tpu.enqueue_indirect_dma source(%dma_start3A_63 : memref<10000x128xf32, #tpu.memory_space<hbm>>) target(%arg14 : memref<128x128xf32, #tpu.memory_space<vmem>>) offsets(%arg8 : memref<128xi32, #tpu.memory_space<vmem>>) semaphore(%arg23 : memref<!tpu.dma_semaphore, #tpu.memory_space<semaphore_mem>>)
    %dma_wait3A_64 = arith.constant 0 : i32
    %dma_wait3A_65 = arith.constant 0 : i32
    %dma_wait3A_66 = tpu.memref_slice %arg2[%dma_wait3A_64, %dma_wait3A_65] : memref<10000x128xf32, #tpu.memory_space<hbm>> -> memref<10000x128xf32, #tpu.memory_space<hbm>>
    tpu.wait_indirect_dma semaphore(%arg23 : memref<!tpu.dma_semaphore, #tpu.memory_space<semaphore_mem>>) src(%dma_wait3A_66 : memref<10000x128xf32, #tpu.memory_space<hbm>>) dst(%arg14 : memref<128x128xf32, #tpu.memory_space<vmem>>)
    %dma_wait3A_67 = arith.constant 0 : i32
    %dma_wait3A_68 = arith.constant 0 : i32
    %dma_wait3A_69 = tpu.memref_slice %arg28[%dma_wait3A_67, %dma_wait3A_68] : memref<10032x128xf32, #tpu.memory_space<vmem_shared>> -> memref<10032x128xf32, #tpu.memory_space<vmem_shared>>
    tpu.wait_indirect_dma semaphore(%arg27 : memref<!tpu.dma_semaphore, #tpu.memory_space<semaphore_mem>>) src(%arg15 : memref<128x128xf32, #tpu.memory_space<vmem>>) dst(%dma_wait3A_69 : memref<10032x128xf32, #tpu.memory_space<vmem_shared>>)
    %add3A_70 = arith.constant 10112 : i32
    %add3A_71 = arith.addi %mul3A_2, %add3A_70 : i32
    %dma_wait3A_72 = tpu.memref_slice %arg4[%add3A_71] : memref<327680xi32, #tpu.memory_space<hbm>> -> memref<128xi32, #tpu.memory_space<hbm>>
    %dma_wait3A_73 = tpu.memref_slice %arg4[%add3A_71] : memref<327680xi32, #tpu.memory_space<hbm>> -> memref<128xi32, #tpu.memory_space<hbm>>
    tpu.wait_dma2 semaphore(%arg20 : memref<!tpu.dma_semaphore, #tpu.memory_space<semaphore_mem>>) src(%dma_wait3A_73 : memref<128xi32, #tpu.memory_space<hbm>>) dst(%arg11 : memref<128xi32, #tpu.memory_space<vmem>>)
    %dma_start3A_74 = arith.constant 0 : i32
    %dma_start3A_75 = arith.constant 0 : i32
    %dma_start3A_76 = tpu.memref_slice %arg28[%dma_start3A_74, %dma_start3A_75] : memref<10032x128xf32, #tpu.memory_space<vmem_shared>> -> memref<10032x128xf32, #tpu.memory_space<vmem_shared>>
    tpu.enqueue_indirect_dma source(%arg14 : memref<128x128xf32, #tpu.memory_space<vmem>>) target(%dma_start3A_76 : memref<10032x128xf32, #tpu.memory_space<vmem_shared>>) offsets(%arg11 : memref<128xi32, #tpu.memory_space<vmem>>) semaphore(%arg26 : memref<!tpu.dma_semaphore, #tpu.memory_space<semaphore_mem>>) {add = true}
    %dma_wait3A_77 = arith.constant 0 : i32
    %dma_wait3A_78 = arith.constant 0 : i32
    %dma_wait3A_79 = tpu.memref_slice %arg28[%dma_wait3A_77, %dma_wait3A_78] : memref<10032x128xf32, #tpu.memory_space<vmem_shared>> -> memref<10032x128xf32, #tpu.memory_space<vmem_shared>>
    tpu.wait_indirect_dma semaphore(%arg25 : memref<!tpu.dma_semaphore, #tpu.memory_space<semaphore_mem>>) src(%arg13 : memref<128x128xf32, #tpu.memory_space<vmem>>) dst(%dma_wait3A_79 : memref<10032x128xf32, #tpu.memory_space<vmem_shared>>)
    %dma_wait3A_80 = arith.constant 0 : i32
    %dma_wait3A_81 = arith.constant 0 : i32
    %dma_wait3A_82 = tpu.memref_slice %arg28[%dma_wait3A_80, %dma_wait3A_81] : memref<10032x128xf32, #tpu.memory_space<vmem_shared>> -> memref<10032x128xf32, #tpu.memory_space<vmem_shared>>
    tpu.wait_indirect_dma semaphore(%arg26 : memref<!tpu.dma_semaphore, #tpu.memory_space<semaphore_mem>>) src(%arg14 : memref<128x128xf32, #tpu.memory_space<vmem>>) dst(%dma_wait3A_82 : memref<10032x128xf32, #tpu.memory_space<vmem_shared>>)
    %barrier3A_83 = arith.constant 0 : index
    tpu.barrier barrier_id(%barrier3A_83)
    %mul3A_84 = arith.constant 624 : i32
    %mul3A_85 = arith.muli %arg1, %mul3A_84 : i32
    "tpu.region"() ({
      %run_scoped3A = tpu.sem_alloc : memref<!tpu.dma_semaphore, #tpu.memory_space<semaphore_mem>>
      %dma_start3A_91 = arith.constant 0 : i32
      %dma_start3A_92 = arith.constant 0 : i32
      %dma_start3A_93 = tpu.memref_slice %arg6[%arg0, %dma_start3A_91, %dma_start3A_92] : memref<2x10000x128xf32, #tpu.memory_space<hbm>> -> memref<1x10000x128xf32, #tpu.memory_space<hbm>>
      %dma_start3A_94 = tpu.memref_squeeze %dma_start3A_93 : memref<1x10000x128xf32, #tpu.memory_space<hbm>> -> memref<10000x128xf32, #tpu.memory_space<hbm>>
      %dma_start3A_95 = arith.constant 0 : i32
      %dma_start3A_96 = tpu.memref_slice %dma_start3A_94[%mul3A_85, %dma_start3A_95] : memref<10000x128xf32, #tpu.memory_space<hbm>> -> memref<624x128xf32, #tpu.memory_space<hbm>>
      %dma_start3A_97 = arith.constant 0 : i32
      %dma_start3A_98 = tpu.memref_slice %arg28[%mul3A_85, %dma_start3A_97] : memref<10032x128xf32, #tpu.memory_space<vmem_shared>> -> memref<624x128xf32, #tpu.memory_space<vmem_shared>>
      tpu.enqueue_dma source(%dma_start3A_98 : memref<624x128xf32, #tpu.memory_space<vmem_shared>>) target(%dma_start3A_96 : memref<624x128xf32, #tpu.memory_space<hbm>>) target_semaphore(%run_scoped3A : memref<!tpu.dma_semaphore, #tpu.memory_space<semaphore_mem>>)
      %dma_wait3A_99 = arith.constant 0 : i32
      %dma_wait3A_100 = arith.constant 0 : i32
      %dma_wait3A_101 = tpu.memref_slice %arg6[%arg0, %dma_wait3A_99, %dma_wait3A_100] : memref<2x10000x128xf32, #tpu.memory_space<hbm>> -> memref<1x10000x128xf32, #tpu.memory_space<hbm>>
      %dma_wait3A_102 = tpu.memref_squeeze %dma_wait3A_101 : memref<1x10000x128xf32, #tpu.memory_space<hbm>> -> memref<10000x128xf32, #tpu.memory_space<hbm>>
      %dma_wait3A_103 = arith.constant 0 : i32
      %dma_wait3A_104 = tpu.memref_slice %dma_wait3A_102[%mul3A_85, %dma_wait3A_103] : memref<10000x128xf32, #tpu.memory_space<hbm>> -> memref<624x128xf32, #tpu.memory_space<hbm>>
      %dma_wait3A_105 = arith.constant 0 : i32
      %dma_wait3A_106 = tpu.memref_slice %arg28[%mul3A_85, %dma_wait3A_105] : memref<10032x128xf32, #tpu.memory_space<vmem_shared>> -> memref<624x128xf32, #tpu.memory_space<vmem_shared>>
      tpu.wait_dma2 semaphore(%run_scoped3A : memref<!tpu.dma_semaphore, #tpu.memory_space<semaphore_mem>>) src(%dma_wait3A_106 : memref<624x128xf32, #tpu.memory_space<vmem_shared>>) dst(%dma_wait3A_104 : memref<624x128xf32, #tpu.memory_space<hbm>>)
      tpu.yield
    }) : () -> ()
    %eq3A_86 = arith.constant 0 : i32
    %eq3A_87 = arith.cmpi eq, %arg1, %eq3A_86 : i32
    %convert_element_type3A_88 = arith.extui %eq3A_87 : i1 to i32
    %cond3A_89 = arith.constant 0 : i32
    %cond3A_90 = arith.cmpi ne, %convert_element_type3A_88, %cond3A_89 : i32
    scf.if %cond3A_90 {
      "tpu.region"() ({
        %run_scoped3A = tpu.sem_alloc : memref<!tpu.dma_semaphore, #tpu.memory_space<semaphore_mem>>
        %dma_start3A_91 = arith.constant 0 : i32
        %dma_start3A_92 = arith.constant 0 : i32
        %dma_start3A_93 = tpu.memref_slice %arg6[%arg0, %dma_start3A_91, %dma_start3A_92] : memref<2x10000x128xf32, #tpu.memory_space<hbm>> -> memref<1x10000x128xf32, #tpu.memory_space<hbm>>
        %dma_start3A_94 = tpu.memref_squeeze %dma_start3A_93 : memref<1x10000x128xf32, #tpu.memory_space<hbm>> -> memref<10000x128xf32, #tpu.memory_space<hbm>>
        %dma_start3A_95 = arith.constant 9984 : i32
        %dma_start3A_96 = arith.constant 0 : i32
        %dma_start3A_97 = tpu.memref_slice %dma_start3A_94[%dma_start3A_95, %dma_start3A_96] : memref<10000x128xf32, #tpu.memory_space<hbm>> -> memref<16x128xf32, #tpu.memory_space<hbm>>
        %dma_start3A_98 = arith.constant 9984 : i32
        %dma_start3A_99 = arith.constant 0 : i32
        %dma_start3A_100 = tpu.memref_slice %arg28[%dma_start3A_98, %dma_start3A_99] : memref<10032x128xf32, #tpu.memory_space<vmem_shared>> -> memref<16x128xf32, #tpu.memory_space<vmem_shared>>
        tpu.enqueue_dma source(%dma_start3A_100 : memref<16x128xf32, #tpu.memory_space<vmem_shared>>) target(%dma_start3A_97 : memref<16x128xf32, #tpu.memory_space<hbm>>) target_semaphore(%run_scoped3A : memref<!tpu.dma_semaphore, #tpu.memory_space<semaphore_mem>>)
        %dma_wait3A_101 = arith.constant 0 : i32
        %dma_wait3A_102 = arith.constant 0 : i32
        %dma_wait3A_103 = tpu.memref_slice %arg6[%arg0, %dma_wait3A_101, %dma_wait3A_102] : memref<2x10000x128xf32, #tpu.memory_space<hbm>> -> memref<1x10000x128xf32, #tpu.memory_space<hbm>>
        %dma_wait3A_104 = tpu.memref_squeeze %dma_wait3A_103 : memref<1x10000x128xf32, #tpu.memory_space<hbm>> -> memref<10000x128xf32, #tpu.memory_space<hbm>>
        %dma_wait3A_105 = arith.constant 9984 : i32
        %dma_wait3A_106 = arith.constant 0 : i32
        %dma_wait3A_107 = tpu.memref_slice %dma_wait3A_104[%dma_wait3A_105, %dma_wait3A_106] : memref<10000x128xf32, #tpu.memory_space<hbm>> -> memref<16x128xf32, #tpu.memory_space<hbm>>
        %dma_wait3A_108 = arith.constant 9984 : i32
        %dma_wait3A_109 = arith.constant 0 : i32
        %dma_wait3A_110 = tpu.memref_slice %arg28[%dma_wait3A_108, %dma_wait3A_109] : memref<10032x128xf32, #tpu.memory_space<vmem_shared>> -> memref<16x128xf32, #tpu.memory_space<vmem_shared>>
        tpu.wait_dma2 semaphore(%run_scoped3A : memref<!tpu.dma_semaphore, #tpu.memory_space<semaphore_mem>>) src(%dma_wait3A_110 : memref<16x128xf32, #tpu.memory_space<vmem_shared>>) dst(%dma_wait3A_107 : memref<16x128xf32, #tpu.memory_space<hbm>>)
        tpu.yield
      }) : () -> ()
    } else {
    }
    return
  }
}

#map = affine_map<(d0, d1) -> (0, 0)>
#map1 = affine_map<(d0, d1) -> (0)>
#map2 = affine_map<(d0, d1) -> (0, 0, 0)>
module attributes {stable_mosaic.version = 14 : i64} {
  func.func @_sc_agg_body(%arg0: i32, %arg1: i32, %arg2: memref<10000x128xf32, #tpu.memory_space<hbm>>, %arg3: memref<327680xi32, #tpu.memory_space<hbm>>, %arg4: memref<327680xi32, #tpu.memory_space<hbm>>, %arg5: memref<10032x128xf32, #tpu.memory_space<hbm>>, %arg6: memref<2x10000x128xf32, #tpu.memory_space<hbm>>, %arg7: memref<128xi32, #tpu.memory_space<vmem>>, %arg8: memref<128xi32, #tpu.memory_space<vmem>>, %arg9: memref<128xi32, #tpu.memory_space<vmem>>, %arg10: memref<128xi32, #tpu.memory_space<vmem>>, %arg11: memref<128xi32, #tpu.memory_space<vmem>>, %arg12: memref<128xi32, #tpu.memory_space<vmem>>, %arg13: memref<128x128xf32, #tpu.memory_space<vmem>>, %arg14: memref<128x128xf32, #tpu.memory_space<vmem>>, %arg15: memref<128x128xf32, #tpu.memory_space<vmem>>, %arg16: memref<!tpu.dma_semaphore, #tpu.memory_space<semaphore_mem>>, %arg17: memref<!tpu.dma_semaphore, #tpu.memory_space<semaphore_mem>>, %arg18: memref<!tpu.dma_semaphore, #tpu.memory_space<semaphore_mem>>, %arg19: memref<!tpu.dma_semaphore, #tpu.memory_space<semaphore_mem>>, %arg20: memref<!tpu.dma_semaphore, #tpu.memory_space<semaphore_mem>>, %arg21: memref<!tpu.dma_semaphore, #tpu.memory_space<semaphore_mem>>, %arg22: memref<!tpu.dma_semaphore, #tpu.memory_space<semaphore_mem>>, %arg23: memref<!tpu.dma_semaphore, #tpu.memory_space<semaphore_mem>>, %arg24: memref<!tpu.dma_semaphore, #tpu.memory_space<semaphore_mem>>, %arg25: memref<!tpu.dma_semaphore, #tpu.memory_space<semaphore_mem>>, %arg26: memref<!tpu.dma_semaphore, #tpu.memory_space<semaphore_mem>>, %arg27: memref<!tpu.dma_semaphore, #tpu.memory_space<semaphore_mem>>, %arg28: memref<10032x128xf32, #tpu.memory_space<vmem_shared>>) attributes {dimension_semantics = [#tpu.dimension_semantics<core_parallel>, #tpu.dimension_semantics<subcore_parallel>], iteration_bounds = array<i64: 2, 16>, scalar_prefetch = 0 : i64, scratch_operands = 22 : i64, tpu.core_type = #tpu.core_type<sc_vector_subcore>, window_params = [{transform_indices = #map}, {transform_indices = #map1}, {transform_indices = #map1}, {transform_indices = #map}, {transform_indices = #map2}]} {
    %mul3A = arith.constant 16 : i32
    %mul3A_0 = arith.muli %arg0, %mul3A : i32
    %add3A = arith.addi %mul3A_0, %arg1 : i32
    %mul3A_1 = arith.constant 10240 : i32
    %mul3A_2 = arith.muli %add3A, %mul3A_1 : i32
    %mul3A_3 = arith.constant 624 : i32
    %mul3A_4 = arith.muli %arg1, %mul3A_3 : i32
    "tpu.region"() ({
      %run_scoped3A = tpu.sem_alloc : memref<!tpu.dma_semaphore, #tpu.memory_space<semaphore_mem>>
      %dma_start3A_91 = arith.constant 0 : i32
      %dma_start3A_92 = tpu.memref_slice %arg28[%mul3A_4, %dma_start3A_91] : memref<10032x128xf32, #tpu.memory_space<vmem_shared>> -> memref<624x128xf32, #tpu.memory_space<vmem_shared>>
      %dma_start3A_93 = arith.constant 0 : i32
      %dma_start3A_94 = tpu.memref_slice %arg5[%mul3A_4, %dma_start3A_93] : memref<10032x128xf32, #tpu.memory_space<hbm>> -> memref<624x128xf32, #tpu.memory_space<hbm>>
      tpu.enqueue_dma source(%dma_start3A_94 : memref<624x128xf32, #tpu.memory_space<hbm>>) target(%dma_start3A_92 : memref<624x128xf32, #tpu.memory_space<vmem_shared>>) target_semaphore(%run_scoped3A : memref<!tpu.dma_semaphore, #tpu.memory_space<semaphore_mem>>)
      %dma_wait3A_95 = arith.constant 0 : i32
      %dma_wait3A_96 = tpu.memref_slice %arg28[%mul3A_4, %dma_wait3A_95] : memref<10032x128xf32, #tpu.memory_space<vmem_shared>> -> memref<624x128xf32, #tpu.memory_space<vmem_shared>>
      %dma_wait3A_97 = arith.constant 0 : i32
      %dma_wait3A_98 = tpu.memref_slice %arg5[%mul3A_4, %dma_wait3A_97] : memref<10032x128xf32, #tpu.memory_space<hbm>> -> memref<624x128xf32, #tpu.memory_space<hbm>>
      tpu.wait_dma2 semaphore(%run_scoped3A : memref<!tpu.dma_semaphore, #tpu.memory_space<semaphore_mem>>) src(%dma_wait3A_98 : memref<624x128xf32, #tpu.memory_space<hbm>>) dst(%dma_wait3A_96 : memref<624x128xf32, #tpu.memory_space<vmem_shared>>)
      tpu.yield
    }) : () -> ()
    %eq3A = arith.constant 0 : i32
    %eq3A_5 = arith.cmpi eq, %arg1, %eq3A : i32
    %convert_element_type3A = arith.extui %eq3A_5 : i1 to i32
    %cond3A = arith.constant 0 : i32
    %cond3A_6 = arith.cmpi ne, %convert_element_type3A, %cond3A : i32
    scf.if %cond3A_6 {
      "tpu.region"() ({
        %run_scoped3A = tpu.sem_alloc : memref<!tpu.dma_semaphore, #tpu.memory_space<semaphore_mem>>
        %dma_start3A_91 = arith.constant 9984 : i32
        %dma_start3A_92 = arith.constant 0 : i32
        %dma_start3A_93 = tpu.memref_slice %arg28[%dma_start3A_91, %dma_start3A_92] : memref<10032x128xf32, #tpu.memory_space<vmem_shared>> -> memref<48x128xf32, #tpu.memory_space<vmem_shared>>
        %dma_start3A_94 = arith.constant 9984 : i32
        %dma_start3A_95 = arith.constant 0 : i32
        %dma_start3A_96 = tpu.memref_slice %arg5[%dma_start3A_94, %dma_start3A_95] : memref<10032x128xf32, #tpu.memory_space<hbm>> -> memref<48x128xf32, #tpu.memory_space<hbm>>
        tpu.enqueue_dma source(%dma_start3A_96 : memref<48x128xf32, #tpu.memory_space<hbm>>) target(%dma_start3A_93 : memref<48x128xf32, #tpu.memory_space<vmem_shared>>) target_semaphore(%run_scoped3A : memref<!tpu.dma_semaphore, #tpu.memory_space<semaphore_mem>>)
        %dma_wait3A_97 = arith.constant 9984 : i32
        %dma_wait3A_98 = arith.constant 0 : i32
        %dma_wait3A_99 = tpu.memref_slice %arg28[%dma_wait3A_97, %dma_wait3A_98] : memref<10032x128xf32, #tpu.memory_space<vmem_shared>> -> memref<48x128xf32, #tpu.memory_space<vmem_shared>>
        %dma_wait3A_100 = arith.constant 9984 : i32
        %dma_wait3A_101 = arith.constant 0 : i32
        %dma_wait3A_102 = tpu.memref_slice %arg5[%dma_wait3A_100, %dma_wait3A_101] : memref<10032x128xf32, #tpu.memory_space<hbm>> -> memref<48x128xf32, #tpu.memory_space<hbm>>
        tpu.wait_dma2 semaphore(%run_scoped3A : memref<!tpu.dma_semaphore, #tpu.memory_space<semaphore_mem>>) src(%dma_wait3A_102 : memref<48x128xf32, #tpu.memory_space<hbm>>) dst(%dma_wait3A_99 : memref<48x128xf32, #tpu.memory_space<vmem_shared>>)
        tpu.yield
      }) : () -> ()
    } else {
    }
    %add3A_7 = arith.constant 0 : i32
    %add3A_8 = arith.addi %mul3A_2, %add3A_7 : i32
    %dma_start3A = tpu.memref_slice %arg3[%add3A_8] : memref<327680xi32, #tpu.memory_space<hbm>> -> memref<128xi32, #tpu.memory_space<hbm>>
    %dma_start3A_9 = tpu.memref_slice %arg3[%add3A_8] : memref<327680xi32, #tpu.memory_space<hbm>> -> memref<128xi32, #tpu.memory_space<hbm>>
    tpu.enqueue_dma source(%dma_start3A_9 : memref<128xi32, #tpu.memory_space<hbm>>) target(%arg7 : memref<128xi32, #tpu.memory_space<vmem>>) target_semaphore(%arg16 : memref<!tpu.dma_semaphore, #tpu.memory_space<semaphore_mem>>)
    %add3A_10 = arith.constant 0 : i32
    %add3A_11 = arith.addi %mul3A_2, %add3A_10 : i32
    %dma_start3A_12 = tpu.memref_slice %arg4[%add3A_11] : memref<327680xi32, #tpu.memory_space<hbm>> -> memref<128xi32, #tpu.memory_space<hbm>>
    %dma_start3A_13 = tpu.memref_slice %arg4[%add3A_11] : memref<327680xi32, #tpu.memory_space<hbm>> -> memref<128xi32, #tpu.memory_space<hbm>>
    tpu.enqueue_dma source(%dma_start3A_13 : memref<128xi32, #tpu.memory_space<hbm>>) target(%arg10 : memref<128xi32, #tpu.memory_space<vmem>>) target_semaphore(%arg19 : memref<!tpu.dma_semaphore, #tpu.memory_space<semaphore_mem>>)
    %add3A_14 = arith.constant 128 : i32
    %add3A_15 = arith.addi %mul3A_2, %add3A_14 : i32
    %dma_start3A_16 = tpu.memref_slice %arg3[%add3A_15] : memref<327680xi32, #tpu.memory_space<hbm>> -> memref<128xi32, #tpu.memory_space<hbm>>
    %dma_start3A_17 = tpu.memref_slice %arg3[%add3A_15] : memref<327680xi32, #tpu.memory_space<hbm>> -> memref<128xi32, #tpu.memory_space<hbm>>
    tpu.enqueue_dma source(%dma_start3A_17 : memref<128xi32, #tpu.memory_space<hbm>>) target(%arg8 : memref<128xi32, #tpu.memory_space<vmem>>) target_semaphore(%arg17 : memref<!tpu.dma_semaphore, #tpu.memory_space<semaphore_mem>>)
    %add3A_18 = arith.constant 128 : i32
    %add3A_19 = arith.addi %mul3A_2, %add3A_18 : i32
    %dma_start3A_20 = tpu.memref_slice %arg4[%add3A_19] : memref<327680xi32, #tpu.memory_space<hbm>> -> memref<128xi32, #tpu.memory_space<hbm>>
    %dma_start3A_21 = tpu.memref_slice %arg4[%add3A_19] : memref<327680xi32, #tpu.memory_space<hbm>> -> memref<128xi32, #tpu.memory_space<hbm>>
    tpu.enqueue_dma source(%dma_start3A_21 : memref<128xi32, #tpu.memory_space<hbm>>) target(%arg11 : memref<128xi32, #tpu.memory_space<vmem>>) target_semaphore(%arg20 : memref<!tpu.dma_semaphore, #tpu.memory_space<semaphore_mem>>)
    %add3A_22 = arith.constant 256 : i32
    %add3A_23 = arith.addi %mul3A_2, %add3A_22 : i32
    %dma_start3A_24 = tpu.memref_slice %arg3[%add3A_23] : memref<327680xi32, #tpu.memory_space<hbm>> -> memref<128xi32, #tpu.memory_space<hbm>>
    %dma_start3A_25 = tpu.memref_slice %arg3[%add3A_23] : memref<327680xi32, #tpu.memory_space<hbm>> -> memref<128xi32, #tpu.memory_space<hbm>>
    tpu.enqueue_dma source(%dma_start3A_25 : memref<128xi32, #tpu.memory_space<hbm>>) target(%arg9 : memref<128xi32, #tpu.memory_space<vmem>>) target_semaphore(%arg18 : memref<!tpu.dma_semaphore, #tpu.memory_space<semaphore_mem>>)
    %add3A_26 = arith.constant 256 : i32
    %add3A_27 = arith.addi %mul3A_2, %add3A_26 : i32
    %dma_start3A_28 = tpu.memref_slice %arg4[%add3A_27] : memref<327680xi32, #tpu.memory_space<hbm>> -> memref<128xi32, #tpu.memory_space<hbm>>
    %dma_start3A_29 = tpu.memref_slice %arg4[%add3A_27] : memref<327680xi32, #tpu.memory_space<hbm>> -> memref<128xi32, #tpu.memory_space<hbm>>
    tpu.enqueue_dma source(%dma_start3A_29 : memref<128xi32, #tpu.memory_space<hbm>>) target(%arg12 : memref<128xi32, #tpu.memory_space<vmem>>) target_semaphore(%arg21 : memref<!tpu.dma_semaphore, #tpu.memory_space<semaphore_mem>>)
    %barrier3A = arith.constant 0 : index
    tpu.barrier barrier_id(%barrier3A)
    %add3A_30 = arith.constant 0 : i32
    %add3A_31 = arith.addi %mul3A_2, %add3A_30 : i32
    %dma_wait3A = tpu.memref_slice %arg3[%add3A_31] : memref<327680xi32, #tpu.memory_space<hbm>> -> memref<128xi32, #tpu.memory_space<hbm>>
    %dma_wait3A_32 = tpu.memref_slice %arg3[%add3A_31] : memref<327680xi32, #tpu.memory_space<hbm>> -> memref<128xi32, #tpu.memory_space<hbm>>
    tpu.wait_dma2 semaphore(%arg16 : memref<!tpu.dma_semaphore, #tpu.memory_space<semaphore_mem>>) src(%dma_wait3A_32 : memref<128xi32, #tpu.memory_space<hbm>>) dst(%arg7 : memref<128xi32, #tpu.memory_space<vmem>>)
    %dma_start3A_33 = arith.constant 0 : i32
    %dma_start3A_34 = arith.constant 0 : i32
    %dma_start3A_35 = tpu.memref_slice %arg2[%dma_start3A_33, %dma_start3A_34] : memref<10000x128xf32, #tpu.memory_space<hbm>> -> memref<10000x128xf32, #tpu.memory_space<hbm>>
    tpu.enqueue_indirect_dma source(%dma_start3A_35 : memref<10000x128xf32, #tpu.memory_space<hbm>>) target(%arg13 : memref<128x128xf32, #tpu.memory_space<vmem>>) offsets(%arg7 : memref<128xi32, #tpu.memory_space<vmem>>) semaphore(%arg22 : memref<!tpu.dma_semaphore, #tpu.memory_space<semaphore_mem>>)
    %scan3A = arith.constant 0 : i32
    %scan3A_36 = arith.constant 26 : i32
    %scan3A_37 = arith.addi %scan3A, %scan3A_36 : i32
    %scan3A_38 = arith.constant 1 : i32
    scf.for %scan3A_91 = %scan3A to %scan3A_37 step %scan3A_38  : i32 {
      %mul3A_92 = arith.constant 1 : i32
      %mul3A_93 = arith.muli %scan3A_91, %mul3A_92 : i32
      %add3A_94 = arith.constant 0 : i32
      %add3A_95 = arith.addi %add3A_94, %mul3A_93 : i32
      %mul3A_96 = arith.constant 3 : i32
      %mul3A_97 = arith.muli %mul3A_96, %add3A_95 : i32
      %dma_wait3A_98 = arith.constant 0 : i32
      %dma_wait3A_99 = arith.constant 0 : i32
      %dma_wait3A_100 = tpu.memref_slice %arg2[%dma_wait3A_98, %dma_wait3A_99] : memref<10000x128xf32, #tpu.memory_space<hbm>> -> memref<10000x128xf32, #tpu.memory_space<hbm>>
      tpu.wait_indirect_dma semaphore(%arg22 : memref<!tpu.dma_semaphore, #tpu.memory_space<semaphore_mem>>) src(%dma_wait3A_100 : memref<10000x128xf32, #tpu.memory_space<hbm>>) dst(%arg13 : memref<128x128xf32, #tpu.memory_space<vmem>>)
      %ge3A = arith.constant 2 : i32
      %ge3A_101 = arith.cmpi sge, %mul3A_97, %ge3A : i32
      %convert_element_type3A_102 = arith.extui %ge3A_101 : i1 to i32
      %cond3A_103 = arith.constant 0 : i32
      %cond3A_104 = arith.cmpi ne, %convert_element_type3A_102, %cond3A_103 : i32
      scf.if %cond3A_104 {
        %sub3A = arith.constant 2 : i32
        %sub3A_244 = arith.subi %mul3A_97, %sub3A : i32
        %dma_wait3A_245 = arith.constant 0 : i32
        %dma_wait3A_246 = arith.constant 0 : i32
        %dma_wait3A_247 = tpu.memref_slice %arg28[%dma_wait3A_245, %dma_wait3A_246] : memref<10032x128xf32, #tpu.memory_space<vmem_shared>> -> memref<10032x128xf32, #tpu.memory_space<vmem_shared>>
        tpu.wait_indirect_dma semaphore(%arg26 : memref<!tpu.dma_semaphore, #tpu.memory_space<semaphore_mem>>) src(%arg14 : memref<128x128xf32, #tpu.memory_space<vmem>>) dst(%dma_wait3A_247 : memref<10032x128xf32, #tpu.memory_space<vmem_shared>>)
      } else {
      }
      %ge3A_105 = arith.constant 2 : i32
      %ge3A_106 = arith.cmpi sge, %mul3A_97, %ge3A_105 : i32
      %add3A_107 = arith.constant 1 : i32
      %add3A_108 = arith.addi %mul3A_97, %add3A_107 : i32
      %lt3A = arith.constant 80 : i32
      %lt3A_109 = arith.cmpi slt, %add3A_108, %lt3A : i32
      %and3A = arith.andi %ge3A_106, %lt3A_109 : i1
      %convert_element_type3A_110 = arith.extui %and3A : i1 to i32
      %cond3A_111 = arith.constant 0 : i32
      %cond3A_112 = arith.cmpi ne, %convert_element_type3A_110, %cond3A_111 : i32
      scf.if %cond3A_112 {
        %add3A_244 = arith.constant 1 : i32
        %add3A_245 = arith.addi %mul3A_97, %add3A_244 : i32
        %mul3A_246 = arith.constant 128 : i32
        %mul3A_247 = arith.muli %add3A_245, %mul3A_246 : i32
        %add3A_248 = arith.addi %mul3A_2, %mul3A_247 : i32
        %dma_start3A_249 = tpu.memref_slice %arg4[%add3A_248] : memref<327680xi32, #tpu.memory_space<hbm>> -> memref<128xi32, #tpu.memory_space<hbm>>
        %dma_start3A_250 = tpu.memref_slice %arg4[%add3A_248] : memref<327680xi32, #tpu.memory_space<hbm>> -> memref<128xi32, #tpu.memory_space<hbm>>
        tpu.enqueue_dma source(%dma_start3A_250 : memref<128xi32, #tpu.memory_space<hbm>>) target(%arg11 : memref<128xi32, #tpu.memory_space<vmem>>) target_semaphore(%arg20 : memref<!tpu.dma_semaphore, #tpu.memory_space<semaphore_mem>>)
      } else {
      }
      %mul3A_113 = arith.constant 128 : i32
      %mul3A_114 = arith.muli %mul3A_97, %mul3A_113 : i32
      %add3A_115 = arith.addi %mul3A_2, %mul3A_114 : i32
      %dma_wait3A_116 = tpu.memref_slice %arg4[%add3A_115] : memref<327680xi32, #tpu.memory_space<hbm>> -> memref<128xi32, #tpu.memory_space<hbm>>
      %dma_wait3A_117 = tpu.memref_slice %arg4[%add3A_115] : memref<327680xi32, #tpu.memory_space<hbm>> -> memref<128xi32, #tpu.memory_space<hbm>>
      tpu.wait_dma2 semaphore(%arg19 : memref<!tpu.dma_semaphore, #tpu.memory_space<semaphore_mem>>) src(%dma_wait3A_117 : memref<128xi32, #tpu.memory_space<hbm>>) dst(%arg10 : memref<128xi32, #tpu.memory_space<vmem>>)
      %dma_start3A_118 = arith.constant 0 : i32
      %dma_start3A_119 = arith.constant 0 : i32
      %dma_start3A_120 = tpu.memref_slice %arg28[%dma_start3A_118, %dma_start3A_119] : memref<10032x128xf32, #tpu.memory_space<vmem_shared>> -> memref<10032x128xf32, #tpu.memory_space<vmem_shared>>
      tpu.enqueue_indirect_dma source(%arg13 : memref<128x128xf32, #tpu.memory_space<vmem>>) target(%dma_start3A_120 : memref<10032x128xf32, #tpu.memory_space<vmem_shared>>) offsets(%arg10 : memref<128xi32, #tpu.memory_space<vmem>>) semaphore(%arg25 : memref<!tpu.dma_semaphore, #tpu.memory_space<semaphore_mem>>) {add = true}
      %add3A_121 = arith.constant 3 : i32
      %add3A_122 = arith.addi %mul3A_97, %add3A_121 : i32
      %lt3A_123 = arith.constant 80 : i32
      %lt3A_124 = arith.cmpi slt, %add3A_122, %lt3A_123 : i32
      %convert_element_type3A_125 = arith.extui %lt3A_124 : i1 to i32
      %cond3A_126 = arith.constant 0 : i32
      %cond3A_127 = arith.cmpi ne, %convert_element_type3A_125, %cond3A_126 : i32
      scf.if %cond3A_127 {
        %add3A_244 = arith.constant 3 : i32
        %add3A_245 = arith.addi %mul3A_97, %add3A_244 : i32
        %mul3A_246 = arith.constant 128 : i32
        %mul3A_247 = arith.muli %add3A_245, %mul3A_246 : i32
        %add3A_248 = arith.addi %mul3A_2, %mul3A_247 : i32
        %dma_start3A_249 = tpu.memref_slice %arg3[%add3A_248] : memref<327680xi32, #tpu.memory_space<hbm>> -> memref<128xi32, #tpu.memory_space<hbm>>
        %dma_start3A_250 = tpu.memref_slice %arg3[%add3A_248] : memref<327680xi32, #tpu.memory_space<hbm>> -> memref<128xi32, #tpu.memory_space<hbm>>
        tpu.enqueue_dma source(%dma_start3A_250 : memref<128xi32, #tpu.memory_space<hbm>>) target(%arg7 : memref<128xi32, #tpu.memory_space<vmem>>) target_semaphore(%arg16 : memref<!tpu.dma_semaphore, #tpu.memory_space<semaphore_mem>>)
      } else {
      }
      %add3A_128 = arith.constant 1 : i32
      %add3A_129 = arith.addi %mul3A_97, %add3A_128 : i32
      %lt3A_130 = arith.constant 80 : i32
      %lt3A_131 = arith.cmpi slt, %add3A_129, %lt3A_130 : i32
      %convert_element_type3A_132 = arith.extui %lt3A_131 : i1 to i32
      %cond3A_133 = arith.constant 0 : i32
      %cond3A_134 = arith.cmpi ne, %convert_element_type3A_132, %cond3A_133 : i32
      scf.if %cond3A_134 {
        %add3A_244 = arith.constant 1 : i32
        %add3A_245 = arith.addi %mul3A_97, %add3A_244 : i32
        %mul3A_246 = arith.constant 128 : i32
        %mul3A_247 = arith.muli %add3A_245, %mul3A_246 : i32
        %add3A_248 = arith.addi %mul3A_2, %mul3A_247 : i32
        %dma_wait3A_249 = tpu.memref_slice %arg3[%add3A_248] : memref<327680xi32, #tpu.memory_space<hbm>> -> memref<128xi32, #tpu.memory_space<hbm>>
        %dma_wait3A_250 = tpu.memref_slice %arg3[%add3A_248] : memref<327680xi32, #tpu.memory_space<hbm>> -> memref<128xi32, #tpu.memory_space<hbm>>
        tpu.wait_dma2 semaphore(%arg17 : memref<!tpu.dma_semaphore, #tpu.memory_space<semaphore_mem>>) src(%dma_wait3A_250 : memref<128xi32, #tpu.memory_space<hbm>>) dst(%arg8 : memref<128xi32, #tpu.memory_space<vmem>>)
      } else {
      }
      %add3A_135 = arith.constant 1 : i32
      %add3A_136 = arith.addi %mul3A_97, %add3A_135 : i32
      %lt3A_137 = arith.constant 80 : i32
      %lt3A_138 = arith.cmpi slt, %add3A_136, %lt3A_137 : i32
      %convert_element_type3A_139 = arith.extui %lt3A_138 : i1 to i32
      %cond3A_140 = arith.constant 0 : i32
      %cond3A_141 = arith.cmpi ne, %convert_element_type3A_139, %cond3A_140 : i32
      scf.if %cond3A_141 {
        %add3A_244 = arith.constant 1 : i32
        %add3A_245 = arith.addi %mul3A_97, %add3A_244 : i32
        %dma_start3A_246 = arith.constant 0 : i32
        %dma_start3A_247 = arith.constant 0 : i32
        %dma_start3A_248 = tpu.memref_slice %arg2[%dma_start3A_246, %dma_start3A_247] : memref<10000x128xf32, #tpu.memory_space<hbm>> -> memref<10000x128xf32, #tpu.memory_space<hbm>>
        tpu.enqueue_indirect_dma source(%dma_start3A_248 : memref<10000x128xf32, #tpu.memory_space<hbm>>) target(%arg14 : memref<128x128xf32, #tpu.memory_space<vmem>>) offsets(%arg8 : memref<128xi32, #tpu.memory_space<vmem>>) semaphore(%arg23 : memref<!tpu.dma_semaphore, #tpu.memory_space<semaphore_mem>>)
      } else {
      }
      %mul3A_142 = arith.constant 3 : i32
      %mul3A_143 = arith.muli %mul3A_142, %add3A_95 : i32
      %add3A_144 = arith.constant 1 : i32
      %add3A_145 = arith.addi %mul3A_143, %add3A_144 : i32
      %dma_wait3A_146 = arith.constant 0 : i32
      %dma_wait3A_147 = arith.constant 0 : i32
      %dma_wait3A_148 = tpu.memref_slice %arg2[%dma_wait3A_146, %dma_wait3A_147] : memref<10000x128xf32, #tpu.memory_space<hbm>> -> memref<10000x128xf32, #tpu.memory_space<hbm>>
      tpu.wait_indirect_dma semaphore(%arg23 : memref<!tpu.dma_semaphore, #tpu.memory_space<semaphore_mem>>) src(%dma_wait3A_148 : memref<10000x128xf32, #tpu.memory_space<hbm>>) dst(%arg14 : memref<128x128xf32, #tpu.memory_space<vmem>>)
      %ge3A_149 = arith.constant 2 : i32
      %ge3A_150 = arith.cmpi sge, %add3A_145, %ge3A_149 : i32
      %convert_element_type3A_151 = arith.extui %ge3A_150 : i1 to i32
      %cond3A_152 = arith.constant 0 : i32
      %cond3A_153 = arith.cmpi ne, %convert_element_type3A_151, %cond3A_152 : i32
      scf.if %cond3A_153 {
        %sub3A = arith.constant 2 : i32
        %sub3A_244 = arith.subi %add3A_145, %sub3A : i32
        %dma_wait3A_245 = arith.constant 0 : i32
        %dma_wait3A_246 = arith.constant 0 : i32
        %dma_wait3A_247 = tpu.memref_slice %arg28[%dma_wait3A_245, %dma_wait3A_246] : memref<10032x128xf32, #tpu.memory_space<vmem_shared>> -> memref<10032x128xf32, #tpu.memory_space<vmem_shared>>
        tpu.wait_indirect_dma semaphore(%arg27 : memref<!tpu.dma_semaphore, #tpu.memory_space<semaphore_mem>>) src(%arg15 : memref<128x128xf32, #tpu.memory_space<vmem>>) dst(%dma_wait3A_247 : memref<10032x128xf32, #tpu.memory_space<vmem_shared>>)
      } else {
      }
      %ge3A_154 = arith.constant 2 : i32
      %ge3A_155 = arith.cmpi sge, %add3A_145, %ge3A_154 : i32
      %add3A_156 = arith.constant 1 : i32
      %add3A_157 = arith.addi %add3A_145, %add3A_156 : i32
      %lt3A_158 = arith.constant 80 : i32
      %lt3A_159 = arith.cmpi slt, %add3A_157, %lt3A_158 : i32
      %and3A_160 = arith.andi %ge3A_155, %lt3A_159 : i1
      %convert_element_type3A_161 = arith.extui %and3A_160 : i1 to i32
      %cond3A_162 = arith.constant 0 : i32
      %cond3A_163 = arith.cmpi ne, %convert_element_type3A_161, %cond3A_162 : i32
      scf.if %cond3A_163 {
        %add3A_244 = arith.constant 1 : i32
        %add3A_245 = arith.addi %add3A_145, %add3A_244 : i32
        %mul3A_246 = arith.constant 128 : i32
        %mul3A_247 = arith.muli %add3A_245, %mul3A_246 : i32
        %add3A_248 = arith.addi %mul3A_2, %mul3A_247 : i32
        %dma_start3A_249 = tpu.memref_slice %arg4[%add3A_248] : memref<327680xi32, #tpu.memory_space<hbm>> -> memref<128xi32, #tpu.memory_space<hbm>>
        %dma_start3A_250 = tpu.memref_slice %arg4[%add3A_248] : memref<327680xi32, #tpu.memory_space<hbm>> -> memref<128xi32, #tpu.memory_space<hbm>>
        tpu.enqueue_dma source(%dma_start3A_250 : memref<128xi32, #tpu.memory_space<hbm>>) target(%arg12 : memref<128xi32, #tpu.memory_space<vmem>>) target_semaphore(%arg21 : memref<!tpu.dma_semaphore, #tpu.memory_space<semaphore_mem>>)
      } else {
      }
      %mul3A_164 = arith.constant 128 : i32
      %mul3A_165 = arith.muli %add3A_145, %mul3A_164 : i32
      %add3A_166 = arith.addi %mul3A_2, %mul3A_165 : i32
      %dma_wait3A_167 = tpu.memref_slice %arg4[%add3A_166] : memref<327680xi32, #tpu.memory_space<hbm>> -> memref<128xi32, #tpu.memory_space<hbm>>
      %dma_wait3A_168 = tpu.memref_slice %arg4[%add3A_166] : memref<327680xi32, #tpu.memory_space<hbm>> -> memref<128xi32, #tpu.memory_space<hbm>>
      tpu.wait_dma2 semaphore(%arg20 : memref<!tpu.dma_semaphore, #tpu.memory_space<semaphore_mem>>) src(%dma_wait3A_168 : memref<128xi32, #tpu.memory_space<hbm>>) dst(%arg11 : memref<128xi32, #tpu.memory_space<vmem>>)
      %dma_start3A_169 = arith.constant 0 : i32
      %dma_start3A_170 = arith.constant 0 : i32
      %dma_start3A_171 = tpu.memref_slice %arg28[%dma_start3A_169, %dma_start3A_170] : memref<10032x128xf32, #tpu.memory_space<vmem_shared>> -> memref<10032x128xf32, #tpu.memory_space<vmem_shared>>
      tpu.enqueue_indirect_dma source(%arg14 : memref<128x128xf32, #tpu.memory_space<vmem>>) target(%dma_start3A_171 : memref<10032x128xf32, #tpu.memory_space<vmem_shared>>) offsets(%arg11 : memref<128xi32, #tpu.memory_space<vmem>>) semaphore(%arg26 : memref<!tpu.dma_semaphore, #tpu.memory_space<semaphore_mem>>) {add = true}
      %add3A_172 = arith.constant 3 : i32
      %add3A_173 = arith.addi %add3A_145, %add3A_172 : i32
      %lt3A_174 = arith.constant 80 : i32
      %lt3A_175 = arith.cmpi slt, %add3A_173, %lt3A_174 : i32
      %convert_element_type3A_176 = arith.extui %lt3A_175 : i1 to i32
      %cond3A_177 = arith.constant 0 : i32
      %cond3A_178 = arith.cmpi ne, %convert_element_type3A_176, %cond3A_177 : i32
      scf.if %cond3A_178 {
        %add3A_244 = arith.constant 3 : i32
        %add3A_245 = arith.addi %add3A_145, %add3A_244 : i32
        %mul3A_246 = arith.constant 128 : i32
        %mul3A_247 = arith.muli %add3A_245, %mul3A_246 : i32
        %add3A_248 = arith.addi %mul3A_2, %mul3A_247 : i32
        %dma_start3A_249 = tpu.memref_slice %arg3[%add3A_248] : memref<327680xi32, #tpu.memory_space<hbm>> -> memref<128xi32, #tpu.memory_space<hbm>>
        %dma_start3A_250 = tpu.memref_slice %arg3[%add3A_248] : memref<327680xi32, #tpu.memory_space<hbm>> -> memref<128xi32, #tpu.memory_space<hbm>>
        tpu.enqueue_dma source(%dma_start3A_250 : memref<128xi32, #tpu.memory_space<hbm>>) target(%arg8 : memref<128xi32, #tpu.memory_space<vmem>>) target_semaphore(%arg17 : memref<!tpu.dma_semaphore, #tpu.memory_space<semaphore_mem>>)
      } else {
      }
      %add3A_179 = arith.constant 1 : i32
      %add3A_180 = arith.addi %add3A_145, %add3A_179 : i32
      %lt3A_181 = arith.constant 80 : i32
      %lt3A_182 = arith.cmpi slt, %add3A_180, %lt3A_181 : i32
      %convert_element_type3A_183 = arith.extui %lt3A_182 : i1 to i32
      %cond3A_184 = arith.constant 0 : i32
      %cond3A_185 = arith.cmpi ne, %convert_element_type3A_183, %cond3A_184 : i32
      scf.if %cond3A_185 {
        %add3A_244 = arith.constant 1 : i32
        %add3A_245 = arith.addi %add3A_145, %add3A_244 : i32
        %mul3A_246 = arith.constant 128 : i32
        %mul3A_247 = arith.muli %add3A_245, %mul3A_246 : i32
        %add3A_248 = arith.addi %mul3A_2, %mul3A_247 : i32
        %dma_wait3A_249 = tpu.memref_slice %arg3[%add3A_248] : memref<327680xi32, #tpu.memory_space<hbm>> -> memref<128xi32, #tpu.memory_space<hbm>>
        %dma_wait3A_250 = tpu.memref_slice %arg3[%add3A_248] : memref<327680xi32, #tpu.memory_space<hbm>> -> memref<128xi32, #tpu.memory_space<hbm>>
        tpu.wait_dma2 semaphore(%arg18 : memref<!tpu.dma_semaphore, #tpu.memory_space<semaphore_mem>>) src(%dma_wait3A_250 : memref<128xi32, #tpu.memory_space<hbm>>) dst(%arg9 : memref<128xi32, #tpu.memory_space<vmem>>)
      } else {
      }
      %add3A_186 = arith.constant 1 : i32
      %add3A_187 = arith.addi %add3A_145, %add3A_186 : i32
      %lt3A_188 = arith.constant 80 : i32
      %lt3A_189 = arith.cmpi slt, %add3A_187, %lt3A_188 : i32
      %convert_element_type3A_190 = arith.extui %lt3A_189 : i1 to i32
      %cond3A_191 = arith.constant 0 : i32
      %cond3A_192 = arith.cmpi ne, %convert_element_type3A_190, %cond3A_191 : i32
      scf.if %cond3A_192 {
        %add3A_244 = arith.constant 1 : i32
        %add3A_245 = arith.addi %add3A_145, %add3A_244 : i32
        %dma_start3A_246 = arith.constant 0 : i32
        %dma_start3A_247 = arith.constant 0 : i32
        %dma_start3A_248 = tpu.memref_slice %arg2[%dma_start3A_246, %dma_start3A_247] : memref<10000x128xf32, #tpu.memory_space<hbm>> -> memref<10000x128xf32, #tpu.memory_space<hbm>>
        tpu.enqueue_indirect_dma source(%dma_start3A_248 : memref<10000x128xf32, #tpu.memory_space<hbm>>) target(%arg15 : memref<128x128xf32, #tpu.memory_space<vmem>>) offsets(%arg9 : memref<128xi32, #tpu.memory_space<vmem>>) semaphore(%arg24 : memref<!tpu.dma_semaphore, #tpu.memory_space<semaphore_mem>>)
      } else {
      }
      %mul3A_193 = arith.constant 3 : i32
      %mul3A_194 = arith.muli %mul3A_193, %add3A_95 : i32
      %add3A_195 = arith.constant 2 : i32
      %add3A_196 = arith.addi %mul3A_194, %add3A_195 : i32
      %dma_wait3A_197 = arith.constant 0 : i32
      %dma_wait3A_198 = arith.constant 0 : i32
      %dma_wait3A_199 = tpu.memref_slice %arg2[%dma_wait3A_197, %dma_wait3A_198] : memref<10000x128xf32, #tpu.memory_space<hbm>> -> memref<10000x128xf32, #tpu.memory_space<hbm>>
      tpu.wait_indirect_dma semaphore(%arg24 : memref<!tpu.dma_semaphore, #tpu.memory_space<semaphore_mem>>) src(%dma_wait3A_199 : memref<10000x128xf32, #tpu.memory_space<hbm>>) dst(%arg15 : memref<128x128xf32, #tpu.memory_space<vmem>>)
      %ge3A_200 = arith.constant 2 : i32
      %ge3A_201 = arith.cmpi sge, %add3A_196, %ge3A_200 : i32
      %convert_element_type3A_202 = arith.extui %ge3A_201 : i1 to i32
      %cond3A_203 = arith.constant 0 : i32
      %cond3A_204 = arith.cmpi ne, %convert_element_type3A_202, %cond3A_203 : i32
      scf.if %cond3A_204 {
        %sub3A = arith.constant 2 : i32
        %sub3A_244 = arith.subi %add3A_196, %sub3A : i32
        %dma_wait3A_245 = arith.constant 0 : i32
        %dma_wait3A_246 = arith.constant 0 : i32
        %dma_wait3A_247 = tpu.memref_slice %arg28[%dma_wait3A_245, %dma_wait3A_246] : memref<10032x128xf32, #tpu.memory_space<vmem_shared>> -> memref<10032x128xf32, #tpu.memory_space<vmem_shared>>
        tpu.wait_indirect_dma semaphore(%arg25 : memref<!tpu.dma_semaphore, #tpu.memory_space<semaphore_mem>>) src(%arg13 : memref<128x128xf32, #tpu.memory_space<vmem>>) dst(%dma_wait3A_247 : memref<10032x128xf32, #tpu.memory_space<vmem_shared>>)
      } else {
      }
      %ge3A_205 = arith.constant 2 : i32
      %ge3A_206 = arith.cmpi sge, %add3A_196, %ge3A_205 : i32
      %add3A_207 = arith.constant 1 : i32
      %add3A_208 = arith.addi %add3A_196, %add3A_207 : i32
      %lt3A_209 = arith.constant 80 : i32
      %lt3A_210 = arith.cmpi slt, %add3A_208, %lt3A_209 : i32
      %and3A_211 = arith.andi %ge3A_206, %lt3A_210 : i1
      %convert_element_type3A_212 = arith.extui %and3A_211 : i1 to i32
      %cond3A_213 = arith.constant 0 : i32
      %cond3A_214 = arith.cmpi ne, %convert_element_type3A_212, %cond3A_213 : i32
      scf.if %cond3A_214 {
        %add3A_244 = arith.constant 1 : i32
        %add3A_245 = arith.addi %add3A_196, %add3A_244 : i32
        %mul3A_246 = arith.constant 128 : i32
        %mul3A_247 = arith.muli %add3A_245, %mul3A_246 : i32
        %add3A_248 = arith.addi %mul3A_2, %mul3A_247 : i32
        %dma_start3A_249 = tpu.memref_slice %arg4[%add3A_248] : memref<327680xi32, #tpu.memory_space<hbm>> -> memref<128xi32, #tpu.memory_space<hbm>>
        %dma_start3A_250 = tpu.memref_slice %arg4[%add3A_248] : memref<327680xi32, #tpu.memory_space<hbm>> -> memref<128xi32, #tpu.memory_space<hbm>>
        tpu.enqueue_dma source(%dma_start3A_250 : memref<128xi32, #tpu.memory_space<hbm>>) target(%arg10 : memref<128xi32, #tpu.memory_space<vmem>>) target_semaphore(%arg19 : memref<!tpu.dma_semaphore, #tpu.memory_space<semaphore_mem>>)
      } else {
      }
      %mul3A_215 = arith.constant 128 : i32
      %mul3A_216 = arith.muli %add3A_196, %mul3A_215 : i32
      %add3A_217 = arith.addi %mul3A_2, %mul3A_216 : i32
      %dma_wait3A_218 = tpu.memref_slice %arg4[%add3A_217] : memref<327680xi32, #tpu.memory_space<hbm>> -> memref<128xi32, #tpu.memory_space<hbm>>
      %dma_wait3A_219 = tpu.memref_slice %arg4[%add3A_217] : memref<327680xi32, #tpu.memory_space<hbm>> -> memref<128xi32, #tpu.memory_space<hbm>>
      tpu.wait_dma2 semaphore(%arg21 : memref<!tpu.dma_semaphore, #tpu.memory_space<semaphore_mem>>) src(%dma_wait3A_219 : memref<128xi32, #tpu.memory_space<hbm>>) dst(%arg12 : memref<128xi32, #tpu.memory_space<vmem>>)
      %dma_start3A_220 = arith.constant 0 : i32
      %dma_start3A_221 = arith.constant 0 : i32
      %dma_start3A_222 = tpu.memref_slice %arg28[%dma_start3A_220, %dma_start3A_221] : memref<10032x128xf32, #tpu.memory_space<vmem_shared>> -> memref<10032x128xf32, #tpu.memory_space<vmem_shared>>
      tpu.enqueue_indirect_dma source(%arg15 : memref<128x128xf32, #tpu.memory_space<vmem>>) target(%dma_start3A_222 : memref<10032x128xf32, #tpu.memory_space<vmem_shared>>) offsets(%arg12 : memref<128xi32, #tpu.memory_space<vmem>>) semaphore(%arg27 : memref<!tpu.dma_semaphore, #tpu.memory_space<semaphore_mem>>) {add = true}
      %add3A_223 = arith.constant 3 : i32
      %add3A_224 = arith.addi %add3A_196, %add3A_223 : i32
      %lt3A_225 = arith.constant 80 : i32
      %lt3A_226 = arith.cmpi slt, %add3A_224, %lt3A_225 : i32
      %convert_element_type3A_227 = arith.extui %lt3A_226 : i1 to i32
      %cond3A_228 = arith.constant 0 : i32
      %cond3A_229 = arith.cmpi ne, %convert_element_type3A_227, %cond3A_228 : i32
      scf.if %cond3A_229 {
        %add3A_244 = arith.constant 3 : i32
        %add3A_245 = arith.addi %add3A_196, %add3A_244 : i32
        %mul3A_246 = arith.constant 128 : i32
        %mul3A_247 = arith.muli %add3A_245, %mul3A_246 : i32
        %add3A_248 = arith.addi %mul3A_2, %mul3A_247 : i32
        %dma_start3A_249 = tpu.memref_slice %arg3[%add3A_248] : memref<327680xi32, #tpu.memory_space<hbm>> -> memref<128xi32, #tpu.memory_space<hbm>>
        %dma_start3A_250 = tpu.memref_slice %arg3[%add3A_248] : memref<327680xi32, #tpu.memory_space<hbm>> -> memref<128xi32, #tpu.memory_space<hbm>>
        tpu.enqueue_dma source(%dma_start3A_250 : memref<128xi32, #tpu.memory_space<hbm>>) target(%arg9 : memref<128xi32, #tpu.memory_space<vmem>>) target_semaphore(%arg18 : memref<!tpu.dma_semaphore, #tpu.memory_space<semaphore_mem>>)
      } else {
      }
      %add3A_230 = arith.constant 1 : i32
      %add3A_231 = arith.addi %add3A_196, %add3A_230 : i32
      %lt3A_232 = arith.constant 80 : i32
      %lt3A_233 = arith.cmpi slt, %add3A_231, %lt3A_232 : i32
      %convert_element_type3A_234 = arith.extui %lt3A_233 : i1 to i32
      %cond3A_235 = arith.constant 0 : i32
      %cond3A_236 = arith.cmpi ne, %convert_element_type3A_234, %cond3A_235 : i32
      scf.if %cond3A_236 {
        %add3A_244 = arith.constant 1 : i32
        %add3A_245 = arith.addi %add3A_196, %add3A_244 : i32
        %mul3A_246 = arith.constant 128 : i32
        %mul3A_247 = arith.muli %add3A_245, %mul3A_246 : i32
        %add3A_248 = arith.addi %mul3A_2, %mul3A_247 : i32
        %dma_wait3A_249 = tpu.memref_slice %arg3[%add3A_248] : memref<327680xi32, #tpu.memory_space<hbm>> -> memref<128xi32, #tpu.memory_space<hbm>>
        %dma_wait3A_250 = tpu.memref_slice %arg3[%add3A_248] : memref<327680xi32, #tpu.memory_space<hbm>> -> memref<128xi32, #tpu.memory_space<hbm>>
        tpu.wait_dma2 semaphore(%arg16 : memref<!tpu.dma_semaphore, #tpu.memory_space<semaphore_mem>>) src(%dma_wait3A_250 : memref<128xi32, #tpu.memory_space<hbm>>) dst(%arg7 : memref<128xi32, #tpu.memory_space<vmem>>)
      } else {
      }
      %add3A_237 = arith.constant 1 : i32
      %add3A_238 = arith.addi %add3A_196, %add3A_237 : i32
      %lt3A_239 = arith.constant 80 : i32
      %lt3A_240 = arith.cmpi slt, %add3A_238, %lt3A_239 : i32
      %convert_element_type3A_241 = arith.extui %lt3A_240 : i1 to i32
      %cond3A_242 = arith.constant 0 : i32
      %cond3A_243 = arith.cmpi ne, %convert_element_type3A_241, %cond3A_242 : i32
      scf.if %cond3A_243 {
        %add3A_244 = arith.constant 1 : i32
        %add3A_245 = arith.addi %add3A_196, %add3A_244 : i32
        %dma_start3A_246 = arith.constant 0 : i32
        %dma_start3A_247 = arith.constant 0 : i32
        %dma_start3A_248 = tpu.memref_slice %arg2[%dma_start3A_246, %dma_start3A_247] : memref<10000x128xf32, #tpu.memory_space<hbm>> -> memref<10000x128xf32, #tpu.memory_space<hbm>>
        tpu.enqueue_indirect_dma source(%dma_start3A_248 : memref<10000x128xf32, #tpu.memory_space<hbm>>) target(%arg13 : memref<128x128xf32, #tpu.memory_space<vmem>>) offsets(%arg7 : memref<128xi32, #tpu.memory_space<vmem>>) semaphore(%arg22 : memref<!tpu.dma_semaphore, #tpu.memory_space<semaphore_mem>>)
      } else {
      }
    }
    %scan3A_39 = arith.constant 26 : i32
    %dma_wait3A_40 = arith.constant 0 : i32
    %dma_wait3A_41 = arith.constant 0 : i32
    %dma_wait3A_42 = tpu.memref_slice %arg2[%dma_wait3A_40, %dma_wait3A_41] : memref<10000x128xf32, #tpu.memory_space<hbm>> -> memref<10000x128xf32, #tpu.memory_space<hbm>>
    tpu.wait_indirect_dma semaphore(%arg22 : memref<!tpu.dma_semaphore, #tpu.memory_space<semaphore_mem>>) src(%dma_wait3A_42 : memref<10000x128xf32, #tpu.memory_space<hbm>>) dst(%arg13 : memref<128x128xf32, #tpu.memory_space<vmem>>)
    %dma_wait3A_43 = arith.constant 0 : i32
    %dma_wait3A_44 = arith.constant 0 : i32
    %dma_wait3A_45 = tpu.memref_slice %arg28[%dma_wait3A_43, %dma_wait3A_44] : memref<10032x128xf32, #tpu.memory_space<vmem_shared>> -> memref<10032x128xf32, #tpu.memory_space<vmem_shared>>
    tpu.wait_indirect_dma semaphore(%arg26 : memref<!tpu.dma_semaphore, #tpu.memory_space<semaphore_mem>>) src(%arg14 : memref<128x128xf32, #tpu.memory_space<vmem>>) dst(%dma_wait3A_45 : memref<10032x128xf32, #tpu.memory_space<vmem_shared>>)
    %add3A_46 = arith.constant 10112 : i32
    %add3A_47 = arith.addi %mul3A_2, %add3A_46 : i32
    %dma_start3A_48 = tpu.memref_slice %arg4[%add3A_47] : memref<327680xi32, #tpu.memory_space<hbm>> -> memref<128xi32, #tpu.memory_space<hbm>>
    %dma_start3A_49 = tpu.memref_slice %arg4[%add3A_47] : memref<327680xi32, #tpu.memory_space<hbm>> -> memref<128xi32, #tpu.memory_space<hbm>>
    tpu.enqueue_dma source(%dma_start3A_49 : memref<128xi32, #tpu.memory_space<hbm>>) target(%arg11 : memref<128xi32, #tpu.memory_space<vmem>>) target_semaphore(%arg20 : memref<!tpu.dma_semaphore, #tpu.memory_space<semaphore_mem>>)
    %add3A_50 = arith.constant 9984 : i32
    %add3A_51 = arith.addi %mul3A_2, %add3A_50 : i32
    %dma_wait3A_52 = tpu.memref_slice %arg4[%add3A_51] : memref<327680xi32, #tpu.memory_space<hbm>> -> memref<128xi32, #tpu.memory_space<hbm>>
    %dma_wait3A_53 = tpu.memref_slice %arg4[%add3A_51] : memref<327680xi32, #tpu.memory_space<hbm>> -> memref<128xi32, #tpu.memory_space<hbm>>
    tpu.wait_dma2 semaphore(%arg19 : memref<!tpu.dma_semaphore, #tpu.memory_space<semaphore_mem>>) src(%dma_wait3A_53 : memref<128xi32, #tpu.memory_space<hbm>>) dst(%arg10 : memref<128xi32, #tpu.memory_space<vmem>>)
    %dma_start3A_54 = arith.constant 0 : i32
    %dma_start3A_55 = arith.constant 0 : i32
    %dma_start3A_56 = tpu.memref_slice %arg28[%dma_start3A_54, %dma_start3A_55] : memref<10032x128xf32, #tpu.memory_space<vmem_shared>> -> memref<10032x128xf32, #tpu.memory_space<vmem_shared>>
    tpu.enqueue_indirect_dma source(%arg13 : memref<128x128xf32, #tpu.memory_space<vmem>>) target(%dma_start3A_56 : memref<10032x128xf32, #tpu.memory_space<vmem_shared>>) offsets(%arg10 : memref<128xi32, #tpu.memory_space<vmem>>) semaphore(%arg25 : memref<!tpu.dma_semaphore, #tpu.memory_space<semaphore_mem>>) {add = true}
    %add3A_57 = arith.constant 10112 : i32
    %add3A_58 = arith.addi %mul3A_2, %add3A_57 : i32
    %dma_wait3A_59 = tpu.memref_slice %arg3[%add3A_58] : memref<327680xi32, #tpu.memory_space<hbm>> -> memref<128xi32, #tpu.memory_space<hbm>>
    %dma_wait3A_60 = tpu.memref_slice %arg3[%add3A_58] : memref<327680xi32, #tpu.memory_space<hbm>> -> memref<128xi32, #tpu.memory_space<hbm>>
    tpu.wait_dma2 semaphore(%arg17 : memref<!tpu.dma_semaphore, #tpu.memory_space<semaphore_mem>>) src(%dma_wait3A_60 : memref<128xi32, #tpu.memory_space<hbm>>) dst(%arg8 : memref<128xi32, #tpu.memory_space<vmem>>)
    %dma_start3A_61 = arith.constant 0 : i32
    %dma_start3A_62 = arith.constant 0 : i32
    %dma_start3A_63 = tpu.memref_slice %arg2[%dma_start3A_61, %dma_start3A_62] : memref<10000x128xf32, #tpu.memory_space<hbm>> -> memref<10000x128xf32, #tpu.memory_space<hbm>>
    tpu.enqueue_indirect_dma source(%dma_start3A_63 : memref<10000x128xf32, #tpu.memory_space<hbm>>) target(%arg14 : memref<128x128xf32, #tpu.memory_space<vmem>>) offsets(%arg8 : memref<128xi32, #tpu.memory_space<vmem>>) semaphore(%arg23 : memref<!tpu.dma_semaphore, #tpu.memory_space<semaphore_mem>>)
    %dma_wait3A_64 = arith.constant 0 : i32
    %dma_wait3A_65 = arith.constant 0 : i32
    %dma_wait3A_66 = tpu.memref_slice %arg2[%dma_wait3A_64, %dma_wait3A_65] : memref<10000x128xf32, #tpu.memory_space<hbm>> -> memref<10000x128xf32, #tpu.memory_space<hbm>>
    tpu.wait_indirect_dma semaphore(%arg23 : memref<!tpu.dma_semaphore, #tpu.memory_space<semaphore_mem>>) src(%dma_wait3A_66 : memref<10000x128xf32, #tpu.memory_space<hbm>>) dst(%arg14 : memref<128x128xf32, #tpu.memory_space<vmem>>)
    %dma_wait3A_67 = arith.constant 0 : i32
    %dma_wait3A_68 = arith.constant 0 : i32
    %dma_wait3A_69 = tpu.memref_slice %arg28[%dma_wait3A_67, %dma_wait3A_68] : memref<10032x128xf32, #tpu.memory_space<vmem_shared>> -> memref<10032x128xf32, #tpu.memory_space<vmem_shared>>
    tpu.wait_indirect_dma semaphore(%arg27 : memref<!tpu.dma_semaphore, #tpu.memory_space<semaphore_mem>>) src(%arg15 : memref<128x128xf32, #tpu.memory_space<vmem>>) dst(%dma_wait3A_69 : memref<10032x128xf32, #tpu.memory_space<vmem_shared>>)
    %add3A_70 = arith.constant 10112 : i32
    %add3A_71 = arith.addi %mul3A_2, %add3A_70 : i32
    %dma_wait3A_72 = tpu.memref_slice %arg4[%add3A_71] : memref<327680xi32, #tpu.memory_space<hbm>> -> memref<128xi32, #tpu.memory_space<hbm>>
    %dma_wait3A_73 = tpu.memref_slice %arg4[%add3A_71] : memref<327680xi32, #tpu.memory_space<hbm>> -> memref<128xi32, #tpu.memory_space<hbm>>
    tpu.wait_dma2 semaphore(%arg20 : memref<!tpu.dma_semaphore, #tpu.memory_space<semaphore_mem>>) src(%dma_wait3A_73 : memref<128xi32, #tpu.memory_space<hbm>>) dst(%arg11 : memref<128xi32, #tpu.memory_space<vmem>>)
    %dma_start3A_74 = arith.constant 0 : i32
    %dma_start3A_75 = arith.constant 0 : i32
    %dma_start3A_76 = tpu.memref_slice %arg28[%dma_start3A_74, %dma_start3A_75] : memref<10032x128xf32, #tpu.memory_space<vmem_shared>> -> memref<10032x128xf32, #tpu.memory_space<vmem_shared>>
    tpu.enqueue_indirect_dma source(%arg14 : memref<128x128xf32, #tpu.memory_space<vmem>>) target(%dma_start3A_76 : memref<10032x128xf32, #tpu.memory_space<vmem_shared>>) offsets(%arg11 : memref<128xi32, #tpu.memory_space<vmem>>) semaphore(%arg26 : memref<!tpu.dma_semaphore, #tpu.memory_space<semaphore_mem>>) {add = true}
    %dma_wait3A_77 = arith.constant 0 : i32
    %dma_wait3A_78 = arith.constant 0 : i32
    %dma_wait3A_79 = tpu.memref_slice %arg28[%dma_wait3A_77, %dma_wait3A_78] : memref<10032x128xf32, #tpu.memory_space<vmem_shared>> -> memref<10032x128xf32, #tpu.memory_space<vmem_shared>>
    tpu.wait_indirect_dma semaphore(%arg25 : memref<!tpu.dma_semaphore, #tpu.memory_space<semaphore_mem>>) src(%arg13 : memref<128x128xf32, #tpu.memory_space<vmem>>) dst(%dma_wait3A_79 : memref<10032x128xf32, #tpu.memory_space<vmem_shared>>)
    %dma_wait3A_80 = arith.constant 0 : i32
    %dma_wait3A_81 = arith.constant 0 : i32
    %dma_wait3A_82 = tpu.memref_slice %arg28[%dma_wait3A_80, %dma_wait3A_81] : memref<10032x128xf32, #tpu.memory_space<vmem_shared>> -> memref<10032x128xf32, #tpu.memory_space<vmem_shared>>
    tpu.wait_indirect_dma semaphore(%arg26 : memref<!tpu.dma_semaphore, #tpu.memory_space<semaphore_mem>>) src(%arg14 : memref<128x128xf32, #tpu.memory_space<vmem>>) dst(%dma_wait3A_82 : memref<10032x128xf32, #tpu.memory_space<vmem_shared>>)
    %barrier3A_83 = arith.constant 0 : index
    tpu.barrier barrier_id(%barrier3A_83)
    %mul3A_84 = arith.constant 624 : i32
    %mul3A_85 = arith.muli %arg1, %mul3A_84 : i32
    "tpu.region"() ({
      %run_scoped3A = tpu.sem_alloc : memref<!tpu.dma_semaphore, #tpu.memory_space<semaphore_mem>>
      %dma_start3A_91 = arith.constant 0 : i32
      %dma_start3A_92 = arith.constant 0 : i32
      %dma_start3A_93 = tpu.memref_slice %arg6[%arg0, %dma_start3A_91, %dma_start3A_92] : memref<2x10000x128xf32, #tpu.memory_space<hbm>> -> memref<1x10000x128xf32, #tpu.memory_space<hbm>>
      %dma_start3A_94 = tpu.memref_squeeze %dma_start3A_93 : memref<1x10000x128xf32, #tpu.memory_space<hbm>> -> memref<10000x128xf32, #tpu.memory_space<hbm>>
      %dma_start3A_95 = arith.constant 0 : i32
      %dma_start3A_96 = tpu.memref_slice %dma_start3A_94[%mul3A_85, %dma_start3A_95] : memref<10000x128xf32, #tpu.memory_space<hbm>> -> memref<624x128xf32, #tpu.memory_space<hbm>>
      %dma_start3A_97 = arith.constant 0 : i32
      %dma_start3A_98 = tpu.memref_slice %arg28[%mul3A_85, %dma_start3A_97] : memref<10032x128xf32, #tpu.memory_space<vmem_shared>> -> memref<624x128xf32, #tpu.memory_space<vmem_shared>>
      tpu.enqueue_dma source(%dma_start3A_98 : memref<624x128xf32, #tpu.memory_space<vmem_shared>>) target(%dma_start3A_96 : memref<624x128xf32, #tpu.memory_space<hbm>>) target_semaphore(%run_scoped3A : memref<!tpu.dma_semaphore, #tpu.memory_space<semaphore_mem>>)
      %dma_wait3A_99 = arith.constant 0 : i32
      %dma_wait3A_100 = arith.constant 0 : i32
      %dma_wait3A_101 = tpu.memref_slice %arg6[%arg0, %dma_wait3A_99, %dma_wait3A_100] : memref<2x10000x128xf32, #tpu.memory_space<hbm>> -> memref<1x10000x128xf32, #tpu.memory_space<hbm>>
      %dma_wait3A_102 = tpu.memref_squeeze %dma_wait3A_101 : memref<1x10000x128xf32, #tpu.memory_space<hbm>> -> memref<10000x128xf32, #tpu.memory_space<hbm>>
      %dma_wait3A_103 = arith.constant 0 : i32
      %dma_wait3A_104 = tpu.memref_slice %dma_wait3A_102[%mul3A_85, %dma_wait3A_103] : memref<10000x128xf32, #tpu.memory_space<hbm>> -> memref<624x128xf32, #tpu.memory_space<hbm>>
      %dma_wait3A_105 = arith.constant 0 : i32
      %dma_wait3A_106 = tpu.memref_slice %arg28[%mul3A_85, %dma_wait3A_105] : memref<10032x128xf32, #tpu.memory_space<vmem_shared>> -> memref<624x128xf32, #tpu.memory_space<vmem_shared>>
      tpu.wait_dma2 semaphore(%run_scoped3A : memref<!tpu.dma_semaphore, #tpu.memory_space<semaphore_mem>>) src(%dma_wait3A_106 : memref<624x128xf32, #tpu.memory_space<vmem_shared>>) dst(%dma_wait3A_104 : memref<624x128xf32, #tpu.memory_space<hbm>>)
      tpu.yield
    }) : () -> ()
    %eq3A_86 = arith.constant 0 : i32
    %eq3A_87 = arith.cmpi eq, %arg1, %eq3A_86 : i32
    %convert_element_type3A_88 = arith.extui %eq3A_87 : i1 to i32
    %cond3A_89 = arith.constant 0 : i32
    %cond3A_90 = arith.cmpi ne, %convert_element_type3A_88, %cond3A_89 : i32
    scf.if %cond3A_90 {
      "tpu.region"() ({
        %run_scoped3A = tpu.sem_alloc : memref<!tpu.dma_semaphore, #tpu.memory_space<semaphore_mem>>
        %dma_start3A_91 = arith.constant 0 : i32
        %dma_start3A_92 = arith.constant 0 : i32
        %dma_start3A_93 = tpu.memref_slice %arg6[%arg0, %dma_start3A_91, %dma_start3A_92] : memref<2x10000x128xf32, #tpu.memory_space<hbm>> -> memref<1x10000x128xf32, #tpu.memory_space<hbm>>
        %dma_start3A_94 = tpu.memref_squeeze %dma_start3A_93 : memref<1x10000x128xf32, #tpu.memory_space<hbm>> -> memref<10000x128xf32, #tpu.memory_space<hbm>>
        %dma_start3A_95 = arith.constant 9984 : i32
        %dma_start3A_96 = arith.constant 0 : i32
        %dma_start3A_97 = tpu.memref_slice %dma_start3A_94[%dma_start3A_95, %dma_start3A_96] : memref<10000x128xf32, #tpu.memory_space<hbm>> -> memref<16x128xf32, #tpu.memory_space<hbm>>
        %dma_start3A_98 = arith.constant 9984 : i32
        %dma_start3A_99 = arith.constant 0 : i32
        %dma_start3A_100 = tpu.memref_slice %arg28[%dma_start3A_98, %dma_start3A_99] : memref<10032x128xf32, #tpu.memory_space<vmem_shared>> -> memref<16x128xf32, #tpu.memory_space<vmem_shared>>
        tpu.enqueue_dma source(%dma_start3A_100 : memref<16x128xf32, #tpu.memory_space<vmem_shared>>) target(%dma_start3A_97 : memref<16x128xf32, #tpu.memory_space<hbm>>) target_semaphore(%run_scoped3A : memref<!tpu.dma_semaphore, #tpu.memory_space<semaphore_mem>>)
        %dma_wait3A_101 = arith.constant 0 : i32
        %dma_wait3A_102 = arith.constant 0 : i32
        %dma_wait3A_103 = tpu.memref_slice %arg6[%arg0, %dma_wait3A_101, %dma_wait3A_102] : memref<2x10000x128xf32, #tpu.memory_space<hbm>> -> memref<1x10000x128xf32, #tpu.memory_space<hbm>>
        %dma_wait3A_104 = tpu.memref_squeeze %dma_wait3A_103 : memref<1x10000x128xf32, #tpu.memory_space<hbm>> -> memref<10000x128xf32, #tpu.memory_space<hbm>>
        %dma_wait3A_105 = arith.constant 9984 : i32
        %dma_wait3A_106 = arith.constant 0 : i32
        %dma_wait3A_107 = tpu.memref_slice %dma_wait3A_104[%dma_wait3A_105, %dma_wait3A_106] : memref<10000x128xf32, #tpu.memory_space<hbm>> -> memref<16x128xf32, #tpu.memory_space<hbm>>
        %dma_wait3A_108 = arith.constant 9984 : i32
        %dma_wait3A_109 = arith.constant 0 : i32
        %dma_wait3A_110 = tpu.memref_slice %arg28[%dma_wait3A_108, %dma_wait3A_109] : memref<10032x128xf32, #tpu.memory_space<vmem_shared>> -> memref<16x128xf32, #tpu.memory_space<vmem_shared>>
        tpu.wait_dma2 semaphore(%run_scoped3A : memref<!tpu.dma_semaphore, #tpu.memory_space<semaphore_mem>>) src(%dma_wait3A_110 : memref<16x128xf32, #tpu.memory_space<vmem_shared>>) dst(%dma_wait3A_107 : memref<16x128xf32, #tpu.memory_space<hbm>>)
        tpu.yield
      }) : () -> ()
    } else {
    }
    return
  }
}

module attributes {stable_mosaic.version = 14 : i64} {
  func.func @_in_proj_body(%arg0: i32, %arg1: memref<1000x128xf32, #tpu.memory_space<vmem>>, %arg2: memref<128x128xf32, #tpu.memory_space<vmem>>, %arg3: memref<1x128xf32, #tpu.memory_space<vmem>>, %arg4: memref<1000x128xf32, #tpu.memory_space<vmem>>) attributes {dimension_semantics = [#tpu.dimension_semantics<arbitrary>], iteration_bounds = array<i64: 10>, scalar_prefetch = 0 : i64, scratch_operands = 0 : i64, tpu.core_type = #tpu.core_type<tc>, window_params = [{transform_indices = @transform_0, window_bounds = array<i64: 1000, 128>}, {pipeline_mode = #tpu.pipeline_mode<synchronous>, transform_indices = @transform_1, window_bounds = array<i64: 128, 128>}, {pipeline_mode = #tpu.pipeline_mode<synchronous>, transform_indices = @transform_2, window_bounds = array<i64: 1, 128>}, {transform_indices = @transform_3, window_bounds = array<i64: 1000, 128>}]} {
    %get3A = arith.constant 0 : index
    %get3A_0 = arith.constant 0 : index
    %get3A_1 = vector.load %arg1[%get3A, %get3A_0] : memref<1000x128xf32, #tpu.memory_space<vmem>>, vector<1000x128xf32>
    %get3A_2 = arith.constant 0 : index
    %get3A_3 = arith.constant 0 : index
    %get3A_4 = vector.load %arg2[%get3A_2, %get3A_3] : memref<128x128xf32, #tpu.memory_space<vmem>>, vector<128x128xf32>
    %dot_general3A = arith.constant dense<0.000000e+00> : vector<1000x128xf32>
    %dot_general3A_5 = tpu.matmul %get3A_1, %get3A_4, %dot_general3A {dimension_numbers = #tpu.dot_dimension_numbers<[1], [0], [0], [1], [0, 0, 1, 1], [], []>, precision = #tpu.contract_precision<fp32>, transpose_lhs_hint = false} : vector<1000x128xf32>, vector<128x128xf32>, vector<1000x128xf32> -> vector<1000x128xf32>
    %get3A_6 = arith.constant 0 : index
    %get3A_7 = arith.constant 0 : index
    %get3A_8 = vector.load %arg3[%get3A_6, %get3A_7] : memref<1x128xf32, #tpu.memory_space<vmem>>, vector<1x128xf32>
    %add3A = vector.broadcast %get3A_8 : vector<1x128xf32> to vector<1000x128xf32>
    %add3A_9 = arith.addf %dot_general3A_5, %add3A : vector<1000x128xf32>
    %swap3A = arith.constant 0 : index
    %swap3A_10 = arith.constant 0 : index
    %swap3A_11 = vector.load %arg4[%swap3A, %swap3A_10] : memref<1000x128xf32, #tpu.memory_space<vmem>>, vector<1000x128xf32>
    tpu.vector_store %arg4[%swap3A, %swap3A_10], %add3A_9 {strides = array<i32>} : memref<1000x128xf32, #tpu.memory_space<vmem>>, vector<1000x128xf32>,
    return
  }
  func.func @transform_0(%arg0: i32) -> (i32, i32) {
    %c0_i32 = arith.constant 0 : i32
    %c0_i32_0 = arith.constant 0 : i32
    return %arg0, %c0_i32 : i32, i32
  }
  func.func @transform_1(%arg0: i32) -> (i32, i32) {
    %c0_i32 = arith.constant 0 : i32
    %c0_i32_0 = arith.constant 0 : i32
    %c0_i32_1 = arith.constant 0 : i32
    return %c0_i32, %c0_i32_0 : i32, i32
  }
  func.func @transform_2(%arg0: i32) -> (i32, i32) {
    %c0_i32 = arith.constant 0 : i32
    %c0_i32_0 = arith.constant 0 : i32
    %c0_i32_1 = arith.constant 0 : i32
    return %c0_i32, %c0_i32_0 : i32, i32
  }
  func.func @transform_3(%arg0: i32) -> (i32, i32) {
    %c0_i32 = arith.constant 0 : i32
    %c0_i32_0 = arith.constant 0 : i32
    return %arg0, %c0_i32 : i32, i32
  }
}

module attributes {stable_mosaic.version = 14 : i64} {
  func.func @_mix_body(%arg0: i32, %arg1: memref<2x1000x128xf32, #tpu.memory_space<vmem>>, %arg2: memref<2x1000x128xf32, #tpu.memory_space<vmem>>, %arg3: memref<1000x128xf32, #tpu.memory_space<vmem>>, %arg4: memref<128x128xf32, #tpu.memory_space<vmem>>, %arg5: memref<128x128xf32, #tpu.memory_space<vmem>>, %arg6: memref<1x128xf32, #tpu.memory_space<vmem>>, %arg7: memref<1000x128xf32, #tpu.memory_space<vmem>>, %arg8: memref<2x128xf32, #tpu.memory_space<vmem>>) attributes {dimension_semantics = [#tpu.dimension_semantics<arbitrary>], iteration_bounds = array<i64: 10>, scalar_prefetch = 0 : i64, scratch_operands = 0 : i64, tpu.core_type = #tpu.core_type<tc>, window_params = [{transform_indices = @transform_0, window_bounds = array<i64: 2, 1000, 128>}, {transform_indices = @transform_1, window_bounds = array<i64: 2, 1000, 128>}, {transform_indices = @transform_2, window_bounds = array<i64: 1000, 128>}, {pipeline_mode = #tpu.pipeline_mode<synchronous>, transform_indices = @transform_3, window_bounds = array<i64: 128, 128>}, {pipeline_mode = #tpu.pipeline_mode<synchronous>, transform_indices = @transform_4, window_bounds = array<i64: 128, 128>}, {pipeline_mode = #tpu.pipeline_mode<synchronous>, transform_indices = @transform_5, window_bounds = array<i64: 1, 128>}, {transform_indices = @transform_6, window_bounds = array<i64: 1000, 128>}, {pipeline_mode = #tpu.pipeline_mode<synchronous>, transform_indices = @transform_7, window_bounds = array<i64: 2, 128>}]} {
    %get3A = arith.constant 0 : index
    %get3A_0 = arith.constant 0 : index
    %get3A_1 = arith.constant 0 : index
    %get3A_2 = vector.load %arg2[%get3A, %get3A_0, %get3A_1] : memref<2x1000x128xf32, #tpu.memory_space<vmem>>, vector<1x1000x1xf32>
    %get3A_3 = vector.shape_cast %get3A_2 : vector<1x1000x1xf32> to vector<1000x1xf32>
    %get3A_4 = arith.constant 1 : index
    %get3A_5 = arith.constant 0 : index
    %get3A_6 = arith.constant 0 : index
    %get3A_7 = vector.load %arg2[%get3A_4, %get3A_5, %get3A_6] : memref<2x1000x128xf32, #tpu.memory_space<vmem>>, vector<1x1000x1xf32>
    %get3A_8 = vector.shape_cast %get3A_7 : vector<1x1000x1xf32> to vector<1000x1xf32>
    %add3A = arith.addf %get3A_3, %get3A_8 : vector<1000x1xf32>
    %max3A = arith.constant 1.000000e+00 : f32
    %max3A_9 = vector.broadcast %max3A : f32 to vector<1000x1xf32>
    %max3A_10 = arith.maximumf %add3A, %max3A_9 : vector<1000x1xf32>
    %div3A = arith.constant 1.000000e+00 : f32
    %div3A_11 = vector.broadcast %div3A : f32 to vector<1000x1xf32>
    %div3A_12 = arith.divf %div3A_11, %max3A_10 : vector<1000x1xf32>
    %get3A_13 = arith.constant 0 : index
    %get3A_14 = arith.constant 0 : index
    %get3A_15 = arith.constant 0 : index
    %get3A_16 = vector.load %arg1[%get3A_13, %get3A_14, %get3A_15] : memref<2x1000x128xf32, #tpu.memory_space<vmem>>, vector<1x1000x128xf32>
    %get3A_17 = vector.shape_cast %get3A_16 : vector<1x1000x128xf32> to vector<1000x128xf32>
    %get3A_18 = arith.constant 1 : index
    %get3A_19 = arith.constant 0 : index
    %get3A_20 = arith.constant 0 : index
    %get3A_21 = vector.load %arg1[%get3A_18, %get3A_19, %get3A_20] : memref<2x1000x128xf32, #tpu.memory_space<vmem>>, vector<1x1000x128xf32>
    %get3A_22 = vector.shape_cast %get3A_21 : vector<1x1000x128xf32> to vector<1000x128xf32>
    %add3A_23 = arith.addf %get3A_17, %get3A_22 : vector<1000x128xf32>
    %mul3A = vector.broadcast %div3A_12 : vector<1000x1xf32> to vector<1000x128xf32>
    %mul3A_24 = arith.mulf %add3A_23, %mul3A : vector<1000x128xf32>
    %get3A_25 = arith.constant 0 : index
    %get3A_26 = arith.constant 0 : index
    %get3A_27 = vector.load %arg4[%get3A_25, %get3A_26] : memref<128x128xf32, #tpu.memory_space<vmem>>, vector<128x128xf32>
    %dot_general3A = arith.constant dense<0.000000e+00> : vector<1000x128xf32>
    %dot_general3A_28 = tpu.matmul %mul3A_24, %get3A_27, %dot_general3A {dimension_numbers = #tpu.dot_dimension_numbers<[1], [0], [0], [1], [0, 0, 1, 1], [], []>, precision = #tpu.contract_precision<fp32>, transpose_lhs_hint = false} : vector<1000x128xf32>, vector<128x128xf32>, vector<1000x128xf32> -> vector<1000x128xf32>
    %get3A_29 = arith.constant 0 : index
    %get3A_30 = arith.constant 0 : index
    %get3A_31 = vector.load %arg3[%get3A_29, %get3A_30] : memref<1000x128xf32, #tpu.memory_space<vmem>>, vector<1000x128xf32>
    %get3A_32 = arith.constant 0 : index
    %get3A_33 = arith.constant 0 : index
    %get3A_34 = vector.load %arg5[%get3A_32, %get3A_33] : memref<128x128xf32, #tpu.memory_space<vmem>>, vector<128x128xf32>
    %dot_general3A_35 = arith.constant dense<0.000000e+00> : vector<1000x128xf32>
    %dot_general3A_36 = tpu.matmul %get3A_31, %get3A_34, %dot_general3A_35 {dimension_numbers = #tpu.dot_dimension_numbers<[1], [0], [0], [1], [0, 0, 1, 1], [], []>, precision = #tpu.contract_precision<fp32>, transpose_lhs_hint = false} : vector<1000x128xf32>, vector<128x128xf32>, vector<1000x128xf32> -> vector<1000x128xf32>
    %add3A_37 = arith.addf %dot_general3A_28, %dot_general3A_36 : vector<1000x128xf32>
    %get3A_38 = arith.constant 0 : index
    %get3A_39 = arith.constant 0 : index
    %get3A_40 = vector.load %arg6[%get3A_38, %get3A_39] : memref<1x128xf32, #tpu.memory_space<vmem>>, vector<1x128xf32>
    %add3A_41 = vector.broadcast %get3A_40 : vector<1x128xf32> to vector<1000x128xf32>
    %add3A_42 = arith.addf %add3A_37, %add3A_41 : vector<1000x128xf32>
    %swap3A = arith.constant 0 : index
    %swap3A_43 = arith.constant 0 : index
    %swap3A_44 = vector.load %arg7[%swap3A, %swap3A_43] : memref<1000x128xf32, #tpu.memory_space<vmem>>, vector<1000x128xf32>
    tpu.vector_store %arg7[%swap3A, %swap3A_43], %add3A_42 {strides = array<i32>} : memref<1000x128xf32, #tpu.memory_space<vmem>>, vector<1000x128xf32>,
    %reduce_sum3A = arith.constant dense<0.000000e+00> : vector<128xf32>
    %reduce_sum3A_45 = vector.multi_reduction <add>, %add3A_42, %reduce_sum3A [0] : vector<1000x128xf32> to vector<128xf32>
    %broadcast_in_dim3A = vector.shape_cast %reduce_sum3A_45 : vector<128xf32> to vector<1x128xf32>
    %mul3A_46 = arith.mulf %add3A_42, %add3A_42 : vector<1000x128xf32>
    %reduce_sum3A_47 = arith.constant dense<0.000000e+00> : vector<128xf32>
    %reduce_sum3A_48 = vector.multi_reduction <add>, %mul3A_46, %reduce_sum3A_47 [0] : vector<1000x128xf32> to vector<128xf32>
    %broadcast_in_dim3A_49 = vector.shape_cast %reduce_sum3A_48 : vector<128xf32> to vector<1x128xf32>
    %concatenate3A = tpu.concatenate %broadcast_in_dim3A, %broadcast_in_dim3A_49 in 0 : vector<1x128xf32>, vector<1x128xf32> -> vector<2x128xf32>
    %eq3A = arith.constant 0 : i32
    %eq3A_50 = arith.cmpi eq, %arg0, %eq3A : i32
    %convert_element_type3A = arith.extui %eq3A_50 : i1 to i32
    %cond3A = arith.constant 0 : i32
    %cond3A_51 = arith.cmpi ne, %convert_element_type3A, %cond3A : i32
    scf.if %cond3A_51 {
      %swap3A_56 = arith.constant 0 : index
      %swap3A_57 = arith.constant 0 : index
      %swap3A_58 = vector.load %arg8[%swap3A_56, %swap3A_57] : memref<2x128xf32, #tpu.memory_space<vmem>>, vector<2x128xf32>
      tpu.vector_store %arg8[%swap3A_56, %swap3A_57], %concatenate3A {strides = array<i32>} : memref<2x128xf32, #tpu.memory_space<vmem>>, vector<2x128xf32>,
    } else {
    }
    %gt3A = arith.constant 0 : i32
    %gt3A_52 = arith.cmpi sgt, %arg0, %gt3A : i32
    %convert_element_type3A_53 = arith.extui %gt3A_52 : i1 to i32
    %cond3A_54 = arith.constant 0 : i32
    %cond3A_55 = arith.cmpi ne, %convert_element_type3A_53, %cond3A_54 : i32
    scf.if %cond3A_55 {
      %get3A_56 = arith.constant 0 : index
      %get3A_57 = arith.constant 0 : index
      %get3A_58 = vector.load %arg8[%get3A_56, %get3A_57] : memref<2x128xf32, #tpu.memory_space<vmem>>, vector<2x128xf32>
      %add3A_59 = arith.addf %get3A_58, %concatenate3A : vector<2x128xf32>
      %swap3A_60 = arith.constant 0 : index
      %swap3A_61 = arith.constant 0 : index
      %swap3A_62 = vector.load %arg8[%swap3A_60, %swap3A_61] : memref<2x128xf32, #tpu.memory_space<vmem>>, vector<2x128xf32>
      tpu.vector_store %arg8[%swap3A_60, %swap3A_61], %add3A_59 {strides = array<i32>} : memref<2x128xf32, #tpu.memory_space<vmem>>, vector<2x128xf32>,
    } else {
    }
    return
  }
  func.func @transform_0(%arg0: i32) -> (i32, i32, i32) {
    %c0_i32 = arith.constant 0 : i32
    %c0_i32_0 = arith.constant 0 : i32
    %c0_i32_1 = arith.constant 0 : i32
    return %c0_i32, %arg0, %c0_i32_0 : i32, i32, i32
  }
  func.func @transform_1(%arg0: i32) -> (i32, i32, i32) {
    %c0_i32 = arith.constant 0 : i32
    %c0_i32_0 = arith.constant 0 : i32
    %c0_i32_1 = arith.constant 0 : i32
    return %c0_i32, %arg0, %c0_i32_0 : i32, i32, i32
  }
  func.func @transform_2(%arg0: i32) -> (i32, i32) {
    %c0_i32 = arith.constant 0 : i32
    %c0_i32_0 = arith.constant 0 : i32
    return %arg0, %c0_i32 : i32, i32
  }
  func.func @transform_3(%arg0: i32) -> (i32, i32) {
    %c0_i32 = arith.constant 0 : i32
    %c0_i32_0 = arith.constant 0 : i32
    %c0_i32_1 = arith.constant 0 : i32
    return %c0_i32, %c0_i32_0 : i32, i32
  }
  func.func @transform_4(%arg0: i32) -> (i32, i32) {
    %c0_i32 = arith.constant 0 : i32
    %c0_i32_0 = arith.constant 0 : i32
    %c0_i32_1 = arith.constant 0 : i32
    return %c0_i32, %c0_i32_0 : i32, i32
  }
  func.func @transform_5(%arg0: i32) -> (i32, i32) {
    %c0_i32 = arith.constant 0 : i32
    %c0_i32_0 = arith.constant 0 : i32
    %c0_i32_1 = arith.constant 0 : i32
    return %c0_i32, %c0_i32_0 : i32, i32
  }
  func.func @transform_6(%arg0: i32) -> (i32, i32) {
    %c0_i32 = arith.constant 0 : i32
    %c0_i32_0 = arith.constant 0 : i32
    return %arg0, %c0_i32 : i32, i32
  }
  func.func @transform_7(%arg0: i32) -> (i32, i32) {
    %c0_i32 = arith.constant 0 : i32
    %c0_i32_0 = arith.constant 0 : i32
    %c0_i32_1 = arith.constant 0 : i32
    return %c0_i32, %c0_i32_0 : i32, i32
  }
}

module attributes {stable_mosaic.version = 14 : i64} {
  func.func @_norm_body(%arg0: i32, %arg1: memref<1000x128xf32, #tpu.memory_space<vmem>>, %arg2: memref<2x128xf32, #tpu.memory_space<vmem>>, %arg3: memref<1x128xf32, #tpu.memory_space<vmem>>, %arg4: memref<1x128xf32, #tpu.memory_space<vmem>>, %arg5: memref<1x128xf32, #tpu.memory_space<vmem>>, %arg6: memref<1000x128xf32, #tpu.memory_space<vmem>>) attributes {dimension_semantics = [#tpu.dimension_semantics<arbitrary>], iteration_bounds = array<i64: 10>, scalar_prefetch = 0 : i64, scratch_operands = 0 : i64, tpu.core_type = #tpu.core_type<tc>, window_params = [{transform_indices = @transform_0, window_bounds = array<i64: 1000, 128>}, {pipeline_mode = #tpu.pipeline_mode<synchronous>, transform_indices = @transform_1, window_bounds = array<i64: 2, 128>}, {pipeline_mode = #tpu.pipeline_mode<synchronous>, transform_indices = @transform_2, window_bounds = array<i64: 1, 128>}, {pipeline_mode = #tpu.pipeline_mode<synchronous>, transform_indices = @transform_3, window_bounds = array<i64: 1, 128>}, {pipeline_mode = #tpu.pipeline_mode<synchronous>, transform_indices = @transform_4, window_bounds = array<i64: 1, 128>}, {transform_indices = @transform_5, window_bounds = array<i64: 1000, 128>}]} {
    %get3A = arith.constant 0 : index
    %get3A_0 = arith.constant 0 : index
    %get3A_1 = vector.load %arg1[%get3A, %get3A_0] : memref<1000x128xf32, #tpu.memory_space<vmem>>, vector<1000x128xf32>
    %get3A_2 = arith.constant 0 : index
    %get3A_3 = arith.constant 0 : index
    %get3A_4 = vector.load %arg2[%get3A_2, %get3A_3] : memref<2x128xf32, #tpu.memory_space<vmem>>, vector<1x128xf32>
    %mul3A = arith.constant 9.99999974E-5 : f32
    %mul3A_5 = vector.broadcast %mul3A : f32 to vector<1x128xf32>
    %mul3A_6 = arith.mulf %get3A_4, %mul3A_5 : vector<1x128xf32>
    %get3A_7 = arith.constant 1 : index
    %get3A_8 = arith.constant 0 : index
    %get3A_9 = vector.load %arg2[%get3A_7, %get3A_8] : memref<2x128xf32, #tpu.memory_space<vmem>>, vector<1x128xf32>
    %mul3A_10 = arith.constant 9.99999974E-5 : f32
    %mul3A_11 = vector.broadcast %mul3A_10 : f32 to vector<1x128xf32>
    %mul3A_12 = arith.mulf %get3A_9, %mul3A_11 : vector<1x128xf32>
    %get3A_13 = arith.constant 0 : index
    %get3A_14 = arith.constant 0 : index
    %get3A_15 = vector.load %arg5[%get3A_13, %get3A_14] : memref<1x128xf32, #tpu.memory_space<vmem>>, vector<1x128xf32>
    %mul3A_16 = arith.mulf %mul3A_6, %mul3A_6 : vector<1x128xf32>
    %mul3A_17 = arith.constant 2.000000e+00 : f32
    %mul3A_18 = vector.broadcast %mul3A_17 : f32 to vector<1x128xf32>
    %mul3A_19 = arith.mulf %mul3A_18, %get3A_15 : vector<1x128xf32>
    %mul3A_20 = arith.mulf %get3A_15, %get3A_15 : vector<1x128xf32>
    %sub3A = arith.subf %mul3A_19, %mul3A_20 : vector<1x128xf32>
    %mul3A_21 = arith.mulf %mul3A_16, %sub3A : vector<1x128xf32>
    %sub3A_22 = arith.subf %mul3A_12, %mul3A_21 : vector<1x128xf32>
    %mul3A_23 = arith.mulf %get3A_15, %mul3A_6 : vector<1x128xf32>
    %sub3A_24 = vector.broadcast %mul3A_23 : vector<1x128xf32> to vector<1000x128xf32>
    %sub3A_25 = arith.subf %get3A_1, %sub3A_24 : vector<1000x128xf32>
    %get3A_26 = arith.constant 0 : index
    %get3A_27 = arith.constant 0 : index
    %get3A_28 = vector.load %arg3[%get3A_26, %get3A_27] : memref<1x128xf32, #tpu.memory_space<vmem>>, vector<1x128xf32>
    %mul3A_29 = vector.broadcast %get3A_28 : vector<1x128xf32> to vector<1000x128xf32>
    %mul3A_30 = arith.mulf %mul3A_29, %sub3A_25 : vector<1000x128xf32>
    %add3A = arith.constant 9.99999974E-6 : f32
    %add3A_31 = vector.broadcast %add3A : f32 to vector<1x128xf32>
    %add3A_32 = arith.addf %sub3A_22, %add3A_31 : vector<1x128xf32>
    %sqrt3A = math.sqrt %add3A_32 : vector<1x128xf32>
    %div3A = vector.broadcast %sqrt3A : vector<1x128xf32> to vector<1000x128xf32>
    %div3A_33 = arith.divf %mul3A_30, %div3A : vector<1000x128xf32>
    %get3A_34 = arith.constant 0 : index
    %get3A_35 = arith.constant 0 : index
    %get3A_36 = vector.load %arg4[%get3A_34, %get3A_35] : memref<1x128xf32, #tpu.memory_space<vmem>>, vector<1x128xf32>
    %add3A_37 = vector.broadcast %get3A_36 : vector<1x128xf32> to vector<1000x128xf32>
    %add3A_38 = arith.addf %div3A_33, %add3A_37 : vector<1000x128xf32>
    %mul3A_39 = arith.constant 1.000000e-01 : f32
    %mul3A_40 = vector.broadcast %mul3A_39 : f32 to vector<1000x128xf32>
    %mul3A_41 = arith.mulf %mul3A_40, %add3A_38 : vector<1000x128xf32>
    %max3A = arith.maximumf %add3A_38, %mul3A_41 : vector<1000x128xf32>
    %swap3A = arith.constant 0 : index
    %swap3A_42 = arith.constant 0 : index
    %swap3A_43 = vector.load %arg6[%swap3A, %swap3A_42] : memref<1000x128xf32, #tpu.memory_space<vmem>>, vector<1000x128xf32>
    tpu.vector_store %arg6[%swap3A, %swap3A_42], %max3A {strides = array<i32>} : memref<1000x128xf32, #tpu.memory_space<vmem>>, vector<1000x128xf32>,
    return
  }
  func.func @transform_0(%arg0: i32) -> (i32, i32) {
    %c0_i32 = arith.constant 0 : i32
    %c0_i32_0 = arith.constant 0 : i32
    return %arg0, %c0_i32 : i32, i32
  }
  func.func @transform_1(%arg0: i32) -> (i32, i32) {
    %c0_i32 = arith.constant 0 : i32
    %c0_i32_0 = arith.constant 0 : i32
    %c0_i32_1 = arith.constant 0 : i32
    return %c0_i32, %c0_i32_0 : i32, i32
  }
  func.func @transform_2(%arg0: i32) -> (i32, i32) {
    %c0_i32 = arith.constant 0 : i32
    %c0_i32_0 = arith.constant 0 : i32
    %c0_i32_1 = arith.constant 0 : i32
    return %c0_i32, %c0_i32_0 : i32, i32
  }
  func.func @transform_3(%arg0: i32) -> (i32, i32) {
    %c0_i32 = arith.constant 0 : i32
    %c0_i32_0 = arith.constant 0 : i32
    %c0_i32_1 = arith.constant 0 : i32
    return %c0_i32, %c0_i32_0 : i32, i32
  }
  func.func @transform_4(%arg0: i32) -> (i32, i32) {
    %c0_i32 = arith.constant 0 : i32
    %c0_i32_0 = arith.constant 0 : i32
    %c0_i32_1 = arith.constant 0 : i32
    return %c0_i32, %c0_i32_0 : i32, i32
  }
  func.func @transform_5(%arg0: i32) -> (i32, i32) {
    %c0_i32 = arith.constant 0 : i32
    %c0_i32_0 = arith.constant 0 : i32
    return %arg0, %c0_i32 : i32, i32
  }
}

module attributes {stable_mosaic.version = 14 : i64} {
  func.func @_norm_out_body(%arg0: i32, %arg1: memref<1000x128xf32, #tpu.memory_space<vmem>>, %arg2: memref<2x128xf32, #tpu.memory_space<vmem>>, %arg3: memref<1x128xf32, #tpu.memory_space<vmem>>, %arg4: memref<1x128xf32, #tpu.memory_space<vmem>>, %arg5: memref<1x128xf32, #tpu.memory_space<vmem>>, %arg6: memref<128x128xf32, #tpu.memory_space<vmem>>, %arg7: memref<1x128xf32, #tpu.memory_space<vmem>>, %arg8: memref<1000x128xf32, #tpu.memory_space<vmem>>) attributes {dimension_semantics = [#tpu.dimension_semantics<arbitrary>], iteration_bounds = array<i64: 10>, scalar_prefetch = 0 : i64, scratch_operands = 0 : i64, tpu.core_type = #tpu.core_type<tc>, window_params = [{transform_indices = @transform_0, window_bounds = array<i64: 1000, 128>}, {pipeline_mode = #tpu.pipeline_mode<synchronous>, transform_indices = @transform_1, window_bounds = array<i64: 2, 128>}, {pipeline_mode = #tpu.pipeline_mode<synchronous>, transform_indices = @transform_2, window_bounds = array<i64: 1, 128>}, {pipeline_mode = #tpu.pipeline_mode<synchronous>, transform_indices = @transform_3, window_bounds = array<i64: 1, 128>}, {pipeline_mode = #tpu.pipeline_mode<synchronous>, transform_indices = @transform_4, window_bounds = array<i64: 1, 128>}, {pipeline_mode = #tpu.pipeline_mode<synchronous>, transform_indices = @transform_5, window_bounds = array<i64: 128, 128>}, {pipeline_mode = #tpu.pipeline_mode<synchronous>, transform_indices = @transform_6, window_bounds = array<i64: 1, 128>}, {transform_indices = @transform_7, window_bounds = array<i64: 1000, 128>}]} {
    %get3A = arith.constant 0 : index
    %get3A_0 = arith.constant 0 : index
    %get3A_1 = vector.load %arg1[%get3A, %get3A_0] : memref<1000x128xf32, #tpu.memory_space<vmem>>, vector<1000x128xf32>
    %get3A_2 = arith.constant 0 : index
    %get3A_3 = arith.constant 0 : index
    %get3A_4 = vector.load %arg2[%get3A_2, %get3A_3] : memref<2x128xf32, #tpu.memory_space<vmem>>, vector<1x128xf32>
    %mul3A = arith.constant 9.99999974E-5 : f32
    %mul3A_5 = vector.broadcast %mul3A : f32 to vector<1x128xf32>
    %mul3A_6 = arith.mulf %get3A_4, %mul3A_5 : vector<1x128xf32>
    %get3A_7 = arith.constant 1 : index
    %get3A_8 = arith.constant 0 : index
    %get3A_9 = vector.load %arg2[%get3A_7, %get3A_8] : memref<2x128xf32, #tpu.memory_space<vmem>>, vector<1x128xf32>
    %mul3A_10 = arith.constant 9.99999974E-5 : f32
    %mul3A_11 = vector.broadcast %mul3A_10 : f32 to vector<1x128xf32>
    %mul3A_12 = arith.mulf %get3A_9, %mul3A_11 : vector<1x128xf32>
    %get3A_13 = arith.constant 0 : index
    %get3A_14 = arith.constant 0 : index
    %get3A_15 = vector.load %arg5[%get3A_13, %get3A_14] : memref<1x128xf32, #tpu.memory_space<vmem>>, vector<1x128xf32>
    %mul3A_16 = arith.mulf %mul3A_6, %mul3A_6 : vector<1x128xf32>
    %mul3A_17 = arith.constant 2.000000e+00 : f32
    %mul3A_18 = vector.broadcast %mul3A_17 : f32 to vector<1x128xf32>
    %mul3A_19 = arith.mulf %mul3A_18, %get3A_15 : vector<1x128xf32>
    %mul3A_20 = arith.mulf %get3A_15, %get3A_15 : vector<1x128xf32>
    %sub3A = arith.subf %mul3A_19, %mul3A_20 : vector<1x128xf32>
    %mul3A_21 = arith.mulf %mul3A_16, %sub3A : vector<1x128xf32>
    %sub3A_22 = arith.subf %mul3A_12, %mul3A_21 : vector<1x128xf32>
    %mul3A_23 = arith.mulf %get3A_15, %mul3A_6 : vector<1x128xf32>
    %sub3A_24 = vector.broadcast %mul3A_23 : vector<1x128xf32> to vector<1000x128xf32>
    %sub3A_25 = arith.subf %get3A_1, %sub3A_24 : vector<1000x128xf32>
    %get3A_26 = arith.constant 0 : index
    %get3A_27 = arith.constant 0 : index
    %get3A_28 = vector.load %arg3[%get3A_26, %get3A_27] : memref<1x128xf32, #tpu.memory_space<vmem>>, vector<1x128xf32>
    %mul3A_29 = vector.broadcast %get3A_28 : vector<1x128xf32> to vector<1000x128xf32>
    %mul3A_30 = arith.mulf %mul3A_29, %sub3A_25 : vector<1000x128xf32>
    %add3A = arith.constant 9.99999974E-6 : f32
    %add3A_31 = vector.broadcast %add3A : f32 to vector<1x128xf32>
    %add3A_32 = arith.addf %sub3A_22, %add3A_31 : vector<1x128xf32>
    %sqrt3A = math.sqrt %add3A_32 : vector<1x128xf32>
    %div3A = vector.broadcast %sqrt3A : vector<1x128xf32> to vector<1000x128xf32>
    %div3A_33 = arith.divf %mul3A_30, %div3A : vector<1000x128xf32>
    %get3A_34 = arith.constant 0 : index
    %get3A_35 = arith.constant 0 : index
    %get3A_36 = vector.load %arg4[%get3A_34, %get3A_35] : memref<1x128xf32, #tpu.memory_space<vmem>>, vector<1x128xf32>
    %add3A_37 = vector.broadcast %get3A_36 : vector<1x128xf32> to vector<1000x128xf32>
    %add3A_38 = arith.addf %div3A_33, %add3A_37 : vector<1000x128xf32>
    %mul3A_39 = arith.constant 1.000000e-01 : f32
    %mul3A_40 = vector.broadcast %mul3A_39 : f32 to vector<1000x128xf32>
    %mul3A_41 = arith.mulf %mul3A_40, %add3A_38 : vector<1000x128xf32>
    %max3A = arith.maximumf %add3A_38, %mul3A_41 : vector<1000x128xf32>
    %get3A_42 = arith.constant 0 : index
    %get3A_43 = arith.constant 0 : index
    %get3A_44 = vector.load %arg6[%get3A_42, %get3A_43] : memref<128x128xf32, #tpu.memory_space<vmem>>, vector<128x128xf32>
    %dot_general3A = arith.constant dense<0.000000e+00> : vector<1000x128xf32>
    %dot_general3A_45 = tpu.matmul %max3A, %get3A_44, %dot_general3A {dimension_numbers = #tpu.dot_dimension_numbers<[1], [0], [0], [1], [0, 0, 1, 1], [], []>, precision = #tpu.contract_precision<fp32>, transpose_lhs_hint = false} : vector<1000x128xf32>, vector<128x128xf32>, vector<1000x128xf32> -> vector<1000x128xf32>
    %get3A_46 = arith.constant 0 : index
    %get3A_47 = arith.constant 0 : index
    %get3A_48 = vector.load %arg7[%get3A_46, %get3A_47] : memref<1x128xf32, #tpu.memory_space<vmem>>, vector<1x128xf32>
    %add3A_49 = vector.broadcast %get3A_48 : vector<1x128xf32> to vector<1000x128xf32>
    %add3A_50 = arith.addf %dot_general3A_45, %add3A_49 : vector<1000x128xf32>
    %swap3A = arith.constant 0 : index
    %swap3A_51 = arith.constant 0 : index
    %swap3A_52 = vector.load %arg8[%swap3A, %swap3A_51] : memref<1000x128xf32, #tpu.memory_space<vmem>>, vector<1000x128xf32>
    tpu.vector_store %arg8[%swap3A, %swap3A_51], %add3A_50 {strides = array<i32>} : memref<1000x128xf32, #tpu.memory_space<vmem>>, vector<1000x128xf32>,
    return
  }
  func.func @transform_0(%arg0: i32) -> (i32, i32) {
    %c0_i32 = arith.constant 0 : i32
    %c0_i32_0 = arith.constant 0 : i32
    return %arg0, %c0_i32 : i32, i32
  }
  func.func @transform_1(%arg0: i32) -> (i32, i32) {
    %c0_i32 = arith.constant 0 : i32
    %c0_i32_0 = arith.constant 0 : i32
    %c0_i32_1 = arith.constant 0 : i32
    return %c0_i32, %c0_i32_0 : i32, i32
  }
  func.func @transform_2(%arg0: i32) -> (i32, i32) {
    %c0_i32 = arith.constant 0 : i32
    %c0_i32_0 = arith.constant 0 : i32
    %c0_i32_1 = arith.constant 0 : i32
    return %c0_i32, %c0_i32_0 : i32, i32
  }
  func.func @transform_3(%arg0: i32) -> (i32, i32) {
    %c0_i32 = arith.constant 0 : i32
    %c0_i32_0 = arith.constant 0 : i32
    %c0_i32_1 = arith.constant 0 : i32
    return %c0_i32, %c0_i32_0 : i32, i32
  }
  func.func @transform_4(%arg0: i32) -> (i32, i32) {
    %c0_i32 = arith.constant 0 : i32
    %c0_i32_0 = arith.constant 0 : i32
    %c0_i32_1 = arith.constant 0 : i32
    return %c0_i32, %c0_i32_0 : i32, i32
  }
  func.func @transform_5(%arg0: i32) -> (i32, i32) {
    %c0_i32 = arith.constant 0 : i32
    %c0_i32_0 = arith.constant 0 : i32
    %c0_i32_1 = arith.constant 0 : i32
    return %c0_i32, %c0_i32_0 : i32, i32
  }
  func.func @transform_6(%arg0: i32) -> (i32, i32) {
    %c0_i32 = arith.constant 0 : i32
    %c0_i32_0 = arith.constant 0 : i32
    %c0_i32_1 = arith.constant 0 : i32
    return %c0_i32, %c0_i32_0 : i32, i32
  }
  func.func @transform_7(%arg0: i32) -> (i32, i32) {
    %c0_i32 = arith.constant 0 : i32
    %c0_i32_0 = arith.constant 0 : i32
    return %arg0, %c0_i32 : i32, i32
  }
}

</mosaic_0001>

<sc_bundles>
// kernel: kernel.13.cloned.1.call-start
scs
__scs_entry_jumppad:
0x0: {  	(pc) =	sbr.rel $0x88, $3  }
0x1: {  	(tag) =	ssettag $0x0;
	lr =	simm.s32 $0x1  }
0x2: {  	[smem:$0x3F89] =	sst lr;
	_ =	strace $0xD0000000  }
0x3: {  	_ = 	snop  }
0x4: {  	_ = 	snop  }
0x5: {  	_ = 	snop  }
0x6: {  	_ = 	snop  }
0x7: {  	_ = 	snop  }
__scs_overlays_trampoline_lowered:
0x8: {  	[smem:$0x3F98] =	sst s0  }
0x9: {  	[smem:$0x3F99] =	sst s1  }
0xa: {  	[smem:$0x3F9A] =	sst s2  }
0xb: {  	[smem:$0x3F9B] =	sst s3  }
0xc: {  	[smem:$0x3F9C] =	sst s4  }
0xd: {  	[smem:$0x3F9D] =	sst s5  }
0xe: {  	[smem:$0x3F9E] =	sst s6  }
0xf: {  	[smem:$0x3F9F] =	sst s7  }
0x10: {  	[smem:$0x3FA0] =	sst s8  }
0x11: {  	[smem:$0x3FA1] =	sst s9;
	s0 =	simm.s32 @!p0 $0x0  }
0x12: {  	s1 =	sld [smem:$0x3F87];
	s0 =	simm.s32 @p0 $0x1  }
0x13: {  	[smem:$0x3FA2] =	sst s0;
	s0 =	simm.s32 @!p1 $0x0  }
0x14: {  	s2 =	sld [smem:$0x3F86];
	s0 =	simm.s32 @p1 $0x1  }
0x15: {  	[smem:$0x3FA3] =	sst s0;
	s0 =	simm.s32 @!p2 $0x0  }
0x16: {  	s3 =	sld [smem:$0x3FDB];
	s0 =	simm.s32 @p2 $0x1  }
0x17: {  	s4 =	simm.s32 $0x1BF5;
	[smem:$0x3FA5] =	sst s0  }
0x18: {  	s0 =	sld [smem:$0x3F88];
	_ =	swait.ge [sflag:s4], $0x0  }
0x19: {  	s7 =	sld [smem:$0x3F89]  }
0x1a: {  	s8 =	sadd.s32 $0xFFFFE003, lr  }
0x1b: {  	s9 =	sadd.s32 $0xFFFFFEF7, lr;
	s5 =	simm.s32 $0xFFFFFFFF;
	p2 =	slt.u32 s8, $0xFFFFF086  }
0x1c: {  	p1 =	slt.u32 s9, $0xF7A;
	s5 =	simm.s32 @!p2 $0x0  }
0x1d: {  	s5 =	simm.s32 @p1 $0x1;
	p0 =	seq.s32 s7, s2  }
0x1e: {  	s7 =	smul.u32 @!p0 $0xF7A, s2;
	p2 =	seq.s32 @!p0 s5, $0x0  }
0x1f: {  	s9 =	smul.u32 $0xF7A, s1;
	s8 =	simm.s32 @!p0 $0x1BF5;
	p2 =	por !p2, p0  }
0x20: {  	[sflag:s8] =	ssyncset.s32 @!p0 $0xFFFFF086;
	s6 =	sadd.s32 @!p0 s3, s7;
	s7 =	simm.s32 @!p0 $0x108  }
0x21: {  	s3 =	sadd.s32 s3, s9;
	s6 =	sadd.s32 @!p0 $0x88, s6;
	s7 =	simm.s32 @p2 $0x1082  }
0x22: {  	[simem:s7], [sflag:s8] =	dma.local @!p0 [hbm:s6], $0xF7A  }
0x23: {  	s9 =	sor.u32 $0xD0000000, s2;
	s6 =	simm.s32 $0x108;
	_ =	swait.ge @!p0 [sflag:s8], $0x0  }
0x24: {  	s3 =	sadd.s32 $0x88, s3;
	s6 =	simm.s32 @!p1 $0x1082;
	[sflag:s4] =	ssyncset.s32 $0xFFFFF086  }
0x25: {  	[simem:s6], [sflag:s4] =	dma.local [hbm:s3], $0xF7A  }
0x26: {  	[smem:$0x3F89] =	sst s1;
	(tag) =	ssettag s2;
	_ =	strace s9  }
0x27: {  	s1 =	sld [smem:$0x3F99]  }
0x28: {  	s2 =	sld [smem:$0x3F9A]  }
0x29: {  	s4 =	sld [smem:$0x3F9C]  }
0x2a: {  	p0 =	seq.s32 s5, $0x0;
	s5 =	sld [smem:$0x3F9D]  }
0x2b: {  	s6 =	sld [smem:$0x3F9E]  }
0x2c: {  	s7 =	sld [smem:$0x3F9F]  }
0x2d: {  	s3 =	simm.s32 $0x108;
	s8 =	sld [smem:$0x3FA0]  }
0x2e: {  	s3 =	simm.s32 @!p0 $0x1082;
	s9 =	sld [smem:$0x3FA1]  }
0x2f: {  	lr =	sadd.s32 s0, s3;
	s0 =	sld [smem:$0x3F98]  }
0x30: {  	s3 =	sld [smem:$0x3F9B]  }
0x31: {  	[smem:$0x3FA4] =	sst s10  }
0x32: {  	s10 =	sld [smem:$0x3FA2];
	_ =	sdelay $0x3  }
0x33: {  	p0 =	seq.s32 s10, $0x1;
	s10 =	sld [smem:$0x3FA4];
	_ =	sdelay $0x3  }
0x34: {  	[smem:$0x3FA4] =	sst s10  }
0x35: {  	s10 =	sld [smem:$0x3FA3];
	_ =	sdelay $0x3  }
0x36: {  	p1 =	seq.s32 s10, $0x1;
	s10 =	sld [smem:$0x3FA4];
	_ =	sdelay $0x3  }
0x37: {  	[smem:$0x3FA4] =	sst s10  }
0x38: {  	s10 =	sld [smem:$0x3FA5]  }
0x39: {  	_ = 	snop;
	(pc) =	sbr.ind lr, $3  }
0x3a: {  	_ = 	snop  }
0x3b: {  	_ = 	snop  }
0x3c: {  	p2 =	seq.s32 s10, $0x1;
	s10 =	sld [smem:$0x3FA4]  }
0x3d: {  	_ =	shalt  }
0x3e: {  	_ =	shalt  }
0x3f: {  	_ =	shalt  }
0x40: {  	_ =	shalt  }
0x41: {  	_ =	shalt  }
0x42: {  	_ =	shalt  }
0x43: {  	_ =	shalt  }
0x44: {  	_ =	shalt  }
0x45: {  	_ =	shalt  }
0x46: {  	_ =	shalt  }
0x47: {  	_ =	shalt  }
0x48: {  	_ =	shalt  }
0x49: {  	_ =	shalt  }
0x4a: {  	_ =	shalt  }
0x4b: {  	_ =	shalt  }
0x4c: {  	_ =	shalt  }
0x4d: {  	_ =	shalt  }
0x4e: {  	_ =	shalt  }
0x4f: {  	_ =	shalt  }
0x50: {  	_ =	shalt  }
0x51: {  	_ =	shalt  }
0x52: {  	_ =	shalt  }
0x53: {  	_ =	shalt  }
0x54: {  	_ =	shalt  }
0x55: {  	_ =	shalt  }
0x56: {  	_ =	shalt  }
0x57: {  	_ =	shalt  }
0x58: {  	_ =	shalt  }
0x59: {  	_ =	shalt  }
0x5a: {  	_ =	shalt  }
0x5b: {  	_ =	shalt  }
0x5c: {  	_ =	shalt  }
0x5d: {  	_ =	shalt  }
0x5e: {  	_ =	shalt  }
0x5f: {  	_ =	shalt  }
0x60: {  	_ =	shalt  }
0x61: {  	_ =	shalt  }
0x62: {  	_ =	shalt  }
0x63: {  	_ =	shalt  }
0x64: {  	_ =	shalt  }
0x65: {  	_ =	shalt  }
0x66: {  	_ =	shalt  }
0x67: {  	_ =	shalt  }
0x68: {  	_ =	shalt  }
0x69: {  	_ =	shalt  }
0x6a: {  	_ =	shalt  }
0x6b: {  	_ =	shalt  }
0x6c: {  	_ =	shalt  }
0x6d: {  	_ =	shalt  }
0x6e: {  	_ =	shalt  }
0x6f: {  	_ =	shalt  }
0x70: {  	_ =	shalt  }
0x71: {  	_ =	shalt  }
0x72: {  	_ =	shalt  }
0x73: {  	_ =	shalt  }
0x74: {  	_ =	shalt  }
0x75: {  	_ =	shalt  }
0x76: {  	_ =	shalt  }
0x77: {  	_ =	shalt  }
0x78: {  	_ =	shalt  }
0x79: {  	_ =	shalt  }
0x7a: {  	_ =	shalt  }
0x7b: {  	_ =	shalt  }
0x7c: {  	_ =	shalt  }
0x7d: {  	_ =	shalt  }
0x7e: {  	_ =	shalt  }
0x7f: {  	_ =	shalt  }
0x80: {  	_ =	shalt  }
0x81: {  	_ =	shalt  }
0x82: {  	_ =	shalt  }
0x83: {  	_ =	shalt  }
0x84: {  	_ =	shalt  }
0x85: {  	_ =	shalt  }
0x86: {  	_ =	shalt  }
0x87: {  	_ =	shalt  }
.Lfunc_end0:
.L_simem_size_0:
called_computation_lowered:
.L_overlay_start_0:
0x88: {  	s2 =	sld [smem:$0x3FD9]  }
0x89: {  	s3 =	sld [smem:$0x3FFE];
	_ =	sdelay $0x1  }
0x8a: {  	s1 =	srdreg.scid  }
0x8b: {  	s0 =	sand.u32 $0x1, s1  }
0x8c: {  	s16 =	sshll.u32 s0, $0xA;
	s2 =	sadd.s32 s3, s2  }
0x8d: {  	s2 =	sadd.s32 s2, s16  }
0x8e: {  	[smem:$0x3FB0] =	sst s2  }
0x8f: {  	_ = 	snop  }
0x90: {  	(tm) =	ssettm $0x1  }
0x91: {  	s17 =	sld [smem:$0x3FFB];
	_ =	sdelay $0x3  }
0x92: {  	_ =	strace s17  }
0x93: {  	s2 =	sld [smem:$0x3FFC];
	_ =	sdelay $0x3  }
0x94: {  	_ =	strace s2  }
0x95: {  	s2 =	sld [smem:$0x3FFD];
	_ =	sdelay $0x3  }
0x96: {  	_ =	strace s2  }
0x97: {  	_ =	strace $0x8FFFFFFF  }
0x98: {  	s18 =	sld [smem:$0x3FDB];
	_ =	sdelay $0x1  }
0x99: {  	s19 =	simm.s32 $_scs_section_size  }
0x9a: {  	s4 =	simm.s32 $_size__tile_overlayer_lowered;
	s5 =	simm.s32 $_tile_overlayer_lowered  }
0x9b: {  	s22 =	simm.s32 $0x1BFF;
	s21 =	sshll.u32 s5, $0x1;
	s2 =	sadd.s32 s19, s18  }
0x9c: {  	s6 =	simm.s32 $0x0;
	s20 =	sshll.u32 s4, $0x1;
	s4 =	sadd.s32 s21, s2  }
0x9d: {  	[timem:s6], [sflag:s22] =	dma.local [hbm:s4], s20  }
0x9e: {  	_ =	swait.ge [sflag:s22], s20  }
0x9f: {  	s3 =	ssub.s32 $0x0, s20;
	[sflag:s22] =	ssyncset.done $0x0  }
0xa0: {  	[sflag:s22] =	ssyncadd.s32 s3;
	_ =	sdelay $0x1  }
0xa1: {  	s23 =	simm.s32 $0x1B8B  }
0xa2: {  	_ =	swait.ge [sflag:s23], $0x1  }
0xa3: {  	[sflag:s23] =	ssyncset.done $0x0  }
0xa4: {  	s25 =	simm.s32 $0x1B8E;
	s24 =	sld [smem:$0x3FFE];
	[sflag:s23] =	ssyncadd.s32 $0xFFFFFFFF  }
0xa5: {  	s26 =	simm.s32 $execute0_lowered;
	[smem:$0x3FD2] =	sst s25  }
0xa6: {  	s4 =	sshll.u32 s26, $0x1;
	_ =	strace $0x80000046;
	[dreg:$0x1] =	wrdreg $0xFFFFFFFF  }
0xa7: {  	s28 =	simm.s32 $_size_execute0_lowered;
	s2 =	sadd.s32 s2, s4;
	[dreg:$0x0] =	wrdreg $0x0  }
0xa8: {  	s4 =	sshll.u32 s28, $0x1;
	[dreg:$0x2] =	wrdreg s2  }
0xa9: {  	[dreg:$0x3] =	wrdreg s4  }
0xaa: {  	[dreg:$0x4] =	wrdreg $0xC0  }
0xab: {  	_ =	task [dreg:s6], $0x5FFFF  }
0xac: {  	[dreg:$0x1] =	wrdreg $0xFFFFFFFF  }
0xad: {  	[dreg:$0x0] =	wrdreg $0x60  }
0xae: {  	[dreg:$0x2] =	wrdreg s24  }
0xaf: {  	[dreg:$0x3] =	wrdreg $0x68000  }
0xb0: {  	[dreg:$0x4] =	wrdreg $0x9  }
0xb1: {  	_ =	task.clear_ibuf [dreg:s6], $0x5FFFF;
	_ =	strace $0x90000046  }
0xb2: {  	s29 =	simm.s32 $0x9;
	_ =	strace $0x80000048  }
0xb3: {  	_ =	swait.ge [sflag:s29], $0x1  }
0xb4: {  	[sflag:s29] =	ssyncadd.s32 $0xFFFFFFFF  }
0xb5: {  	_ =	strace $0x90000048  }
0xb6: {  	_ =	sfence  }
0xb7: {  	s30 =	sld [smem:$0x0];
	_ =	sdelay $0x2  }
0xb8: {  	s31 =	sshll.u32 s1, $0xD;
	s1 =	sshrl.u32 s1, $0x2  }
0xb9: {  	s3 =	sand.u32 $0x4000, s31;
	s1 =	sadd.s32 s1, s30  }
0xba: {  	s0 =	sor.u32 s3, s0;
	s1 =	sshll.u32 s1, $0x11  }
0xbb: {  	s0 =	sor.u32 s1, s0  }
0xbc: {  	s0 =	sadd.s32 $0x8F2B, s0  }
0xbd: {  	[sflag:s0] =	ssyncadd.remote.s32 $0x1  }
0xbe: {  	_ =	sfence.sel $0xFFFF  }
0xbf: {  	[dreg:$0x0] =	wrdreg $0xFFFFFFFF;
	(pc) =	sbr.abs _section_cstart, $3  }
0xc0: {  	[dreg:$0x1] =	wrdreg $0xFFFFFFFF  }
0xc1: {  	_ =	task.clear_ibuf [dreg:s6], $0x2FFFF;
	_ =	strace $0x9FFFFFFF  }
0xc2: {  	(tm) =	ssettm $0x7FFFFFFF  }
0xc3: {  	_ =	shalt  }
tec
execute0_lowered:
.L_overlay_start_1:
0x0: {  	(tag) =	ssettag $0x1  }
0x1: {  	s0 =	srdreg.scid  }
0x2: {  	s6 =	rddreg [dreg:$0x0];
	s9 =	stileid.u32  }
0x3: {  	s1 =	rddreg [dreg:$0x1];
	s2 =	simm.s32 $0x0;
	s14 =	simm.s32 $0x1  }
0x4: {  	s17 =	simm.s32 $0x0;
	s3 =	sand.u32 $0x1, s0;
	s15 =	smul.u32 $0x2700, s9  }
0x5: {  	[smem:$0x7FF] =	sst s2;
	s10 =	smul.u32 $0x4E000, s9;
	s31 =	sshll.u32 s9, $0x6  }
0x6: {  	s13 =	sadd.s32 $0x138000, s1;
	p0 =	sne.s32 s9, $0x0;
	s0 =	sshll.u32 s3, $0x4  }
0x7: {  	s28 =	smul.u32 $0x27100, s3;
	s8 =	ssub.s32 $0x2, s3;
	s3 =	sadd.s32 $0x19C00, s6  }
0x8: {  	s4 =	sor.u32 s9, s0;
	s0 =	rddreg [dreg:$0x2];
	_ =	strace $0x80000047  }
0x9: {  	s5 =	sadd.s32 s15, s6;
	s29 =	sshrl.u32 s8, $0x1;
	s30 =	sshrl.u32 s10, $0x2  }
0xa: {  	s10 =	simm.s32 $0x2;
	s4 =	smul.u32 $0x500, s4;
	s11 =	sadd.s32 s28, s6  }
0xb: {  	s8 =	ssub.s32 s8, s29;
	s12 =	sadd.s32 s30, s1;
	s16 =	sadd.s32 $0x41800, s11  }
0xc: {  	s8 =	smax.u32 s8, $0x1;
	s9 =	sshrl.u32 s12, $0x3;
	s11 =	sshrl.u32 @!p0 s13, $0x3  }
0xd: {  	s12 =	simm.s32 $0x2800;
	s13 =	simm.s32 $0x80;
	s7 =	sadd.s32 s4, s6  }
0xe: {  	s4 =	sadd.s32 $0x1A400, s5;
	s5 =	sor.u32 $0x1C02, s31;
	s6 =	sadd.s32 $0x41400, s6  }
0xf: {  	s15 =	sadd.s32 s15, s16;
	s16 =	sadd.s32 @!p0 $0x27000, s16;
	s7 =	sadd.s32 $0xFC00, s7  }
.LBB2_1:
0x10: {  	[spmem:s9], [sflag:s5] =	dma.local [hbm:s4], $0x2700  }
0x11: {  	_ =	swait.ge [sflag:s10], $0x2700  }
0x12: {  	[sflag:s10] =	ssyncset.done $0x0  }
0x13: {  	s18 =	simm.s32 @!p0 $0x2;
	[sflag:s10] =	ssyncadd.s32 $0xFFFFD900  }
0x14: {  	[spmem:s11], [sflag:s5] =	dma.local @!p0 [hbm:s6], $0x300  }
0x15: {  	_ =	swait.ge @!p0 [sflag:s18], $0x300  }
0x16: {  	[sflag:s18] =	ssyncset.done @!p0 $0x0  }
0x17: {  	[sflag:s18] =	ssyncadd.s32 @!p0 $0xFFFFFD00  }
0x18: {  	[tilespmem:s2], [sflag:$0x2] =	stream.linear.gather [hbm4b:s7+s2], $0x2800, $0x38;
	[tilespmem:$0x1A180] =	vst v63  }
0x19: {  	_ =	swait.ge [sflag:s10], $0x2800  }
0x1a: {  	[sflag:s10] =	ssyncset.done $0x0  }
0x1b: {  	[sflag:s10] =	ssyncadd.s32 $0xFFFFD800  }
0x1c: {  	[tilespmem:s12], [sflag:$0x2] =	stream.linear.gather [hbm4b:s3+s2], $0x4000, $0x38;
	[tilespmem:$0x1A180] =	vst v63  }
0x1d: {  	_ =	swait.ge [sflag:s10], $0x4000  }
0x1e: {  	[sflag:s10] =	ssyncset.done $0x0  }
0x1f: {  	[sflag:s10] =	ssyncadd.s32 $0xFFFFC000  }
0x20: {  	s28 =	simm.s32 $0x0;
	[bflag:$0x0] =	sbarrier.arrive $0xFFFF  }
0x21: {  	[spmem:s1] =	stream.indirect.scatter.add.f32 [tilespmem:s12], [sflag:$0x1], $0x80, s28, s13, $0xb8;
	[tilespmem:$0x1A180] =	vst v63  }
0x22: {  	s29 =	simm.s32 $0x80  }
0x23: {  	[spmem:s1] =	stream.indirect.scatter.add.f32 [tilespmem:s12], [sflag:$0x1], $0x80, s29, s13, $0xb8;
	[tilespmem:$0x1A180] =	vst v63  }
0x24: {  	s30 =	simm.s32 $0x100  }
0x25: {  	[spmem:s1] =	stream.indirect.scatter.add.f32 [tilespmem:s12], [sflag:$0x1], $0x80, s30, s13, $0xb8;
	[tilespmem:$0x1A180] =	vst v63  }
0x26: {  	s31 =	simm.s32 $0x180  }
0x27: {  	[spmem:s1] =	stream.indirect.scatter.add.f32 [tilespmem:s12], [sflag:$0x1], $0x80, s31, s13, $0xb8;
	[tilespmem:$0x1A180] =	vst v63  }
0x28: {  	_ =	swait.ge [sflag:s14], $0x4000  }
0x29: {  	[sflag:s14] =	ssyncset.done $0x0  }
0x2a: {  	[sflag:s14] =	ssyncadd.s32 $0xFFFFC000  }
0x2b: {  	_ =	swait.ge [sflag:s14], $0x4000  }
0x2c: {  	[sflag:s14] =	ssyncset.done $0x0  }
0x2d: {  	[sflag:s14] =	ssyncadd.s32 $0xFFFFC000  }
0x2e: {  	_ =	swait.ge [sflag:s14], $0x4000  }
0x2f: {  	[sflag:s14] =	ssyncset.done $0x0  }
0x30: {  	[sflag:s14] =	ssyncadd.s32 $0xFFFFC000  }
0x31: {  	_ =	swait.ge [sflag:s14], $0x4000  }
0x32: {  	s19 =	simm.s32 $0x1000;
	s18 =	simm.s32 $0x800;
	[sflag:s14] =	ssyncset.done $0x0  }
.LBB2_2:
0x33: {  	s20 =	sshra.s32 s18, $0x2  }
0x34: {  	[sflag:s14] =	ssyncadd.s32 $0xFFFFC000;
	s18 =	smov.u32 s19;
	s21 =	sadd.s32 $0x800, s19  }
0x35: {  	[spmem:s1] =	stream.indirect.scatter.add.f32 [tilespmem:s12], [sflag:$0x1], $0x80, s20, s13, $0xb8;
	[tilespmem:$0x1A180] =	vst v63  }
0x36: {  	p1 =	sne.s32 s19, $0x9800;
	s19 =	sadd.s32 $0x80, s20  }
0x37: {  	[spmem:s1] =	stream.indirect.scatter.add.f32 [tilespmem:s12], [sflag:$0x1], $0x80, s19, s13, $0xb8;
	[tilespmem:$0x1A180] =	vst v63  }
0x38: {  	s19 =	sadd.s32 $0x100, s20  }
0x39: {  	[spmem:s1] =	stream.indirect.scatter.add.f32 [tilespmem:s12], [sflag:$0x1], $0x80, s19, s13, $0xb8;
	[tilespmem:$0x1A180] =	vst v63  }
0x3a: {  	s19 =	sadd.s32 $0x180, s20  }
0x3b: {  	[spmem:s1] =	stream.indirect.scatter.add.f32 [tilespmem:s12], [sflag:$0x1], $0x80, s19, s13, $0xb8;
	[tilespmem:$0x1A180] =	vst v63  }
0x3c: {  	_ =	swait.ge [sflag:s14], $0x4000  }
0x3d: {  	[sflag:s14] =	ssyncset.done $0x0  }
0x3e: {  	[sflag:s14] =	ssyncadd.s32 $0xFFFFC000  }
0x3f: {  	_ =	swait.ge [sflag:s14], $0x4000  }
0x40: {  	[sflag:s14] =	ssyncset.done $0x0  }
0x41: {  	[sflag:s14] =	ssyncadd.s32 $0xFFFFC000  }
.Ltmp0:
0x42: {  	_ =	swait.ge [sflag:s14], $0x4000;
	(pc) =	sbr.rel @p1 .LBB2_2-.Ltmp0, $4  }
0x43: {  	[sflag:s14] =	ssyncset.done $0x0  }
0x44: {  	[sflag:s14] =	ssyncadd.s32 $0xFFFFC000  }
0x45: {  	_ =	swait.ge [sflag:s14], $0x4000  }
0x46: {  	s19 =	smov.u32 s21;
	[sflag:s14] =	ssyncset.done $0x0  }
0x47: {  	s18 =	sshra.s32 s18, $0x2;
	[sflag:s14] =	ssyncadd.s32 $0xFFFFC000  }
0x48: {  	[spmem:s1] =	stream.indirect.scatter.add.f32 [tilespmem:s12], [sflag:$0x1], $0x80, s18, s13, $0xb8;
	[tilespmem:$0x1A180] =	vst v63  }
0x49: {  	s19 =	sadd.s32 $0x80, s18  }
0x4a: {  	[spmem:s1] =	stream.indirect.scatter.add.f32 [tilespmem:s12], [sflag:$0x1], $0x80, s19, s13, $0xb8;
	[tilespmem:$0x1A180] =	vst v63  }
0x4b: {  	s31 =	sadd.s32 $0x100, s18  }
0x4c: {  	[spmem:s1] =	stream.indirect.scatter.add.f32 [tilespmem:s12], [sflag:$0x1], $0x80, s31, s13, $0xb8;
	[tilespmem:$0x1A180] =	vst v63  }
0x4d: {  	s18 =	sadd.s32 $0x180, s18  }
0x4e: {  	[spmem:s1] =	stream.indirect.scatter.add.f32 [tilespmem:s12], [sflag:$0x1], $0x80, s18, s13, $0xb8;
	[tilespmem:$0x1A180] =	vst v63  }
0x4f: {  	_ =	swait.ge [sflag:s14], $0x4000  }
0x50: {  	[sflag:s14] =	ssyncset.done $0x0  }
0x51: {  	[sflag:s14] =	ssyncadd.s32 $0xFFFFC000  }
0x52: {  	_ =	swait.ge [sflag:s14], $0x4000  }
0x53: {  	[sflag:s14] =	ssyncset.done $0x0  }
0x54: {  	[sflag:s14] =	ssyncadd.s32 $0xFFFFC000  }
0x55: {  	_ =	swait.ge [sflag:s14], $0x4000  }
0x56: {  	[sflag:s14] =	ssyncset.done $0x0  }
0x57: {  	[sflag:s14] =	ssyncadd.s32 $0xFFFFC000  }
0x58: {  	_ =	swait.ge [sflag:s14], $0x4000  }
0x59: {  	[sflag:s14] =	ssyncset.done $0x0  }
0x5a: {  	[sflag:s14] =	ssyncadd.s32 $0xFFFFC000  }
0x5b: {  	[bflag:$0x0] =	sbarrier.arrive $0xFFFF  }
0x5c: {  	[hbm:s15], [sflag:s5] =	dma.local [spmem:s9], $0x2700  }
0x5d: {  	s17 =	sadd.s32 $0x1, s17;
	_ =	swait.ge [sflag:s10], $0x2700  }
0x5e: {  	p1 =	sne.s32 s17, s8;
	[sflag:s10] =	ssyncset.done $0x0  }
.Ltmp1:
0x5f: {  	s18 =	simm.s32 @!p0 $0x2;
	[sflag:s10] =	ssyncadd.s32 $0xFFFFD900;
	(pc) =	sbr.rel @p1 .LBB2_1-.Ltmp1, $4  }
0x60: {  	[hbm:s16], [sflag:s5] =	dma.local @!p0 [spmem:s11], $0x100  }
0x61: {  	_ =	swait.ge @!p0 [sflag:s18], $0x100  }
0x62: {  	[sflag:s18] =	ssyncset.done @!p0 $0x0  }
0x63: {  	[sflag:s18] =	ssyncadd.s32 @!p0 $0xFFFFFF00  }
0x64: {  	_ =	sfence.sel $0x180000  }
0x65: {  	[bflag:$0x0] =	sbarrier.arrive $0xFFFF  }
0x66: {  	_ =	strace $0x90000047  }
0x67: {  	s0 =	sadd.s32 @!p0 $0x100000, s0;
	[bflag:$0x2] =	sbarrier.arrive $0xFFFF  }
0x68: {  	[sflag:s0] =	ssyncadd.tile.s32 @!p0 $0x1;
	_ =	shalt  }
.Lfunc_end2:
_tile_overlayer_lowered:
.L_overlay_start_2:
0x69: {  	(tag) =	ssettag $0x2  }
0x6a: {  	s0 =	rddreg [dreg:$0x0];
	s2 =	stileid.u32  }
0x6b: {  	s1 =	rddreg [dreg:$0x1];
	p0 =	sne.s32 s2, $0x0  }
0x6c: {  	s3 =	rddreg [dreg:$0x2];
	[bflag:$0x3] =	sbarrier.arrive $0xFFFF;
	s2 =	simm.s32 @!p0 $0x1C02  }
0x6d: {  	[timem:s3], [sflag:s2] =	dma.local @!p0 [hbm:s0], s1  }
0x6e: {  	s0 =	simm.s32 @!p0 $0x2  }
0x6f: {  	_ =	swait.ge @!p0 [sflag:s0], s1  }
0x70: {  	s1 =	ssub.s32 @!p0 $0x0, s1;
	[sflag:s0] =	ssyncset.done @!p0 $0x0  }
0x71: {  	[sflag:s0] =	ssyncadd.s32 @!p0 s1  }
0x72: {  	[bflag:$0x3] =	sbarrier.arrive $0xFFFF  }
0x73: {  	_ =	shalt  }

// kernel: kernel.16.cloned.1.call-start
scs
__scs_entry_jumppad:
0x0: {  	(pc) =	sbr.rel $0x88, $3  }
0x1: {  	(tag) =	ssettag $0x0;
	lr =	simm.s32 $0x1  }
0x2: {  	[smem:$0x3F89] =	sst lr;
	_ =	strace $0xD0000000  }
0x3: {  	_ = 	snop  }
0x4: {  	_ = 	snop  }
0x5: {  	_ = 	snop  }
0x6: {  	_ = 	snop  }
0x7: {  	_ = 	snop  }
__scs_overlays_trampoline_lowered:
0x8: {  	[smem:$0x3F98] =	sst s0  }
0x9: {  	[smem:$0x3F99] =	sst s1  }
0xa: {  	[smem:$0x3F9A] =	sst s2  }
0xb: {  	[smem:$0x3F9B] =	sst s3  }
0xc: {  	[smem:$0x3F9C] =	sst s4  }
0xd: {  	[smem:$0x3F9D] =	sst s5  }
0xe: {  	[smem:$0x3F9E] =	sst s6  }
0xf: {  	[smem:$0x3F9F] =	sst s7  }
0x10: {  	[smem:$0x3FA0] =	sst s8  }
0x11: {  	[smem:$0x3FA1] =	sst s9;
	s0 =	simm.s32 @!p0 $0x0  }
0x12: {  	s1 =	sld [smem:$0x3F87];
	s0 =	simm.s32 @p0 $0x1  }
0x13: {  	[smem:$0x3FA2] =	sst s0;
	s0 =	simm.s32 @!p1 $0x0  }
0x14: {  	s2 =	sld [smem:$0x3F86];
	s0 =	simm.s32 @p1 $0x1  }
0x15: {  	[smem:$0x3FA3] =	sst s0;
	s0 =	simm.s32 @!p2 $0x0  }
0x16: {  	s3 =	sld [smem:$0x3FDB];
	s0 =	simm.s32 @p2 $0x1  }
0x17: {  	s4 =	simm.s32 $0x1BF5;
	[smem:$0x3FA5] =	sst s0  }
0x18: {  	s0 =	sld [smem:$0x3F88];
	_ =	swait.ge [sflag:s4], $0x0  }
0x19: {  	s7 =	sld [smem:$0x3F89]  }
0x1a: {  	s8 =	sadd.s32 $0xFFFFE003, lr  }
0x1b: {  	s9 =	sadd.s32 $0xFFFFFEF7, lr;
	s5 =	simm.s32 $0xFFFFFFFF;
	p2 =	slt.u32 s8, $0xFFFFF086  }
0x1c: {  	p1 =	slt.u32 s9, $0xF7A;
	s5 =	simm.s32 @!p2 $0x0  }
0x1d: {  	s5 =	simm.s32 @p1 $0x1;
	p0 =	seq.s32 s7, s2  }
0x1e: {  	s7 =	smul.u32 @!p0 $0xF7A, s2;
	p2 =	seq.s32 @!p0 s5, $0x0  }
0x1f: {  	s9 =	smul.u32 $0xF7A, s1;
	s8 =	simm.s32 @!p0 $0x1BF5;
	p2 =	por !p2, p0  }
0x20: {  	[sflag:s8] =	ssyncset.s32 @!p0 $0xFFFFF086;
	s6 =	sadd.s32 @!p0 s3, s7;
	s7 =	simm.s32 @!p0 $0x108  }
0x21: {  	s3 =	sadd.s32 s3, s9;
	s6 =	sadd.s32 @!p0 $0x88, s6;
	s7 =	simm.s32 @p2 $0x1082  }
0x22: {  	[simem:s7], [sflag:s8] =	dma.local @!p0 [hbm:s6], $0xF7A  }
0x23: {  	s9 =	sor.u32 $0xD0000000, s2;
	s6 =	simm.s32 $0x108;
	_ =	swait.ge @!p0 [sflag:s8], $0x0  }
0x24: {  	s3 =	sadd.s32 $0x88, s3;
	s6 =	simm.s32 @!p1 $0x1082;
	[sflag:s4] =	ssyncset.s32 $0xFFFFF086  }
0x25: {  	[simem:s6], [sflag:s4] =	dma.local [hbm:s3], $0xF7A  }
0x26: {  	[smem:$0x3F89] =	sst s1;
	(tag) =	ssettag s2;
	_ =	strace s9  }
0x27: {  	s1 =	sld [smem:$0x3F99]  }
0x28: {  	s2 =	sld [smem:$0x3F9A]  }
0x29: {  	s4 =	sld [smem:$0x3F9C]  }
0x2a: {  	p0 =	seq.s32 s5, $0x0;
	s5 =	sld [smem:$0x3F9D]  }
0x2b: {  	s6 =	sld [smem:$0x3F9E]  }
0x2c: {  	s7 =	sld [smem:$0x3F9F]  }
0x2d: {  	s3 =	simm.s32 $0x108;
	s8 =	sld [smem:$0x3FA0]  }
0x2e: {  	s3 =	simm.s32 @!p0 $0x1082;
	s9 =	sld [smem:$0x3FA1]  }
0x2f: {  	lr =	sadd.s32 s0, s3;
	s0 =	sld [smem:$0x3F98]  }
0x30: {  	s3 =	sld [smem:$0x3F9B]  }
0x31: {  	[smem:$0x3FA4] =	sst s10  }
0x32: {  	s10 =	sld [smem:$0x3FA2];
	_ =	sdelay $0x3  }
0x33: {  	p0 =	seq.s32 s10, $0x1;
	s10 =	sld [smem:$0x3FA4];
	_ =	sdelay $0x3  }
0x34: {  	[smem:$0x3FA4] =	sst s10  }
0x35: {  	s10 =	sld [smem:$0x3FA3];
	_ =	sdelay $0x3  }
0x36: {  	p1 =	seq.s32 s10, $0x1;
	s10 =	sld [smem:$0x3FA4];
	_ =	sdelay $0x3  }
0x37: {  	[smem:$0x3FA4] =	sst s10  }
0x38: {  	s10 =	sld [smem:$0x3FA5]  }
0x39: {  	_ = 	snop;
	(pc) =	sbr.ind lr, $3  }
0x3a: {  	_ = 	snop  }
0x3b: {  	_ = 	snop  }
0x3c: {  	p2 =	seq.s32 s10, $0x1;
	s10 =	sld [smem:$0x3FA4]  }
0x3d: {  	_ =	shalt  }
0x3e: {  	_ =	shalt  }
0x3f: {  	_ =	shalt  }
0x40: {  	_ =	shalt  }
0x41: {  	_ =	shalt  }
0x42: {  	_ =	shalt  }
0x43: {  	_ =	shalt  }
0x44: {  	_ =	shalt  }
0x45: {  	_ =	shalt  }
0x46: {  	_ =	shalt  }
0x47: {  	_ =	shalt  }
0x48: {  	_ =	shalt  }
0x49: {  	_ =	shalt  }
0x4a: {  	_ =	shalt  }
0x4b: {  	_ =	shalt  }
0x4c: {  	_ =	shalt  }
0x4d: {  	_ =	shalt  }
0x4e: {  	_ =	shalt  }
0x4f: {  	_ =	shalt  }
0x50: {  	_ =	shalt  }
0x51: {  	_ =	shalt  }
0x52: {  	_ =	shalt  }
0x53: {  	_ =	shalt  }
0x54: {  	_ =	shalt  }
0x55: {  	_ =	shalt  }
0x56: {  	_ =	shalt  }
0x57: {  	_ =	shalt  }
0x58: {  	_ =	shalt  }
0x59: {  	_ =	shalt  }
0x5a: {  	_ =	shalt  }
0x5b: {  	_ =	shalt  }
0x5c: {  	_ =	shalt  }
0x5d: {  	_ =	shalt  }
0x5e: {  	_ =	shalt  }
0x5f: {  	_ =	shalt  }
0x60: {  	_ =	shalt  }
0x61: {  	_ =	shalt  }
0x62: {  	_ =	shalt  }
0x63: {  	_ =	shalt  }
0x64: {  	_ =	shalt  }
0x65: {  	_ =	shalt  }
0x66: {  	_ =	shalt  }
0x67: {  	_ =	shalt  }
0x68: {  	_ =	shalt  }
0x69: {  	_ =	shalt  }
0x6a: {  	_ =	shalt  }
0x6b: {  	_ =	shalt  }
0x6c: {  	_ =	shalt  }
0x6d: {  	_ =	shalt  }
0x6e: {  	_ =	shalt  }
0x6f: {  	_ =	shalt  }
0x70: {  	_ =	shalt  }
0x71: {  	_ =	shalt  }
0x72: {  	_ =	shalt  }
0x73: {  	_ =	shalt  }
0x74: {  	_ =	shalt  }
0x75: {  	_ =	shalt  }
0x76: {  	_ =	shalt  }
0x77: {  	_ =	shalt  }
0x78: {  	_ =	shalt  }
0x79: {  	_ =	shalt  }
0x7a: {  	_ =	shalt  }
0x7b: {  	_ =	shalt  }
0x7c: {  	_ =	shalt  }
0x7d: {  	_ =	shalt  }
0x7e: {  	_ =	shalt  }
0x7f: {  	_ =	shalt  }
0x80: {  	_ =	shalt  }
0x81: {  	_ =	shalt  }
0x82: {  	_ =	shalt  }
0x83: {  	_ =	shalt  }
0x84: {  	_ =	shalt  }
0x85: {  	_ =	shalt  }
0x86: {  	_ =	shalt  }
0x87: {  	_ =	shalt  }
.Lfunc_end0:
.L_simem_size_0:
called_computation.1_lowered:
.L_overlay_start_0:
0x88: {  	s2 =	sld [smem:$0x3FD9]  }
0x89: {  	s3 =	sld [smem:$0x3FFE];
	_ =	sdelay $0x1  }
0x8a: {  	s1 =	srdreg.scid  }
0x8b: {  	s0 =	sand.u32 $0x1, s1  }
0x8c: {  	s17 =	sshll.u32 s0, $0xA;
	s2 =	sadd.s32 s3, s2  }
0x8d: {  	s2 =	sadd.s32 s2, s17  }
0x8e: {  	[smem:$0x3FB0] =	sst s2  }
0x8f: {  	_ = 	snop  }
0x90: {  	s18 =	sld [smem:$0x3FD0];
	(tm) =	ssettm $0x1  }
0x91: {  	s19 =	sld [smem:$0x3FFB];
	_ =	sdelay $0x3  }
0x92: {  	_ =	strace s19  }
0x93: {  	s2 =	sld [smem:$0x3FFC];
	_ =	sdelay $0x3  }
0x94: {  	_ =	strace s2  }
0x95: {  	s2 =	sld [smem:$0x3FFD];
	_ =	sdelay $0x3  }
0x96: {  	_ =	strace s2  }
0x97: {  	_ =	strace $0x8FFFFFFF  }
0x98: {  	s20 =	sld [smem:$0x3FDB];
	_ =	sdelay $0x1  }
0x99: {  	s4 =	simm.s32 $_scs_section_size  }
0x9a: {  	s5 =	simm.s32 $_size__tile_overlayer_lowered;
	s6 =	simm.s32 $_tile_overlayer_lowered  }
0x9b: {  	s7 =	simm.s32 $0x1BFF;
	s21 =	sshll.u32 s6, $0x1;
	s4 =	sadd.s32 s4, s20  }
0x9c: {  	s22 =	simm.s32 $0x0;
	s5 =	sshll.u32 s5, $0x1;
	s6 =	sadd.s32 s21, s4  }
0x9d: {  	[timem:s22], [sflag:s7] =	dma.local [hbm:s6], s5  }
0x9e: {  	_ =	swait.ge [sflag:s7], s5  }
0x9f: {  	s5 =	ssub.s32 $0x0, s5;
	[sflag:s7] =	ssyncset.done $0x0  }
0xa0: {  	[sflag:s7] =	ssyncadd.s32 s5;
	_ =	sdelay $0x1  }
0xa1: {  	s23 =	simm.s32 $0x1B8B  }
0xa2: {  	_ =	swait.ge [sflag:s23], $0x1  }
0xa3: {  	[sflag:s23] =	ssyncset.done $0x0  }
0xa4: {  	[sflag:s23] =	ssyncadd.s32 $0xFFFFFFFF  }
0xa5: {  	s5 =	sld [smem:$0x0]  }
0xa6: {  	s6 =	sand.u32 $0xFFFFFFFE, s1  }
0xa7: {  	p0 =	sne.s32 s1, s6  }
0xa8: {  	s6 =	sshll.u32 @p0 s6, $0xE  }
0xa9: {  	s6 =	sadd.s32 @p0 $0x11B8D, s6;
	s7 =	sshll.u32 @p0 s5, $0x11  }
0xaa: {  	s6 =	sor.u32 @p0 s7, s6  }
0xab: {  	[sflag:s6] =	ssyncadd.remote.s32 @p0 $0x1;
	_ =	sdelay $0x1  }
0xac: {  	s6 =	simm.s32 @p0 $0x1B8D  }
0xad: {  	_ =	swait.eq @p0 [sflag:s6], $0x1  }
0xae: {  	[sflag:s6] =	ssyncadd.s32 @p0 $0xFFFFFFFF  }
0xaf: {  	s7 =	sshll.u32 @!p0 s1, $0xE  }
0xb0: {  	s7 =	sor.u32 @!p0 $0x4000, s7;
	s6 =	simm.s32 @!p0 $0x1B8D  }
0xb1: {  	s5 =	sshll.u32 @!p0 s5, $0x11;
	s7 =	sadd.s32 @!p0 $0x11B8D, s7;
	_ =	swait.eq @!p0 [sflag:s6], $0x1  }
0xb2: {  	s5 =	sor.u32 @!p0 s5, s7;
	[sflag:s6] =	ssyncadd.s32 @!p0 $0xFFFFFFFF  }
0xb3: {  	s25 =	simm.s32 $0x1B8E;
	s24 =	sld [smem:$0x3FFE];
	[sflag:s5] =	ssyncadd.remote.s32 @!p0 $0x1  }
0xb4: {  	s26 =	simm.s32 $execute0_lowered;
	[smem:$0x3FD2] =	sst s25  }
0xb5: {  	s6 =	sshll.u32 s26, $0x1;
	_ =	strace $0x80000049;
	[dreg:$0x1] =	wrdreg $0xFFFFFFFF  }
0xb6: {  	s28 =	simm.s32 $_size_execute0_lowered;
	s4 =	sadd.s32 s4, s6;
	[dreg:$0x0] =	wrdreg $0x0  }
0xb7: {  	s6 =	sshll.u32 s28, $0x1;
	[dreg:$0x2] =	wrdreg s4  }
0xb8: {  	[dreg:$0x3] =	wrdreg s6  }
0xb9: {  	[dreg:$0x4] =	wrdreg $0xC0  }
0xba: {  	_ =	task [dreg:s22], $0x5FFFF  }
0xbb: {  	[dreg:$0x1] =	wrdreg $0xFFFFFFFF  }
0xbc: {  	[dreg:$0x0] =	wrdreg $0x60  }
0xbd: {  	[dreg:$0x2] =	wrdreg s18  }
0xbe: {  	[dreg:$0x3] =	wrdreg s24  }
0xbf: {  	[dreg:$0x4] =	wrdreg $0xC3000  }
0xc0: {  	[dreg:$0x5] =	wrdreg $0xA  }
0xc1: {  	_ =	task.clear_ibuf [dreg:s22], $0x6FFFF;
	_ =	strace $0x90000049  }
0xc2: {  	s29 =	simm.s32 $0xA;
	_ =	strace $0x8000004B  }
0xc3: {  	_ =	swait.ge [sflag:s29], $0x1  }
0xc4: {  	[sflag:s29] =	ssyncadd.s32 $0xFFFFFFFF  }
0xc5: {  	_ =	strace $0x9000004B  }
0xc6: {  	_ =	sfence  }
0xc7: {  	s30 =	sld [smem:$0x0];
	_ =	sdelay $0x2  }
0xc8: {  	s31 =	sshll.u32 s1, $0xD;
	s1 =	sshrl.u32 s1, $0x2  }
0xc9: {  	s4 =	sand.u32 $0x4000, s31;
	s1 =	sadd.s32 s1, s30  }
0xca: {  	s0 =	sor.u32 s4, s0;
	s1 =	sshll.u32 s1, $0x11  }
0xcb: {  	s0 =	sor.u32 s1, s0  }
0xcc: {  	s0 =	sadd.s32 $0x8F2B, s0  }
0xcd: {  	[sflag:s0] =	ssyncadd.remote.s32 $0x1  }
0xce: {  	_ =	sfence.sel $0xFFFF  }
0xcf: {  	[dreg:$0x0] =	wrdreg $0xFFFFFFFF;
	(pc) =	sbr.abs _section_cstart, $3  }
0xd0: {  	[dreg:$0x1] =	wrdreg $0xFFFFFFFF  }
0xd1: {  	_ =	task.clear_ibuf [dreg:s22], $0x2FFFF;
	_ =	strace $0x9FFFFFFF  }
0xd2: {  	(tm) =	ssettm $0x7FFFFFFF  }
0xd3: {  	_ =	shalt  }
tec
execute0_lowered:
.L_overlay_start_1:
0x0: {  	(tag) =	ssettag $0x1  }
0x1: {  	s1 =	rddreg [dreg:$0x0]  }
0x2: {  	s0 =	rddreg [dreg:$0x1]  }
0x3: {  	s2 =	rddreg [dreg:$0x2];
	s3 =	simm.s32 $0x0;
	s4 =	stileid.u32  }
0x4: {  	s7 =	srdreg.scid;
	s28 =	simm.s32 $0x280;
	s29 =	simm.s32 $0x1  }
0x5: {  	s30 =	simm.s32 $0x300;
	s31 =	simm.s32 $0x7;
	[smem:$0x7FF] =	sst s3  }
0x6: {  	s8 =	smul.u32 $0x2700, s4;
	s5 =	sadd.s32 $0x5C00, s0;
	s6 =	sadd.s32 $0xFC00, s0  }
0x7: {  	s7 =	sand.u32 $0x1, s7;
	s13 =	smul.u32 $0x4E000, s4;
	s22 =	sshll.u32 s4, $0x6  }
0x8: {  	s23 =	sadd.s32 $0x138000, s2;
	p0 =	sne.s32 s4, $0x0;
	_ =	strace $0x8000004A  }
0x9: {  	s9 =	smul.u32 $0x27100, s7;
	s10 =	ssub.s32 $0x2, s7;
	[dreg:$0xc] =	wrdreg s23  }
0xa: {  	s12 =	sshll.u32 s7, $0x4;
	s7 =	smul.u32 $0x28000, s7;
	[dreg:$0x8] =	wrdreg s8  }
0xb: {  	s8 =	sadd.s32 s8, s0;
	s11 =	sshrl.u32 s10, $0x1;
	s20 =	sor.u32 s4, s12  }
0xc: {  	s21 =	sshrl.u32 s13, $0x2;
	s13 =	sor.u32 $0x1C0D, s22;
	s14 =	sadd.s32 s9, s0  }
0xd: {  	s10 =	ssub.s32 s10, s11;
	s9 =	sadd.s32 s21, s2;
	[dreg:$0xb] =	wrdreg s13  }
0xe: {  	s11 =	smul.u32 $0x2800, s20;
	s8 =	sadd.s32 $0x1A400, s8;
	[dreg:$0x9] =	wrdreg s9  }
0xf: {  	s12 =	simm.s32 $0x8300;
	s0 =	sadd.s32 $0x41400, s0;
	[dreg:$0xa] =	wrdreg s8  }
0x10: {  	s20 =	smul.u32 $0x2800, s4;
	[dreg:$0xd] =	wrdreg s0;
	s18 =	sor.u32 $0x180, s11  }
0x11: {  	s4 =	simm.s32 $0x2;
	s19 =	sor.u32 $0x100, s11;
	[dreg:$0x4] =	wrdreg s18  }
0x12: {  	s24 =	sshrl.u32 s11, $0x3;
	s21 =	sor.u32 $0x200, s11;
	[dreg:$0x5] =	wrdreg s19  }
0x13: {  	s22 =	sor.u32 $0x280, s11;
	s7 =	sadd.s32 s20, s7;
	[dreg:$0x6] =	wrdreg s21  }
0x14: {  	s11 =	simm.s32 $0x3;
	s25 =	sadd.s32 s5, s24;
	[dreg:$0x7] =	wrdreg s22  }
0x15: {  	s26 =	sadd.s32 s6, s24;
	s15 =	sor.u32 $0x10, s24;
	[dreg:$0xe] =	wrdreg s25  }
0x16: {  	s0 =	sor.u32 $0x20, s24;
	s16 =	sadd.s32 s5, s15;
	[dreg:$0xf] =	wrdreg s26  }
0x17: {  	s24 =	sor.u32 $0x80, s7;
	s8 =	sadd.s32 s6, s15;
	[dreg:$0x10] =	wrdreg s16  }
0x18: {  	s18 =	simm.s32 $0xD;
	s17 =	sadd.s32 s5, s0;
	[dreg:$0x11] =	wrdreg s8  }
0x19: {  	s7 =	simm.s32 $0x4300;
	s0 =	sadd.s32 s6, s0;
	[dreg:$0x12] =	wrdreg s17  }
0x1a: {  	s19 =	simm.s32 $0x0;
	s23 =	sadd.s32 $0x4F0, s26;
	[dreg:$0x13] =	wrdreg s0  }
0x1b: {  	s25 =	sadd.s32 $0x8FA00, s14;
	s26 =	smax.u32 s10, $0x1;
	[dreg:$0x14] =	wrdreg s23  }
0x1c: {  	s10 =	simm.s32 $0x5;
	s14 =	simm.s32 $0x9;
	[dreg:$0x15] =	wrdreg s25  }
0x1d: {  	s15 =	simm.s32 $0xA;
	[dreg:$0x16] =	wrdreg s26;
	s0 =	sshrl.u32 s24, $0x3  }
0x1e: {  	s23 =	simm.s32 $0x180;
	s24 =	simm.s32 $0x80;
	s25 =	simm.s32 $0x200  }
0x1f: {  	s26 =	simm.s32 $0x100;
	s8 =	simm.s32 $0x8;
	s0 =	sadd.s32 s0, s6  }
0x20: {  	s16 =	simm.s32 $0x6;
	[dreg:$0x17] =	wrdreg s0;
	s0 =	simm.s32 $0x4  }
.LBB2_1:
0x21: {  	[dreg:$0x18] =	wrdreg s19  }
0x22: {  	s9 =	rddreg [dreg:$0x9]  }
0x23: {  	s20 =	rddreg [dreg:$0xa];
	s17 =	sshrl.u32 s9, $0x3  }
0x24: {  	[dreg:$0x19] =	wrdreg s17  }
0x25: {  	[spmem:s17], [sflag:s13] =	dma.local [hbm:s20], $0x2700  }
0x26: {  	_ =	swait.ge [sflag:s18], $0x2700  }
0x27: {  	s9 =	rddreg [dreg:$0xc]  }
0x28: {  	[sflag:s18] =	ssyncset.done $0x0;
	s17 =	sshrl.u32 @!p0 s9, $0x3;
	s9 =	rddreg [dreg:$0xd]  }
0x29: {  	[sflag:s18] =	ssyncadd.s32 $0xFFFFD900;
	[dreg:$0x1a] =	wrdreg s17  }
0x2a: {  	[spmem:s17], [sflag:s13] =	dma.local @!p0 [hbm:s9], $0x300  }
0x2b: {  	s13 =	simm.s32 @!p0 $0xD  }
0x2c: {  	_ =	swait.ge @!p0 [sflag:s13], $0x300  }
0x2d: {  	[sflag:s13] =	ssyncset.done @!p0 $0x0  }
0x2e: {  	s21 =	rddreg [dreg:$0xe];
	[sflag:s13] =	ssyncadd.s32 @!p0 $0xFFFFFD00  }
0x2f: {  	[tilespmem:s3], [sflag:$0x1] =	stream.linear.gather [hbm4b:s21+s3], $0x80, $0x38;
	[tilespmem:$0x1FC80] =	vst v63  }
0x30: {  	s22 =	rddreg [dreg:$0xf]  }
0x31: {  	[tilespmem:s23], [sflag:$0x4] =	stream.linear.gather [hbm4b:s22+s3], $0x80, $0x38;
	[tilespmem:$0x1FC80] =	vst v63  }
0x32: {  	s13 =	rddreg [dreg:$0x10]  }
0x33: {  	[tilespmem:s24], [sflag:$0x2] =	stream.linear.gather [hbm4b:s13+s3], $0x80, $0x38;
	[tilespmem:$0x1FC80] =	vst v63  }
0x34: {  	s17 =	rddreg [dreg:$0x11]  }
0x35: {  	[tilespmem:s25], [sflag:$0x5] =	stream.linear.gather [hbm4b:s17+s3], $0x80, $0x38;
	[tilespmem:$0x1FC80] =	vst v63  }
0x36: {  	s18 =	rddreg [dreg:$0x12]  }
0x37: {  	[tilespmem:s26], [sflag:$0x3] =	stream.linear.gather [hbm4b:s18+s3], $0x80, $0x38;
	[tilespmem:$0x1FC80] =	vst v63  }
0x38: {  	s19 =	rddreg [dreg:$0x13]  }
0x39: {  	[tilespmem:s28], [sflag:$0x6] =	stream.linear.gather [hbm4b:s19+s3], $0x80, $0x38;
	[tilespmem:$0x1FC80] =	vst v63  }
0x3a: {  	[bflag:$0x0] =	sbarrier.arrive $0xFFFF  }
0x3b: {  	_ =	swait.ge [sflag:s29], $0x80  }
0x3c: {  	[sflag:s29] =	ssyncset.done $0x0  }
0x3d: {  	[sflag:s29] =	ssyncadd.s32 $0xFFFFFF80  }
0x3e: {  	[tilespmem:s30], [sflag:$0x7] =	stream.indirect.gather [hbm4b:s1+s24], $0x80, s3, s24, $0xb8;
	[tilespmem:$0x1FC80] =	vst v63  }
0x3f: {  	_ =	swait.ge [sflag:s31], $0x4000  }
0x40: {  	p1 =	por $0x1, $0x1;
	[sflag:s31] =	ssyncset.done $0x0  }
0x41: {  	s13 =	simm.s32 @!p1 $0xB;
	[sflag:s31] =	ssyncadd.s32 $0xFFFFC000  }
0x42: {  	_ =	swait.ge @!p1 [sflag:s13], $0x4000  }
0x43: {  	s17 =	simm.s32 @!p1 $0x200;
	[sflag:s13] =	ssyncset.done @!p1 $0x0  }
0x44: {  	s9 =	rddreg [dreg:$0x17];
	[sflag:s13] =	ssyncadd.s32 @!p1 $0xFFFFC000;
	s13 =	simm.s32 @!p1 $0x0  }
0x45: {  	[tilespmem:s17], [sflag:$0x5] =	stream.linear.gather @!p1 [hbm4b:s9+s13], $0x80, $0x38;
	[tilespmem:$0x1FC80] =	vst v63  }
0x46: {  	s19 =	simm.s32 $0x0;
	_ =	swait.ge [sflag:s0], $0x80  }
0x47: {  	s19 =	simm.s32 @p1 $0x0;
	[sflag:s0] =	ssyncset.done $0x0;
	s20 =	rddreg [dreg:$0x4]  }
0x48: {  	[sflag:s0] =	ssyncadd.s32 $0xFFFFFF80;
	s17 =	sadd.s32 s19, s20  }
0x49: {  	[spmem:s2] =	stream.indirect.scatter.add.f32 [tilespmem:s30], [sflag:$0xA], $0x80, s23, s24, $0xb8;
	[tilespmem:$0x1FC80] =	vst v63  }
0x4a: {  	s17 =	sshrl.u32 s17, $0x3  }
0x4b: {  	s21 =	sadd.s32 s5, s17  }
0x4c: {  	[tilespmem:s3], [sflag:$0x1] =	stream.linear.gather [hbm4b:s21+s3], $0x80, $0x38;
	[tilespmem:$0x1FC80] =	vst v63  }
0x4d: {  	_ =	swait.ge [sflag:s4], $0x80  }
0x4e: {  	[sflag:s4] =	ssyncset.done $0x0  }
0x4f: {  	[sflag:s4] =	ssyncadd.s32 $0xFFFFFF80  }
0x50: {  	[tilespmem:s7], [sflag:$0x8] =	stream.indirect.gather [hbm4b:s1+s24], $0x80, s24, s24, $0xb8;
	[tilespmem:$0x1FC80] =	vst v63  }
0x51: {  	_ =	swait.ge [sflag:s8], $0x4000  }
0x52: {  	[sflag:s8] =	ssyncset.done $0x0  }
0x53: {  	s21 =	simm.s32 @!p1 $0xC;
	[sflag:s8] =	ssyncadd.s32 $0xFFFFC000  }
0x54: {  	_ =	swait.ge @!p1 [sflag:s21], $0x4000  }
0x55: {  	s22 =	rddreg [dreg:$0x5]  }
0x56: {  	s22 =	sadd.s32 @!p1 s19, s22  }
0x57: {  	[sflag:s21] =	ssyncset.done @!p1 $0x0;
	s22 =	sshrl.u32 @!p1 s22, $0x3  }
0x58: {  	[sflag:s21] =	ssyncadd.s32 @!p1 $0xFFFFC000;
	s21 =	simm.s32 @!p1 $0x280;
	s22 =	sadd.s32 @!p1 s6, s22  }
0x59: {  	[tilespmem:s21], [sflag:$0x6] =	stream.linear.gather @!p1 [hbm4b:s22+s13], $0x80, $0x38;
	[tilespmem:$0x1FC80] =	vst v63  }
0x5a: {  	_ =	swait.ge [sflag:s10], $0x80  }
0x5b: {  	[sflag:s10] =	ssyncset.done $0x0;
	s21 =	rddreg [dreg:$0x6]  }
0x5c: {  	[sflag:s10] =	ssyncadd.s32 $0xFFFFFF80;
	s13 =	sadd.s32 s19, s21  }
0x5d: {  	[spmem:s2] =	stream.indirect.scatter.add.f32 [tilespmem:s7], [sflag:$0xB], $0x80, s25, s24, $0xb8;
	[tilespmem:$0x1FC80] =	vst v63  }
0x5e: {  	s13 =	sshrl.u32 s13, $0x3  }
0x5f: {  	s13 =	sadd.s32 s5, s13  }
0x60: {  	[tilespmem:s24], [sflag:$0x2] =	stream.linear.gather [hbm4b:s13+s3], $0x80, $0x38;
	[tilespmem:$0x1FC80] =	vst v63  }
0x61: {  	_ =	swait.ge [sflag:s11], $0x80  }
0x62: {  	[sflag:s11] =	ssyncset.done $0x0  }
0x63: {  	[sflag:s11] =	ssyncadd.s32 $0xFFFFFF80  }
0x64: {  	[tilespmem:s12], [sflag:$0x9] =	stream.indirect.gather [hbm4b:s1+s24], $0x80, s26, s24, $0xb8;
	[tilespmem:$0x1FC80] =	vst v63  }
0x65: {  	_ =	swait.ge [sflag:s14], $0x4000  }
0x66: {  	[sflag:s14] =	ssyncset.done $0x0  }
0x67: {  	[sflag:s14] =	ssyncadd.s32 $0xFFFFC000  }
0x68: {  	_ =	swait.ge [sflag:s15], $0x4000  }
0x69: {  	[sflag:s15] =	ssyncset.done $0x0  }
0x6a: {  	s22 =	sadd.s32 s6, s17;
	[sflag:s15] =	ssyncadd.s32 $0xFFFFC000  }
0x6b: {  	[tilespmem:s23], [sflag:$0x4] =	stream.linear.gather [hbm4b:s22+s3], $0x80, $0x38;
	[tilespmem:$0x1FC80] =	vst v63  }
0x6c: {  	_ =	swait.ge [sflag:s16], $0x80  }
0x6d: {  	p1 =	por $0x0, $0x0;
	[sflag:s16] =	ssyncset.done $0x0;
	s13 =	rddreg [dreg:$0x7]  }
0x6e: {  	[sflag:s16] =	ssyncadd.s32 $0xFFFFFF80;
	s13 =	sadd.s32 @!p1 s19, s13  }
0x6f: {  	[spmem:s2] =	stream.indirect.scatter.add.f32 [tilespmem:s12], [sflag:$0xC], $0x80, s28, s24, $0xb8;
	[tilespmem:$0x1FC80] =	vst v63  }
0x70: {  	s13 =	sshrl.u32 @!p1 s13, $0x3  }
0x71: {  	s17 =	simm.s32 @!p1 $0x0;
	s19 =	simm.s32 @!p1 $0x100;
	s13 =	sadd.s32 @!p1 s5, s13  }
0x72: {  	[tilespmem:s19], [sflag:$0x3] =	stream.linear.gather @!p1 [hbm4b:s13+s17], $0x80, $0x38;
	[tilespmem:$0x1FC80] =	vst v63  }
0x73: {  	s21 =	smov.u32 s9;
	s19 =	simm.s32 $0x180;
	_ =	swait.ge [sflag:s29], $0x80  }
.LBB2_2:
0x74: {  	[sflag:s29] =	ssyncset.done $0x0  }
0x75: {  	[sflag:s29] =	ssyncadd.s32 $0xFFFFFF80  }
0x76: {  	[tilespmem:s30], [sflag:$0x7] =	stream.indirect.gather [hbm4b:s1+s24], $0x80, s3, s24, $0xb8;
	[tilespmem:$0x1FC80] =	vst v63  }
0x77: {  	s13 =	smov.u32 s19;
	_ =	swait.ge [sflag:s31], $0x4000  }
0x78: {  	p2 =	seq.s32 s13, $0x0;
	[sflag:s31] =	ssyncset.done $0x0  }
0x79: {  	s17 =	simm.s32 @!p2 $0xB;
	[sflag:s31] =	ssyncadd.s32 $0xFFFFC000  }
0x7a: {  	_ =	swait.ge @!p2 [sflag:s17], $0x4000  }
0x7b: {  	s21 =	sadd.s32 $0x30, s21;
	[sflag:s17] =	ssyncset.done @!p2 $0x0  }
0x7c: {  	s20 =	simm.s32 @!p2 $0x0;
	[sflag:s17] =	ssyncadd.s32 @!p2 $0xFFFFC000;
	s17 =	simm.s32 @!p2 $0x200  }
0x7d: {  	[tilespmem:s17], [sflag:$0x5] =	stream.linear.gather @!p2 [hbm4b:s21+s20], $0x80, $0x38;
	[tilespmem:$0x1FC80] =	vst v63  }
0x7e: {  	s22 =	smov.u32 s13;
	_ =	swait.ge [sflag:s0], $0x80  }
0x7f: {  	s22 =	simm.s32 @p2 $0x0;
	[sflag:s0] =	ssyncset.done $0x0;
	s9 =	rddreg [dreg:$0x4]  }
0x80: {  	[sflag:s0] =	ssyncadd.s32 $0xFFFFFF80;
	s17 =	sadd.s32 s22, s9  }
0x81: {  	[spmem:s2] =	stream.indirect.scatter.add.f32 [tilespmem:s30], [sflag:$0xA], $0x80, s23, s24, $0xb8;
	[tilespmem:$0x1FC80] =	vst v63  }
0x82: {  	s17 =	sshrl.u32 s17, $0x3  }
0x83: {  	s9 =	sadd.s32 s5, s17  }
0x84: {  	[tilespmem:s3], [sflag:$0x1] =	stream.linear.gather [hbm4b:s9+s3], $0x80, $0x38;
	[tilespmem:$0x1FC80] =	vst v63  }
0x85: {  	_ =	swait.ge [sflag:s4], $0x80  }
0x86: {  	[sflag:s4] =	ssyncset.done $0x0  }
0x87: {  	[sflag:s4] =	ssyncadd.s32 $0xFFFFFF80  }
0x88: {  	[tilespmem:s7], [sflag:$0x8] =	stream.indirect.gather [hbm4b:s1+s24], $0x80, s24, s24, $0xb8;
	[tilespmem:$0x1FC80] =	vst v63  }
0x89: {  	_ =	swait.ge [sflag:s8], $0x4000  }
0x8a: {  	[sflag:s8] =	ssyncset.done $0x0  }
0x8b: {  	s9 =	simm.s32 @!p2 $0xC;
	[sflag:s8] =	ssyncadd.s32 $0xFFFFC000  }
0x8c: {  	_ =	swait.ge @!p2 [sflag:s9], $0x4000  }
0x8d: {  	s18 =	rddreg [dreg:$0x5];
	[sflag:s9] =	ssyncset.done @!p2 $0x0  }
0x8e: {  	[sflag:s9] =	ssyncadd.s32 @!p2 $0xFFFFC000;
	s9 =	sadd.s32 @!p2 s22, s18  }
0x8f: {  	s9 =	sshrl.u32 @!p2 s9, $0x3  }
0x90: {  	s18 =	simm.s32 @!p2 $0x280;
	s9 =	sadd.s32 @!p2 s6, s9  }
0x91: {  	[tilespmem:s18], [sflag:$0x6] =	stream.linear.gather @!p2 [hbm4b:s9+s20], $0x80, $0x38;
	[tilespmem:$0x1FC80] =	vst v63  }
0x92: {  	_ =	swait.ge [sflag:s10], $0x80  }
0x93: {  	[sflag:s10] =	ssyncset.done $0x0;
	s18 =	rddreg [dreg:$0x6]  }
0x94: {  	[sflag:s10] =	ssyncadd.s32 $0xFFFFFF80;
	s9 =	sadd.s32 s22, s18  }
0x95: {  	[spmem:s2] =	stream.indirect.scatter.add.f32 [tilespmem:s7], [sflag:$0xB], $0x80, s25, s24, $0xb8;
	[tilespmem:$0x1FC80] =	vst v63  }
0x96: {  	s9 =	sshrl.u32 s9, $0x3  }
0x97: {  	s9 =	sadd.s32 s5, s9  }
0x98: {  	[tilespmem:s24], [sflag:$0x2] =	stream.linear.gather [hbm4b:s9+s3], $0x80, $0x38;
	[tilespmem:$0x1FC80] =	vst v63  }
0x99: {  	_ =	swait.ge [sflag:s11], $0x80  }
0x9a: {  	[sflag:s11] =	ssyncset.done $0x0  }
0x9b: {  	[sflag:s11] =	ssyncadd.s32 $0xFFFFFF80  }
0x9c: {  	[tilespmem:s12], [sflag:$0x9] =	stream.indirect.gather [hbm4b:s1+s24], $0x80, s26, s24, $0xb8;
	[tilespmem:$0x1FC80] =	vst v63  }
0x9d: {  	_ =	swait.ge [sflag:s14], $0x4000  }
0x9e: {  	[sflag:s14] =	ssyncset.done $0x0  }
0x9f: {  	[sflag:s14] =	ssyncadd.s32 $0xFFFFC000  }
0xa0: {  	_ =	swait.ge [sflag:s15], $0x4000  }
0xa1: {  	[sflag:s15] =	ssyncset.done $0x0  }
0xa2: {  	s20 =	sadd.s32 s6, s17;
	[sflag:s15] =	ssyncadd.s32 $0xFFFFC000  }
0xa3: {  	[tilespmem:s23], [sflag:$0x4] =	stream.linear.gather [hbm4b:s20+s3], $0x80, $0x38;
	[tilespmem:$0x1FC80] =	vst v63  }
0xa4: {  	s19 =	sadd.s32 $0x180, s19;
	_ =	swait.ge [sflag:s16], $0x80  }
0xa5: {  	p1 =	sne.s32 s19, $0x2700;
	[sflag:s16] =	ssyncset.done $0x0  }
0xa6: {  	p2 =	seq.s32 s13, $0x2580;
	s9 =	rddreg [dreg:$0x7];
	[sflag:s16] =	ssyncadd.s32 $0xFFFFFF80  }
0xa7: {  	[spmem:s2] =	stream.indirect.scatter.add.f32 [tilespmem:s12], [sflag:$0xC], $0x80, s28, s24, $0xb8;
	[tilespmem:$0x1FC80] =	vst v63  }
.Ltmp0:
0xa8: {  	s9 =	sadd.s32 @!p2 s22, s9;
	(pc) =	sbr.rel @p1 .LBB2_2-.Ltmp0, $4  }
0xa9: {  	s9 =	sshrl.u32 @!p2 s9, $0x3  }
0xaa: {  	s13 =	simm.s32 @!p2 $0x0;
	s17 =	simm.s32 @!p2 $0x100;
	s9 =	sadd.s32 @!p2 s5, s9  }
0xab: {  	[tilespmem:s17], [sflag:$0x3] =	stream.linear.gather @!p2 [hbm4b:s9+s13], $0x80, $0x38;
	[tilespmem:$0x1FC80] =	vst v63  }
0xac: {  	_ =	swait.ge [sflag:s29], $0x80  }
0xad: {  	[sflag:s29] =	ssyncset.done $0x0  }
0xae: {  	[sflag:s29] =	ssyncadd.s32 $0xFFFFFF80  }
0xaf: {  	[tilespmem:s30], [sflag:$0x7] =	stream.indirect.gather [hbm4b:s1+s24], $0x80, s3, s24, $0xb8;
	[tilespmem:$0x1FC80] =	vst v63  }
0xb0: {  	_ =	swait.ge [sflag:s31], $0x4000  }
0xb1: {  	[sflag:s31] =	ssyncset.done $0x0  }
0xb2: {  	s13 =	simm.s32 $0xB;
	[sflag:s31] =	ssyncadd.s32 $0xFFFFC000  }
0xb3: {  	_ =	swait.ge [sflag:s13], $0x4000  }
0xb4: {  	[sflag:s13] =	ssyncset.done $0x0  }
0xb5: {  	s9 =	rddreg [dreg:$0x14];
	[sflag:s13] =	ssyncadd.s32 $0xFFFFC000  }
0xb6: {  	[tilespmem:s25], [sflag:$0x5] =	stream.linear.gather [hbm4b:s9+s3], $0x80, $0x38;
	[tilespmem:$0x1FC80] =	vst v63  }
0xb7: {  	_ =	swait.ge [sflag:s0], $0x80  }
0xb8: {  	[sflag:s0] =	ssyncset.done $0x0  }
0xb9: {  	[sflag:s0] =	ssyncadd.s32 $0xFFFFFF80  }
0xba: {  	[spmem:s2] =	stream.indirect.scatter.add.f32 [tilespmem:s30], [sflag:$0xA], $0x80, s23, s24, $0xb8;
	[tilespmem:$0x1FC80] =	vst v63  }
0xbb: {  	_ =	swait.ge [sflag:s4], $0x80  }
0xbc: {  	[sflag:s4] =	ssyncset.done $0x0  }
0xbd: {  	[sflag:s4] =	ssyncadd.s32 $0xFFFFFF80  }
0xbe: {  	[tilespmem:s7], [sflag:$0x8] =	stream.indirect.gather [hbm4b:s1+s24], $0x80, s24, s24, $0xb8;
	[tilespmem:$0x1FC80] =	vst v63  }
0xbf: {  	_ =	swait.ge [sflag:s8], $0x4000  }
0xc0: {  	[sflag:s8] =	ssyncset.done $0x0  }
0xc1: {  	s20 =	simm.s32 $0xC;
	[sflag:s8] =	ssyncadd.s32 $0xFFFFC000  }
0xc2: {  	_ =	swait.ge [sflag:s20], $0x4000  }
0xc3: {  	[sflag:s20] =	ssyncset.done $0x0  }
0xc4: {  	[sflag:s20] =	ssyncadd.s32 $0xFFFFC000  }
0xc5: {  	_ =	swait.ge [sflag:s10], $0x80  }
0xc6: {  	[sflag:s10] =	ssyncset.done $0x0  }
0xc7: {  	[sflag:s10] =	ssyncadd.s32 $0xFFFFFF80  }
0xc8: {  	[spmem:s2] =	stream.indirect.scatter.add.f32 [tilespmem:s7], [sflag:$0xB], $0x80, s25, s24, $0xb8;
	[tilespmem:$0x1FC80] =	vst v63  }
0xc9: {  	_ =	swait.ge [sflag:s15], $0x4000  }
0xca: {  	[sflag:s15] =	ssyncset.done $0x0  }
0xcb: {  	[sflag:s15] =	ssyncadd.s32 $0xFFFFC000  }
0xcc: {  	_ =	swait.ge [sflag:s13], $0x4000  }
0xcd: {  	[sflag:s13] =	ssyncset.done $0x0  }
0xce: {  	[sflag:s13] =	ssyncadd.s32 $0xFFFFC000  }
0xcf: {  	[bflag:$0x0] =	sbarrier.arrive $0xFFFF  }
0xd0: {  	s21 =	rddreg [dreg:$0x8]  }
0xd1: {  	s17 =	rddreg [dreg:$0x15]  }
0xd2: {  	s13 =	rddreg [dreg:$0xb]  }
0xd3: {  	s18 =	rddreg [dreg:$0x19];
	s9 =	sadd.s32 s21, s17  }
0xd4: {  	[hbm:s9], [sflag:s13] =	dma.local [spmem:s18], $0x2700  }
0xd5: {  	s18 =	simm.s32 $0xD  }
0xd6: {  	_ =	swait.ge [sflag:s18], $0x2700  }
0xd7: {  	[sflag:s18] =	ssyncset.done $0x0  }
0xd8: {  	s9 =	sadd.s32 @!p0 $0x27000, s17;
	s17 =	rddreg [dreg:$0x1a];
	[sflag:s18] =	ssyncadd.s32 $0xFFFFD900  }
0xd9: {  	[hbm:s9], [sflag:s13] =	dma.local @!p0 [spmem:s17], $0x100  }
0xda: {  	s9 =	simm.s32 @!p0 $0xD  }
0xdb: {  	_ =	swait.ge @!p0 [sflag:s9], $0x100  }
0xdc: {  	s19 =	rddreg [dreg:$0x18]  }
0xdd: {  	s22 =	rddreg [dreg:$0x16];
	s19 =	sadd.s32 $0x1, s19  }
0xde: {  	p1 =	sne.s32 s19, s22  }
.Ltmp1:
0xdf: {  	_ = 	snop;
	(pc) =	sbr.rel @p1 .LBB2_1-.Ltmp1, $3  }
0xe0: {  	_ =	sdelay $0x1  }
0xe1: {  	[sflag:s9] =	ssyncset.done @!p0 $0x0  }
0xe2: {  	[sflag:s9] =	ssyncadd.s32 @!p0 $0xFFFFFF00  }
0xe3: {  	_ =	sfence.sel $0x180000  }
0xe4: {  	[bflag:$0x0] =	sbarrier.arrive $0xFFFF  }
0xe5: {  	_ =	strace $0x9000004A  }
0xe6: {  	[bflag:$0x2] =	sbarrier.arrive $0xFFFF  }
0xe7: {  	s0 =	rddreg [dreg:$0x3]  }
0xe8: {  	s0 =	sadd.s32 @!p0 $0x100000, s0  }
0xe9: {  	[sflag:s0] =	ssyncadd.tile.s32 @!p0 $0x1;
	_ =	shalt  }
.Lfunc_end2:
_tile_overlayer_lowered:
.L_overlay_start_2:
0xea: {  	(tag) =	ssettag $0x2  }
0xeb: {  	s0 =	rddreg [dreg:$0x0];
	s2 =	stileid.u32  }
0xec: {  	s1 =	rddreg [dreg:$0x1];
	p0 =	sne.s32 s2, $0x0  }
0xed: {  	s3 =	rddreg [dreg:$0x2];
	[bflag:$0x3] =	sbarrier.arrive $0xFFFF;
	s2 =	simm.s32 @!p0 $0x1C0D  }
0xee: {  	[timem:s3], [sflag:s2] =	dma.local @!p0 [hbm:s0], s1  }
0xef: {  	s0 =	simm.s32 @!p0 $0xD  }
0xf0: {  	_ =	swait.ge @!p0 [sflag:s0], s1  }
0xf1: {  	s1 =	ssub.s32 @!p0 $0x0, s1;
	[sflag:s0] =	ssyncset.done @!p0 $0x0  }
0xf2: {  	[sflag:s0] =	ssyncadd.s32 @!p0 s1  }
0xf3: {  	[bflag:$0x3] =	sbarrier.arrive $0xFFFF  }
0xf4: {  	_ =	shalt  }

// kernel: kernel.19.cloned.1.call-start
scs
__scs_entry_jumppad:
0x0: {  	(pc) =	sbr.rel $0x88, $3  }
0x1: {  	(tag) =	ssettag $0x0;
	lr =	simm.s32 $0x1  }
0x2: {  	[smem:$0x3F89] =	sst lr;
	_ =	strace $0xD0000000  }
0x3: {  	_ = 	snop  }
0x4: {  	_ = 	snop  }
0x5: {  	_ = 	snop  }
0x6: {  	_ = 	snop  }
0x7: {  	_ = 	snop  }
__scs_overlays_trampoline_lowered:
0x8: {  	[smem:$0x3F98] =	sst s0  }
0x9: {  	[smem:$0x3F99] =	sst s1  }
0xa: {  	[smem:$0x3F9A] =	sst s2  }
0xb: {  	[smem:$0x3F9B] =	sst s3  }
0xc: {  	[smem:$0x3F9C] =	sst s4  }
0xd: {  	[smem:$0x3F9D] =	sst s5  }
0xe: {  	[smem:$0x3F9E] =	sst s6  }
0xf: {  	[smem:$0x3F9F] =	sst s7  }
0x10: {  	[smem:$0x3FA0] =	sst s8  }
0x11: {  	[smem:$0x3FA1] =	sst s9;
	s0 =	simm.s32 @!p0 $0x0  }
0x12: {  	s1 =	sld [smem:$0x3F87];
	s0 =	simm.s32 @p0 $0x1  }
0x13: {  	[smem:$0x3FA2] =	sst s0;
	s0 =	simm.s32 @!p1 $0x0  }
0x14: {  	s2 =	sld [smem:$0x3F86];
	s0 =	simm.s32 @p1 $0x1  }
0x15: {  	[smem:$0x3FA3] =	sst s0;
	s0 =	simm.s32 @!p2 $0x0  }
0x16: {  	s3 =	sld [smem:$0x3FDB];
	s0 =	simm.s32 @p2 $0x1  }
0x17: {  	s4 =	simm.s32 $0x1BF5;
	[smem:$0x3FA5] =	sst s0  }
0x18: {  	s0 =	sld [smem:$0x3F88];
	_ =	swait.ge [sflag:s4], $0x0  }
0x19: {  	s7 =	sld [smem:$0x3F89]  }
0x1a: {  	s8 =	sadd.s32 $0xFFFFE003, lr  }
0x1b: {  	s9 =	sadd.s32 $0xFFFFFEF7, lr;
	s5 =	simm.s32 $0xFFFFFFFF;
	p2 =	slt.u32 s8, $0xFFFFF086  }
0x1c: {  	p1 =	slt.u32 s9, $0xF7A;
	s5 =	simm.s32 @!p2 $0x0  }
0x1d: {  	s5 =	simm.s32 @p1 $0x1;
	p0 =	seq.s32 s7, s2  }
0x1e: {  	s7 =	smul.u32 @!p0 $0xF7A, s2;
	p2 =	seq.s32 @!p0 s5, $0x0  }
0x1f: {  	s9 =	smul.u32 $0xF7A, s1;
	s8 =	simm.s32 @!p0 $0x1BF5;
	p2 =	por !p2, p0  }
0x20: {  	[sflag:s8] =	ssyncset.s32 @!p0 $0xFFFFF086;
	s6 =	sadd.s32 @!p0 s3, s7;
	s7 =	simm.s32 @!p0 $0x108  }
0x21: {  	s3 =	sadd.s32 s3, s9;
	s6 =	sadd.s32 @!p0 $0x88, s6;
	s7 =	simm.s32 @p2 $0x1082  }
0x22: {  	[simem:s7], [sflag:s8] =	dma.local @!p0 [hbm:s6], $0xF7A  }
0x23: {  	s9 =	sor.u32 $0xD0000000, s2;
	s6 =	simm.s32 $0x108;
	_ =	swait.ge @!p0 [sflag:s8], $0x0  }
0x24: {  	s3 =	sadd.s32 $0x88, s3;
	s6 =	simm.s32 @!p1 $0x1082;
	[sflag:s4] =	ssyncset.s32 $0xFFFFF086  }
0x25: {  	[simem:s6], [sflag:s4] =	dma.local [hbm:s3], $0xF7A  }
0x26: {  	[smem:$0x3F89] =	sst s1;
	(tag) =	ssettag s2;
	_ =	strace s9  }
0x27: {  	s1 =	sld [smem:$0x3F99]  }
0x28: {  	s2 =	sld [smem:$0x3F9A]  }
0x29: {  	s4 =	sld [smem:$0x3F9C]  }
0x2a: {  	p0 =	seq.s32 s5, $0x0;
	s5 =	sld [smem:$0x3F9D]  }
0x2b: {  	s6 =	sld [smem:$0x3F9E]  }
0x2c: {  	s7 =	sld [smem:$0x3F9F]  }
0x2d: {  	s3 =	simm.s32 $0x108;
	s8 =	sld [smem:$0x3FA0]  }
0x2e: {  	s3 =	simm.s32 @!p0 $0x1082;
	s9 =	sld [smem:$0x3FA1]  }
0x2f: {  	lr =	sadd.s32 s0, s3;
	s0 =	sld [smem:$0x3F98]  }
0x30: {  	s3 =	sld [smem:$0x3F9B]  }
0x31: {  	[smem:$0x3FA4] =	sst s10  }
0x32: {  	s10 =	sld [smem:$0x3FA2];
	_ =	sdelay $0x3  }
0x33: {  	p0 =	seq.s32 s10, $0x1;
	s10 =	sld [smem:$0x3FA4];
	_ =	sdelay $0x3  }
0x34: {  	[smem:$0x3FA4] =	sst s10  }
0x35: {  	s10 =	sld [smem:$0x3FA3];
	_ =	sdelay $0x3  }
0x36: {  	p1 =	seq.s32 s10, $0x1;
	s10 =	sld [smem:$0x3FA4];
	_ =	sdelay $0x3  }
0x37: {  	[smem:$0x3FA4] =	sst s10  }
0x38: {  	s10 =	sld [smem:$0x3FA5]  }
0x39: {  	_ = 	snop;
	(pc) =	sbr.ind lr, $3  }
0x3a: {  	_ = 	snop  }
0x3b: {  	_ = 	snop  }
0x3c: {  	p2 =	seq.s32 s10, $0x1;
	s10 =	sld [smem:$0x3FA4]  }
0x3d: {  	_ =	shalt  }
0x3e: {  	_ =	shalt  }
0x3f: {  	_ =	shalt  }
0x40: {  	_ =	shalt  }
0x41: {  	_ =	shalt  }
0x42: {  	_ =	shalt  }
0x43: {  	_ =	shalt  }
0x44: {  	_ =	shalt  }
0x45: {  	_ =	shalt  }
0x46: {  	_ =	shalt  }
0x47: {  	_ =	shalt  }
0x48: {  	_ =	shalt  }
0x49: {  	_ =	shalt  }
0x4a: {  	_ =	shalt  }
0x4b: {  	_ =	shalt  }
0x4c: {  	_ =	shalt  }
0x4d: {  	_ =	shalt  }
0x4e: {  	_ =	shalt  }
0x4f: {  	_ =	shalt  }
0x50: {  	_ =	shalt  }
0x51: {  	_ =	shalt  }
0x52: {  	_ =	shalt  }
0x53: {  	_ =	shalt  }
0x54: {  	_ =	shalt  }
0x55: {  	_ =	shalt  }
0x56: {  	_ =	shalt  }
0x57: {  	_ =	shalt  }
0x58: {  	_ =	shalt  }
0x59: {  	_ =	shalt  }
0x5a: {  	_ =	shalt  }
0x5b: {  	_ =	shalt  }
0x5c: {  	_ =	shalt  }
0x5d: {  	_ =	shalt  }
0x5e: {  	_ =	shalt  }
0x5f: {  	_ =	shalt  }
0x60: {  	_ =	shalt  }
0x61: {  	_ =	shalt  }
0x62: {  	_ =	shalt  }
0x63: {  	_ =	shalt  }
0x64: {  	_ =	shalt  }
0x65: {  	_ =	shalt  }
0x66: {  	_ =	shalt  }
0x67: {  	_ =	shalt  }
0x68: {  	_ =	shalt  }
0x69: {  	_ =	shalt  }
0x6a: {  	_ =	shalt  }
0x6b: {  	_ =	shalt  }
0x6c: {  	_ =	shalt  }
0x6d: {  	_ =	shalt  }
0x6e: {  	_ =	shalt  }
0x6f: {  	_ =	shalt  }
0x70: {  	_ =	shalt  }
0x71: {  	_ =	shalt  }
0x72: {  	_ =	shalt  }
0x73: {  	_ =	shalt  }
0x74: {  	_ =	shalt  }
0x75: {  	_ =	shalt  }
0x76: {  	_ =	shalt  }
0x77: {  	_ =	shalt  }
0x78: {  	_ =	shalt  }
0x79: {  	_ =	shalt  }
0x7a: {  	_ =	shalt  }
0x7b: {  	_ =	shalt  }
0x7c: {  	_ =	shalt  }
0x7d: {  	_ =	shalt  }
0x7e: {  	_ =	shalt  }
0x7f: {  	_ =	shalt  }
0x80: {  	_ =	shalt  }
0x81: {  	_ =	shalt  }
0x82: {  	_ =	shalt  }
0x83: {  	_ =	shalt  }
0x84: {  	_ =	shalt  }
0x85: {  	_ =	shalt  }
0x86: {  	_ =	shalt  }
0x87: {  	_ =	shalt  }
.Lfunc_end0:
.L_simem_size_0:
called_computation.2_lowered:
.L_overlay_start_0:
0x88: {  	s2 =	sld [smem:$0x3FD9]  }
0x89: {  	s3 =	sld [smem:$0x3FFE];
	_ =	sdelay $0x1  }
0x8a: {  	s1 =	srdreg.scid  }
0x8b: {  	s0 =	sand.u32 $0x1, s1  }
0x8c: {  	s17 =	sshll.u32 s0, $0xA;
	s2 =	sadd.s32 s3, s2  }
0x8d: {  	s2 =	sadd.s32 s2, s17  }
0x8e: {  	[smem:$0x3FB0] =	sst s2  }
0x8f: {  	_ = 	snop  }
0x90: {  	s2 =	sld [smem:$0x3FD0];
	(tm) =	ssettm $0x1  }
0x91: {  	s18 =	sld [smem:$0x3FFB];
	_ =	sdelay $0x3  }
0x92: {  	_ =	strace s18  }
0x93: {  	s3 =	sld [smem:$0x3FFC];
	_ =	sdelay $0x3  }
0x94: {  	_ =	strace s3  }
0x95: {  	s3 =	sld [smem:$0x3FFD];
	_ =	sdelay $0x3  }
0x96: {  	_ =	strace s3  }
0x97: {  	_ =	strace $0x8FFFFFFF  }
0x98: {  	s19 =	sld [smem:$0x3FDB];
	_ =	sdelay $0x1  }
0x99: {  	s4 =	simm.s32 $_scs_section_size  }
0x9a: {  	s5 =	simm.s32 $_size__tile_overlayer_lowered;
	s6 =	simm.s32 $_tile_overlayer_lowered  }
0x9b: {  	s22 =	simm.s32 $0x1BFF;
	s21 =	sshll.u32 s6, $0x1;
	s3 =	sadd.s32 s4, s19  }
0x9c: {  	s7 =	simm.s32 $0x0;
	s20 =	sshll.u32 s5, $0x1;
	s5 =	sadd.s32 s21, s3  }
0x9d: {  	[timem:s7], [sflag:s22] =	dma.local [hbm:s5], s20  }
0x9e: {  	_ =	swait.ge [sflag:s22], s20  }
0x9f: {  	s4 =	ssub.s32 $0x0, s20;
	[sflag:s22] =	ssyncset.done $0x0  }
0xa0: {  	[sflag:s22] =	ssyncadd.s32 s4;
	_ =	sdelay $0x1  }
0xa1: {  	s23 =	simm.s32 $0x1B8B  }
0xa2: {  	_ =	swait.ge [sflag:s23], $0x1  }
0xa3: {  	[sflag:s23] =	ssyncset.done $0x0  }
0xa4: {  	s25 =	simm.s32 $0x1B8E;
	s24 =	sld [smem:$0x3FFE];
	[sflag:s23] =	ssyncadd.s32 $0xFFFFFFFF  }
0xa5: {  	s26 =	simm.s32 $execute0_lowered;
	[smem:$0x3FD2] =	sst s25  }
0xa6: {  	s5 =	sshll.u32 s26, $0x1;
	_ =	strace $0x8000004C;
	[dreg:$0x1] =	wrdreg $0xFFFFFFFF  }
0xa7: {  	s28 =	simm.s32 $_size_execute0_lowered;
	s3 =	sadd.s32 s3, s5;
	[dreg:$0x0] =	wrdreg $0x0  }
0xa8: {  	s5 =	sshll.u32 s28, $0x1;
	[dreg:$0x2] =	wrdreg s3  }
0xa9: {  	[dreg:$0x3] =	wrdreg s5  }
0xaa: {  	[dreg:$0x4] =	wrdreg $0xC0  }
0xab: {  	_ =	task [dreg:s7], $0x5FFFF  }
0xac: {  	[dreg:$0x1] =	wrdreg $0xFFFFFFFF  }
0xad: {  	[dreg:$0x0] =	wrdreg $0x60  }
0xae: {  	[dreg:$0x2] =	wrdreg s2  }
0xaf: {  	[dreg:$0x3] =	wrdreg s24  }
0xb0: {  	[dreg:$0x4] =	wrdreg $0xC3000  }
0xb1: {  	[dreg:$0x5] =	wrdreg $0x9  }
0xb2: {  	_ =	task.clear_ibuf [dreg:s7], $0x6FFFF;
	_ =	strace $0x9000004C  }
0xb3: {  	s29 =	simm.s32 $0x9;
	_ =	strace $0x8000004E  }
0xb4: {  	_ =	swait.ge [sflag:s29], $0x1  }
0xb5: {  	[sflag:s29] =	ssyncadd.s32 $0xFFFFFFFF  }
0xb6: {  	_ =	strace $0x9000004E  }
0xb7: {  	_ =	sfence  }
0xb8: {  	s30 =	sld [smem:$0x0];
	_ =	sdelay $0x2  }
0xb9: {  	s31 =	sshll.u32 s1, $0xD;
	s1 =	sshrl.u32 s1, $0x2  }
0xba: {  	s3 =	sand.u32 $0x4000, s31;
	s1 =	sadd.s32 s1, s30  }
0xbb: {  	s0 =	sor.u32 s3, s0;
	s1 =	sshll.u32 s1, $0x11  }
0xbc: {  	s0 =	sor.u32 s1, s0  }
0xbd: {  	s0 =	sadd.s32 $0x8F2B, s0  }
0xbe: {  	[sflag:s0] =	ssyncadd.remote.s32 $0x1  }
0xbf: {  	_ =	sfence.sel $0xFFFF  }
0xc0: {  	[dreg:$0x0] =	wrdreg $0xFFFFFFFF;
	(pc) =	sbr.abs _section_cstart, $3  }
0xc1: {  	[dreg:$0x1] =	wrdreg $0xFFFFFFFF  }
0xc2: {  	_ =	task.clear_ibuf [dreg:s7], $0x2FFFF;
	_ =	strace $0x9FFFFFFF  }
0xc3: {  	(tm) =	ssettm $0x7FFFFFFF  }
tec
execute0_lowered:
.L_overlay_start_1:
0x0: {  	(tag) =	ssettag $0x1  }
0x1: {  	s1 =	rddreg [dreg:$0x0]  }
0x2: {  	s0 =	rddreg [dreg:$0x1]  }
0x3: {  	s2 =	rddreg [dreg:$0x2];
	s3 =	simm.s32 $0x0;
	s4 =	stileid.u32  }
0x4: {  	s7 =	srdreg.scid;
	s28 =	simm.s32 $0x280;
	s29 =	simm.s32 $0x1  }
0x5: {  	s30 =	simm.s32 $0x300;
	s31 =	simm.s32 $0x7;
	[smem:$0x7FF] =	sst s3  }
0x6: {  	s8 =	smul.u32 $0x2700, s4;
	s5 =	sadd.s32 $0x5C00, s0;
	s6 =	sadd.s32 $0xFC00, s0  }
0x7: {  	s7 =	sand.u32 $0x1, s7;
	s13 =	smul.u32 $0x4E000, s4;
	s22 =	sshll.u32 s4, $0x6  }
0x8: {  	s23 =	sadd.s32 $0x138000, s2;
	p0 =	sne.s32 s4, $0x0;
	_ =	strace $0x8000004D  }
0x9: {  	s9 =	smul.u32 $0x27100, s7;
	s10 =	ssub.s32 $0x2, s7;
	[dreg:$0xc] =	wrdreg s23  }
0xa: {  	s12 =	sshll.u32 s7, $0x4;
	s7 =	smul.u32 $0x28000, s7;
	[dreg:$0x8] =	wrdreg s8  }
0xb: {  	s8 =	sadd.s32 s8, s0;
	s11 =	sshrl.u32 s10, $0x1;
	s20 =	sor.u32 s4, s12  }
0xc: {  	s21 =	sshrl.u32 s13, $0x2;
	s13 =	sor.u32 $0x1C0D, s22;
	s14 =	sadd.s32 s9, s0  }
0xd: {  	s10 =	ssub.s32 s10, s11;
	s9 =	sadd.s32 s21, s2;
	[dreg:$0xb] =	wrdreg s13  }
0xe: {  	s11 =	smul.u32 $0x2800, s20;
	s8 =	sadd.s32 $0x1A400, s8;
	[dreg:$0x9] =	wrdreg s9  }
0xf: {  	s12 =	simm.s32 $0x8300;
	s0 =	sadd.s32 $0x41400, s0;
	[dreg:$0xa] =	wrdreg s8  }
0x10: {  	s20 =	smul.u32 $0x2800, s4;
	[dreg:$0xd] =	wrdreg s0;
	s18 =	sor.u32 $0x180, s11  }
0x11: {  	s4 =	simm.s32 $0x2;
	s19 =	sor.u32 $0x100, s11;
	[dreg:$0x4] =	wrdreg s18  }
0x12: {  	s24 =	sshrl.u32 s11, $0x3;
	s21 =	sor.u32 $0x200, s11;
	[dreg:$0x5] =	wrdreg s19  }
0x13: {  	s22 =	sor.u32 $0x280, s11;
	s7 =	sadd.s32 s20, s7;
	[dreg:$0x6] =	wrdreg s21  }
0x14: {  	s11 =	simm.s32 $0x3;
	s25 =	sadd.s32 s5, s24;
	[dreg:$0x7] =	wrdreg s22  }
0x15: {  	s26 =	sadd.s32 s6, s24;
	s15 =	sor.u32 $0x10, s24;
	[dreg:$0xe] =	wrdreg s25  }
0x16: {  	s0 =	sor.u32 $0x20, s24;
	s16 =	sadd.s32 s5, s15;
	[dreg:$0xf] =	wrdreg s26  }
0x17: {  	s24 =	sor.u32 $0x80, s7;
	s8 =	sadd.s32 s6, s15;
	[dreg:$0x10] =	wrdreg s16  }
0x18: {  	s18 =	simm.s32 $0xD;
	s17 =	sadd.s32 s5, s0;
	[dreg:$0x11] =	wrdreg s8  }
0x19: {  	s7 =	simm.s32 $0x4300;
	s0 =	sadd.s32 s6, s0;
	[dreg:$0x12] =	wrdreg s17  }
0x1a: {  	s19 =	simm.s32 $0x0;
	s23 =	sadd.s32 $0x4F0, s26;
	[dreg:$0x13] =	wrdreg s0  }
0x1b: {  	s25 =	sadd.s32 $0x8FA00, s14;
	s26 =	smax.u32 s10, $0x1;
	[dreg:$0x14] =	wrdreg s23  }
0x1c: {  	s10 =	simm.s32 $0x5;
	s14 =	simm.s32 $0x9;
	[dreg:$0x15] =	wrdreg s25  }
0x1d: {  	s15 =	simm.s32 $0xA;
	[dreg:$0x16] =	wrdreg s26;
	s0 =	sshrl.u32 s24, $0x3  }
0x1e: {  	s23 =	simm.s32 $0x180;
	s24 =	simm.s32 $0x80;
	s25 =	simm.s32 $0x200  }
0x1f: {  	s26 =	simm.s32 $0x100;
	s8 =	simm.s32 $0x8;
	s0 =	sadd.s32 s0, s6  }
0x20: {  	s16 =	simm.s32 $0x6;
	[dreg:$0x17] =	wrdreg s0;
	s0 =	simm.s32 $0x4  }
.LBB2_1:
0x21: {  	[dreg:$0x18] =	wrdreg s19  }
0x22: {  	s9 =	rddreg [dreg:$0x9]  }
0x23: {  	s20 =	rddreg [dreg:$0xa];
	s17 =	sshrl.u32 s9, $0x3  }
0x24: {  	[dreg:$0x19] =	wrdreg s17  }
0x25: {  	[spmem:s17], [sflag:s13] =	dma.local [hbm:s20], $0x2700  }
0x26: {  	_ =	swait.ge [sflag:s18], $0x2700  }
0x27: {  	s9 =	rddreg [dreg:$0xc]  }
0x28: {  	[sflag:s18] =	ssyncset.done $0x0;
	s17 =	sshrl.u32 @!p0 s9, $0x3;
	s9 =	rddreg [dreg:$0xd]  }
0x29: {  	[sflag:s18] =	ssyncadd.s32 $0xFFFFD900;
	[dreg:$0x1a] =	wrdreg s17  }
0x2a: {  	[spmem:s17], [sflag:s13] =	dma.local @!p0 [hbm:s9], $0x300  }
0x2b: {  	s13 =	simm.s32 @!p0 $0xD  }
0x2c: {  	_ =	swait.ge @!p0 [sflag:s13], $0x300  }
0x2d: {  	[sflag:s13] =	ssyncset.done @!p0 $0x0  }
0x2e: {  	s21 =	rddreg [dreg:$0xe];
	[sflag:s13] =	ssyncadd.s32 @!p0 $0xFFFFFD00  }
0x2f: {  	[tilespmem:s3], [sflag:$0x1] =	stream.linear.gather [hbm4b:s21+s3], $0x80, $0x38;
	[tilespmem:$0x1FC80] =	vst v63  }
0x30: {  	s22 =	rddreg [dreg:$0xf]  }
0x31: {  	[tilespmem:s23], [sflag:$0x4] =	stream.linear.gather [hbm4b:s22+s3], $0x80, $0x38;
	[tilespmem:$0x1FC80] =	vst v63  }
0x32: {  	s13 =	rddreg [dreg:$0x10]  }
0x33: {  	[tilespmem:s24], [sflag:$0x2] =	stream.linear.gather [hbm4b:s13+s3], $0x80, $0x38;
	[tilespmem:$0x1FC80] =	vst v63  }
0x34: {  	s17 =	rddreg [dreg:$0x11]  }
0x35: {  	[tilespmem:s25], [sflag:$0x5] =	stream.linear.gather [hbm4b:s17+s3], $0x80, $0x38;
	[tilespmem:$0x1FC80] =	vst v63  }
0x36: {  	s18 =	rddreg [dreg:$0x12]  }
0x37: {  	[tilespmem:s26], [sflag:$0x3] =	stream.linear.gather [hbm4b:s18+s3], $0x80, $0x38;
	[tilespmem:$0x1FC80] =	vst v63  }
0x38: {  	s19 =	rddreg [dreg:$0x13]  }
0x39: {  	[tilespmem:s28], [sflag:$0x6] =	stream.linear.gather [hbm4b:s19+s3], $0x80, $0x38;
	[tilespmem:$0x1FC80] =	vst v63  }
0x3a: {  	[bflag:$0x0] =	sbarrier.arrive $0xFFFF  }
0x3b: {  	_ =	swait.ge [sflag:s29], $0x80  }
0x3c: {  	[sflag:s29] =	ssyncset.done $0x0  }
0x3d: {  	[sflag:s29] =	ssyncadd.s32 $0xFFFFFF80  }
0x3e: {  	[tilespmem:s30], [sflag:$0x7] =	stream.indirect.gather [hbm4b:s1+s24], $0x80, s3, s24, $0xb8;
	[tilespmem:$0x1FC80] =	vst v63  }
0x3f: {  	_ =	swait.ge [sflag:s31], $0x4000  }
0x40: {  	p1 =	por $0x1, $0x1;
	[sflag:s31] =	ssyncset.done $0x0  }
0x41: {  	s13 =	simm.s32 @!p1 $0xB;
	[sflag:s31] =	ssyncadd.s32 $0xFFFFC000  }
0x42: {  	_ =	swait.ge @!p1 [sflag:s13], $0x4000  }
0x43: {  	s17 =	simm.s32 @!p1 $0x200;
	[sflag:s13] =	ssyncset.done @!p1 $0x0  }
0x44: {  	s9 =	rddreg [dreg:$0x17];
	[sflag:s13] =	ssyncadd.s32 @!p1 $0xFFFFC000;
	s13 =	simm.s32 @!p1 $0x0  }
0x45: {  	[tilespmem:s17], [sflag:$0x5] =	stream.linear.gather @!p1 [hbm4b:s9+s13], $0x80, $0x38;
	[tilespmem:$0x1FC80] =	vst v63  }
0x46: {  	s19 =	simm.s32 $0x0;
	_ =	swait.ge [sflag:s0], $0x80  }
0x47: {  	s19 =	simm.s32 @p1 $0x0;
	[sflag:s0] =	ssyncset.done $0x0;
	s20 =	rddreg [dreg:$0x4]  }
0x48: {  	[sflag:s0] =	ssyncadd.s32 $0xFFFFFF80;
	s17 =	sadd.s32 s19, s20  }
0x49: {  	[spmem:s2] =	stream.indirect.scatter.add.f32 [tilespmem:s30], [sflag:$0xA], $0x80, s23, s24, $0xb8;
	[tilespmem:$0x1FC80] =	vst v63  }
0x4a: {  	s17 =	sshrl.u32 s17, $0x3  }
0x4b: {  	s21 =	sadd.s32 s5, s17  }
0x4c: {  	[tilespmem:s3], [sflag:$0x1] =	stream.linear.gather [hbm4b:s21+s3], $0x80, $0x38;
	[tilespmem:$0x1FC80] =	vst v63  }
0x4d: {  	_ =	swait.ge [sflag:s4], $0x80  }
0x4e: {  	[sflag:s4] =	ssyncset.done $0x0  }
0x4f: {  	[sflag:s4] =	ssyncadd.s32 $0xFFFFFF80  }
0x50: {  	[tilespmem:s7], [sflag:$0x8] =	stream.indirect.gather [hbm4b:s1+s24], $0x80, s24, s24, $0xb8;
	[tilespmem:$0x1FC80] =	vst v63  }
0x51: {  	_ =	swait.ge [sflag:s8], $0x4000  }
0x52: {  	[sflag:s8] =	ssyncset.done $0x0  }
0x53: {  	s21 =	simm.s32 @!p1 $0xC;
	[sflag:s8] =	ssyncadd.s32 $0xFFFFC000  }
0x54: {  	_ =	swait.ge @!p1 [sflag:s21], $0x4000  }
0x55: {  	s22 =	rddreg [dreg:$0x5]  }
0x56: {  	s22 =	sadd.s32 @!p1 s19, s22  }
0x57: {  	[sflag:s21] =	ssyncset.done @!p1 $0x0;
	s22 =	sshrl.u32 @!p1 s22, $0x3  }
0x58: {  	[sflag:s21] =	ssyncadd.s32 @!p1 $0xFFFFC000;
	s21 =	simm.s32 @!p1 $0x280;
	s22 =	sadd.s32 @!p1 s6, s22  }
0x59: {  	[tilespmem:s21], [sflag:$0x6] =	stream.linear.gather @!p1 [hbm4b:s22+s13], $0x80, $0x38;
	[tilespmem:$0x1FC80] =	vst v63  }
0x5a: {  	_ =	swait.ge [sflag:s10], $0x80  }
0x5b: {  	[sflag:s10] =	ssyncset.done $0x0;
	s21 =	rddreg [dreg:$0x6]  }
0x5c: {  	[sflag:s10] =	ssyncadd.s32 $0xFFFFFF80;
	s13 =	sadd.s32 s19, s21  }
0x5d: {  	[spmem:s2] =	stream.indirect.scatter.add.f32 [tilespmem:s7], [sflag:$0xB], $0x80, s25, s24, $0xb8;
	[tilespmem:$0x1FC80] =	vst v63  }
0x5e: {  	s13 =	sshrl.u32 s13, $0x3  }
0x5f: {  	s13 =	sadd.s32 s5, s13  }
0x60: {  	[tilespmem:s24], [sflag:$0x2] =	stream.linear.gather [hbm4b:s13+s3], $0x80, $0x38;
	[tilespmem:$0x1FC80] =	vst v63  }
0x61: {  	_ =	swait.ge [sflag:s11], $0x80  }
0x62: {  	[sflag:s11] =	ssyncset.done $0x0  }
0x63: {  	[sflag:s11] =	ssyncadd.s32 $0xFFFFFF80  }
0x64: {  	[tilespmem:s12], [sflag:$0x9] =	stream.indirect.gather [hbm4b:s1+s24], $0x80, s26, s24, $0xb8;
	[tilespmem:$0x1FC80] =	vst v63  }
0x65: {  	_ =	swait.ge [sflag:s14], $0x4000  }
0x66: {  	[sflag:s14] =	ssyncset.done $0x0  }
0x67: {  	[sflag:s14] =	ssyncadd.s32 $0xFFFFC000  }
0x68: {  	_ =	swait.ge [sflag:s15], $0x4000  }
0x69: {  	[sflag:s15] =	ssyncset.done $0x0  }
0x6a: {  	s22 =	sadd.s32 s6, s17;
	[sflag:s15] =	ssyncadd.s32 $0xFFFFC000  }
0x6b: {  	[tilespmem:s23], [sflag:$0x4] =	stream.linear.gather [hbm4b:s22+s3], $0x80, $0x38;
	[tilespmem:$0x1FC80] =	vst v63  }
0x6c: {  	_ =	swait.ge [sflag:s16], $0x80  }
0x6d: {  	p1 =	por $0x0, $0x0;
	[sflag:s16] =	ssyncset.done $0x0;
	s13 =	rddreg [dreg:$0x7]  }
0x6e: {  	[sflag:s16] =	ssyncadd.s32 $0xFFFFFF80;
	s13 =	sadd.s32 @!p1 s19, s13  }
0x6f: {  	[spmem:s2] =	stream.indirect.scatter.add.f32 [tilespmem:s12], [sflag:$0xC], $0x80, s28, s24, $0xb8;
	[tilespmem:$0x1FC80] =	vst v63  }
0x70: {  	s13 =	sshrl.u32 @!p1 s13, $0x3  }
0x71: {  	s17 =	simm.s32 @!p1 $0x0;
	s19 =	simm.s32 @!p1 $0x100;
	s13 =	sadd.s32 @!p1 s5, s13  }
0x72: {  	[tilespmem:s19], [sflag:$0x3] =	stream.linear.gather @!p1 [hbm4b:s13+s17], $0x80, $0x38;
	[tilespmem:$0x1FC80] =	vst v63  }
0x73: {  	s21 =	smov.u32 s9;
	s19 =	simm.s32 $0x180;
	_ =	swait.ge [sflag:s29], $0x80  }
.LBB2_2:
0x74: {  	[sflag:s29] =	ssyncset.done $0x0  }
0x75: {  	[sflag:s29] =	ssyncadd.s32 $0xFFFFFF80  }
0x76: {  	[tilespmem:s30], [sflag:$0x7] =	stream.indirect.gather [hbm4b:s1+s24], $0x80, s3, s24, $0xb8;
	[tilespmem:$0x1FC80] =	vst v63  }
0x77: {  	s13 =	smov.u32 s19;
	_ =	swait.ge [sflag:s31], $0x4000  }
0x78: {  	p2 =	seq.s32 s13, $0x0;
	[sflag:s31] =	ssyncset.done $0x0  }
0x79: {  	s17 =	simm.s32 @!p2 $0xB;
	[sflag:s31] =	ssyncadd.s32 $0xFFFFC000  }
0x7a: {  	_ =	swait.ge @!p2 [sflag:s17], $0x4000  }
0x7b: {  	s21 =	sadd.s32 $0x30, s21;
	[sflag:s17] =	ssyncset.done @!p2 $0x0  }
0x7c: {  	s20 =	simm.s32 @!p2 $0x0;
	[sflag:s17] =	ssyncadd.s32 @!p2 $0xFFFFC000;
	s17 =	simm.s32 @!p2 $0x200  }
0x7d: {  	[tilespmem:s17], [sflag:$0x5] =	stream.linear.gather @!p2 [hbm4b:s21+s20], $0x80, $0x38;
	[tilespmem:$0x1FC80] =	vst v63  }
0x7e: {  	s22 =	smov.u32 s13;
	_ =	swait.ge [sflag:s0], $0x80  }
0x7f: {  	s22 =	simm.s32 @p2 $0x0;
	[sflag:s0] =	ssyncset.done $0x0;
	s9 =	rddreg [dreg:$0x4]  }
0x80: {  	[sflag:s0] =	ssyncadd.s32 $0xFFFFFF80;
	s17 =	sadd.s32 s22, s9  }
0x81: {  	[spmem:s2] =	stream.indirect.scatter.add.f32 [tilespmem:s30], [sflag:$0xA], $0x80, s23, s24, $0xb8;
	[tilespmem:$0x1FC80] =	vst v63  }
0x82: {  	s17 =	sshrl.u32 s17, $0x3  }
0x83: {  	s9 =	sadd.s32 s5, s17  }
0x84: {  	[tilespmem:s3], [sflag:$0x1] =	stream.linear.gather [hbm4b:s9+s3], $0x80, $0x38;
	[tilespmem:$0x1FC80] =	vst v63  }
0x85: {  	_ =	swait.ge [sflag:s4], $0x80  }
0x86: {  	[sflag:s4] =	ssyncset.done $0x0  }
0x87: {  	[sflag:s4] =	ssyncadd.s32 $0xFFFFFF80  }
0x88: {  	[tilespmem:s7], [sflag:$0x8] =	stream.indirect.gather [hbm4b:s1+s24], $0x80, s24, s24, $0xb8;
	[tilespmem:$0x1FC80] =	vst v63  }
0x89: {  	_ =	swait.ge [sflag:s8], $0x4000  }
0x8a: {  	[sflag:s8] =	ssyncset.done $0x0  }
0x8b: {  	s9 =	simm.s32 @!p2 $0xC;
	[sflag:s8] =	ssyncadd.s32 $0xFFFFC000  }
0x8c: {  	_ =	swait.ge @!p2 [sflag:s9], $0x4000  }
0x8d: {  	s18 =	rddreg [dreg:$0x5];
	[sflag:s9] =	ssyncset.done @!p2 $0x0  }
0x8e: {  	[sflag:s9] =	ssyncadd.s32 @!p2 $0xFFFFC000;
	s9 =	sadd.s32 @!p2 s22, s18  }
0x8f: {  	s9 =	sshrl.u32 @!p2 s9, $0x3  }
0x90: {  	s18 =	simm.s32 @!p2 $0x280;
	s9 =	sadd.s32 @!p2 s6, s9  }
0x91: {  	[tilespmem:s18], [sflag:$0x6] =	stream.linear.gather @!p2 [hbm4b:s9+s20], $0x80, $0x38;
	[tilespmem:$0x1FC80] =	vst v63  }
0x92: {  	_ =	swait.ge [sflag:s10], $0x80  }
0x93: {  	[sflag:s10] =	ssyncset.done $0x0;
	s18 =	rddreg [dreg:$0x6]  }
0x94: {  	[sflag:s10] =	ssyncadd.s32 $0xFFFFFF80;
	s9 =	sadd.s32 s22, s18  }
0x95: {  	[spmem:s2] =	stream.indirect.scatter.add.f32 [tilespmem:s7], [sflag:$0xB], $0x80, s25, s24, $0xb8;
	[tilespmem:$0x1FC80] =	vst v63  }
0x96: {  	s9 =	sshrl.u32 s9, $0x3  }
0x97: {  	s9 =	sadd.s32 s5, s9  }
0x98: {  	[tilespmem:s24], [sflag:$0x2] =	stream.linear.gather [hbm4b:s9+s3], $0x80, $0x38;
	[tilespmem:$0x1FC80] =	vst v63  }
0x99: {  	_ =	swait.ge [sflag:s11], $0x80  }
0x9a: {  	[sflag:s11] =	ssyncset.done $0x0  }
0x9b: {  	[sflag:s11] =	ssyncadd.s32 $0xFFFFFF80  }
0x9c: {  	[tilespmem:s12], [sflag:$0x9] =	stream.indirect.gather [hbm4b:s1+s24], $0x80, s26, s24, $0xb8;
	[tilespmem:$0x1FC80] =	vst v63  }
0x9d: {  	_ =	swait.ge [sflag:s14], $0x4000  }
0x9e: {  	[sflag:s14] =	ssyncset.done $0x0  }
0x9f: {  	[sflag:s14] =	ssyncadd.s32 $0xFFFFC000  }
0xa0: {  	_ =	swait.ge [sflag:s15], $0x4000  }
0xa1: {  	[sflag:s15] =	ssyncset.done $0x0  }
0xa2: {  	s20 =	sadd.s32 s6, s17;
	[sflag:s15] =	ssyncadd.s32 $0xFFFFC000  }
0xa3: {  	[tilespmem:s23], [sflag:$0x4] =	stream.linear.gather [hbm4b:s20+s3], $0x80, $0x38;
	[tilespmem:$0x1FC80] =	vst v63  }
0xa4: {  	s19 =	sadd.s32 $0x180, s19;
	_ =	swait.ge [sflag:s16], $0x80  }
0xa5: {  	p1 =	sne.s32 s19, $0x2700;
	[sflag:s16] =	ssyncset.done $0x0  }
0xa6: {  	p2 =	seq.s32 s13, $0x2580;
	s9 =	rddreg [dreg:$0x7];
	[sflag:s16] =	ssyncadd.s32 $0xFFFFFF80  }
0xa7: {  	[spmem:s2] =	stream.indirect.scatter.add.f32 [tilespmem:s12], [sflag:$0xC], $0x80, s28, s24, $0xb8;
	[tilespmem:$0x1FC80] =	vst v63  }
.Ltmp0:
0xa8: {  	s9 =	sadd.s32 @!p2 s22, s9;
	(pc) =	sbr.rel @p1 .LBB2_2-.Ltmp0, $4  }
0xa9: {  	s9 =	sshrl.u32 @!p2 s9, $0x3  }
0xaa: {  	s13 =	simm.s32 @!p2 $0x0;
	s17 =	simm.s32 @!p2 $0x100;
	s9 =	sadd.s32 @!p2 s5, s9  }
0xab: {  	[tilespmem:s17], [sflag:$0x3] =	stream.linear.gather @!p2 [hbm4b:s9+s13], $0x80, $0x38;
	[tilespmem:$0x1FC80] =	vst v63  }
0xac: {  	_ =	swait.ge [sflag:s29], $0x80  }
0xad: {  	[sflag:s29] =	ssyncset.done $0x0  }
0xae: {  	[sflag:s29] =	ssyncadd.s32 $0xFFFFFF80  }
0xaf: {  	[tilespmem:s30], [sflag:$0x7] =	stream.indirect.gather [hbm4b:s1+s24], $0x80, s3, s24, $0xb8;
	[tilespmem:$0x1FC80] =	vst v63  }
0xb0: {  	_ =	swait.ge [sflag:s31], $0x4000  }
0xb1: {  	[sflag:s31] =	ssyncset.done $0x0  }
0xb2: {  	s13 =	simm.s32 $0xB;
	[sflag:s31] =	ssyncadd.s32 $0xFFFFC000  }
0xb3: {  	_ =	swait.ge [sflag:s13], $0x4000  }
0xb4: {  	[sflag:s13] =	ssyncset.done $0x0  }
0xb5: {  	s9 =	rddreg [dreg:$0x14];
	[sflag:s13] =	ssyncadd.s32 $0xFFFFC000  }
0xb6: {  	[tilespmem:s25], [sflag:$0x5] =	stream.linear.gather [hbm4b:s9+s3], $0x80, $0x38;
	[tilespmem:$0x1FC80] =	vst v63  }
0xb7: {  	_ =	swait.ge [sflag:s0], $0x80  }
0xb8: {  	[sflag:s0] =	ssyncset.done $0x0  }
0xb9: {  	[sflag:s0] =	ssyncadd.s32 $0xFFFFFF80  }
0xba: {  	[spmem:s2] =	stream.indirect.scatter.add.f32 [tilespmem:s30], [sflag:$0xA], $0x80, s23, s24, $0xb8;
	[tilespmem:$0x1FC80] =	vst v63  }
0xbb: {  	_ =	swait.ge [sflag:s4], $0x80  }
0xbc: {  	[sflag:s4] =	ssyncset.done $0x0  }
0xbd: {  	[sflag:s4] =	ssyncadd.s32 $0xFFFFFF80  }
0xbe: {  	[tilespmem:s7], [sflag:$0x8] =	stream.indirect.gather [hbm4b:s1+s24], $0x80, s24, s24, $0xb8;
	[tilespmem:$0x1FC80] =	vst v63  }
0xbf: {  	_ =	swait.ge [sflag:s8], $0x4000  }
0xc0: {  	[sflag:s8] =	ssyncset.done $0x0  }
0xc1: {  	s20 =	simm.s32 $0xC;
	[sflag:s8] =	ssyncadd.s32 $0xFFFFC000  }
0xc2: {  	_ =	swait.ge [sflag:s20], $0x4000  }
0xc3: {  	[sflag:s20] =	ssyncset.done $0x0  }
0xc4: {  	[sflag:s20] =	ssyncadd.s32 $0xFFFFC000  }
0xc5: {  	_ =	swait.ge [sflag:s10], $0x80  }
0xc6: {  	[sflag:s10] =	ssyncset.done $0x0  }
0xc7: {  	[sflag:s10] =	ssyncadd.s32 $0xFFFFFF80  }
0xc8: {  	[spmem:s2] =	stream.indirect.scatter.add.f32 [tilespmem:s7], [sflag:$0xB], $0x80, s25, s24, $0xb8;
	[tilespmem:$0x1FC80] =	vst v63  }
0xc9: {  	_ =	swait.ge [sflag:s15], $0x4000  }
0xca: {  	[sflag:s15] =	ssyncset.done $0x0  }
0xcb: {  	[sflag:s15] =	ssyncadd.s32 $0xFFFFC000  }
0xcc: {  	_ =	swait.ge [sflag:s13], $0x4000  }
0xcd: {  	[sflag:s13] =	ssyncset.done $0x0  }
0xce: {  	[sflag:s13] =	ssyncadd.s32 $0xFFFFC000  }
0xcf: {  	[bflag:$0x0] =	sbarrier.arrive $0xFFFF  }
0xd0: {  	s21 =	rddreg [dreg:$0x8]  }
0xd1: {  	s17 =	rddreg [dreg:$0x15]  }
0xd2: {  	s13 =	rddreg [dreg:$0xb]  }
0xd3: {  	s18 =	rddreg [dreg:$0x19];
	s9 =	sadd.s32 s21, s17  }
0xd4: {  	[hbm:s9], [sflag:s13] =	dma.local [spmem:s18], $0x2700  }
0xd5: {  	s18 =	simm.s32 $0xD  }
0xd6: {  	_ =	swait.ge [sflag:s18], $0x2700  }
0xd7: {  	[sflag:s18] =	ssyncset.done $0x0  }
0xd8: {  	s9 =	sadd.s32 @!p0 $0x27000, s17;
	s17 =	rddreg [dreg:$0x1a];
	[sflag:s18] =	ssyncadd.s32 $0xFFFFD900  }
0xd9: {  	[hbm:s9], [sflag:s13] =	dma.local @!p0 [spmem:s17], $0x100  }
0xda: {  	s9 =	simm.s32 @!p0 $0xD  }
0xdb: {  	_ =	swait.ge @!p0 [sflag:s9], $0x100  }
0xdc: {  	s19 =	rddreg [dreg:$0x18]  }
0xdd: {  	s22 =	rddreg [dreg:$0x16];
	s19 =	sadd.s32 $0x1, s19  }
0xde: {  	p1 =	sne.s32 s19, s22  }
.Ltmp1:
0xdf: {  	_ = 	snop;
	(pc) =	sbr.rel @p1 .LBB2_1-.Ltmp1, $3  }
0xe0: {  	_ =	sdelay $0x1  }
0xe1: {  	[sflag:s9] =	ssyncset.done @!p0 $0x0  }
0xe2: {  	[sflag:s9] =	ssyncadd.s32 @!p0 $0xFFFFFF00  }
0xe3: {  	_ =	sfence.sel $0x180000  }
0xe4: {  	[bflag:$0x0] =	sbarrier.arrive $0xFFFF  }
0xe5: {  	_ =	strace $0x9000004D  }
0xe6: {  	[bflag:$0x2] =	sbarrier.arrive $0xFFFF  }
0xe7: {  	s0 =	rddreg [dreg:$0x3]  }
0xe8: {  	s0 =	sadd.s32 @!p0 $0x100000, s0  }
0xe9: {  	[sflag:s0] =	ssyncadd.tile.s32 @!p0 $0x1;
	_ =	shalt  }
.Lfunc_end2:
_tile_overlayer_lowered:
.L_overlay_start_2:
0xea: {  	(tag) =	ssettag $0x2  }
0xeb: {  	s0 =	rddreg [dreg:$0x0];
	s2 =	stileid.u32  }
0xec: {  	s1 =	rddreg [dreg:$0x1];
	p0 =	sne.s32 s2, $0x0  }
0xed: {  	s3 =	rddreg [dreg:$0x2];
	[bflag:$0x3] =	sbarrier.arrive $0xFFFF;
	s2 =	simm.s32 @!p0 $0x1C0D  }
0xee: {  	[timem:s3], [sflag:s2] =	dma.local @!p0 [hbm:s0], s1  }
0xef: {  	s0 =	simm.s32 @!p0 $0xD  }
0xf0: {  	_ =	swait.ge @!p0 [sflag:s0], s1  }
0xf1: {  	s1 =	ssub.s32 @!p0 $0x0, s1;
	[sflag:s0] =	ssyncset.done @!p0 $0x0  }
0xf2: {  	[sflag:s0] =	ssyncadd.s32 @!p0 s1  }
0xf3: {  	[bflag:$0x3] =	sbarrier.arrive $0xFFFF  }
0xf4: {  	_ =	shalt  }

// kernel: kernel.22.cloned.1.call-start
scs
__scs_entry_jumppad:
0x0: {  	(pc) =	sbr.rel $0x88, $3  }
0x1: {  	(tag) =	ssettag $0x0;
	lr =	simm.s32 $0x1  }
0x2: {  	[smem:$0x3F89] =	sst lr;
	_ =	strace $0xD0000000  }
0x3: {  	_ = 	snop  }
0x4: {  	_ = 	snop  }
0x5: {  	_ = 	snop  }
0x6: {  	_ = 	snop  }
0x7: {  	_ = 	snop  }
__scs_overlays_trampoline_lowered:
0x8: {  	[smem:$0x3F98] =	sst s0  }
0x9: {  	[smem:$0x3F99] =	sst s1  }
0xa: {  	[smem:$0x3F9A] =	sst s2  }
0xb: {  	[smem:$0x3F9B] =	sst s3  }
0xc: {  	[smem:$0x3F9C] =	sst s4  }
0xd: {  	[smem:$0x3F9D] =	sst s5  }
0xe: {  	[smem:$0x3F9E] =	sst s6  }
0xf: {  	[smem:$0x3F9F] =	sst s7  }
0x10: {  	[smem:$0x3FA0] =	sst s8  }
0x11: {  	[smem:$0x3FA1] =	sst s9;
	s0 =	simm.s32 @!p0 $0x0  }
0x12: {  	s1 =	sld [smem:$0x3F87];
	s0 =	simm.s32 @p0 $0x1  }
0x13: {  	[smem:$0x3FA2] =	sst s0;
	s0 =	simm.s32 @!p1 $0x0  }
0x14: {  	s2 =	sld [smem:$0x3F86];
	s0 =	simm.s32 @p1 $0x1  }
0x15: {  	[smem:$0x3FA3] =	sst s0;
	s0 =	simm.s32 @!p2 $0x0  }
0x16: {  	s3 =	sld [smem:$0x3FDB];
	s0 =	simm.s32 @p2 $0x1  }
0x17: {  	s4 =	simm.s32 $0x1BF5;
	[smem:$0x3FA5] =	sst s0  }
0x18: {  	s0 =	sld [smem:$0x3F88];
	_ =	swait.ge [sflag:s4], $0x0  }
0x19: {  	s7 =	sld [smem:$0x3F89]  }
0x1a: {  	s8 =	sadd.s32 $0xFFFFE003, lr  }
0x1b: {  	s9 =	sadd.s32 $0xFFFFFEF7, lr;
	s5 =	simm.s32 $0xFFFFFFFF;
	p2 =	slt.u32 s8, $0xFFFFF086  }
0x1c: {  	p1 =	slt.u32 s9, $0xF7A;
	s5 =	simm.s32 @!p2 $0x0  }
0x1d: {  	s5 =	simm.s32 @p1 $0x1;
	p0 =	seq.s32 s7, s2  }
0x1e: {  	s7 =	smul.u32 @!p0 $0xF7A, s2;
	p2 =	seq.s32 @!p0 s5, $0x0  }
0x1f: {  	s9 =	smul.u32 $0xF7A, s1;
	s8 =	simm.s32 @!p0 $0x1BF5;
	p2 =	por !p2, p0  }
0x20: {  	[sflag:s8] =	ssyncset.s32 @!p0 $0xFFFFF086;
	s6 =	sadd.s32 @!p0 s3, s7;
	s7 =	simm.s32 @!p0 $0x108  }
0x21: {  	s3 =	sadd.s32 s3, s9;
	s6 =	sadd.s32 @!p0 $0x88, s6;
	s7 =	simm.s32 @p2 $0x1082  }
0x22: {  	[simem:s7], [sflag:s8] =	dma.local @!p0 [hbm:s6], $0xF7A  }
0x23: {  	s9 =	sor.u32 $0xD0000000, s2;
	s6 =	simm.s32 $0x108;
	_ =	swait.ge @!p0 [sflag:s8], $0x0  }
0x24: {  	s3 =	sadd.s32 $0x88, s3;
	s6 =	simm.s32 @!p1 $0x1082;
	[sflag:s4] =	ssyncset.s32 $0xFFFFF086  }
0x25: {  	[simem:s6], [sflag:s4] =	dma.local [hbm:s3], $0xF7A  }
0x26: {  	[smem:$0x3F89] =	sst s1;
	(tag) =	ssettag s2;
	_ =	strace s9  }
0x27: {  	s1 =	sld [smem:$0x3F99]  }
0x28: {  	s2 =	sld [smem:$0x3F9A]  }
0x29: {  	s4 =	sld [smem:$0x3F9C]  }
0x2a: {  	p0 =	seq.s32 s5, $0x0;
	s5 =	sld [smem:$0x3F9D]  }
0x2b: {  	s6 =	sld [smem:$0x3F9E]  }
0x2c: {  	s7 =	sld [smem:$0x3F9F]  }
0x2d: {  	s3 =	simm.s32 $0x108;
	s8 =	sld [smem:$0x3FA0]  }
0x2e: {  	s3 =	simm.s32 @!p0 $0x1082;
	s9 =	sld [smem:$0x3FA1]  }
0x2f: {  	lr =	sadd.s32 s0, s3;
	s0 =	sld [smem:$0x3F98]  }
0x30: {  	s3 =	sld [smem:$0x3F9B]  }
0x31: {  	[smem:$0x3FA4] =	sst s10  }
0x32: {  	s10 =	sld [smem:$0x3FA2];
	_ =	sdelay $0x3  }
0x33: {  	p0 =	seq.s32 s10, $0x1;
	s10 =	sld [smem:$0x3FA4];
	_ =	sdelay $0x3  }
0x34: {  	[smem:$0x3FA4] =	sst s10  }
0x35: {  	s10 =	sld [smem:$0x3FA3];
	_ =	sdelay $0x3  }
0x36: {  	p1 =	seq.s32 s10, $0x1;
	s10 =	sld [smem:$0x3FA4];
	_ =	sdelay $0x3  }
0x37: {  	[smem:$0x3FA4] =	sst s10  }
0x38: {  	s10 =	sld [smem:$0x3FA5]  }
0x39: {  	_ = 	snop;
	(pc) =	sbr.ind lr, $3  }
0x3a: {  	_ = 	snop  }
0x3b: {  	_ = 	snop  }
0x3c: {  	p2 =	seq.s32 s10, $0x1;
	s10 =	sld [smem:$0x3FA4]  }
0x3d: {  	_ =	shalt  }
0x3e: {  	_ =	shalt  }
0x3f: {  	_ =	shalt  }
0x40: {  	_ =	shalt  }
0x41: {  	_ =	shalt  }
0x42: {  	_ =	shalt  }
0x43: {  	_ =	shalt  }
0x44: {  	_ =	shalt  }
0x45: {  	_ =	shalt  }
0x46: {  	_ =	shalt  }
0x47: {  	_ =	shalt  }
0x48: {  	_ =	shalt  }
0x49: {  	_ =	shalt  }
0x4a: {  	_ =	shalt  }
0x4b: {  	_ =	shalt  }
0x4c: {  	_ =	shalt  }
0x4d: {  	_ =	shalt  }
0x4e: {  	_ =	shalt  }
0x4f: {  	_ =	shalt  }
0x50: {  	_ =	shalt  }
0x51: {  	_ =	shalt  }
0x52: {  	_ =	shalt  }
0x53: {  	_ =	shalt  }
0x54: {  	_ =	shalt  }
0x55: {  	_ =	shalt  }
0x56: {  	_ =	shalt  }
0x57: {  	_ =	shalt  }
0x58: {  	_ =	shalt  }
0x59: {  	_ =	shalt  }
0x5a: {  	_ =	shalt  }
0x5b: {  	_ =	shalt  }
0x5c: {  	_ =	shalt  }
0x5d: {  	_ =	shalt  }
0x5e: {  	_ =	shalt  }
0x5f: {  	_ =	shalt  }
0x60: {  	_ =	shalt  }
0x61: {  	_ =	shalt  }
0x62: {  	_ =	shalt  }
0x63: {  	_ =	shalt  }
0x64: {  	_ =	shalt  }
0x65: {  	_ =	shalt  }
0x66: {  	_ =	shalt  }
0x67: {  	_ =	shalt  }
0x68: {  	_ =	shalt  }
0x69: {  	_ =	shalt  }
0x6a: {  	_ =	shalt  }
0x6b: {  	_ =	shalt  }
0x6c: {  	_ =	shalt  }
0x6d: {  	_ =	shalt  }
0x6e: {  	_ =	shalt  }
0x6f: {  	_ =	shalt  }
0x70: {  	_ =	shalt  }
0x71: {  	_ =	shalt  }
0x72: {  	_ =	shalt  }
0x73: {  	_ =	shalt  }
0x74: {  	_ =	shalt  }
0x75: {  	_ =	shalt  }
0x76: {  	_ =	shalt  }
0x77: {  	_ =	shalt  }
0x78: {  	_ =	shalt  }
0x79: {  	_ =	shalt  }
0x7a: {  	_ =	shalt  }
0x7b: {  	_ =	shalt  }
0x7c: {  	_ =	shalt  }
0x7d: {  	_ =	shalt  }
0x7e: {  	_ =	shalt  }
0x7f: {  	_ =	shalt  }
0x80: {  	_ =	shalt  }
0x81: {  	_ =	shalt  }
0x82: {  	_ =	shalt  }
0x83: {  	_ =	shalt  }
0x84: {  	_ =	shalt  }
0x85: {  	_ =	shalt  }
0x86: {  	_ =	shalt  }
0x87: {  	_ =	shalt  }
.Lfunc_end0:
.L_simem_size_0:
called_computation.3_lowered:
.L_overlay_start_0:
0x88: {  	s2 =	sld [smem:$0x3FD9]  }
0x89: {  	s3 =	sld [smem:$0x3FFE];
	_ =	sdelay $0x1  }
0x8a: {  	s1 =	srdreg.scid  }
0x8b: {  	s0 =	sand.u32 $0x1, s1  }
0x8c: {  	s17 =	sshll.u32 s0, $0xA;
	s2 =	sadd.s32 s3, s2  }
0x8d: {  	s2 =	sadd.s32 s2, s17  }
0x8e: {  	[smem:$0x3FB0] =	sst s2  }
0x8f: {  	_ = 	snop  }
0x90: {  	s2 =	sld [smem:$0x3FD0];
	(tm) =	ssettm $0x1  }
0x91: {  	s18 =	sld [smem:$0x3FFB];
	_ =	sdelay $0x3  }
0x92: {  	_ =	strace s18  }
0x93: {  	s3 =	sld [smem:$0x3FFC];
	_ =	sdelay $0x3  }
0x94: {  	_ =	strace s3  }
0x95: {  	s3 =	sld [smem:$0x3FFD];
	_ =	sdelay $0x3  }
0x96: {  	_ =	strace s3  }
0x97: {  	_ =	strace $0x8FFFFFFF  }
0x98: {  	s19 =	sld [smem:$0x3FDB];
	_ =	sdelay $0x1  }
0x99: {  	s4 =	simm.s32 $_scs_section_size  }
0x9a: {  	s5 =	simm.s32 $_size__tile_overlayer_lowered;
	s6 =	simm.s32 $_tile_overlayer_lowered  }
0x9b: {  	s22 =	simm.s32 $0x1BFF;
	s21 =	sshll.u32 s6, $0x1;
	s3 =	sadd.s32 s4, s19  }
0x9c: {  	s7 =	simm.s32 $0x0;
	s20 =	sshll.u32 s5, $0x1;
	s5 =	sadd.s32 s21, s3  }
0x9d: {  	[timem:s7], [sflag:s22] =	dma.local [hbm:s5], s20  }
0x9e: {  	_ =	swait.ge [sflag:s22], s20  }
0x9f: {  	s4 =	ssub.s32 $0x0, s20;
	[sflag:s22] =	ssyncset.done $0x0  }
0xa0: {  	[sflag:s22] =	ssyncadd.s32 s4;
	_ =	sdelay $0x1  }
0xa1: {  	s23 =	simm.s32 $0x1B8B  }
0xa2: {  	_ =	swait.ge [sflag:s23], $0x1  }
0xa3: {  	[sflag:s23] =	ssyncset.done $0x0  }
0xa4: {  	s25 =	simm.s32 $0x1B8E;
	s24 =	sld [smem:$0x3FFE];
	[sflag:s23] =	ssyncadd.s32 $0xFFFFFFFF  }
0xa5: {  	s26 =	simm.s32 $execute0_lowered;
	[smem:$0x3FD2] =	sst s25  }
0xa6: {  	s5 =	sshll.u32 s26, $0x1;
	_ =	strace $0x8000004F;
	[dreg:$0x1] =	wrdreg $0xFFFFFFFF  }
0xa7: {  	s28 =	simm.s32 $_size_execute0_lowered;
	s3 =	sadd.s32 s3, s5;
	[dreg:$0x0] =	wrdreg $0x0  }
0xa8: {  	s5 =	sshll.u32 s28, $0x1;
	[dreg:$0x2] =	wrdreg s3  }
0xa9: {  	[dreg:$0x3] =	wrdreg s5  }
0xaa: {  	[dreg:$0x4] =	wrdreg $0xC0  }
0xab: {  	_ =	task [dreg:s7], $0x5FFFF  }
0xac: {  	[dreg:$0x1] =	wrdreg $0xFFFFFFFF  }
0xad: {  	[dreg:$0x0] =	wrdreg $0x60  }
0xae: {  	[dreg:$0x2] =	wrdreg s2  }
0xaf: {  	[dreg:$0x3] =	wrdreg s24  }
0xb0: {  	[dreg:$0x4] =	wrdreg $0xC3000  }
0xb1: {  	[dreg:$0x5] =	wrdreg $0x9  }
0xb2: {  	_ =	task.clear_ibuf [dreg:s7], $0x6FFFF;
	_ =	strace $0x9000004F  }
0xb3: {  	s29 =	simm.s32 $0x9;
	_ =	strace $0x80000051  }
0xb4: {  	_ =	swait.ge [sflag:s29], $0x1  }
0xb5: {  	[sflag:s29] =	ssyncadd.s32 $0xFFFFFFFF  }
0xb6: {  	_ =	strace $0x90000051  }
0xb7: {  	_ =	sfence  }
0xb8: {  	s30 =	sld [smem:$0x0];
	_ =	sdelay $0x2  }
0xb9: {  	s31 =	sshll.u32 s1, $0xD;
	s1 =	sshrl.u32 s1, $0x2  }
0xba: {  	s3 =	sand.u32 $0x4000, s31;
	s1 =	sadd.s32 s1, s30  }
0xbb: {  	s0 =	sor.u32 s3, s0;
	s1 =	sshll.u32 s1, $0x11  }
0xbc: {  	s0 =	sor.u32 s1, s0  }
0xbd: {  	s0 =	sadd.s32 $0x8F2B, s0  }
0xbe: {  	[sflag:s0] =	ssyncadd.remote.s32 $0x1  }
0xbf: {  	_ =	sfence.sel $0xFFFF  }
0xc0: {  	[dreg:$0x0] =	wrdreg $0xFFFFFFFF;
	(pc) =	sbr.abs _section_cstart, $3  }
0xc1: {  	[dreg:$0x1] =	wrdreg $0xFFFFFFFF  }
0xc2: {  	_ =	task.clear_ibuf [dreg:s7], $0x2FFFF;
	_ =	strace $0x9FFFFFFF  }
0xc3: {  	(tm) =	ssettm $0x7FFFFFFF  }
tec
execute0_lowered:
.L_overlay_start_1:
0x0: {  	(tag) =	ssettag $0x1  }
0x1: {  	s1 =	rddreg [dreg:$0x0]  }
0x2: {  	s0 =	rddreg [dreg:$0x1]  }
0x3: {  	s2 =	rddreg [dreg:$0x2];
	s3 =	simm.s32 $0x0;
	s4 =	stileid.u32  }
0x4: {  	s7 =	srdreg.scid;
	s28 =	simm.s32 $0x280;
	s29 =	simm.s32 $0x1  }
0x5: {  	s30 =	simm.s32 $0x300;
	s31 =	simm.s32 $0x7;
	[smem:$0x7FF] =	sst s3  }
0x6: {  	s8 =	smul.u32 $0x2700, s4;
	s5 =	sadd.s32 $0x5C00, s0;
	s6 =	sadd.s32 $0xFC00, s0  }
0x7: {  	s7 =	sand.u32 $0x1, s7;
	s13 =	smul.u32 $0x4E000, s4;
	s22 =	sshll.u32 s4, $0x6  }
0x8: {  	s23 =	sadd.s32 $0x138000, s2;
	p0 =	sne.s32 s4, $0x0;
	_ =	strace $0x80000050  }
0x9: {  	s9 =	smul.u32 $0x27100, s7;
	s10 =	ssub.s32 $0x2, s7;
	[dreg:$0xc] =	wrdreg s23  }
0xa: {  	s12 =	sshll.u32 s7, $0x4;
	s7 =	smul.u32 $0x28000, s7;
	[dreg:$0x8] =	wrdreg s8  }
0xb: {  	s8 =	sadd.s32 s8, s0;
	s11 =	sshrl.u32 s10, $0x1;
	s20 =	sor.u32 s4, s12  }
0xc: {  	s21 =	sshrl.u32 s13, $0x2;
	s13 =	sor.u32 $0x1C0D, s22;
	s14 =	sadd.s32 s9, s0  }
0xd: {  	s10 =	ssub.s32 s10, s11;
	s9 =	sadd.s32 s21, s2;
	[dreg:$0xb] =	wrdreg s13  }
0xe: {  	s11 =	smul.u32 $0x2800, s20;
	s8 =	sadd.s32 $0x1A400, s8;
	[dreg:$0x9] =	wrdreg s9  }
0xf: {  	s12 =	simm.s32 $0x8300;
	s0 =	sadd.s32 $0x41400, s0;
	[dreg:$0xa] =	wrdreg s8  }
0x10: {  	s20 =	smul.u32 $0x2800, s4;
	[dreg:$0xd] =	wrdreg s0;
	s18 =	sor.u32 $0x180, s11  }
0x11: {  	s4 =	simm.s32 $0x2;
	s19 =	sor.u32 $0x100, s11;
	[dreg:$0x4] =	wrdreg s18  }
0x12: {  	s24 =	sshrl.u32 s11, $0x3;
	s21 =	sor.u32 $0x200, s11;
	[dreg:$0x5] =	wrdreg s19  }
0x13: {  	s22 =	sor.u32 $0x280, s11;
	s7 =	sadd.s32 s20, s7;
	[dreg:$0x6] =	wrdreg s21  }
0x14: {  	s11 =	simm.s32 $0x3;
	s25 =	sadd.s32 s5, s24;
	[dreg:$0x7] =	wrdreg s22  }
0x15: {  	s26 =	sadd.s32 s6, s24;
	s15 =	sor.u32 $0x10, s24;
	[dreg:$0xe] =	wrdreg s25  }
0x16: {  	s0 =	sor.u32 $0x20, s24;
	s16 =	sadd.s32 s5, s15;
	[dreg:$0xf] =	wrdreg s26  }
0x17: {  	s24 =	sor.u32 $0x80, s7;
	s8 =	sadd.s32 s6, s15;
	[dreg:$0x10] =	wrdreg s16  }
0x18: {  	s18 =	simm.s32 $0xD;
	s17 =	sadd.s32 s5, s0;
	[dreg:$0x11] =	wrdreg s8  }
0x19: {  	s7 =	simm.s32 $0x4300;
	s0 =	sadd.s32 s6, s0;
	[dreg:$0x12] =	wrdreg s17  }
0x1a: {  	s19 =	simm.s32 $0x0;
	s23 =	sadd.s32 $0x4F0, s26;
	[dreg:$0x13] =	wrdreg s0  }
0x1b: {  	s25 =	sadd.s32 $0x8FA00, s14;
	s26 =	smax.u32 s10, $0x1;
	[dreg:$0x14] =	wrdreg s23  }
0x1c: {  	s10 =	simm.s32 $0x5;
	s14 =	simm.s32 $0x9;
	[dreg:$0x15] =	wrdreg s25  }
0x1d: {  	s15 =	simm.s32 $0xA;
	[dreg:$0x16] =	wrdreg s26;
	s0 =	sshrl.u32 s24, $0x3  }
0x1e: {  	s23 =	simm.s32 $0x180;
	s24 =	simm.s32 $0x80;
	s25 =	simm.s32 $0x200  }
0x1f: {  	s26 =	simm.s32 $0x100;
	s8 =	simm.s32 $0x8;
	s0 =	sadd.s32 s0, s6  }
0x20: {  	s16 =	simm.s32 $0x6;
	[dreg:$0x17] =	wrdreg s0;
	s0 =	simm.s32 $0x4  }
.LBB2_1:
0x21: {  	[dreg:$0x18] =	wrdreg s19  }
0x22: {  	s9 =	rddreg [dreg:$0x9]  }
0x23: {  	s20 =	rddreg [dreg:$0xa];
	s17 =	sshrl.u32 s9, $0x3  }
0x24: {  	[dreg:$0x19] =	wrdreg s17  }
0x25: {  	[spmem:s17], [sflag:s13] =	dma.local [hbm:s20], $0x2700  }
0x26: {  	_ =	swait.ge [sflag:s18], $0x2700  }
0x27: {  	s9 =	rddreg [dreg:$0xc]  }
0x28: {  	[sflag:s18] =	ssyncset.done $0x0;
	s17 =	sshrl.u32 @!p0 s9, $0x3;
	s9 =	rddreg [dreg:$0xd]  }
0x29: {  	[sflag:s18] =	ssyncadd.s32 $0xFFFFD900;
	[dreg:$0x1a] =	wrdreg s17  }
0x2a: {  	[spmem:s17], [sflag:s13] =	dma.local @!p0 [hbm:s9], $0x300  }
0x2b: {  	s13 =	simm.s32 @!p0 $0xD  }
0x2c: {  	_ =	swait.ge @!p0 [sflag:s13], $0x300  }
0x2d: {  	[sflag:s13] =	ssyncset.done @!p0 $0x0  }
0x2e: {  	s21 =	rddreg [dreg:$0xe];
	[sflag:s13] =	ssyncadd.s32 @!p0 $0xFFFFFD00  }
0x2f: {  	[tilespmem:s3], [sflag:$0x1] =	stream.linear.gather [hbm4b:s21+s3], $0x80, $0x38;
	[tilespmem:$0x1FC80] =	vst v63  }
0x30: {  	s22 =	rddreg [dreg:$0xf]  }
0x31: {  	[tilespmem:s23], [sflag:$0x4] =	stream.linear.gather [hbm4b:s22+s3], $0x80, $0x38;
	[tilespmem:$0x1FC80] =	vst v63  }
0x32: {  	s13 =	rddreg [dreg:$0x10]  }
0x33: {  	[tilespmem:s24], [sflag:$0x2] =	stream.linear.gather [hbm4b:s13+s3], $0x80, $0x38;
	[tilespmem:$0x1FC80] =	vst v63  }
0x34: {  	s17 =	rddreg [dreg:$0x11]  }
0x35: {  	[tilespmem:s25], [sflag:$0x5] =	stream.linear.gather [hbm4b:s17+s3], $0x80, $0x38;
	[tilespmem:$0x1FC80] =	vst v63  }
0x36: {  	s18 =	rddreg [dreg:$0x12]  }
0x37: {  	[tilespmem:s26], [sflag:$0x3] =	stream.linear.gather [hbm4b:s18+s3], $0x80, $0x38;
	[tilespmem:$0x1FC80] =	vst v63  }
0x38: {  	s19 =	rddreg [dreg:$0x13]  }
0x39: {  	[tilespmem:s28], [sflag:$0x6] =	stream.linear.gather [hbm4b:s19+s3], $0x80, $0x38;
	[tilespmem:$0x1FC80] =	vst v63  }
0x3a: {  	[bflag:$0x0] =	sbarrier.arrive $0xFFFF  }
0x3b: {  	_ =	swait.ge [sflag:s29], $0x80  }
0x3c: {  	[sflag:s29] =	ssyncset.done $0x0  }
0x3d: {  	[sflag:s29] =	ssyncadd.s32 $0xFFFFFF80  }
0x3e: {  	[tilespmem:s30], [sflag:$0x7] =	stream.indirect.gather [hbm4b:s1+s24], $0x80, s3, s24, $0xb8;
	[tilespmem:$0x1FC80] =	vst v63  }
0x3f: {  	_ =	swait.ge [sflag:s31], $0x4000  }
0x40: {  	p1 =	por $0x1, $0x1;
	[sflag:s31] =	ssyncset.done $0x0  }
0x41: {  	s13 =	simm.s32 @!p1 $0xB;
	[sflag:s31] =	ssyncadd.s32 $0xFFFFC000  }
0x42: {  	_ =	swait.ge @!p1 [sflag:s13], $0x4000  }
0x43: {  	s17 =	simm.s32 @!p1 $0x200;
	[sflag:s13] =	ssyncset.done @!p1 $0x0  }
0x44: {  	s9 =	rddreg [dreg:$0x17];
	[sflag:s13] =	ssyncadd.s32 @!p1 $0xFFFFC000;
	s13 =	simm.s32 @!p1 $0x0  }
0x45: {  	[tilespmem:s17], [sflag:$0x5] =	stream.linear.gather @!p1 [hbm4b:s9+s13], $0x80, $0x38;
	[tilespmem:$0x1FC80] =	vst v63  }
0x46: {  	s19 =	simm.s32 $0x0;
	_ =	swait.ge [sflag:s0], $0x80  }
0x47: {  	s19 =	simm.s32 @p1 $0x0;
	[sflag:s0] =	ssyncset.done $0x0;
	s20 =	rddreg [dreg:$0x4]  }
0x48: {  	[sflag:s0] =	ssyncadd.s32 $0xFFFFFF80;
	s17 =	sadd.s32 s19, s20  }
0x49: {  	[spmem:s2] =	stream.indirect.scatter.add.f32 [tilespmem:s30], [sflag:$0xA], $0x80, s23, s24, $0xb8;
	[tilespmem:$0x1FC80] =	vst v63  }
0x4a: {  	s17 =	sshrl.u32 s17, $0x3  }
0x4b: {  	s21 =	sadd.s32 s5, s17  }
0x4c: {  	[tilespmem:s3], [sflag:$0x1] =	stream.linear.gather [hbm4b:s21+s3], $0x80, $0x38;
	[tilespmem:$0x1FC80] =	vst v63  }
0x4d: {  	_ =	swait.ge [sflag:s4], $0x80  }
0x4e: {  	[sflag:s4] =	ssyncset.done $0x0  }
0x4f: {  	[sflag:s4] =	ssyncadd.s32 $0xFFFFFF80  }
0x50: {  	[tilespmem:s7], [sflag:$0x8] =	stream.indirect.gather [hbm4b:s1+s24], $0x80, s24, s24, $0xb8;
	[tilespmem:$0x1FC80] =	vst v63  }
0x51: {  	_ =	swait.ge [sflag:s8], $0x4000  }
0x52: {  	[sflag:s8] =	ssyncset.done $0x0  }
0x53: {  	s21 =	simm.s32 @!p1 $0xC;
	[sflag:s8] =	ssyncadd.s32 $0xFFFFC000  }
0x54: {  	_ =	swait.ge @!p1 [sflag:s21], $0x4000  }
0x55: {  	s22 =	rddreg [dreg:$0x5]  }
0x56: {  	s22 =	sadd.s32 @!p1 s19, s22  }
0x57: {  	[sflag:s21] =	ssyncset.done @!p1 $0x0;
	s22 =	sshrl.u32 @!p1 s22, $0x3  }
0x58: {  	[sflag:s21] =	ssyncadd.s32 @!p1 $0xFFFFC000;
	s21 =	simm.s32 @!p1 $0x280;
	s22 =	sadd.s32 @!p1 s6, s22  }
0x59: {  	[tilespmem:s21], [sflag:$0x6] =	stream.linear.gather @!p1 [hbm4b:s22+s13], $0x80, $0x38;
	[tilespmem:$0x1FC80] =	vst v63  }
0x5a: {  	_ =	swait.ge [sflag:s10], $0x80  }
0x5b: {  	[sflag:s10] =	ssyncset.done $0x0;
	s21 =	rddreg [dreg:$0x6]  }
0x5c: {  	[sflag:s10] =	ssyncadd.s32 $0xFFFFFF80;
	s13 =	sadd.s32 s19, s21  }
0x5d: {  	[spmem:s2] =	stream.indirect.scatter.add.f32 [tilespmem:s7], [sflag:$0xB], $0x80, s25, s24, $0xb8;
	[tilespmem:$0x1FC80] =	vst v63  }
0x5e: {  	s13 =	sshrl.u32 s13, $0x3  }
0x5f: {  	s13 =	sadd.s32 s5, s13  }
0x60: {  	[tilespmem:s24], [sflag:$0x2] =	stream.linear.gather [hbm4b:s13+s3], $0x80, $0x38;
	[tilespmem:$0x1FC80] =	vst v63  }
0x61: {  	_ =	swait.ge [sflag:s11], $0x80  }
0x62: {  	[sflag:s11] =	ssyncset.done $0x0  }
0x63: {  	[sflag:s11] =	ssyncadd.s32 $0xFFFFFF80  }
0x64: {  	[tilespmem:s12], [sflag:$0x9] =	stream.indirect.gather [hbm4b:s1+s24], $0x80, s26, s24, $0xb8;
	[tilespmem:$0x1FC80] =	vst v63  }
0x65: {  	_ =	swait.ge [sflag:s14], $0x4000  }
0x66: {  	[sflag:s14] =	ssyncset.done $0x0  }
0x67: {  	[sflag:s14] =	ssyncadd.s32 $0xFFFFC000  }
0x68: {  	_ =	swait.ge [sflag:s15], $0x4000  }
0x69: {  	[sflag:s15] =	ssyncset.done $0x0  }
0x6a: {  	s22 =	sadd.s32 s6, s17;
	[sflag:s15] =	ssyncadd.s32 $0xFFFFC000  }
0x6b: {  	[tilespmem:s23], [sflag:$0x4] =	stream.linear.gather [hbm4b:s22+s3], $0x80, $0x38;
	[tilespmem:$0x1FC80] =	vst v63  }
0x6c: {  	_ =	swait.ge [sflag:s16], $0x80  }
0x6d: {  	p1 =	por $0x0, $0x0;
	[sflag:s16] =	ssyncset.done $0x0;
	s13 =	rddreg [dreg:$0x7]  }
0x6e: {  	[sflag:s16] =	ssyncadd.s32 $0xFFFFFF80;
	s13 =	sadd.s32 @!p1 s19, s13  }
0x6f: {  	[spmem:s2] =	stream.indirect.scatter.add.f32 [tilespmem:s12], [sflag:$0xC], $0x80, s28, s24, $0xb8;
	[tilespmem:$0x1FC80] =	vst v63  }
0x70: {  	s13 =	sshrl.u32 @!p1 s13, $0x3  }
0x71: {  	s17 =	simm.s32 @!p1 $0x0;
	s19 =	simm.s32 @!p1 $0x100;
	s13 =	sadd.s32 @!p1 s5, s13  }
0x72: {  	[tilespmem:s19], [sflag:$0x3] =	stream.linear.gather @!p1 [hbm4b:s13+s17], $0x80, $0x38;
	[tilespmem:$0x1FC80] =	vst v63  }
0x73: {  	s21 =	smov.u32 s9;
	s19 =	simm.s32 $0x180;
	_ =	swait.ge [sflag:s29], $0x80  }
.LBB2_2:
0x74: {  	[sflag:s29] =	ssyncset.done $0x0  }
0x75: {  	[sflag:s29] =	ssyncadd.s32 $0xFFFFFF80  }
0x76: {  	[tilespmem:s30], [sflag:$0x7] =	stream.indirect.gather [hbm4b:s1+s24], $0x80, s3, s24, $0xb8;
	[tilespmem:$0x1FC80] =	vst v63  }
0x77: {  	s13 =	smov.u32 s19;
	_ =	swait.ge [sflag:s31], $0x4000  }
0x78: {  	p2 =	seq.s32 s13, $0x0;
	[sflag:s31] =	ssyncset.done $0x0  }
0x79: {  	s17 =	simm.s32 @!p2 $0xB;
	[sflag:s31] =	ssyncadd.s32 $0xFFFFC000  }
0x7a: {  	_ =	swait.ge @!p2 [sflag:s17], $0x4000  }
0x7b: {  	s21 =	sadd.s32 $0x30, s21;
	[sflag:s17] =	ssyncset.done @!p2 $0x0  }
0x7c: {  	s20 =	simm.s32 @!p2 $0x0;
	[sflag:s17] =	ssyncadd.s32 @!p2 $0xFFFFC000;
	s17 =	simm.s32 @!p2 $0x200  }
0x7d: {  	[tilespmem:s17], [sflag:$0x5] =	stream.linear.gather @!p2 [hbm4b:s21+s20], $0x80, $0x38;
	[tilespmem:$0x1FC80] =	vst v63  }
0x7e: {  	s22 =	smov.u32 s13;
	_ =	swait.ge [sflag:s0], $0x80  }
0x7f: {  	s22 =	simm.s32 @p2 $0x0;
	[sflag:s0] =	ssyncset.done $0x0;
	s9 =	rddreg [dreg:$0x4]  }
0x80: {  	[sflag:s0] =	ssyncadd.s32 $0xFFFFFF80;
	s17 =	sadd.s32 s22, s9  }
0x81: {  	[spmem:s2] =	stream.indirect.scatter.add.f32 [tilespmem:s30], [sflag:$0xA], $0x80, s23, s24, $0xb8;
	[tilespmem:$0x1FC80] =	vst v63  }
0x82: {  	s17 =	sshrl.u32 s17, $0x3  }
0x83: {  	s9 =	sadd.s32 s5, s17  }
0x84: {  	[tilespmem:s3], [sflag:$0x1] =	stream.linear.gather [hbm4b:s9+s3], $0x80, $0x38;
	[tilespmem:$0x1FC80] =	vst v63  }
0x85: {  	_ =	swait.ge [sflag:s4], $0x80  }
0x86: {  	[sflag:s4] =	ssyncset.done $0x0  }
0x87: {  	[sflag:s4] =	ssyncadd.s32 $0xFFFFFF80  }
0x88: {  	[tilespmem:s7], [sflag:$0x8] =	stream.indirect.gather [hbm4b:s1+s24], $0x80, s24, s24, $0xb8;
	[tilespmem:$0x1FC80] =	vst v63  }
0x89: {  	_ =	swait.ge [sflag:s8], $0x4000  }
0x8a: {  	[sflag:s8] =	ssyncset.done $0x0  }
0x8b: {  	s9 =	simm.s32 @!p2 $0xC;
	[sflag:s8] =	ssyncadd.s32 $0xFFFFC000  }
0x8c: {  	_ =	swait.ge @!p2 [sflag:s9], $0x4000  }
0x8d: {  	s18 =	rddreg [dreg:$0x5];
	[sflag:s9] =	ssyncset.done @!p2 $0x0  }
0x8e: {  	[sflag:s9] =	ssyncadd.s32 @!p2 $0xFFFFC000;
	s9 =	sadd.s32 @!p2 s22, s18  }
0x8f: {  	s9 =	sshrl.u32 @!p2 s9, $0x3  }
0x90: {  	s18 =	simm.s32 @!p2 $0x280;
	s9 =	sadd.s32 @!p2 s6, s9  }
0x91: {  	[tilespmem:s18], [sflag:$0x6] =	stream.linear.gather @!p2 [hbm4b:s9+s20], $0x80, $0x38;
	[tilespmem:$0x1FC80] =	vst v63  }
0x92: {  	_ =	swait.ge [sflag:s10], $0x80  }
0x93: {  	[sflag:s10] =	ssyncset.done $0x0;
	s18 =	rddreg [dreg:$0x6]  }
0x94: {  	[sflag:s10] =	ssyncadd.s32 $0xFFFFFF80;
	s9 =	sadd.s32 s22, s18  }
0x95: {  	[spmem:s2] =	stream.indirect.scatter.add.f32 [tilespmem:s7], [sflag:$0xB], $0x80, s25, s24, $0xb8;
	[tilespmem:$0x1FC80] =	vst v63  }
0x96: {  	s9 =	sshrl.u32 s9, $0x3  }
0x97: {  	s9 =	sadd.s32 s5, s9  }
0x98: {  	[tilespmem:s24], [sflag:$0x2] =	stream.linear.gather [hbm4b:s9+s3], $0x80, $0x38;
	[tilespmem:$0x1FC80] =	vst v63  }
0x99: {  	_ =	swait.ge [sflag:s11], $0x80  }
0x9a: {  	[sflag:s11] =	ssyncset.done $0x0  }
0x9b: {  	[sflag:s11] =	ssyncadd.s32 $0xFFFFFF80  }
0x9c: {  	[tilespmem:s12], [sflag:$0x9] =	stream.indirect.gather [hbm4b:s1+s24], $0x80, s26, s24, $0xb8;
	[tilespmem:$0x1FC80] =	vst v63  }
0x9d: {  	_ =	swait.ge [sflag:s14], $0x4000  }
0x9e: {  	[sflag:s14] =	ssyncset.done $0x0  }
0x9f: {  	[sflag:s14] =	ssyncadd.s32 $0xFFFFC000  }
0xa0: {  	_ =	swait.ge [sflag:s15], $0x4000  }
0xa1: {  	[sflag:s15] =	ssyncset.done $0x0  }
0xa2: {  	s20 =	sadd.s32 s6, s17;
	[sflag:s15] =	ssyncadd.s32 $0xFFFFC000  }
0xa3: {  	[tilespmem:s23], [sflag:$0x4] =	stream.linear.gather [hbm4b:s20+s3], $0x80, $0x38;
	[tilespmem:$0x1FC80] =	vst v63  }
0xa4: {  	s19 =	sadd.s32 $0x180, s19;
	_ =	swait.ge [sflag:s16], $0x80  }
0xa5: {  	p1 =	sne.s32 s19, $0x2700;
	[sflag:s16] =	ssyncset.done $0x0  }
0xa6: {  	p2 =	seq.s32 s13, $0x2580;
	s9 =	rddreg [dreg:$0x7];
	[sflag:s16] =	ssyncadd.s32 $0xFFFFFF80  }
0xa7: {  	[spmem:s2] =	stream.indirect.scatter.add.f32 [tilespmem:s12], [sflag:$0xC], $0x80, s28, s24, $0xb8;
	[tilespmem:$0x1FC80] =	vst v63  }
.Ltmp0:
0xa8: {  	s9 =	sadd.s32 @!p2 s22, s9;
	(pc) =	sbr.rel @p1 .LBB2_2-.Ltmp0, $4  }
0xa9: {  	s9 =	sshrl.u32 @!p2 s9, $0x3  }
0xaa: {  	s13 =	simm.s32 @!p2 $0x0;
	s17 =	simm.s32 @!p2 $0x100;
	s9 =	sadd.s32 @!p2 s5, s9  }
0xab: {  	[tilespmem:s17], [sflag:$0x3] =	stream.linear.gather @!p2 [hbm4b:s9+s13], $0x80, $0x38;
	[tilespmem:$0x1FC80] =	vst v63  }
0xac: {  	_ =	swait.ge [sflag:s29], $0x80  }
0xad: {  	[sflag:s29] =	ssyncset.done $0x0  }
0xae: {  	[sflag:s29] =	ssyncadd.s32 $0xFFFFFF80  }
0xaf: {  	[tilespmem:s30], [sflag:$0x7] =	stream.indirect.gather [hbm4b:s1+s24], $0x80, s3, s24, $0xb8;
	[tilespmem:$0x1FC80] =	vst v63  }
0xb0: {  	_ =	swait.ge [sflag:s31], $0x4000  }
0xb1: {  	[sflag:s31] =	ssyncset.done $0x0  }
0xb2: {  	s13 =	simm.s32 $0xB;
	[sflag:s31] =	ssyncadd.s32 $0xFFFFC000  }
0xb3: {  	_ =	swait.ge [sflag:s13], $0x4000  }
0xb4: {  	[sflag:s13] =	ssyncset.done $0x0  }
0xb5: {  	s9 =	rddreg [dreg:$0x14];
	[sflag:s13] =	ssyncadd.s32 $0xFFFFC000  }
0xb6: {  	[tilespmem:s25], [sflag:$0x5] =	stream.linear.gather [hbm4b:s9+s3], $0x80, $0x38;
	[tilespmem:$0x1FC80] =	vst v63  }
0xb7: {  	_ =	swait.ge [sflag:s0], $0x80  }
0xb8: {  	[sflag:s0] =	ssyncset.done $0x0  }
0xb9: {  	[sflag:s0] =	ssyncadd.s32 $0xFFFFFF80  }
0xba: {  	[spmem:s2] =	stream.indirect.scatter.add.f32 [tilespmem:s30], [sflag:$0xA], $0x80, s23, s24, $0xb8;
	[tilespmem:$0x1FC80] =	vst v63  }
0xbb: {  	_ =	swait.ge [sflag:s4], $0x80  }
0xbc: {  	[sflag:s4] =	ssyncset.done $0x0  }
0xbd: {  	[sflag:s4] =	ssyncadd.s32 $0xFFFFFF80  }
0xbe: {  	[tilespmem:s7], [sflag:$0x8] =	stream.indirect.gather [hbm4b:s1+s24], $0x80, s24, s24, $0xb8;
	[tilespmem:$0x1FC80] =	vst v63  }
0xbf: {  	_ =	swait.ge [sflag:s8], $0x4000  }
0xc0: {  	[sflag:s8] =	ssyncset.done $0x0  }
0xc1: {  	s20 =	simm.s32 $0xC;
	[sflag:s8] =	ssyncadd.s32 $0xFFFFC000  }
0xc2: {  	_ =	swait.ge [sflag:s20], $0x4000  }
0xc3: {  	[sflag:s20] =	ssyncset.done $0x0  }
0xc4: {  	[sflag:s20] =	ssyncadd.s32 $0xFFFFC000  }
0xc5: {  	_ =	swait.ge [sflag:s10], $0x80  }
0xc6: {  	[sflag:s10] =	ssyncset.done $0x0  }
0xc7: {  	[sflag:s10] =	ssyncadd.s32 $0xFFFFFF80  }
0xc8: {  	[spmem:s2] =	stream.indirect.scatter.add.f32 [tilespmem:s7], [sflag:$0xB], $0x80, s25, s24, $0xb8;
	[tilespmem:$0x1FC80] =	vst v63  }
0xc9: {  	_ =	swait.ge [sflag:s15], $0x4000  }
0xca: {  	[sflag:s15] =	ssyncset.done $0x0  }
0xcb: {  	[sflag:s15] =	ssyncadd.s32 $0xFFFFC000  }
0xcc: {  	_ =	swait.ge [sflag:s13], $0x4000  }
0xcd: {  	[sflag:s13] =	ssyncset.done $0x0  }
0xce: {  	[sflag:s13] =	ssyncadd.s32 $0xFFFFC000  }
0xcf: {  	[bflag:$0x0] =	sbarrier.arrive $0xFFFF  }
0xd0: {  	s21 =	rddreg [dreg:$0x8]  }
0xd1: {  	s17 =	rddreg [dreg:$0x15]  }
0xd2: {  	s13 =	rddreg [dreg:$0xb]  }
0xd3: {  	s18 =	rddreg [dreg:$0x19];
	s9 =	sadd.s32 s21, s17  }
0xd4: {  	[hbm:s9], [sflag:s13] =	dma.local [spmem:s18], $0x2700  }
0xd5: {  	s18 =	simm.s32 $0xD  }
0xd6: {  	_ =	swait.ge [sflag:s18], $0x2700  }
0xd7: {  	[sflag:s18] =	ssyncset.done $0x0  }
0xd8: {  	s9 =	sadd.s32 @!p0 $0x27000, s17;
	s17 =	rddreg [dreg:$0x1a];
	[sflag:s18] =	ssyncadd.s32 $0xFFFFD900  }
0xd9: {  	[hbm:s9], [sflag:s13] =	dma.local @!p0 [spmem:s17], $0x100  }
0xda: {  	s9 =	simm.s32 @!p0 $0xD  }
0xdb: {  	_ =	swait.ge @!p0 [sflag:s9], $0x100  }
0xdc: {  	s19 =	rddreg [dreg:$0x18]  }
0xdd: {  	s22 =	rddreg [dreg:$0x16];
	s19 =	sadd.s32 $0x1, s19  }
0xde: {  	p1 =	sne.s32 s19, s22  }
.Ltmp1:
0xdf: {  	_ = 	snop;
	(pc) =	sbr.rel @p1 .LBB2_1-.Ltmp1, $3  }
0xe0: {  	_ =	sdelay $0x1  }
0xe1: {  	[sflag:s9] =	ssyncset.done @!p0 $0x0  }
0xe2: {  	[sflag:s9] =	ssyncadd.s32 @!p0 $0xFFFFFF00  }
0xe3: {  	_ =	sfence.sel $0x180000  }
0xe4: {  	[bflag:$0x0] =	sbarrier.arrive $0xFFFF  }
0xe5: {  	_ =	strace $0x90000050  }
0xe6: {  	[bflag:$0x2] =	sbarrier.arrive $0xFFFF  }
0xe7: {  	s0 =	rddreg [dreg:$0x3]  }
0xe8: {  	s0 =	sadd.s32 @!p0 $0x100000, s0  }
0xe9: {  	[sflag:s0] =	ssyncadd.tile.s32 @!p0 $0x1;
	_ =	shalt  }
.Lfunc_end2:
_tile_overlayer_lowered:
.L_overlay_start_2:
0xea: {  	(tag) =	ssettag $0x2  }
0xeb: {  	s0 =	rddreg [dreg:$0x0];
	s2 =	stileid.u32  }
0xec: {  	s1 =	rddreg [dreg:$0x1];
	p0 =	sne.s32 s2, $0x0  }
0xed: {  	s3 =	rddreg [dreg:$0x2];
	[bflag:$0x3] =	sbarrier.arrive $0xFFFF;
	s2 =	simm.s32 @!p0 $0x1C0D  }
0xee: {  	[timem:s3], [sflag:s2] =	dma.local @!p0 [hbm:s0], s1  }
0xef: {  	s0 =	simm.s32 @!p0 $0xD  }
0xf0: {  	_ =	swait.ge @!p0 [sflag:s0], s1  }
0xf1: {  	s1 =	ssub.s32 @!p0 $0x0, s1;
	[sflag:s0] =	ssyncset.done @!p0 $0x0  }
0xf2: {  	[sflag:s0] =	ssyncadd.s32 @!p0 s1  }
0xf3: {  	[bflag:$0x3] =	sbarrier.arrive $0xFFFF  }
0xf4: {  	_ =	shalt  }

</sc_bundles>
